<compile_context>
chip_gen: v7x
topology: tpu7x:2x2x1
jax: 0.10.2.dev20260603
libtpu: 0.0.44.dev20260713+nightly
codegen_flags: <defaults>
</compile_context>

<pallas_src>
import functools

import jax
import jax.numpy as jnp
from jax import lax
from jax.experimental import pallas as pl
from jax.experimental.pallas import tpu as pltpu
from jax.experimental.pallas import tpu_sc as plsc

_N = 10000
_E = 160000
_B = 16
_NPAD = 10240
_EPAD = 163840
_NW = 32
_K = 40
_CH = 128
_EW = _K * _CH
_RPT = _NPAD // 16
_SB = 10
_BE = 1280
_BN = 1024

_mesh = plsc.VectorSubcoreMesh(core_axis_name="c", subcore_axis_name="s")
_sc_params = pltpu.CompilerParams(use_tc_tiling_on_sc=False)



def _sc_gather(table, idx2d):

    @functools.partial(
        pl.kernel,
        out_type=jax.ShapeDtypeStruct((_EPAD, 32), jnp.bfloat16),
        mesh=_mesh,
        compiler_params=_sc_params,
        scratch_types=[
            pltpu.VMEM((_K, _CH), jnp.int32),
            pltpu.VMEM((_SB * _CH, 32), jnp.bfloat16),
            pltpu.SemaphoreType.DMA,
        ],
    )
    def k(table_hbm, idx_hbm, out_hbm, idx_v, rows_v, sem):
        cid = lax.axis_index("c")
        sid = lax.axis_index("s")
        wid = sid * 2 + cid
        pltpu.sync_copy(idx_hbm.at[wid], idx_v)

        def body(gidx, carry):
            cps = [
                pltpu.async_copy(
                    table_hbm.at[idx_v.at[gidx * _SB + b]],
                    rows_v.at[pl.ds(b * _CH, _CH)], sem)
                for b in range(_SB)
            ]
            for cp in cps:
                cp.wait()
            pltpu.sync_copy(
                rows_v, out_hbm.at[pl.ds(wid * _EW + gidx * _SB * _CH,
                                         _SB * _CH)])
            return carry

        lax.fori_loop(0, _K // _SB, body, 0)

    return k(table, idx2d)


def _sc_scatter(msg, idx2d, zn, zc, ones):

    @functools.partial(
        pl.kernel,
        out_type=(
            jax.ShapeDtypeStruct((2, _NPAD, 32), jnp.float32),
            jax.ShapeDtypeStruct((2, _NPAD, 8), jnp.float32),
        ),
        mesh=_mesh,
        compiler_params=_sc_params,
        scratch_types=[
            pltpu.VMEM((_K, _CH), jnp.int32),
            pltpu.VMEM((_SB * _CH, 32), jnp.float32),
            pltpu.VMEM((_CH, 8), jnp.float32),
            pltpu.VMEM_SHARED((_NPAD, 32), jnp.float32),
            pltpu.VMEM_SHARED((_NPAD, 8), jnp.float32),
            pltpu.SemaphoreType.DMA,
        ],
    )
    def k(msg_hbm, dst_hbm, zn_hbm, zc_hbm, ones_hbm, s_out, c_out,
          idx_v, rows_v, ones_v, acc_sh, cnt_sh, sem):
        cid = lax.axis_index("c")
        sid = lax.axis_index("s")
        wid = sid * 2 + cid
        pltpu.sync_copy(zn_hbm.at[pl.ds(sid * _RPT, _RPT)],
                        acc_sh.at[pl.ds(sid * _RPT, _RPT)])
        pltpu.sync_copy(zc_hbm.at[pl.ds(sid * _RPT, _RPT)],
                        cnt_sh.at[pl.ds(sid * _RPT, _RPT)])
        pltpu.sync_copy(ones_hbm, ones_v)
        pltpu.sync_copy(dst_hbm.at[wid], idx_v)
        plsc.subcore_barrier()

        def body(gidx, carry):
            pltpu.sync_copy(
                msg_hbm.at[pl.ds(wid * _EW + gidx * _SB * _CH, _SB * _CH)],
                rows_v)
            cps = []
            for b in range(_SB):
                idx_row = idx_v.at[gidx * _SB + b]
                cps.append(pltpu.async_copy(
                    rows_v.at[pl.ds(b * _CH, _CH)], acc_sh.at[idx_row], sem,
                    add=True))
                cps.append(pltpu.async_copy(
                    ones_v, cnt_sh.at[idx_row], sem, add=True))
            for cp in cps:
                cp.wait()
            return carry

        lax.fori_loop(0, _K // _SB, body, 0)
        plsc.subcore_barrier()
        pltpu.sync_copy(acc_sh.at[pl.ds(sid * _RPT, _RPT)],
                        s_out.at[cid, pl.ds(sid * _RPT, _RPT)])
        pltpu.sync_copy(cnt_sh.at[pl.ds(sid * _RPT, _RPT)],
                        c_out.at[cid, pl.ds(sid * _RPT, _RPT)])

    return k(msg, idx2d, zn, zc, ones)



def _msg_z(h, xs, w2m_ref, b2m_ref, krep_ref, ktile_ref):
    rr = jnp.dot(h.astype(jnp.bfloat16), krep_ref[...],
                 preferred_element_type=jnp.float32)
    tt = jnp.dot(xs, ktile_ref[...], preferred_element_type=jnp.float32)
    z = (rr * tt).astype(jnp.bfloat16)
    return (jnp.dot(z, w2m_ref[...], preferred_element_type=jnp.float32)
            + jnp.dot(xs, b2m_ref[...], preferred_element_type=jnp.float32))


def _msg1_body(ea_ref, xs_ref, w1_ref, b1_ref, w2m_ref, b2m_ref, krep_ref,
               ktile_ref, w1b_ref, b1b_ref, out_ref, hpre_ref):
    ea_t = ea_ref[...]
    h = jnp.maximum(
        lax.dot_general(ea_t, w1_ref[...], (((0,), (0,)), ((), ())),
                        preferred_element_type=jnp.float32)
        + b1_ref[...], 0.0)
    hpre_ref[...] = jnp.maximum(
        lax.dot_general(ea_t, w1b_ref[...], (((0,), (0,)), ((), ())),
                        preferred_element_type=jnp.float32)
        + b1b_ref[...], 0.0)
    out_ref[...] = _msg_z(h, xs_ref[...], w2m_ref, b2m_ref, krep_ref,
                          ktile_ref)


def _msg2_body(hpre_ref, xs_ref, w2m_ref, b2m_ref, krep_ref, ktile_ref,
               out_ref):
    out_ref[...] = _msg_z(hpre_ref[...], xs_ref[...], w2m_ref, b2m_ref,
                          krep_ref, ktile_ref)


def _tc_msg1(ea, xs, w1, b1, w2m, b2m, krep, ktile, w1b, b1b):
    return pl.pallas_call(
        _msg1_body,
        grid=(_EPAD // _BE,),
        in_specs=[
            pl.BlockSpec((16, _BE), lambda i: (0, i)),
            pl.BlockSpec((_BE, 32), lambda i: (i, 0)),
            pl.BlockSpec((16, 32), lambda i: (0, 0)),
            pl.BlockSpec((1, 32), lambda i: (0, 0)),
            pl.BlockSpec((1024, 32), lambda i: (0, 0)),
            pl.BlockSpec((32, 32), lambda i: (0, 0)),
            pl.BlockSpec((32, 1024), lambda i: (0, 0)),
            pl.BlockSpec((32, 1024), lambda i: (0, 0)),
            pl.BlockSpec((16, 32), lambda i: (0, 0)),
            pl.BlockSpec((1, 32), lambda i: (0, 0)),
        ],
        out_specs=[
            pl.BlockSpec((_BE, 32), lambda i: (i, 0)),
            pl.BlockSpec((_BE, 32), lambda i: (i, 0)),
        ],
        out_shape=[
            jax.ShapeDtypeStruct((_EPAD, 32), jnp.float32),
            jax.ShapeDtypeStruct((_EPAD, 32), jnp.float32),
        ],
    )(ea, xs, w1, b1.reshape(1, 32), w2m.astype(jnp.bfloat16),
      b2m.astype(jnp.bfloat16), krep.astype(jnp.bfloat16),
      ktile.astype(jnp.bfloat16), w1b, b1b.reshape(1, 32))


def _tc_msg2(hpre, xs, w2m, b2m, krep, ktile):
    return pl.pallas_call(
        _msg2_body,
        grid=(_EPAD // _BE,),
        in_specs=[
            pl.BlockSpec((_BE, 32), lambda i: (i, 0)),
            pl.BlockSpec((_BE, 32), lambda i: (i, 0)),
            pl.BlockSpec((1024, 32), lambda i: (0, 0)),
            pl.BlockSpec((32, 32), lambda i: (0, 0)),
            pl.BlockSpec((32, 1024), lambda i: (0, 0)),
            pl.BlockSpec((32, 1024), lambda i: (0, 0)),
        ],
        out_specs=pl.BlockSpec((_BE, 32), lambda i: (i, 0)),
        out_shape=jax.ShapeDtypeStruct((_EPAD, 32), jnp.float32),
    )(hpre, xs, w2m.astype(jnp.bfloat16), b2m.astype(jnp.bfloat16),
      krep.astype(jnp.bfloat16), ktile.astype(jnp.bfloat16))


def _update_body(sp_ref, cp_ref, x_ref, root_ref, bias_ref, out_ref):
    s = sp_ref[0] + sp_ref[1]
    c = cp_ref[0, :, 0:1] + cp_ref[1, :, 0:1]
    inv = 1.0 / jnp.maximum(c, 1.0)
    out_ref[...] = jnp.maximum(
        s * inv
        + jnp.dot(x_ref[...], root_ref[...], preferred_element_type=jnp.float32)
        + bias_ref[...], 0.0)


def _tc_update(s_part, c_part, xin, root, bias):
    return pl.pallas_call(
        _update_body,
        grid=(_NPAD // _BN,),
        in_specs=[
            pl.BlockSpec((2, _BN, 32), lambda i: (0, i, 0)),
            pl.BlockSpec((2, _BN, 8), lambda i: (0, i, 0)),
            pl.BlockSpec((_BN, 32), lambda i: (i, 0)),
            pl.BlockSpec((32, 32), lambda i: (0, 0)),
            pl.BlockSpec((1, 32), lambda i: (0, 0)),
        ],
        out_specs=pl.BlockSpec((_BN, 32), lambda i: (i, 0)),
        out_shape=jax.ShapeDtypeStruct((_NPAD, 32), jnp.float32),
    )(s_part, c_part, xin, root, bias.reshape(1, 32))


def _pool_body(h2_ref, bat_ref, g_ref, r_ref, gw_ref, gb_ref, fw_ref, fb_ref,
               out_ref):
    h2 = h2_ref[...]
    bat = bat_ref[...]
    gate = (jnp.dot(h2, gw_ref[...], preferred_element_type=jnp.float32)
            + gb_ref[...])
    iota = lax.broadcasted_iota(jnp.int32, (_NPAD, _B), 1)
    onehot = (bat == iota).astype(jnp.float32)
    gm = jnp.where(onehot > 0, gate, -3e38)
    m = jnp.max(gm, axis=0, keepdims=True)
    m = jnp.where(m > -1e38, m, 0.0)
    mb = jnp.sum(onehot * m, axis=1, keepdims=True)
    ex = jnp.exp(gate - mb)
    a = onehot * ex
    den = jnp.sum(a, axis=0, keepdims=True)
    alpha = a / (den + 1e-16)
    pooled = lax.dot_general(alpha, h2, (((0,), (0,)), ((), ())),
                             preferred_element_type=jnp.float32)
    feat = jnp.concatenate([pooled, g_ref[...], r_ref[...]], axis=1)
    out_ref[...] = (jnp.dot(feat, fw_ref[...],
                            preferred_element_type=jnp.float32) + fb_ref[...])


def _tc_pool(h2, bat, g, r, gate_w, gate_b, fc_w, fc_b):
    return pl.pallas_call(
        _pool_body,
        grid=(1,),
        in_specs=[
            pl.BlockSpec((_NPAD, 32), lambda i: (0, 0)),
            pl.BlockSpec((_NPAD, 1), lambda i: (0, 0)),
            pl.BlockSpec((_B, 64), lambda i: (0, 0)),
            pl.BlockSpec((_B, 64), lambda i: (0, 0)),
            pl.BlockSpec((32, 1), lambda i: (0, 0)),
            pl.BlockSpec((1, 1), lambda i: (0, 0)),
            pl.BlockSpec((160, 1), lambda i: (0, 0)),
            pl.BlockSpec((1, 1), lambda i: (0, 0)),
        ],
        out_specs=pl.BlockSpec((_B, 1), lambda i: (0, 0)),
        out_shape=jax.ShapeDtypeStruct((_B, 1), jnp.float32),
    )(h2, bat, g, r, gate_w, gate_b.reshape(1, 1), fc_w, fc_b.reshape(1, 1))



def kernel(x, edge_index, edge_attr, batch, g, r,
           en1_w1, en1_b1, en1_w2, en1_b2, c1_root, c1_bias,
           en2_w1, en2_b1, en2_w2, en2_b2, c2_root, c2_bias,
           gate_w, gate_b, fc_w, fc_b):
    src, dst = edge_index[0], edge_index[1]
    epad = _EPAD - _E
    src2d = jnp.concatenate(
        [src, jnp.zeros((epad,), jnp.int32)]).reshape(_NW, _K, _CH)
    dst2d = jnp.concatenate(
        [dst, jnp.full((epad,), _N, jnp.int32)]).reshape(_NW, _K, _CH)
    ea_t = jnp.concatenate(
        [edge_attr.T, jnp.zeros((16, epad), jnp.float32)], axis=1)
    x_p = jnp.concatenate(
        [x, jnp.zeros((_NPAD - _N, 32), jnp.float32)], axis=0)
    bat_p = jnp.concatenate(
        [batch, jnp.full((_NPAD - _N,), _B, jnp.int32)]).reshape(_NPAD, 1)

    zn = jnp.zeros((_NPAD, 32), jnp.float32)
    zc = jnp.zeros((_NPAD, 8), jnp.float32)
    ones = jnp.ones((_CH, 8), jnp.float32)

    w2m1 = en1_w2.reshape(32, 32, 32).reshape(1024, 32)
    b2m1 = en1_b2.reshape(32, 32)
    w2m2 = en2_w2.reshape(32, 32, 32).reshape(1024, 32)
    b2m2 = en2_b2.reshape(32, 32)
    krep = jnp.repeat(jnp.eye(32, dtype=jnp.float32), 32, axis=1)
    ktile = jnp.tile(jnp.eye(32, dtype=jnp.float32), (1, 32))

    xs1 = _sc_gather(x_p.astype(jnp.bfloat16), src2d)
    msg1, hpre2 = _tc_msg1(ea_t, xs1, en1_w1, en1_b1, w2m1, b2m1,
                           krep, ktile, en2_w1, en2_b1)
    s1, c1 = _sc_scatter(msg1, dst2d, zn, zc, ones)
    h1 = _tc_update(s1, c1, x_p, c1_root, c1_bias)

    xs2 = _sc_gather(h1.astype(jnp.bfloat16), src2d)
    msg2 = _tc_msg2(hpre2, xs2, w2m2, b2m2, krep, ktile)
    s2, c2 = _sc_scatter(msg2, dst2d, zn, zc, ones)
    h2 = _tc_update(s2, c2, h1, c2_root, c2_bias)

    return _tc_pool(h2, bat_p, g, r, gate_w, gate_b, fc_w, fc_b).reshape(-1)

# --- scband reference (transcript-rebuilt; emitter-appended) ---
"""Pipeline reference for scband-nnconv-dx-dg-dr-77747497992604 (READ-ONLY COPY).

The authoritative reference and input builder live on the scoring server;
editing this copy changes nothing except your own understanding.
"""

import jax, jax.numpy as jnp
import numpy as np

N = 10000
E = 160000
X_DIM = 32
HID = 32
E_DIM = 16
G_DIM = 64
R_DIM = 64
B = 16


def _lin_init(key, fan_in, shape):
    return jax.random.normal(key, shape, dtype=jnp.float32) / np.sqrt(fan_in)


def setup_inputs(seed: int = 0) -> dict:
    key = jax.random.key(seed)
    ks = jax.random.split(key, 32)
    inp = {}
    inp["x"] = jax.random.normal(ks[0], (N, X_DIM), dtype=jnp.float32)
    inp["edge_index"] = jax.random.randint(ks[1], (2, E), 0, N, dtype=jnp.int32)
    inp["edge_attr"] = jax.random.normal(ks[2], (E, E_DIM), dtype=jnp.float32)
    inp["batch"] = jnp.sort(jax.random.randint(ks[3], (N,), 0, B, dtype=jnp.int32))
    inp["g"] = jax.random.normal(ks[4], (B, G_DIM), dtype=jnp.float32)
    inp["r"] = jax.random.normal(ks[5], (B, R_DIM), dtype=jnp.float32)
    inp["en1_w1"] = _lin_init(ks[6], E_DIM, (E_DIM, HID))
    inp["en1_b1"] = jnp.zeros((HID,), dtype=jnp.float32)
    inp["en1_w2"] = _lin_init(ks[7], HID, (HID, X_DIM * HID))
    inp["en1_b2"] = jnp.zeros((X_DIM * HID,), dtype=jnp.float32)
    inp["c1_root"] = _lin_init(ks[8], X_DIM, (X_DIM, HID))
    inp["c1_bias"] = jnp.zeros((HID,), dtype=jnp.float32)
    inp["en2_w1"] = _lin_init(ks[9], E_DIM, (E_DIM, HID))
    inp["en2_b1"] = jnp.zeros((HID,), dtype=jnp.float32)
    inp["en2_w2"] = _lin_init(ks[10], HID, (HID, HID * HID))
    inp["en2_b2"] = jnp.zeros((HID * HID,), dtype=jnp.float32)
    inp["c2_root"] = _lin_init(ks[11], HID, (HID, HID))
    inp["c2_bias"] = jnp.zeros((HID,), dtype=jnp.float32)
    inp["gate_w"] = _lin_init(ks[12], HID, (HID, 1))
    inp["gate_b"] = jnp.zeros((1,), dtype=jnp.float32)
    inp["fc_w"] = _lin_init(ks[13], HID + G_DIM + R_DIM, (HID + G_DIM + R_DIM, 1))
    inp["fc_b"] = jnp.zeros((1,), dtype=jnp.float32)
    return inp


def _nnconv(x, src, dst, edge_attr, w1, b1, w2, b2, root, bias, in_dim, out_dim):
    # edge MLP: Linear -> ReLU -> Linear producing per-edge weight matrix
    h = jax.nn.relu(edge_attr @ w1 + b1)
    W = (h @ w2 + b2).reshape(-1, in_dim, out_dim)  # [E, in, out]
    msg = jnp.einsum('ei,eio->eo', x[src], W)  # gather x_j then per-edge matvec
    s = jax.ops.segment_sum(msg, dst, num_segments=N)  # scatter-add to dst
    cnt = jax.ops.segment_sum(jnp.ones((msg.shape[0],), dtype=msg.dtype), dst, num_segments=N)
    out = s / jnp.clip(cnt, 1.0)[:, None]  # aggr='mean'
    return out + x @ root + bias  # root weight + bias (PyG NNConv default)


def reference(x, edge_index, edge_attr, batch, g, r,
              en1_w1, en1_b1, en1_w2, en1_b2, c1_root, c1_bias,
              en2_w1, en2_b1, en2_w2, en2_b2, c2_root, c2_bias,
              gate_w, gate_b, fc_w, fc_b):
    src, dst = edge_index[0], edge_index[1]
    h1 = jax.nn.relu(_nnconv(x, src, dst, edge_attr, en1_w1, en1_b1, en1_w2, en1_b2, c1_root, c1_bias, X_DIM, HID))
    h2 = jax.nn.relu(_nnconv(h1, src, dst, edge_attr, en2_w1, en2_b1, en2_w2, en2_b2, c2_root, c2_bias, HID, HID))
    # AttentionalAggregation: per-graph softmax of gate_nn(h2), weighted sum (dropout is identity in eval)
    gate = (h2 @ gate_w + gate_b)[:, 0]
    m = jax.ops.segment_max(gate, batch, num_segments=B)
    m = jnp.where(jnp.isfinite(m), m, 0.0)
    ex = jnp.exp(gate - m[batch])
    den = jax.ops.segment_sum(ex, batch, num_segments=B)
    alpha = ex / (den[batch] + 1e-16)
    pooled = jax.ops.segment_sum(alpha[:, None] * h2, batch, num_segments=B)
    out = jnp.concatenate([pooled, g, r], axis=1) @ fc_w + fc_b
    return out.reshape(-1)

if __name__ == "__main__":
    import jax
    _d = setup_inputs()
    print(jax.jit(kernel)(*tuple(_d.values())))

</pallas_src>

<mosaic_0001>
#map = affine_map<(d0, d1) -> (0, 0)>
#map1 = affine_map<(d0, d1) -> (0, 0, 0)>
module attributes {stable_mosaic.version = 14 : i64} {
  func.func @k(%arg0: i32, %arg1: i32, %arg2: memref<10240x32xbf16, #tpu.memory_space<hbm>>, %arg3: memref<32x40x128xi32, #tpu.memory_space<hbm>>, %arg4: memref<163840x32xbf16, #tpu.memory_space<hbm>>, %arg5: memref<40x128xi32, #tpu.memory_space<vmem>>, %arg6: memref<1280x32xbf16, #tpu.memory_space<vmem>>, %arg7: memref<!tpu.dma_semaphore, #tpu.memory_space<semaphore_mem>>) attributes {dimension_semantics = [#tpu.dimension_semantics<core_parallel>, #tpu.dimension_semantics<subcore_parallel>], iteration_bounds = array<i64: 2, 16>, scalar_prefetch = 0 : i64, scratch_operands = 3 : i64, tpu.core_type = #tpu.core_type<sc_vector_subcore>, window_params = [{transform_indices = #map}, {transform_indices = #map1}, {transform_indices = #map}]} {
    %mul3A = arith.constant 2 : i32
    %mul3A_0 = arith.muli %arg1, %mul3A : i32
    %add3A = arith.addi %mul3A_0, %arg0 : i32
    "tpu.region"() ({
      %run_scoped3A = tpu.sem_alloc : memref<!tpu.dma_semaphore, #tpu.memory_space<semaphore_mem>>
      %dma_start3A = arith.constant 0 : i32
      %dma_start3A_6 = arith.constant 0 : i32
      %dma_start3A_7 = tpu.memref_slice %arg3[%add3A, %dma_start3A, %dma_start3A_6] : memref<32x40x128xi32, #tpu.memory_space<hbm>> -> memref<1x40x128xi32, #tpu.memory_space<hbm>>
      %dma_start3A_8 = tpu.memref_squeeze %dma_start3A_7 : memref<1x40x128xi32, #tpu.memory_space<hbm>> -> memref<40x128xi32, #tpu.memory_space<hbm>>
      %dma_start3A_9 = arith.constant 0 : i32
      %dma_start3A_10 = arith.constant 0 : i32
      %dma_start3A_11 = tpu.memref_slice %arg3[%add3A, %dma_start3A_9, %dma_start3A_10] : memref<32x40x128xi32, #tpu.memory_space<hbm>> -> memref<1x40x128xi32, #tpu.memory_space<hbm>>
      %dma_start3A_12 = tpu.memref_squeeze %dma_start3A_11 : memref<1x40x128xi32, #tpu.memory_space<hbm>> -> memref<40x128xi32, #tpu.memory_space<hbm>>
      tpu.enqueue_dma source(%dma_start3A_12 : memref<40x128xi32, #tpu.memory_space<hbm>>) target(%arg5 : memref<40x128xi32, #tpu.memory_space<vmem>>) target_semaphore(%run_scoped3A : memref<!tpu.dma_semaphore, #tpu.memory_space<semaphore_mem>>)
      %dma_wait3A = arith.constant 0 : i32
      %dma_wait3A_13 = arith.constant 0 : i32
      %dma_wait3A_14 = tpu.memref_slice %arg3[%add3A, %dma_wait3A, %dma_wait3A_13] : memref<32x40x128xi32, #tpu.memory_space<hbm>> -> memref<1x40x128xi32, #tpu.memory_space<hbm>>
      %dma_wait3A_15 = tpu.memref_squeeze %dma_wait3A_14 : memref<1x40x128xi32, #tpu.memory_space<hbm>> -> memref<40x128xi32, #tpu.memory_space<hbm>>
      %dma_wait3A_16 = arith.constant 0 : i32
      %dma_wait3A_17 = arith.constant 0 : i32
      %dma_wait3A_18 = tpu.memref_slice %arg3[%add3A, %dma_wait3A_16, %dma_wait3A_17] : memref<32x40x128xi32, #tpu.memory_space<hbm>> -> memref<1x40x128xi32, #tpu.memory_space<hbm>>
      %dma_wait3A_19 = tpu.memref_squeeze %dma_wait3A_18 : memref<1x40x128xi32, #tpu.memory_space<hbm>> -> memref<40x128xi32, #tpu.memory_space<hbm>>
      tpu.wait_dma2 semaphore(%run_scoped3A : memref<!tpu.dma_semaphore, #tpu.memory_space<semaphore_mem>>) src(%dma_wait3A_19 : memref<40x128xi32, #tpu.memory_space<hbm>>) dst(%arg5 : memref<40x128xi32, #tpu.memory_space<vmem>>)
      tpu.yield
    }) : () -> ()
    %scan3A = arith.constant 0 : i32
    %scan3A_1 = arith.constant 0 : i32
    %scan3A_2 = arith.constant 4 : i32
    %scan3A_3 = arith.addi %scan3A_1, %scan3A_2 : i32
    %scan3A_4 = arith.constant 1 : i32
    scf.for %scan3A_6 = %scan3A_1 to %scan3A_3 step %scan3A_4  : i32 {
      %mul3A_7 = arith.constant 10 : i32
      %mul3A_8 = arith.muli %scan3A_6, %mul3A_7 : i32
      %add3A_9 = arith.constant 0 : i32
      %add3A_10 = arith.addi %mul3A_8, %add3A_9 : i32
      %dma_start3A = arith.constant 0 : i32
      %dma_start3A_11 = arith.constant 0 : i32
      %dma_start3A_12 = tpu.memref_slice %arg6[%dma_start3A, %dma_start3A_11] : memref<1280x32xbf16, #tpu.memory_space<vmem>> -> memref<128x32xbf16, #tpu.memory_space<vmem>>
      %dma_start3A_13 = arith.constant 0 : i32
      %dma_start3A_14 = tpu.memref_slice %arg5[%add3A_10, %dma_start3A_13] : memref<40x128xi32, #tpu.memory_space<vmem>> -> memref<1x128xi32, #tpu.memory_space<vmem>>
      %dma_start3A_15 = tpu.memref_squeeze %dma_start3A_14 : memref<1x128xi32, #tpu.memory_space<vmem>> -> memref<128xi32, #tpu.memory_space<vmem>>
      %dma_start3A_16 = arith.constant 0 : i32
      %dma_start3A_17 = arith.constant 0 : i32
      %dma_start3A_18 = tpu.memref_slice %arg2[%dma_start3A_16, %dma_start3A_17] : memref<10240x32xbf16, #tpu.memory_space<hbm>> -> memref<10240x32xbf16, #tpu.memory_space<hbm>>
      tpu.enqueue_indirect_dma source(%dma_start3A_18 : memref<10240x32xbf16, #tpu.memory_space<hbm>>) target(%dma_start3A_12 : memref<128x32xbf16, #tpu.memory_space<vmem>>) offsets(%dma_start3A_15 : memref<128xi32, #tpu.memory_space<vmem>>) semaphore(%arg7 : memref<!tpu.dma_semaphore, #tpu.memory_space<semaphore_mem>>)
      %mul3A_19 = arith.constant 10 : i32
      %mul3A_20 = arith.muli %scan3A_6, %mul3A_19 : i32
      %add3A_21 = arith.constant 1 : i32
      %add3A_22 = arith.addi %mul3A_20, %add3A_21 : i32
      %dma_start3A_23 = arith.constant 128 : i32
      %dma_start3A_24 = arith.constant 0 : i32
      %dma_start3A_25 = tpu.memref_slice %arg6[%dma_start3A_23, %dma_start3A_24] : memref<1280x32xbf16, #tpu.memory_space<vmem>> -> memref<128x32xbf16, #tpu.memory_space<vmem>>
      %dma_start3A_26 = arith.constant 0 : i32
      %dma_start3A_27 = tpu.memref_slice %arg5[%add3A_22, %dma_start3A_26] : memref<40x128xi32, #tpu.memory_space<vmem>> -> memref<1x128xi32, #tpu.memory_space<vmem>>
      %dma_start3A_28 = tpu.memref_squeeze %dma_start3A_27 : memref<1x128xi32, #tpu.memory_space<vmem>> -> memref<128xi32, #tpu.memory_space<vmem>>
      %dma_start3A_29 = arith.constant 0 : i32
      %dma_start3A_30 = arith.constant 0 : i32
      %dma_start3A_31 = tpu.memref_slice %arg2[%dma_start3A_29, %dma_start3A_30] : memref<10240x32xbf16, #tpu.memory_space<hbm>> -> memref<10240x32xbf16, #tpu.memory_space<hbm>>
      tpu.enqueue_indirect_dma source(%dma_start3A_31 : memref<10240x32xbf16, #tpu.memory_space<hbm>>) target(%dma_start3A_25 : memref<128x32xbf16, #tpu.memory_space<vmem>>) offsets(%dma_start3A_28 : memref<128xi32, #tpu.memory_space<vmem>>) semaphore(%arg7 : memref<!tpu.dma_semaphore, #tpu.memory_space<semaphore_mem>>)
      %mul3A_32 = arith.constant 10 : i32
      %mul3A_33 = arith.muli %scan3A_6, %mul3A_32 : i32
      %add3A_34 = arith.constant 2 : i32
      %add3A_35 = arith.addi %mul3A_33, %add3A_34 : i32
      %dma_start3A_36 = arith.constant 256 : i32
      %dma_start3A_37 = arith.constant 0 : i32
      %dma_start3A_38 = tpu.memref_slice %arg6[%dma_start3A_36, %dma_start3A_37] : memref<1280x32xbf16, #tpu.memory_space<vmem>> -> memref<128x32xbf16, #tpu.memory_space<vmem>>
      %dma_start3A_39 = arith.constant 0 : i32
      %dma_start3A_40 = tpu.memref_slice %arg5[%add3A_35, %dma_start3A_39] : memref<40x128xi32, #tpu.memory_space<vmem>> -> memref<1x128xi32, #tpu.memory_space<vmem>>
      %dma_start3A_41 = tpu.memref_squeeze %dma_start3A_40 : memref<1x128xi32, #tpu.memory_space<vmem>> -> memref<128xi32, #tpu.memory_space<vmem>>
      %dma_start3A_42 = arith.constant 0 : i32
      %dma_start3A_43 = arith.constant 0 : i32
      %dma_start3A_44 = tpu.memref_slice %arg2[%dma_start3A_42, %dma_start3A_43] : memref<10240x32xbf16, #tpu.memory_space<hbm>> -> memref<10240x32xbf16, #tpu.memory_space<hbm>>
      tpu.enqueue_indirect_dma source(%dma_start3A_44 : memref<10240x32xbf16, #tpu.memory_space<hbm>>) target(%dma_start3A_38 : memref<128x32xbf16, #tpu.memory_space<vmem>>) offsets(%dma_start3A_41 : memref<128xi32, #tpu.memory_space<vmem>>) semaphore(%arg7 : memref<!tpu.dma_semaphore, #tpu.memory_space<semaphore_mem>>)
      %mul3A_45 = arith.constant 10 : i32
      %mul3A_46 = arith.muli %scan3A_6, %mul3A_45 : i32
      %add3A_47 = arith.constant 3 : i32
      %add3A_48 = arith.addi %mul3A_46, %add3A_47 : i32
      %dma_start3A_49 = arith.constant 384 : i32
      %dma_start3A_50 = arith.constant 0 : i32
      %dma_start3A_51 = tpu.memref_slice %arg6[%dma_start3A_49, %dma_start3A_50] : memref<1280x32xbf16, #tpu.memory_space<vmem>> -> memref<128x32xbf16, #tpu.memory_space<vmem>>
      %dma_start3A_52 = arith.constant 0 : i32
      %dma_start3A_53 = tpu.memref_slice %arg5[%add3A_48, %dma_start3A_52] : memref<40x128xi32, #tpu.memory_space<vmem>> -> memref<1x128xi32, #tpu.memory_space<vmem>>
      %dma_start3A_54 = tpu.memref_squeeze %dma_start3A_53 : memref<1x128xi32, #tpu.memory_space<vmem>> -> memref<128xi32, #tpu.memory_space<vmem>>
      %dma_start3A_55 = arith.constant 0 : i32
      %dma_start3A_56 = arith.constant 0 : i32
      %dma_start3A_57 = tpu.memref_slice %arg2[%dma_start3A_55, %dma_start3A_56] : memref<10240x32xbf16, #tpu.memory_space<hbm>> -> memref<10240x32xbf16, #tpu.memory_space<hbm>>
      tpu.enqueue_indirect_dma source(%dma_start3A_57 : memref<10240x32xbf16, #tpu.memory_space<hbm>>) target(%dma_start3A_51 : memref<128x32xbf16, #tpu.memory_space<vmem>>) offsets(%dma_start3A_54 : memref<128xi32, #tpu.memory_space<vmem>>) semaphore(%arg7 : memref<!tpu.dma_semaphore, #tpu.memory_space<semaphore_mem>>)
      %mul3A_58 = arith.constant 10 : i32
      %mul3A_59 = arith.muli %scan3A_6, %mul3A_58 : i32
      %add3A_60 = arith.constant 4 : i32
      %add3A_61 = arith.addi %mul3A_59, %add3A_60 : i32
      %dma_start3A_62 = arith.constant 512 : i32
      %dma_start3A_63 = arith.constant 0 : i32
      %dma_start3A_64 = tpu.memref_slice %arg6[%dma_start3A_62, %dma_start3A_63] : memref<1280x32xbf16, #tpu.memory_space<vmem>> -> memref<128x32xbf16, #tpu.memory_space<vmem>>
      %dma_start3A_65 = arith.constant 0 : i32
      %dma_start3A_66 = tpu.memref_slice %arg5[%add3A_61, %dma_start3A_65] : memref<40x128xi32, #tpu.memory_space<vmem>> -> memref<1x128xi32, #tpu.memory_space<vmem>>
      %dma_start3A_67 = tpu.memref_squeeze %dma_start3A_66 : memref<1x128xi32, #tpu.memory_space<vmem>> -> memref<128xi32, #tpu.memory_space<vmem>>
      %dma_start3A_68 = arith.constant 0 : i32
      %dma_start3A_69 = arith.constant 0 : i32
      %dma_start3A_70 = tpu.memref_slice %arg2[%dma_start3A_68, %dma_start3A_69] : memref<10240x32xbf16, #tpu.memory_space<hbm>> -> memref<10240x32xbf16, #tpu.memory_space<hbm>>
      tpu.enqueue_indirect_dma source(%dma_start3A_70 : memref<10240x32xbf16, #tpu.memory_space<hbm>>) target(%dma_start3A_64 : memref<128x32xbf16, #tpu.memory_space<vmem>>) offsets(%dma_start3A_67 : memref<128xi32, #tpu.memory_space<vmem>>) semaphore(%arg7 : memref<!tpu.dma_semaphore, #tpu.memory_space<semaphore_mem>>)
      %mul3A_71 = arith.constant 10 : i32
      %mul3A_72 = arith.muli %scan3A_6, %mul3A_71 : i32
      %add3A_73 = arith.constant 5 : i32
      %add3A_74 = arith.addi %mul3A_72, %add3A_73 : i32
      %dma_start3A_75 = arith.constant 640 : i32
      %dma_start3A_76 = arith.constant 0 : i32
      %dma_start3A_77 = tpu.memref_slice %arg6[%dma_start3A_75, %dma_start3A_76] : memref<1280x32xbf16, #tpu.memory_space<vmem>> -> memref<128x32xbf16, #tpu.memory_space<vmem>>
      %dma_start3A_78 = arith.constant 0 : i32
      %dma_start3A_79 = tpu.memref_slice %arg5[%add3A_74, %dma_start3A_78] : memref<40x128xi32, #tpu.memory_space<vmem>> -> memref<1x128xi32, #tpu.memory_space<vmem>>
      %dma_start3A_80 = tpu.memref_squeeze %dma_start3A_79 : memref<1x128xi32, #tpu.memory_space<vmem>> -> memref<128xi32, #tpu.memory_space<vmem>>
      %dma_start3A_81 = arith.constant 0 : i32
      %dma_start3A_82 = arith.constant 0 : i32
      %dma_start3A_83 = tpu.memref_slice %arg2[%dma_start3A_81, %dma_start3A_82] : memref<10240x32xbf16, #tpu.memory_space<hbm>> -> memref<10240x32xbf16, #tpu.memory_space<hbm>>
      tpu.enqueue_indirect_dma source(%dma_start3A_83 : memref<10240x32xbf16, #tpu.memory_space<hbm>>) target(%dma_start3A_77 : memref<128x32xbf16, #tpu.memory_space<vmem>>) offsets(%dma_start3A_80 : memref<128xi32, #tpu.memory_space<vmem>>) semaphore(%arg7 : memref<!tpu.dma_semaphore, #tpu.memory_space<semaphore_mem>>)
      %mul3A_84 = arith.constant 10 : i32
      %mul3A_85 = arith.muli %scan3A_6, %mul3A_84 : i32
      %add3A_86 = arith.constant 6 : i32
      %add3A_87 = arith.addi %mul3A_85, %add3A_86 : i32
      %dma_start3A_88 = arith.constant 768 : i32
      %dma_start3A_89 = arith.constant 0 : i32
      %dma_start3A_90 = tpu.memref_slice %arg6[%dma_start3A_88, %dma_start3A_89] : memref<1280x32xbf16, #tpu.memory_space<vmem>> -> memref<128x32xbf16, #tpu.memory_space<vmem>>
      %dma_start3A_91 = arith.constant 0 : i32
      %dma_start3A_92 = tpu.memref_slice %arg5[%add3A_87, %dma_start3A_91] : memref<40x128xi32, #tpu.memory_space<vmem>> -> memref<1x128xi32, #tpu.memory_space<vmem>>
      %dma_start3A_93 = tpu.memref_squeeze %dma_start3A_92 : memref<1x128xi32, #tpu.memory_space<vmem>> -> memref<128xi32, #tpu.memory_space<vmem>>
      %dma_start3A_94 = arith.constant 0 : i32
      %dma_start3A_95 = arith.constant 0 : i32
      %dma_start3A_96 = tpu.memref_slice %arg2[%dma_start3A_94, %dma_start3A_95] : memref<10240x32xbf16, #tpu.memory_space<hbm>> -> memref<10240x32xbf16, #tpu.memory_space<hbm>>
      tpu.enqueue_indirect_dma source(%dma_start3A_96 : memref<10240x32xbf16, #tpu.memory_space<hbm>>) target(%dma_start3A_90 : memref<128x32xbf16, #tpu.memory_space<vmem>>) offsets(%dma_start3A_93 : memref<128xi32, #tpu.memory_space<vmem>>) semaphore(%arg7 : memref<!tpu.dma_semaphore, #tpu.memory_space<semaphore_mem>>)
      %mul3A_97 = arith.constant 10 : i32
      %mul3A_98 = arith.muli %scan3A_6, %mul3A_97 : i32
      %add3A_99 = arith.constant 7 : i32
      %add3A_100 = arith.addi %mul3A_98, %add3A_99 : i32
      %dma_start3A_101 = arith.constant 896 : i32
      %dma_start3A_102 = arith.constant 0 : i32
      %dma_start3A_103 = tpu.memref_slice %arg6[%dma_start3A_101, %dma_start3A_102] : memref<1280x32xbf16, #tpu.memory_space<vmem>> -> memref<128x32xbf16, #tpu.memory_space<vmem>>
      %dma_start3A_104 = arith.constant 0 : i32
      %dma_start3A_105 = tpu.memref_slice %arg5[%add3A_100, %dma_start3A_104] : memref<40x128xi32, #tpu.memory_space<vmem>> -> memref<1x128xi32, #tpu.memory_space<vmem>>
      %dma_start3A_106 = tpu.memref_squeeze %dma_start3A_105 : memref<1x128xi32, #tpu.memory_space<vmem>> -> memref<128xi32, #tpu.memory_space<vmem>>
      %dma_start3A_107 = arith.constant 0 : i32
      %dma_start3A_108 = arith.constant 0 : i32
      %dma_start3A_109 = tpu.memref_slice %arg2[%dma_start3A_107, %dma_start3A_108] : memref<10240x32xbf16, #tpu.memory_space<hbm>> -> memref<10240x32xbf16, #tpu.memory_space<hbm>>
      tpu.enqueue_indirect_dma source(%dma_start3A_109 : memref<10240x32xbf16, #tpu.memory_space<hbm>>) target(%dma_start3A_103 : memref<128x32xbf16, #tpu.memory_space<vmem>>) offsets(%dma_start3A_106 : memref<128xi32, #tpu.memory_space<vmem>>) semaphore(%arg7 : memref<!tpu.dma_semaphore, #tpu.memory_space<semaphore_mem>>)
      %mul3A_110 = arith.constant 10 : i32
      %mul3A_111 = arith.muli %scan3A_6, %mul3A_110 : i32
      %add3A_112 = arith.constant 8 : i32
      %add3A_113 = arith.addi %mul3A_111, %add3A_112 : i32
      %dma_start3A_114 = arith.constant 1024 : i32
      %dma_start3A_115 = arith.constant 0 : i32
      %dma_start3A_116 = tpu.memref_slice %arg6[%dma_start3A_114, %dma_start3A_115] : memref<1280x32xbf16, #tpu.memory_space<vmem>> -> memref<128x32xbf16, #tpu.memory_space<vmem>>
      %dma_start3A_117 = arith.constant 0 : i32
      %dma_start3A_118 = tpu.memref_slice %arg5[%add3A_113, %dma_start3A_117] : memref<40x128xi32, #tpu.memory_space<vmem>> -> memref<1x128xi32, #tpu.memory_space<vmem>>
      %dma_start3A_119 = tpu.memref_squeeze %dma_start3A_118 : memref<1x128xi32, #tpu.memory_space<vmem>> -> memref<128xi32, #tpu.memory_space<vmem>>
      %dma_start3A_120 = arith.constant 0 : i32
      %dma_start3A_121 = arith.constant 0 : i32
      %dma_start3A_122 = tpu.memref_slice %arg2[%dma_start3A_120, %dma_start3A_121] : memref<10240x32xbf16, #tpu.memory_space<hbm>> -> memref<10240x32xbf16, #tpu.memory_space<hbm>>
      tpu.enqueue_indirect_dma source(%dma_start3A_122 : memref<10240x32xbf16, #tpu.memory_space<hbm>>) target(%dma_start3A_116 : memref<128x32xbf16, #tpu.memory_space<vmem>>) offsets(%dma_start3A_119 : memref<128xi32, #tpu.memory_space<vmem>>) semaphore(%arg7 : memref<!tpu.dma_semaphore, #tpu.memory_space<semaphore_mem>>)
      %mul3A_123 = arith.constant 10 : i32
      %mul3A_124 = arith.muli %scan3A_6, %mul3A_123 : i32
      %add3A_125 = arith.constant 9 : i32
      %add3A_126 = arith.addi %mul3A_124, %add3A_125 : i32
      %dma_start3A_127 = arith.constant 1152 : i32
      %dma_start3A_128 = arith.constant 0 : i32
      %dma_start3A_129 = tpu.memref_slice %arg6[%dma_start3A_127, %dma_start3A_128] : memref<1280x32xbf16, #tpu.memory_space<vmem>> -> memref<128x32xbf16, #tpu.memory_space<vmem>>
      %dma_start3A_130 = arith.constant 0 : i32
      %dma_start3A_131 = tpu.memref_slice %arg5[%add3A_126, %dma_start3A_130] : memref<40x128xi32, #tpu.memory_space<vmem>> -> memref<1x128xi32, #tpu.memory_space<vmem>>
      %dma_start3A_132 = tpu.memref_squeeze %dma_start3A_131 : memref<1x128xi32, #tpu.memory_space<vmem>> -> memref<128xi32, #tpu.memory_space<vmem>>
      %dma_start3A_133 = arith.constant 0 : i32
      %dma_start3A_134 = arith.constant 0 : i32
      %dma_start3A_135 = tpu.memref_slice %arg2[%dma_start3A_133, %dma_start3A_134] : memref<10240x32xbf16, #tpu.memory_space<hbm>> -> memref<10240x32xbf16, #tpu.memory_space<hbm>>
      tpu.enqueue_indirect_dma source(%dma_start3A_135 : memref<10240x32xbf16, #tpu.memory_space<hbm>>) target(%dma_start3A_129 : memref<128x32xbf16, #tpu.memory_space<vmem>>) offsets(%dma_start3A_132 : memref<128xi32, #tpu.memory_space<vmem>>) semaphore(%arg7 : memref<!tpu.dma_semaphore, #tpu.memory_space<semaphore_mem>>)
      %dma_wait3A = arith.constant 0 : i32
      %dma_wait3A_136 = arith.constant 0 : i32
      %dma_wait3A_137 = tpu.memref_slice %arg6[%dma_wait3A, %dma_wait3A_136] : memref<1280x32xbf16, #tpu.memory_space<vmem>> -> memref<128x32xbf16, #tpu.memory_space<vmem>>
      %dma_wait3A_138 = arith.constant 0 : i32
      %dma_wait3A_139 = tpu.memref_slice %arg5[%add3A_10, %dma_wait3A_138] : memref<40x128xi32, #tpu.memory_space<vmem>> -> memref<1x128xi32, #tpu.memory_space<vmem>>
      %dma_wait3A_140 = tpu.memref_squeeze %dma_wait3A_139 : memref<1x128xi32, #tpu.memory_space<vmem>> -> memref<128xi32, #tpu.memory_space<vmem>>
      %dma_wait3A_141 = arith.constant 0 : i32
      %dma_wait3A_142 = arith.constant 0 : i32
      %dma_wait3A_143 = tpu.memref_slice %arg2[%dma_wait3A_141, %dma_wait3A_142] : memref<10240x32xbf16, #tpu.memory_space<hbm>> -> memref<10240x32xbf16, #tpu.memory_space<hbm>>
      tpu.wait_indirect_dma semaphore(%arg7 : memref<!tpu.dma_semaphore, #tpu.memory_space<semaphore_mem>>) src(%dma_wait3A_143 : memref<10240x32xbf16, #tpu.memory_space<hbm>>) dst(%dma_wait3A_137 : memref<128x32xbf16, #tpu.memory_space<vmem>>)
      %dma_wait3A_144 = arith.constant 128 : i32
      %dma_wait3A_145 = arith.constant 0 : i32
      %dma_wait3A_146 = tpu.memref_slice %arg6[%dma_wait3A_144, %dma_wait3A_145] : memref<1280x32xbf16, #tpu.memory_space<vmem>> -> memref<128x32xbf16, #tpu.memory_space<vmem>>
      %dma_wait3A_147 = arith.constant 0 : i32
      %dma_wait3A_148 = tpu.memref_slice %arg5[%add3A_22, %dma_wait3A_147] : memref<40x128xi32, #tpu.memory_space<vmem>> -> memref<1x128xi32, #tpu.memory_space<vmem>>
      %dma_wait3A_149 = tpu.memref_squeeze %dma_wait3A_148 : memref<1x128xi32, #tpu.memory_space<vmem>> -> memref<128xi32, #tpu.memory_space<vmem>>
      %dma_wait3A_150 = arith.constant 0 : i32
      %dma_wait3A_151 = arith.constant 0 : i32
      %dma_wait3A_152 = tpu.memref_slice %arg2[%dma_wait3A_150, %dma_wait3A_151] : memref<10240x32xbf16, #tpu.memory_space<hbm>> -> memref<10240x32xbf16, #tpu.memory_space<hbm>>
      tpu.wait_indirect_dma semaphore(%arg7 : memref<!tpu.dma_semaphore, #tpu.memory_space<semaphore_mem>>) src(%dma_wait3A_152 : memref<10240x32xbf16, #tpu.memory_space<hbm>>) dst(%dma_wait3A_146 : memref<128x32xbf16, #tpu.memory_space<vmem>>)
      %dma_wait3A_153 = arith.constant 256 : i32
      %dma_wait3A_154 = arith.constant 0 : i32
      %dma_wait3A_155 = tpu.memref_slice %arg6[%dma_wait3A_153, %dma_wait3A_154] : memref<1280x32xbf16, #tpu.memory_space<vmem>> -> memref<128x32xbf16, #tpu.memory_space<vmem>>
      %dma_wait3A_156 = arith.constant 0 : i32
      %dma_wait3A_157 = tpu.memref_slice %arg5[%add3A_35, %dma_wait3A_156] : memref<40x128xi32, #tpu.memory_space<vmem>> -> memref<1x128xi32, #tpu.memory_space<vmem>>
      %dma_wait3A_158 = tpu.memref_squeeze %dma_wait3A_157 : memref<1x128xi32, #tpu.memory_space<vmem>> -> memref<128xi32, #tpu.memory_space<vmem>>
      %dma_wait3A_159 = arith.constant 0 : i32
      %dma_wait3A_160 = arith.constant 0 : i32
      %dma_wait3A_161 = tpu.memref_slice %arg2[%dma_wait3A_159, %dma_wait3A_160] : memref<10240x32xbf16, #tpu.memory_space<hbm>> -> memref<10240x32xbf16, #tpu.memory_space<hbm>>
      tpu.wait_indirect_dma semaphore(%arg7 : memref<!tpu.dma_semaphore, #tpu.memory_space<semaphore_mem>>) src(%dma_wait3A_161 : memref<10240x32xbf16, #tpu.memory_space<hbm>>) dst(%dma_wait3A_155 : memref<128x32xbf16, #tpu.memory_space<vmem>>)
      %dma_wait3A_162 = arith.constant 384 : i32
      %dma_wait3A_163 = arith.constant 0 : i32
      %dma_wait3A_164 = tpu.memref_slice %arg6[%dma_wait3A_162, %dma_wait3A_163] : memref<1280x32xbf16, #tpu.memory_space<vmem>> -> memref<128x32xbf16, #tpu.memory_space<vmem>>
      %dma_wait3A_165 = arith.constant 0 : i32
      %dma_wait3A_166 = tpu.memref_slice %arg5[%add3A_48, %dma_wait3A_165] : memref<40x128xi32, #tpu.memory_space<vmem>> -> memref<1x128xi32, #tpu.memory_space<vmem>>
      %dma_wait3A_167 = tpu.memref_squeeze %dma_wait3A_166 : memref<1x128xi32, #tpu.memory_space<vmem>> -> memref<128xi32, #tpu.memory_space<vmem>>
      %dma_wait3A_168 = arith.constant 0 : i32
      %dma_wait3A_169 = arith.constant 0 : i32
      %dma_wait3A_170 = tpu.memref_slice %arg2[%dma_wait3A_168, %dma_wait3A_169] : memref<10240x32xbf16, #tpu.memory_space<hbm>> -> memref<10240x32xbf16, #tpu.memory_space<hbm>>
      tpu.wait_indirect_dma semaphore(%arg7 : memref<!tpu.dma_semaphore, #tpu.memory_space<semaphore_mem>>) src(%dma_wait3A_170 : memref<10240x32xbf16, #tpu.memory_space<hbm>>) dst(%dma_wait3A_164 : memref<128x32xbf16, #tpu.memory_space<vmem>>)
      %dma_wait3A_171 = arith.constant 512 : i32
      %dma_wait3A_172 = arith.constant 0 : i32
      %dma_wait3A_173 = tpu.memref_slice %arg6[%dma_wait3A_171, %dma_wait3A_172] : memref<1280x32xbf16, #tpu.memory_space<vmem>> -> memref<128x32xbf16, #tpu.memory_space<vmem>>
      %dma_wait3A_174 = arith.constant 0 : i32
      %dma_wait3A_175 = tpu.memref_slice %arg5[%add3A_61, %dma_wait3A_174] : memref<40x128xi32, #tpu.memory_space<vmem>> -> memref<1x128xi32, #tpu.memory_space<vmem>>
      %dma_wait3A_176 = tpu.memref_squeeze %dma_wait3A_175 : memref<1x128xi32, #tpu.memory_space<vmem>> -> memref<128xi32, #tpu.memory_space<vmem>>
      %dma_wait3A_177 = arith.constant 0 : i32
      %dma_wait3A_178 = arith.constant 0 : i32
      %dma_wait3A_179 = tpu.memref_slice %arg2[%dma_wait3A_177, %dma_wait3A_178] : memref<10240x32xbf16, #tpu.memory_space<hbm>> -> memref<10240x32xbf16, #tpu.memory_space<hbm>>
      tpu.wait_indirect_dma semaphore(%arg7 : memref<!tpu.dma_semaphore, #tpu.memory_space<semaphore_mem>>) src(%dma_wait3A_179 : memref<10240x32xbf16, #tpu.memory_space<hbm>>) dst(%dma_wait3A_173 : memref<128x32xbf16, #tpu.memory_space<vmem>>)
      %dma_wait3A_180 = arith.constant 640 : i32
      %dma_wait3A_181 = arith.constant 0 : i32
      %dma_wait3A_182 = tpu.memref_slice %arg6[%dma_wait3A_180, %dma_wait3A_181] : memref<1280x32xbf16, #tpu.memory_space<vmem>> -> memref<128x32xbf16, #tpu.memory_space<vmem>>
      %dma_wait3A_183 = arith.constant 0 : i32
      %dma_wait3A_184 = tpu.memref_slice %arg5[%add3A_74, %dma_wait3A_183] : memref<40x128xi32, #tpu.memory_space<vmem>> -> memref<1x128xi32, #tpu.memory_space<vmem>>
      %dma_wait3A_185 = tpu.memref_squeeze %dma_wait3A_184 : memref<1x128xi32, #tpu.memory_space<vmem>> -> memref<128xi32, #tpu.memory_space<vmem>>
      %dma_wait3A_186 = arith.constant 0 : i32
      %dma_wait3A_187 = arith.constant 0 : i32
      %dma_wait3A_188 = tpu.memref_slice %arg2[%dma_wait3A_186, %dma_wait3A_187] : memref<10240x32xbf16, #tpu.memory_space<hbm>> -> memref<10240x32xbf16, #tpu.memory_space<hbm>>
      tpu.wait_indirect_dma semaphore(%arg7 : memref<!tpu.dma_semaphore, #tpu.memory_space<semaphore_mem>>) src(%dma_wait3A_188 : memref<10240x32xbf16, #tpu.memory_space<hbm>>) dst(%dma_wait3A_182 : memref<128x32xbf16, #tpu.memory_space<vmem>>)
      %dma_wait3A_189 = arith.constant 768 : i32
      %dma_wait3A_190 = arith.constant 0 : i32
      %dma_wait3A_191 = tpu.memref_slice %arg6[%dma_wait3A_189, %dma_wait3A_190] : memref<1280x32xbf16, #tpu.memory_space<vmem>> -> memref<128x32xbf16, #tpu.memory_space<vmem>>
      %dma_wait3A_192 = arith.constant 0 : i32
      %dma_wait3A_193 = tpu.memref_slice %arg5[%add3A_87, %dma_wait3A_192] : memref<40x128xi32, #tpu.memory_space<vmem>> -> memref<1x128xi32, #tpu.memory_space<vmem>>
      %dma_wait3A_194 = tpu.memref_squeeze %dma_wait3A_193 : memref<1x128xi32, #tpu.memory_space<vmem>> -> memref<128xi32, #tpu.memory_space<vmem>>
      %dma_wait3A_195 = arith.constant 0 : i32
      %dma_wait3A_196 = arith.constant 0 : i32
      %dma_wait3A_197 = tpu.memref_slice %arg2[%dma_wait3A_195, %dma_wait3A_196] : memref<10240x32xbf16, #tpu.memory_space<hbm>> -> memref<10240x32xbf16, #tpu.memory_space<hbm>>
      tpu.wait_indirect_dma semaphore(%arg7 : memref<!tpu.dma_semaphore, #tpu.memory_space<semaphore_mem>>) src(%dma_wait3A_197 : memref<10240x32xbf16, #tpu.memory_space<hbm>>) dst(%dma_wait3A_191 : memref<128x32xbf16, #tpu.memory_space<vmem>>)
      %dma_wait3A_198 = arith.constant 896 : i32
      %dma_wait3A_199 = arith.constant 0 : i32
      %dma_wait3A_200 = tpu.memref_slice %arg6[%dma_wait3A_198, %dma_wait3A_199] : memref<1280x32xbf16, #tpu.memory_space<vmem>> -> memref<128x32xbf16, #tpu.memory_space<vmem>>
      %dma_wait3A_201 = arith.constant 0 : i32
      %dma_wait3A_202 = tpu.memref_slice %arg5[%add3A_100, %dma_wait3A_201] : memref<40x128xi32, #tpu.memory_space<vmem>> -> memref<1x128xi32, #tpu.memory_space<vmem>>
      %dma_wait3A_203 = tpu.memref_squeeze %dma_wait3A_202 : memref<1x128xi32, #tpu.memory_space<vmem>> -> memref<128xi32, #tpu.memory_space<vmem>>
      %dma_wait3A_204 = arith.constant 0 : i32
      %dma_wait3A_205 = arith.constant 0 : i32
      %dma_wait3A_206 = tpu.memref_slice %arg2[%dma_wait3A_204, %dma_wait3A_205] : memref<10240x32xbf16, #tpu.memory_space<hbm>> -> memref<10240x32xbf16, #tpu.memory_space<hbm>>
      tpu.wait_indirect_dma semaphore(%arg7 : memref<!tpu.dma_semaphore, #tpu.memory_space<semaphore_mem>>) src(%dma_wait3A_206 : memref<10240x32xbf16, #tpu.memory_space<hbm>>) dst(%dma_wait3A_200 : memref<128x32xbf16, #tpu.memory_space<vmem>>)
      %dma_wait3A_207 = arith.constant 1024 : i32
      %dma_wait3A_208 = arith.constant 0 : i32
      %dma_wait3A_209 = tpu.memref_slice %arg6[%dma_wait3A_207, %dma_wait3A_208] : memref<1280x32xbf16, #tpu.memory_space<vmem>> -> memref<128x32xbf16, #tpu.memory_space<vmem>>
      %dma_wait3A_210 = arith.constant 0 : i32
      %dma_wait3A_211 = tpu.memref_slice %arg5[%add3A_113, %dma_wait3A_210] : memref<40x128xi32, #tpu.memory_space<vmem>> -> memref<1x128xi32, #tpu.memory_space<vmem>>
      %dma_wait3A_212 = tpu.memref_squeeze %dma_wait3A_211 : memref<1x128xi32, #tpu.memory_space<vmem>> -> memref<128xi32, #tpu.memory_space<vmem>>
      %dma_wait3A_213 = arith.constant 0 : i32
      %dma_wait3A_214 = arith.constant 0 : i32
      %dma_wait3A_215 = tpu.memref_slice %arg2[%dma_wait3A_213, %dma_wait3A_214] : memref<10240x32xbf16, #tpu.memory_space<hbm>> -> memref<10240x32xbf16, #tpu.memory_space<hbm>>
      tpu.wait_indirect_dma semaphore(%arg7 : memref<!tpu.dma_semaphore, #tpu.memory_space<semaphore_mem>>) src(%dma_wait3A_215 : memref<10240x32xbf16, #tpu.memory_space<hbm>>) dst(%dma_wait3A_209 : memref<128x32xbf16, #tpu.memory_space<vmem>>)
      %dma_wait3A_216 = arith.constant 1152 : i32
      %dma_wait3A_217 = arith.constant 0 : i32
      %dma_wait3A_218 = tpu.memref_slice %arg6[%dma_wait3A_216, %dma_wait3A_217] : memref<1280x32xbf16, #tpu.memory_space<vmem>> -> memref<128x32xbf16, #tpu.memory_space<vmem>>
      %dma_wait3A_219 = arith.constant 0 : i32
      %dma_wait3A_220 = tpu.memref_slice %arg5[%add3A_126, %dma_wait3A_219] : memref<40x128xi32, #tpu.memory_space<vmem>> -> memref<1x128xi32, #tpu.memory_space<vmem>>
      %dma_wait3A_221 = tpu.memref_squeeze %dma_wait3A_220 : memref<1x128xi32, #tpu.memory_space<vmem>> -> memref<128xi32, #tpu.memory_space<vmem>>
      %dma_wait3A_222 = arith.constant 0 : i32
      %dma_wait3A_223 = arith.constant 0 : i32
      %dma_wait3A_224 = tpu.memref_slice %arg2[%dma_wait3A_222, %dma_wait3A_223] : memref<10240x32xbf16, #tpu.memory_space<hbm>> -> memref<10240x32xbf16, #tpu.memory_space<hbm>>
      tpu.wait_indirect_dma semaphore(%arg7 : memref<!tpu.dma_semaphore, #tpu.memory_space<semaphore_mem>>) src(%dma_wait3A_224 : memref<10240x32xbf16, #tpu.memory_space<hbm>>) dst(%dma_wait3A_218 : memref<128x32xbf16, #tpu.memory_space<vmem>>)
      %mul3A_225 = arith.constant 5120 : i32
      %mul3A_226 = arith.muli %add3A, %mul3A_225 : i32
      %mul3A_227 = arith.constant 10 : i32
      %mul3A_228 = arith.muli %scan3A_6, %mul3A_227 : i32
      %mul3A_229 = arith.constant 128 : i32
      %mul3A_230 = arith.muli %mul3A_228, %mul3A_229 : i32
      %add3A_231 = arith.addi %mul3A_226, %mul3A_230 : i32
      "tpu.region"() ({
        %run_scoped3A = tpu.sem_alloc : memref<!tpu.dma_semaphore, #tpu.memory_space<semaphore_mem>>
        %dma_start3A_232 = arith.constant 0 : i32
        %dma_start3A_233 = tpu.memref_slice %arg4[%add3A_231, %dma_start3A_232] : memref<163840x32xbf16, #tpu.memory_space<hbm>> -> memref<1280x32xbf16, #tpu.memory_space<hbm>>
        %dma_start3A_234 = arith.constant 0 : i32
        %dma_start3A_235 = tpu.memref_slice %arg4[%add3A_231, %dma_start3A_234] : memref<163840x32xbf16, #tpu.memory_space<hbm>> -> memref<1280x32xbf16, #tpu.memory_space<hbm>>
        tpu.enqueue_dma source(%arg6 : memref<1280x32xbf16, #tpu.memory_space<vmem>>) target(%dma_start3A_235 : memref<1280x32xbf16, #tpu.memory_space<hbm>>) target_semaphore(%run_scoped3A : memref<!tpu.dma_semaphore, #tpu.memory_space<semaphore_mem>>)
        %dma_wait3A_236 = arith.constant 0 : i32
        %dma_wait3A_237 = tpu.memref_slice %arg4[%add3A_231, %dma_wait3A_236] : memref<163840x32xbf16, #tpu.memory_space<hbm>> -> memref<1280x32xbf16, #tpu.memory_space<hbm>>
        %dma_wait3A_238 = arith.constant 0 : i32
        %dma_wait3A_239 = tpu.memref_slice %arg4[%add3A_231, %dma_wait3A_238] : memref<163840x32xbf16, #tpu.memory_space<hbm>> -> memref<1280x32xbf16, #tpu.memory_space<hbm>>
        tpu.wait_dma2 semaphore(%run_scoped3A : memref<!tpu.dma_semaphore, #tpu.memory_space<semaphore_mem>>) src(%arg6 : memref<1280x32xbf16, #tpu.memory_space<vmem>>) dst(%dma_wait3A_239 : memref<1280x32xbf16, #tpu.memory_space<hbm>>)
        tpu.yield
      }) : () -> ()
    }
    %scan3A_5 = arith.constant 4 : i32
    return
  }
}

#map = affine_map<(d0, d1) -> (0, 0)>
#map1 = affine_map<(d0, d1) -> (0, 0, 0)>
module attributes {stable_mosaic.version = 14 : i64} {
  func.func @k(%arg0: i32, %arg1: i32, %arg2: memref<163840x32xf32, #tpu.memory_space<hbm>>, %arg3: memref<32x40x128xi32, #tpu.memory_space<hbm>>, %arg4: memref<10240x32xf32, #tpu.memory_space<hbm>>, %arg5: memref<10240x8xf32, #tpu.memory_space<hbm>>, %arg6: memref<128x8xf32, #tpu.memory_space<hbm>>, %arg7: memref<2x10240x32xf32, #tpu.memory_space<hbm>>, %arg8: memref<2x10240x8xf32, #tpu.memory_space<hbm>>, %arg9: memref<40x128xi32, #tpu.memory_space<vmem>>, %arg10: memref<1280x32xf32, #tpu.memory_space<vmem>>, %arg11: memref<128x8xf32, #tpu.memory_space<vmem>>, %arg12: memref<10240x32xf32, #tpu.memory_space<vmem_shared>>, %arg13: memref<10240x8xf32, #tpu.memory_space<vmem_shared>>, %arg14: memref<!tpu.dma_semaphore, #tpu.memory_space<semaphore_mem>>) attributes {dimension_semantics = [#tpu.dimension_semantics<core_parallel>, #tpu.dimension_semantics<subcore_parallel>], iteration_bounds = array<i64: 2, 16>, scalar_prefetch = 0 : i64, scratch_operands = 6 : i64, tpu.core_type = #tpu.core_type<sc_vector_subcore>, window_params = [{transform_indices = #map}, {transform_indices = #map1}, {transform_indices = #map}, {transform_indices = #map}, {transform_indices = #map}, {transform_indices = #map1}, {transform_indices = #map1}]} {
    %mul3A = arith.constant 2 : i32
    %mul3A_0 = arith.muli %arg1, %mul3A : i32
    %add3A = arith.addi %mul3A_0, %arg0 : i32
    %mul3A_1 = arith.constant 640 : i32
    %mul3A_2 = arith.muli %arg1, %mul3A_1 : i32
    %mul3A_3 = arith.constant 640 : i32
    %mul3A_4 = arith.muli %arg1, %mul3A_3 : i32
    "tpu.region"() ({
      %run_scoped3A = tpu.sem_alloc : memref<!tpu.dma_semaphore, #tpu.memory_space<semaphore_mem>>
      %dma_start3A = arith.constant 0 : i32
      %dma_start3A_23 = tpu.memref_slice %arg12[%mul3A_4, %dma_start3A] : memref<10240x32xf32, #tpu.memory_space<vmem_shared>> -> memref<640x32xf32, #tpu.memory_space<vmem_shared>>
      %dma_start3A_24 = arith.constant 0 : i32
      %dma_start3A_25 = tpu.memref_slice %arg4[%mul3A_2, %dma_start3A_24] : memref<10240x32xf32, #tpu.memory_space<hbm>> -> memref<640x32xf32, #tpu.memory_space<hbm>>
      tpu.enqueue_dma source(%dma_start3A_25 : memref<640x32xf32, #tpu.memory_space<hbm>>) target(%dma_start3A_23 : memref<640x32xf32, #tpu.memory_space<vmem_shared>>) target_semaphore(%run_scoped3A : memref<!tpu.dma_semaphore, #tpu.memory_space<semaphore_mem>>)
      %dma_wait3A = arith.constant 0 : i32
      %dma_wait3A_26 = tpu.memref_slice %arg12[%mul3A_4, %dma_wait3A] : memref<10240x32xf32, #tpu.memory_space<vmem_shared>> -> memref<640x32xf32, #tpu.memory_space<vmem_shared>>
      %dma_wait3A_27 = arith.constant 0 : i32
      %dma_wait3A_28 = tpu.memref_slice %arg4[%mul3A_2, %dma_wait3A_27] : memref<10240x32xf32, #tpu.memory_space<hbm>> -> memref<640x32xf32, #tpu.memory_space<hbm>>
      tpu.wait_dma2 semaphore(%run_scoped3A : memref<!tpu.dma_semaphore, #tpu.memory_space<semaphore_mem>>) src(%dma_wait3A_28 : memref<640x32xf32, #tpu.memory_space<hbm>>) dst(%dma_wait3A_26 : memref<640x32xf32, #tpu.memory_space<vmem_shared>>)
      tpu.yield
    }) : () -> ()
    %mul3A_5 = arith.constant 640 : i32
    %mul3A_6 = arith.muli %arg1, %mul3A_5 : i32
    %mul3A_7 = arith.constant 640 : i32
    %mul3A_8 = arith.muli %arg1, %mul3A_7 : i32
    "tpu.region"() ({
      %run_scoped3A = tpu.sem_alloc : memref<!tpu.dma_semaphore, #tpu.memory_space<semaphore_mem>>
      %dma_start3A = arith.constant 0 : i32
      %dma_start3A_23 = tpu.memref_slice %arg13[%mul3A_8, %dma_start3A] : memref<10240x8xf32, #tpu.memory_space<vmem_shared>> -> memref<640x8xf32, #tpu.memory_space<vmem_shared>>
      %dma_start3A_24 = arith.constant 0 : i32
      %dma_start3A_25 = tpu.memref_slice %arg5[%mul3A_6, %dma_start3A_24] : memref<10240x8xf32, #tpu.memory_space<hbm>> -> memref<640x8xf32, #tpu.memory_space<hbm>>
      tpu.enqueue_dma source(%dma_start3A_25 : memref<640x8xf32, #tpu.memory_space<hbm>>) target(%dma_start3A_23 : memref<640x8xf32, #tpu.memory_space<vmem_shared>>) target_semaphore(%run_scoped3A : memref<!tpu.dma_semaphore, #tpu.memory_space<semaphore_mem>>)
      %dma_wait3A = arith.constant 0 : i32
      %dma_wait3A_26 = tpu.memref_slice %arg13[%mul3A_8, %dma_wait3A] : memref<10240x8xf32, #tpu.memory_space<vmem_shared>> -> memref<640x8xf32, #tpu.memory_space<vmem_shared>>
      %dma_wait3A_27 = arith.constant 0 : i32
      %dma_wait3A_28 = tpu.memref_slice %arg5[%mul3A_6, %dma_wait3A_27] : memref<10240x8xf32, #tpu.memory_space<hbm>> -> memref<640x8xf32, #tpu.memory_space<hbm>>
      tpu.wait_dma2 semaphore(%run_scoped3A : memref<!tpu.dma_semaphore, #tpu.memory_space<semaphore_mem>>) src(%dma_wait3A_28 : memref<640x8xf32, #tpu.memory_space<hbm>>) dst(%dma_wait3A_26 : memref<640x8xf32, #tpu.memory_space<vmem_shared>>)
      tpu.yield
    }) : () -> ()
    "tpu.region"() ({
      %run_scoped3A = tpu.sem_alloc : memref<!tpu.dma_semaphore, #tpu.memory_space<semaphore_mem>>
      tpu.enqueue_dma source(%arg6 : memref<128x8xf32, #tpu.memory_space<hbm>>) target(%arg11 : memref<128x8xf32, #tpu.memory_space<vmem>>) target_semaphore(%run_scoped3A : memref<!tpu.dma_semaphore, #tpu.memory_space<semaphore_mem>>)
      tpu.wait_dma2 semaphore(%run_scoped3A : memref<!tpu.dma_semaphore, #tpu.memory_space<semaphore_mem>>) src(%arg6 : memref<128x8xf32, #tpu.memory_space<hbm>>) dst(%arg11 : memref<128x8xf32, #tpu.memory_space<vmem>>)
      tpu.yield
    }) : () -> ()
    "tpu.region"() ({
      %run_scoped3A = tpu.sem_alloc : memref<!tpu.dma_semaphore, #tpu.memory_space<semaphore_mem>>
      %dma_start3A = arith.constant 0 : i32
      %dma_start3A_23 = arith.constant 0 : i32
      %dma_start3A_24 = tpu.memref_slice %arg3[%add3A, %dma_start3A, %dma_start3A_23] : memref<32x40x128xi32, #tpu.memory_space<hbm>> -> memref<1x40x128xi32, #tpu.memory_space<hbm>>
      %dma_start3A_25 = tpu.memref_squeeze %dma_start3A_24 : memref<1x40x128xi32, #tpu.memory_space<hbm>> -> memref<40x128xi32, #tpu.memory_space<hbm>>
      %dma_start3A_26 = arith.constant 0 : i32
      %dma_start3A_27 = arith.constant 0 : i32
      %dma_start3A_28 = tpu.memref_slice %arg3[%add3A, %dma_start3A_26, %dma_start3A_27] : memref<32x40x128xi32, #tpu.memory_space<hbm>> -> memref<1x40x128xi32, #tpu.memory_space<hbm>>
      %dma_start3A_29 = tpu.memref_squeeze %dma_start3A_28 : memref<1x40x128xi32, #tpu.memory_space<hbm>> -> memref<40x128xi32, #tpu.memory_space<hbm>>
      tpu.enqueue_dma source(%dma_start3A_29 : memref<40x128xi32, #tpu.memory_space<hbm>>) target(%arg9 : memref<40x128xi32, #tpu.memory_space<vmem>>) target_semaphore(%run_scoped3A : memref<!tpu.dma_semaphore, #tpu.memory_space<semaphore_mem>>)
      %dma_wait3A = arith.constant 0 : i32
      %dma_wait3A_30 = arith.constant 0 : i32
      %dma_wait3A_31 = tpu.memref_slice %arg3[%add3A, %dma_wait3A, %dma_wait3A_30] : memref<32x40x128xi32, #tpu.memory_space<hbm>> -> memref<1x40x128xi32, #tpu.memory_space<hbm>>
      %dma_wait3A_32 = tpu.memref_squeeze %dma_wait3A_31 : memref<1x40x128xi32, #tpu.memory_space<hbm>> -> memref<40x128xi32, #tpu.memory_space<hbm>>
      %dma_wait3A_33 = arith.constant 0 : i32
      %dma_wait3A_34 = arith.constant 0 : i32
      %dma_wait3A_35 = tpu.memref_slice %arg3[%add3A, %dma_wait3A_33, %dma_wait3A_34] : memref<32x40x128xi32, #tpu.memory_space<hbm>> -> memref<1x40x128xi32, #tpu.memory_space<hbm>>
      %dma_wait3A_36 = tpu.memref_squeeze %dma_wait3A_35 : memref<1x40x128xi32, #tpu.memory_space<hbm>> -> memref<40x128xi32, #tpu.memory_space<hbm>>
      tpu.wait_dma2 semaphore(%run_scoped3A : memref<!tpu.dma_semaphore, #tpu.memory_space<semaphore_mem>>) src(%dma_wait3A_36 : memref<40x128xi32, #tpu.memory_space<hbm>>) dst(%arg9 : memref<40x128xi32, #tpu.memory_space<vmem>>)
      tpu.yield
    }) : () -> ()
    %barrier3A = arith.constant 0 : index
    tpu.barrier barrier_id(%barrier3A)
    %scan3A = arith.constant 0 : i32
    %scan3A_9 = arith.constant 0 : i32
    %scan3A_10 = arith.constant 4 : i32
    %scan3A_11 = arith.addi %scan3A_9, %scan3A_10 : i32
    %scan3A_12 = arith.constant 1 : i32
    scf.for %scan3A_23 = %scan3A_9 to %scan3A_11 step %scan3A_12  : i32 {
      %mul3A_24 = arith.constant 5120 : i32
      %mul3A_25 = arith.muli %add3A, %mul3A_24 : i32
      %mul3A_26 = arith.constant 10 : i32
      %mul3A_27 = arith.muli %scan3A_23, %mul3A_26 : i32
      %mul3A_28 = arith.constant 128 : i32
      %mul3A_29 = arith.muli %mul3A_27, %mul3A_28 : i32
      %add3A_30 = arith.addi %mul3A_25, %mul3A_29 : i32
      "tpu.region"() ({
        %run_scoped3A = tpu.sem_alloc : memref<!tpu.dma_semaphore, #tpu.memory_space<semaphore_mem>>
        %dma_start3A_369 = arith.constant 0 : i32
        %dma_start3A_370 = tpu.memref_slice %arg2[%add3A_30, %dma_start3A_369] : memref<163840x32xf32, #tpu.memory_space<hbm>> -> memref<1280x32xf32, #tpu.memory_space<hbm>>
        %dma_start3A_371 = arith.constant 0 : i32
        %dma_start3A_372 = tpu.memref_slice %arg2[%add3A_30, %dma_start3A_371] : memref<163840x32xf32, #tpu.memory_space<hbm>> -> memref<1280x32xf32, #tpu.memory_space<hbm>>
        tpu.enqueue_dma source(%dma_start3A_372 : memref<1280x32xf32, #tpu.memory_space<hbm>>) target(%arg10 : memref<1280x32xf32, #tpu.memory_space<vmem>>) target_semaphore(%run_scoped3A : memref<!tpu.dma_semaphore, #tpu.memory_space<semaphore_mem>>)
        %dma_wait3A_373 = arith.constant 0 : i32
        %dma_wait3A_374 = tpu.memref_slice %arg2[%add3A_30, %dma_wait3A_373] : memref<163840x32xf32, #tpu.memory_space<hbm>> -> memref<1280x32xf32, #tpu.memory_space<hbm>>
        %dma_wait3A_375 = arith.constant 0 : i32
        %dma_wait3A_376 = tpu.memref_slice %arg2[%add3A_30, %dma_wait3A_375] : memref<163840x32xf32, #tpu.memory_space<hbm>> -> memref<1280x32xf32, #tpu.memory_space<hbm>>
        tpu.wait_dma2 semaphore(%run_scoped3A : memref<!tpu.dma_semaphore, #tpu.memory_space<semaphore_mem>>) src(%dma_wait3A_376 : memref<1280x32xf32, #tpu.memory_space<hbm>>) dst(%arg10 : memref<1280x32xf32, #tpu.memory_space<vmem>>)
        tpu.yield
      }) : () -> ()
      %mul3A_31 = arith.constant 10 : i32
      %mul3A_32 = arith.muli %scan3A_23, %mul3A_31 : i32
      %add3A_33 = arith.constant 0 : i32
      %add3A_34 = arith.addi %mul3A_32, %add3A_33 : i32
      %dma_start3A = arith.constant 0 : i32
      %dma_start3A_35 = arith.constant 0 : i32
      %dma_start3A_36 = tpu.memref_slice %arg10[%dma_start3A, %dma_start3A_35] : memref<1280x32xf32, #tpu.memory_space<vmem>> -> memref<128x32xf32, #tpu.memory_space<vmem>>
      %dma_start3A_37 = arith.constant 0 : i32
      %dma_start3A_38 = tpu.memref_slice %arg9[%add3A_34, %dma_start3A_37] : memref<40x128xi32, #tpu.memory_space<vmem>> -> memref<1x128xi32, #tpu.memory_space<vmem>>
      %dma_start3A_39 = tpu.memref_squeeze %dma_start3A_38 : memref<1x128xi32, #tpu.memory_space<vmem>> -> memref<128xi32, #tpu.memory_space<vmem>>
      %dma_start3A_40 = arith.constant 0 : i32
      %dma_start3A_41 = arith.constant 0 : i32
      %dma_start3A_42 = tpu.memref_slice %arg12[%dma_start3A_40, %dma_start3A_41] : memref<10240x32xf32, #tpu.memory_space<vmem_shared>> -> memref<10240x32xf32, #tpu.memory_space<vmem_shared>>
      tpu.enqueue_indirect_dma source(%dma_start3A_36 : memref<128x32xf32, #tpu.memory_space<vmem>>) target(%dma_start3A_42 : memref<10240x32xf32, #tpu.memory_space<vmem_shared>>) offsets(%dma_start3A_39 : memref<128xi32, #tpu.memory_space<vmem>>) semaphore(%arg14 : memref<!tpu.dma_semaphore, #tpu.memory_space<semaphore_mem>>) {add = true}
      %dma_start3A_43 = arith.constant 0 : i32
      %dma_start3A_44 = tpu.memref_slice %arg9[%add3A_34, %dma_start3A_43] : memref<40x128xi32, #tpu.memory_space<vmem>> -> memref<1x128xi32, #tpu.memory_space<vmem>>
      %dma_start3A_45 = tpu.memref_squeeze %dma_start3A_44 : memref<1x128xi32, #tpu.memory_space<vmem>> -> memref<128xi32, #tpu.memory_space<vmem>>
      %dma_start3A_46 = arith.constant 0 : i32
      %dma_start3A_47 = arith.constant 0 : i32
      %dma_start3A_48 = tpu.memref_slice %arg13[%dma_start3A_46, %dma_start3A_47] : memref<10240x8xf32, #tpu.memory_space<vmem_shared>> -> memref<10240x8xf32, #tpu.memory_space<vmem_shared>>
      tpu.enqueue_indirect_dma source(%arg11 : memref<128x8xf32, #tpu.memory_space<vmem>>) target(%dma_start3A_48 : memref<10240x8xf32, #tpu.memory_space<vmem_shared>>) offsets(%dma_start3A_45 : memref<128xi32, #tpu.memory_space<vmem>>) semaphore(%arg14 : memref<!tpu.dma_semaphore, #tpu.memory_space<semaphore_mem>>) {add = true}
      %mul3A_49 = arith.constant 10 : i32
      %mul3A_50 = arith.muli %scan3A_23, %mul3A_49 : i32
      %add3A_51 = arith.constant 1 : i32
      %add3A_52 = arith.addi %mul3A_50, %add3A_51 : i32
      %dma_start3A_53 = arith.constant 128 : i32
      %dma_start3A_54 = arith.constant 0 : i32
      %dma_start3A_55 = tpu.memref_slice %arg10[%dma_start3A_53, %dma_start3A_54] : memref<1280x32xf32, #tpu.memory_space<vmem>> -> memref<128x32xf32, #tpu.memory_space<vmem>>
      %dma_start3A_56 = arith.constant 0 : i32
      %dma_start3A_57 = tpu.memref_slice %arg9[%add3A_52, %dma_start3A_56] : memref<40x128xi32, #tpu.memory_space<vmem>> -> memref<1x128xi32, #tpu.memory_space<vmem>>
      %dma_start3A_58 = tpu.memref_squeeze %dma_start3A_57 : memref<1x128xi32, #tpu.memory_space<vmem>> -> memref<128xi32, #tpu.memory_space<vmem>>
      %dma_start3A_59 = arith.constant 0 : i32
      %dma_start3A_60 = arith.constant 0 : i32
      %dma_start3A_61 = tpu.memref_slice %arg12[%dma_start3A_59, %dma_start3A_60] : memref<10240x32xf32, #tpu.memory_space<vmem_shared>> -> memref<10240x32xf32, #tpu.memory_space<vmem_shared>>
      tpu.enqueue_indirect_dma source(%dma_start3A_55 : memref<128x32xf32, #tpu.memory_space<vmem>>) target(%dma_start3A_61 : memref<10240x32xf32, #tpu.memory_space<vmem_shared>>) offsets(%dma_start3A_58 : memref<128xi32, #tpu.memory_space<vmem>>) semaphore(%arg14 : memref<!tpu.dma_semaphore, #tpu.memory_space<semaphore_mem>>) {add = true}
      %dma_start3A_62 = arith.constant 0 : i32
      %dma_start3A_63 = tpu.memref_slice %arg9[%add3A_52, %dma_start3A_62] : memref<40x128xi32, #tpu.memory_space<vmem>> -> memref<1x128xi32, #tpu.memory_space<vmem>>
      %dma_start3A_64 = tpu.memref_squeeze %dma_start3A_63 : memref<1x128xi32, #tpu.memory_space<vmem>> -> memref<128xi32, #tpu.memory_space<vmem>>
      %dma_start3A_65 = arith.constant 0 : i32
      %dma_start3A_66 = arith.constant 0 : i32
      %dma_start3A_67 = tpu.memref_slice %arg13[%dma_start3A_65, %dma_start3A_66] : memref<10240x8xf32, #tpu.memory_space<vmem_shared>> -> memref<10240x8xf32, #tpu.memory_space<vmem_shared>>
      tpu.enqueue_indirect_dma source(%arg11 : memref<128x8xf32, #tpu.memory_space<vmem>>) target(%dma_start3A_67 : memref<10240x8xf32, #tpu.memory_space<vmem_shared>>) offsets(%dma_start3A_64 : memref<128xi32, #tpu.memory_space<vmem>>) semaphore(%arg14 : memref<!tpu.dma_semaphore, #tpu.memory_space<semaphore_mem>>) {add = true}
      %mul3A_68 = arith.constant 10 : i32
      %mul3A_69 = arith.muli %scan3A_23, %mul3A_68 : i32
      %add3A_70 = arith.constant 2 : i32
      %add3A_71 = arith.addi %mul3A_69, %add3A_70 : i32
      %dma_start3A_72 = arith.constant 256 : i32
      %dma_start3A_73 = arith.constant 0 : i32
      %dma_start3A_74 = tpu.memref_slice %arg10[%dma_start3A_72, %dma_start3A_73] : memref<1280x32xf32, #tpu.memory_space<vmem>> -> memref<128x32xf32, #tpu.memory_space<vmem>>
      %dma_start3A_75 = arith.constant 0 : i32
      %dma_start3A_76 = tpu.memref_slice %arg9[%add3A_71, %dma_start3A_75] : memref<40x128xi32, #tpu.memory_space<vmem>> -> memref<1x128xi32, #tpu.memory_space<vmem>>
      %dma_start3A_77 = tpu.memref_squeeze %dma_start3A_76 : memref<1x128xi32, #tpu.memory_space<vmem>> -> memref<128xi32, #tpu.memory_space<vmem>>
      %dma_start3A_78 = arith.constant 0 : i32
      %dma_start3A_79 = arith.constant 0 : i32
      %dma_start3A_80 = tpu.memref_slice %arg12[%dma_start3A_78, %dma_start3A_79] : memref<10240x32xf32, #tpu.memory_space<vmem_shared>> -> memref<10240x32xf32, #tpu.memory_space<vmem_shared>>
      tpu.enqueue_indirect_dma source(%dma_start3A_74 : memref<128x32xf32, #tpu.memory_space<vmem>>) target(%dma_start3A_80 : memref<10240x32xf32, #tpu.memory_space<vmem_shared>>) offsets(%dma_start3A_77 : memref<128xi32, #tpu.memory_space<vmem>>) semaphore(%arg14 : memref<!tpu.dma_semaphore, #tpu.memory_space<semaphore_mem>>) {add = true}
      %dma_start3A_81 = arith.constant 0 : i32
      %dma_start3A_82 = tpu.memref_slice %arg9[%add3A_71, %dma_start3A_81] : memref<40x128xi32, #tpu.memory_space<vmem>> -> memref<1x128xi32, #tpu.memory_space<vmem>>
      %dma_start3A_83 = tpu.memref_squeeze %dma_start3A_82 : memref<1x128xi32, #tpu.memory_space<vmem>> -> memref<128xi32, #tpu.memory_space<vmem>>
      %dma_start3A_84 = arith.constant 0 : i32
      %dma_start3A_85 = arith.constant 0 : i32
      %dma_start3A_86 = tpu.memref_slice %arg13[%dma_start3A_84, %dma_start3A_85] : memref<10240x8xf32, #tpu.memory_space<vmem_shared>> -> memref<10240x8xf32, #tpu.memory_space<vmem_shared>>
      tpu.enqueue_indirect_dma source(%arg11 : memref<128x8xf32, #tpu.memory_space<vmem>>) target(%dma_start3A_86 : memref<10240x8xf32, #tpu.memory_space<vmem_shared>>) offsets(%dma_start3A_83 : memref<128xi32, #tpu.memory_space<vmem>>) semaphore(%arg14 : memref<!tpu.dma_semaphore, #tpu.memory_space<semaphore_mem>>) {add = true}
      %mul3A_87 = arith.constant 10 : i32
      %mul3A_88 = arith.muli %scan3A_23, %mul3A_87 : i32
      %add3A_89 = arith.constant 3 : i32
      %add3A_90 = arith.addi %mul3A_88, %add3A_89 : i32
      %dma_start3A_91 = arith.constant 384 : i32
      %dma_start3A_92 = arith.constant 0 : i32
      %dma_start3A_93 = tpu.memref_slice %arg10[%dma_start3A_91, %dma_start3A_92] : memref<1280x32xf32, #tpu.memory_space<vmem>> -> memref<128x32xf32, #tpu.memory_space<vmem>>
      %dma_start3A_94 = arith.constant 0 : i32
      %dma_start3A_95 = tpu.memref_slice %arg9[%add3A_90, %dma_start3A_94] : memref<40x128xi32, #tpu.memory_space<vmem>> -> memref<1x128xi32, #tpu.memory_space<vmem>>
      %dma_start3A_96 = tpu.memref_squeeze %dma_start3A_95 : memref<1x128xi32, #tpu.memory_space<vmem>> -> memref<128xi32, #tpu.memory_space<vmem>>
      %dma_start3A_97 = arith.constant 0 : i32
      %dma_start3A_98 = arith.constant 0 : i32
      %dma_start3A_99 = tpu.memref_slice %arg12[%dma_start3A_97, %dma_start3A_98] : memref<10240x32xf32, #tpu.memory_space<vmem_shared>> -> memref<10240x32xf32, #tpu.memory_space<vmem_shared>>
      tpu.enqueue_indirect_dma source(%dma_start3A_93 : memref<128x32xf32, #tpu.memory_space<vmem>>) target(%dma_start3A_99 : memref<10240x32xf32, #tpu.memory_space<vmem_shared>>) offsets(%dma_start3A_96 : memref<128xi32, #tpu.memory_space<vmem>>) semaphore(%arg14 : memref<!tpu.dma_semaphore, #tpu.memory_space<semaphore_mem>>) {add = true}
      %dma_start3A_100 = arith.constant 0 : i32
      %dma_start3A_101 = tpu.memref_slice %arg9[%add3A_90, %dma_start3A_100] : memref<40x128xi32, #tpu.memory_space<vmem>> -> memref<1x128xi32, #tpu.memory_space<vmem>>
      %dma_start3A_102 = tpu.memref_squeeze %dma_start3A_101 : memref<1x128xi32, #tpu.memory_space<vmem>> -> memref<128xi32, #tpu.memory_space<vmem>>
      %dma_start3A_103 = arith.constant 0 : i32
      %dma_start3A_104 = arith.constant 0 : i32
      %dma_start3A_105 = tpu.memref_slice %arg13[%dma_start3A_103, %dma_start3A_104] : memref<10240x8xf32, #tpu.memory_space<vmem_shared>> -> memref<10240x8xf32, #tpu.memory_space<vmem_shared>>
      tpu.enqueue_indirect_dma source(%arg11 : memref<128x8xf32, #tpu.memory_space<vmem>>) target(%dma_start3A_105 : memref<10240x8xf32, #tpu.memory_space<vmem_shared>>) offsets(%dma_start3A_102 : memref<128xi32, #tpu.memory_space<vmem>>) semaphore(%arg14 : memref<!tpu.dma_semaphore, #tpu.memory_space<semaphore_mem>>) {add = true}
      %mul3A_106 = arith.constant 10 : i32
      %mul3A_107 = arith.muli %scan3A_23, %mul3A_106 : i32
      %add3A_108 = arith.constant 4 : i32
      %add3A_109 = arith.addi %mul3A_107, %add3A_108 : i32
      %dma_start3A_110 = arith.constant 512 : i32
      %dma_start3A_111 = arith.constant 0 : i32
      %dma_start3A_112 = tpu.memref_slice %arg10[%dma_start3A_110, %dma_start3A_111] : memref<1280x32xf32, #tpu.memory_space<vmem>> -> memref<128x32xf32, #tpu.memory_space<vmem>>
      %dma_start3A_113 = arith.constant 0 : i32
      %dma_start3A_114 = tpu.memref_slice %arg9[%add3A_109, %dma_start3A_113] : memref<40x128xi32, #tpu.memory_space<vmem>> -> memref<1x128xi32, #tpu.memory_space<vmem>>
      %dma_start3A_115 = tpu.memref_squeeze %dma_start3A_114 : memref<1x128xi32, #tpu.memory_space<vmem>> -> memref<128xi32, #tpu.memory_space<vmem>>
      %dma_start3A_116 = arith.constant 0 : i32
      %dma_start3A_117 = arith.constant 0 : i32
      %dma_start3A_118 = tpu.memref_slice %arg12[%dma_start3A_116, %dma_start3A_117] : memref<10240x32xf32, #tpu.memory_space<vmem_shared>> -> memref<10240x32xf32, #tpu.memory_space<vmem_shared>>
      tpu.enqueue_indirect_dma source(%dma_start3A_112 : memref<128x32xf32, #tpu.memory_space<vmem>>) target(%dma_start3A_118 : memref<10240x32xf32, #tpu.memory_space<vmem_shared>>) offsets(%dma_start3A_115 : memref<128xi32, #tpu.memory_space<vmem>>) semaphore(%arg14 : memref<!tpu.dma_semaphore, #tpu.memory_space<semaphore_mem>>) {add = true}
      %dma_start3A_119 = arith.constant 0 : i32
      %dma_start3A_120 = tpu.memref_slice %arg9[%add3A_109, %dma_start3A_119] : memref<40x128xi32, #tpu.memory_space<vmem>> -> memref<1x128xi32, #tpu.memory_space<vmem>>
      %dma_start3A_121 = tpu.memref_squeeze %dma_start3A_120 : memref<1x128xi32, #tpu.memory_space<vmem>> -> memref<128xi32, #tpu.memory_space<vmem>>
      %dma_start3A_122 = arith.constant 0 : i32
      %dma_start3A_123 = arith.constant 0 : i32
      %dma_start3A_124 = tpu.memref_slice %arg13[%dma_start3A_122, %dma_start3A_123] : memref<10240x8xf32, #tpu.memory_space<vmem_shared>> -> memref<10240x8xf32, #tpu.memory_space<vmem_shared>>
      tpu.enqueue_indirect_dma source(%arg11 : memref<128x8xf32, #tpu.memory_space<vmem>>) target(%dma_start3A_124 : memref<10240x8xf32, #tpu.memory_space<vmem_shared>>) offsets(%dma_start3A_121 : memref<128xi32, #tpu.memory_space<vmem>>) semaphore(%arg14 : memref<!tpu.dma_semaphore, #tpu.memory_space<semaphore_mem>>) {add = true}
      %mul3A_125 = arith.constant 10 : i32
      %mul3A_126 = arith.muli %scan3A_23, %mul3A_125 : i32
      %add3A_127 = arith.constant 5 : i32
      %add3A_128 = arith.addi %mul3A_126, %add3A_127 : i32
      %dma_start3A_129 = arith.constant 640 : i32
      %dma_start3A_130 = arith.constant 0 : i32
      %dma_start3A_131 = tpu.memref_slice %arg10[%dma_start3A_129, %dma_start3A_130] : memref<1280x32xf32, #tpu.memory_space<vmem>> -> memref<128x32xf32, #tpu.memory_space<vmem>>
      %dma_start3A_132 = arith.constant 0 : i32
      %dma_start3A_133 = tpu.memref_slice %arg9[%add3A_128, %dma_start3A_132] : memref<40x128xi32, #tpu.memory_space<vmem>> -> memref<1x128xi32, #tpu.memory_space<vmem>>
      %dma_start3A_134 = tpu.memref_squeeze %dma_start3A_133 : memref<1x128xi32, #tpu.memory_space<vmem>> -> memref<128xi32, #tpu.memory_space<vmem>>
      %dma_start3A_135 = arith.constant 0 : i32
      %dma_start3A_136 = arith.constant 0 : i32
      %dma_start3A_137 = tpu.memref_slice %arg12[%dma_start3A_135, %dma_start3A_136] : memref<10240x32xf32, #tpu.memory_space<vmem_shared>> -> memref<10240x32xf32, #tpu.memory_space<vmem_shared>>
      tpu.enqueue_indirect_dma source(%dma_start3A_131 : memref<128x32xf32, #tpu.memory_space<vmem>>) target(%dma_start3A_137 : memref<10240x32xf32, #tpu.memory_space<vmem_shared>>) offsets(%dma_start3A_134 : memref<128xi32, #tpu.memory_space<vmem>>) semaphore(%arg14 : memref<!tpu.dma_semaphore, #tpu.memory_space<semaphore_mem>>) {add = true}
      %dma_start3A_138 = arith.constant 0 : i32
      %dma_start3A_139 = tpu.memref_slice %arg9[%add3A_128, %dma_start3A_138] : memref<40x128xi32, #tpu.memory_space<vmem>> -> memref<1x128xi32, #tpu.memory_space<vmem>>
      %dma_start3A_140 = tpu.memref_squeeze %dma_start3A_139 : memref<1x128xi32, #tpu.memory_space<vmem>> -> memref<128xi32, #tpu.memory_space<vmem>>
      %dma_start3A_141 = arith.constant 0 : i32
      %dma_start3A_142 = arith.constant 0 : i32
      %dma_start3A_143 = tpu.memref_slice %arg13[%dma_start3A_141, %dma_start3A_142] : memref<10240x8xf32, #tpu.memory_space<vmem_shared>> -> memref<10240x8xf32, #tpu.memory_space<vmem_shared>>
      tpu.enqueue_indirect_dma source(%arg11 : memref<128x8xf32, #tpu.memory_space<vmem>>) target(%dma_start3A_143 : memref<10240x8xf32, #tpu.memory_space<vmem_shared>>) offsets(%dma_start3A_140 : memref<128xi32, #tpu.memory_space<vmem>>) semaphore(%arg14 : memref<!tpu.dma_semaphore, #tpu.memory_space<semaphore_mem>>) {add = true}
      %mul3A_144 = arith.constant 10 : i32
      %mul3A_145 = arith.muli %scan3A_23, %mul3A_144 : i32
      %add3A_146 = arith.constant 6 : i32
      %add3A_147 = arith.addi %mul3A_145, %add3A_146 : i32
      %dma_start3A_148 = arith.constant 768 : i32
      %dma_start3A_149 = arith.constant 0 : i32
      %dma_start3A_150 = tpu.memref_slice %arg10[%dma_start3A_148, %dma_start3A_149] : memref<1280x32xf32, #tpu.memory_space<vmem>> -> memref<128x32xf32, #tpu.memory_space<vmem>>
      %dma_start3A_151 = arith.constant 0 : i32
      %dma_start3A_152 = tpu.memref_slice %arg9[%add3A_147, %dma_start3A_151] : memref<40x128xi32, #tpu.memory_space<vmem>> -> memref<1x128xi32, #tpu.memory_space<vmem>>
      %dma_start3A_153 = tpu.memref_squeeze %dma_start3A_152 : memref<1x128xi32, #tpu.memory_space<vmem>> -> memref<128xi32, #tpu.memory_space<vmem>>
      %dma_start3A_154 = arith.constant 0 : i32
      %dma_start3A_155 = arith.constant 0 : i32
      %dma_start3A_156 = tpu.memref_slice %arg12[%dma_start3A_154, %dma_start3A_155] : memref<10240x32xf32, #tpu.memory_space<vmem_shared>> -> memref<10240x32xf32, #tpu.memory_space<vmem_shared>>
      tpu.enqueue_indirect_dma source(%dma_start3A_150 : memref<128x32xf32, #tpu.memory_space<vmem>>) target(%dma_start3A_156 : memref<10240x32xf32, #tpu.memory_space<vmem_shared>>) offsets(%dma_start3A_153 : memref<128xi32, #tpu.memory_space<vmem>>) semaphore(%arg14 : memref<!tpu.dma_semaphore, #tpu.memory_space<semaphore_mem>>) {add = true}
      %dma_start3A_157 = arith.constant 0 : i32
      %dma_start3A_158 = tpu.memref_slice %arg9[%add3A_147, %dma_start3A_157] : memref<40x128xi32, #tpu.memory_space<vmem>> -> memref<1x128xi32, #tpu.memory_space<vmem>>
      %dma_start3A_159 = tpu.memref_squeeze %dma_start3A_158 : memref<1x128xi32, #tpu.memory_space<vmem>> -> memref<128xi32, #tpu.memory_space<vmem>>
      %dma_start3A_160 = arith.constant 0 : i32
      %dma_start3A_161 = arith.constant 0 : i32
      %dma_start3A_162 = tpu.memref_slice %arg13[%dma_start3A_160, %dma_start3A_161] : memref<10240x8xf32, #tpu.memory_space<vmem_shared>> -> memref<10240x8xf32, #tpu.memory_space<vmem_shared>>
      tpu.enqueue_indirect_dma source(%arg11 : memref<128x8xf32, #tpu.memory_space<vmem>>) target(%dma_start3A_162 : memref<10240x8xf32, #tpu.memory_space<vmem_shared>>) offsets(%dma_start3A_159 : memref<128xi32, #tpu.memory_space<vmem>>) semaphore(%arg14 : memref<!tpu.dma_semaphore, #tpu.memory_space<semaphore_mem>>) {add = true}
      %mul3A_163 = arith.constant 10 : i32
      %mul3A_164 = arith.muli %scan3A_23, %mul3A_163 : i32
      %add3A_165 = arith.constant 7 : i32
      %add3A_166 = arith.addi %mul3A_164, %add3A_165 : i32
      %dma_start3A_167 = arith.constant 896 : i32
      %dma_start3A_168 = arith.constant 0 : i32
      %dma_start3A_169 = tpu.memref_slice %arg10[%dma_start3A_167, %dma_start3A_168] : memref<1280x32xf32, #tpu.memory_space<vmem>> -> memref<128x32xf32, #tpu.memory_space<vmem>>
      %dma_start3A_170 = arith.constant 0 : i32
      %dma_start3A_171 = tpu.memref_slice %arg9[%add3A_166, %dma_start3A_170] : memref<40x128xi32, #tpu.memory_space<vmem>> -> memref<1x128xi32, #tpu.memory_space<vmem>>
      %dma_start3A_172 = tpu.memref_squeeze %dma_start3A_171 : memref<1x128xi32, #tpu.memory_space<vmem>> -> memref<128xi32, #tpu.memory_space<vmem>>
      %dma_start3A_173 = arith.constant 0 : i32
      %dma_start3A_174 = arith.constant 0 : i32
      %dma_start3A_175 = tpu.memref_slice %arg12[%dma_start3A_173, %dma_start3A_174] : memref<10240x32xf32, #tpu.memory_space<vmem_shared>> -> memref<10240x32xf32, #tpu.memory_space<vmem_shared>>
      tpu.enqueue_indirect_dma source(%dma_start3A_169 : memref<128x32xf32, #tpu.memory_space<vmem>>) target(%dma_start3A_175 : memref<10240x32xf32, #tpu.memory_space<vmem_shared>>) offsets(%dma_start3A_172 : memref<128xi32, #tpu.memory_space<vmem>>) semaphore(%arg14 : memref<!tpu.dma_semaphore, #tpu.memory_space<semaphore_mem>>) {add = true}
      %dma_start3A_176 = arith.constant 0 : i32
      %dma_start3A_177 = tpu.memref_slice %arg9[%add3A_166, %dma_start3A_176] : memref<40x128xi32, #tpu.memory_space<vmem>> -> memref<1x128xi32, #tpu.memory_space<vmem>>
      %dma_start3A_178 = tpu.memref_squeeze %dma_start3A_177 : memref<1x128xi32, #tpu.memory_space<vmem>> -> memref<128xi32, #tpu.memory_space<vmem>>
      %dma_start3A_179 = arith.constant 0 : i32
      %dma_start3A_180 = arith.constant 0 : i32
      %dma_start3A_181 = tpu.memref_slice %arg13[%dma_start3A_179, %dma_start3A_180] : memref<10240x8xf32, #tpu.memory_space<vmem_shared>> -> memref<10240x8xf32, #tpu.memory_space<vmem_shared>>
      tpu.enqueue_indirect_dma source(%arg11 : memref<128x8xf32, #tpu.memory_space<vmem>>) target(%dma_start3A_181 : memref<10240x8xf32, #tpu.memory_space<vmem_shared>>) offsets(%dma_start3A_178 : memref<128xi32, #tpu.memory_space<vmem>>) semaphore(%arg14 : memref<!tpu.dma_semaphore, #tpu.memory_space<semaphore_mem>>) {add = true}
      %mul3A_182 = arith.constant 10 : i32
      %mul3A_183 = arith.muli %scan3A_23, %mul3A_182 : i32
      %add3A_184 = arith.constant 8 : i32
      %add3A_185 = arith.addi %mul3A_183, %add3A_184 : i32
      %dma_start3A_186 = arith.constant 1024 : i32
      %dma_start3A_187 = arith.constant 0 : i32
      %dma_start3A_188 = tpu.memref_slice %arg10[%dma_start3A_186, %dma_start3A_187] : memref<1280x32xf32, #tpu.memory_space<vmem>> -> memref<128x32xf32, #tpu.memory_space<vmem>>
      %dma_start3A_189 = arith.constant 0 : i32
      %dma_start3A_190 = tpu.memref_slice %arg9[%add3A_185, %dma_start3A_189] : memref<40x128xi32, #tpu.memory_space<vmem>> -> memref<1x128xi32, #tpu.memory_space<vmem>>
      %dma_start3A_191 = tpu.memref_squeeze %dma_start3A_190 : memref<1x128xi32, #tpu.memory_space<vmem>> -> memref<128xi32, #tpu.memory_space<vmem>>
      %dma_start3A_192 = arith.constant 0 : i32
      %dma_start3A_193 = arith.constant 0 : i32
      %dma_start3A_194 = tpu.memref_slice %arg12[%dma_start3A_192, %dma_start3A_193] : memref<10240x32xf32, #tpu.memory_space<vmem_shared>> -> memref<10240x32xf32, #tpu.memory_space<vmem_shared>>
      tpu.enqueue_indirect_dma source(%dma_start3A_188 : memref<128x32xf32, #tpu.memory_space<vmem>>) target(%dma_start3A_194 : memref<10240x32xf32, #tpu.memory_space<vmem_shared>>) offsets(%dma_start3A_191 : memref<128xi32, #tpu.memory_space<vmem>>) semaphore(%arg14 : memref<!tpu.dma_semaphore, #tpu.memory_space<semaphore_mem>>) {add = true}
      %dma_start3A_195 = arith.constant 0 : i32
      %dma_start3A_196 = tpu.memref_slice %arg9[%add3A_185, %dma_start3A_195] : memref<40x128xi32, #tpu.memory_space<vmem>> -> memref<1x128xi32, #tpu.memory_space<vmem>>
      %dma_start3A_197 = tpu.memref_squeeze %dma_start3A_196 : memref<1x128xi32, #tpu.memory_space<vmem>> -> memref<128xi32, #tpu.memory_space<vmem>>
      %dma_start3A_198 = arith.constant 0 : i32
      %dma_start3A_199 = arith.constant 0 : i32
      %dma_start3A_200 = tpu.memref_slice %arg13[%dma_start3A_198, %dma_start3A_199] : memref<10240x8xf32, #tpu.memory_space<vmem_shared>> -> memref<10240x8xf32, #tpu.memory_space<vmem_shared>>
      tpu.enqueue_indirect_dma source(%arg11 : memref<128x8xf32, #tpu.memory_space<vmem>>) target(%dma_start3A_200 : memref<10240x8xf32, #tpu.memory_space<vmem_shared>>) offsets(%dma_start3A_197 : memref<128xi32, #tpu.memory_space<vmem>>) semaphore(%arg14 : memref<!tpu.dma_semaphore, #tpu.memory_space<semaphore_mem>>) {add = true}
      %mul3A_201 = arith.constant 10 : i32
      %mul3A_202 = arith.muli %scan3A_23, %mul3A_201 : i32
      %add3A_203 = arith.constant 9 : i32
      %add3A_204 = arith.addi %mul3A_202, %add3A_203 : i32
      %dma_start3A_205 = arith.constant 1152 : i32
      %dma_start3A_206 = arith.constant 0 : i32
      %dma_start3A_207 = tpu.memref_slice %arg10[%dma_start3A_205, %dma_start3A_206] : memref<1280x32xf32, #tpu.memory_space<vmem>> -> memref<128x32xf32, #tpu.memory_space<vmem>>
      %dma_start3A_208 = arith.constant 0 : i32
      %dma_start3A_209 = tpu.memref_slice %arg9[%add3A_204, %dma_start3A_208] : memref<40x128xi32, #tpu.memory_space<vmem>> -> memref<1x128xi32, #tpu.memory_space<vmem>>
      %dma_start3A_210 = tpu.memref_squeeze %dma_start3A_209 : memref<1x128xi32, #tpu.memory_space<vmem>> -> memref<128xi32, #tpu.memory_space<vmem>>
      %dma_start3A_211 = arith.constant 0 : i32
      %dma_start3A_212 = arith.constant 0 : i32
      %dma_start3A_213 = tpu.memref_slice %arg12[%dma_start3A_211, %dma_start3A_212] : memref<10240x32xf32, #tpu.memory_space<vmem_shared>> -> memref<10240x32xf32, #tpu.memory_space<vmem_shared>>
      tpu.enqueue_indirect_dma source(%dma_start3A_207 : memref<128x32xf32, #tpu.memory_space<vmem>>) target(%dma_start3A_213 : memref<10240x32xf32, #tpu.memory_space<vmem_shared>>) offsets(%dma_start3A_210 : memref<128xi32, #tpu.memory_space<vmem>>) semaphore(%arg14 : memref<!tpu.dma_semaphore, #tpu.memory_space<semaphore_mem>>) {add = true}
      %dma_start3A_214 = arith.constant 0 : i32
      %dma_start3A_215 = tpu.memref_slice %arg9[%add3A_204, %dma_start3A_214] : memref<40x128xi32, #tpu.memory_space<vmem>> -> memref<1x128xi32, #tpu.memory_space<vmem>>
      %dma_start3A_216 = tpu.memref_squeeze %dma_start3A_215 : memref<1x128xi32, #tpu.memory_space<vmem>> -> memref<128xi32, #tpu.memory_space<vmem>>
      %dma_start3A_217 = arith.constant 0 : i32
      %dma_start3A_218 = arith.constant 0 : i32
      %dma_start3A_219 = tpu.memref_slice %arg13[%dma_start3A_217, %dma_start3A_218] : memref<10240x8xf32, #tpu.memory_space<vmem_shared>> -> memref<10240x8xf32, #tpu.memory_space<vmem_shared>>
      tpu.enqueue_indirect_dma source(%arg11 : memref<128x8xf32, #tpu.memory_space<vmem>>) target(%dma_start3A_219 : memref<10240x8xf32, #tpu.memory_space<vmem_shared>>) offsets(%dma_start3A_216 : memref<128xi32, #tpu.memory_space<vmem>>) semaphore(%arg14 : memref<!tpu.dma_semaphore, #tpu.memory_space<semaphore_mem>>) {add = true}
      %dma_wait3A = arith.constant 0 : i32
      %dma_wait3A_220 = arith.constant 0 : i32
      %dma_wait3A_221 = tpu.memref_slice %arg10[%dma_wait3A, %dma_wait3A_220] : memref<1280x32xf32, #tpu.memory_space<vmem>> -> memref<128x32xf32, #tpu.memory_space<vmem>>
      %dma_wait3A_222 = arith.constant 0 : i32
      %dma_wait3A_223 = tpu.memref_slice %arg9[%add3A_34, %dma_wait3A_222] : memref<40x128xi32, #tpu.memory_space<vmem>> -> memref<1x128xi32, #tpu.memory_space<vmem>>
      %dma_wait3A_224 = tpu.memref_squeeze %dma_wait3A_223 : memref<1x128xi32, #tpu.memory_space<vmem>> -> memref<128xi32, #tpu.memory_space<vmem>>
      %dma_wait3A_225 = arith.constant 0 : i32
      %dma_wait3A_226 = arith.constant 0 : i32
      %dma_wait3A_227 = tpu.memref_slice %arg12[%dma_wait3A_225, %dma_wait3A_226] : memref<10240x32xf32, #tpu.memory_space<vmem_shared>> -> memref<10240x32xf32, #tpu.memory_space<vmem_shared>>
      tpu.wait_indirect_dma semaphore(%arg14 : memref<!tpu.dma_semaphore, #tpu.memory_space<semaphore_mem>>) src(%dma_wait3A_221 : memref<128x32xf32, #tpu.memory_space<vmem>>) dst(%dma_wait3A_227 : memref<10240x32xf32, #tpu.memory_space<vmem_shared>>)
      %dma_wait3A_228 = arith.constant 0 : i32
      %dma_wait3A_229 = tpu.memref_slice %arg9[%add3A_34, %dma_wait3A_228] : memref<40x128xi32, #tpu.memory_space<vmem>> -> memref<1x128xi32, #tpu.memory_space<vmem>>
      %dma_wait3A_230 = tpu.memref_squeeze %dma_wait3A_229 : memref<1x128xi32, #tpu.memory_space<vmem>> -> memref<128xi32, #tpu.memory_space<vmem>>
      %dma_wait3A_231 = arith.constant 0 : i32
      %dma_wait3A_232 = arith.constant 0 : i32
      %dma_wait3A_233 = tpu.memref_slice %arg13[%dma_wait3A_231, %dma_wait3A_232] : memref<10240x8xf32, #tpu.memory_space<vmem_shared>> -> memref<10240x8xf32, #tpu.memory_space<vmem_shared>>
      tpu.wait_indirect_dma semaphore(%arg14 : memref<!tpu.dma_semaphore, #tpu.memory_space<semaphore_mem>>) src(%arg11 : memref<128x8xf32, #tpu.memory_space<vmem>>) dst(%dma_wait3A_233 : memref<10240x8xf32, #tpu.memory_space<vmem_shared>>)
      %dma_wait3A_234 = arith.constant 128 : i32
      %dma_wait3A_235 = arith.constant 0 : i32
      %dma_wait3A_236 = tpu.memref_slice %arg10[%dma_wait3A_234, %dma_wait3A_235] : memref<1280x32xf32, #tpu.memory_space<vmem>> -> memref<128x32xf32, #tpu.memory_space<vmem>>
      %dma_wait3A_237 = arith.constant 0 : i32
      %dma_wait3A_238 = tpu.memref_slice %arg9[%add3A_52, %dma_wait3A_237] : memref<40x128xi32, #tpu.memory_space<vmem>> -> memref<1x128xi32, #tpu.memory_space<vmem>>
      %dma_wait3A_239 = tpu.memref_squeeze %dma_wait3A_238 : memref<1x128xi32, #tpu.memory_space<vmem>> -> memref<128xi32, #tpu.memory_space<vmem>>
      %dma_wait3A_240 = arith.constant 0 : i32
      %dma_wait3A_241 = arith.constant 0 : i32
      %dma_wait3A_242 = tpu.memref_slice %arg12[%dma_wait3A_240, %dma_wait3A_241] : memref<10240x32xf32, #tpu.memory_space<vmem_shared>> -> memref<10240x32xf32, #tpu.memory_space<vmem_shared>>
      tpu.wait_indirect_dma semaphore(%arg14 : memref<!tpu.dma_semaphore, #tpu.memory_space<semaphore_mem>>) src(%dma_wait3A_236 : memref<128x32xf32, #tpu.memory_space<vmem>>) dst(%dma_wait3A_242 : memref<10240x32xf32, #tpu.memory_space<vmem_shared>>)
      %dma_wait3A_243 = arith.constant 0 : i32
      %dma_wait3A_244 = tpu.memref_slice %arg9[%add3A_52, %dma_wait3A_243] : memref<40x128xi32, #tpu.memory_space<vmem>> -> memref<1x128xi32, #tpu.memory_space<vmem>>
      %dma_wait3A_245 = tpu.memref_squeeze %dma_wait3A_244 : memref<1x128xi32, #tpu.memory_space<vmem>> -> memref<128xi32, #tpu.memory_space<vmem>>
      %dma_wait3A_246 = arith.constant 0 : i32
      %dma_wait3A_247 = arith.constant 0 : i32
      %dma_wait3A_248 = tpu.memref_slice %arg13[%dma_wait3A_246, %dma_wait3A_247] : memref<10240x8xf32, #tpu.memory_space<vmem_shared>> -> memref<10240x8xf32, #tpu.memory_space<vmem_shared>>
      tpu.wait_indirect_dma semaphore(%arg14 : memref<!tpu.dma_semaphore, #tpu.memory_space<semaphore_mem>>) src(%arg11 : memref<128x8xf32, #tpu.memory_space<vmem>>) dst(%dma_wait3A_248 : memref<10240x8xf32, #tpu.memory_space<vmem_shared>>)
      %dma_wait3A_249 = arith.constant 256 : i32
      %dma_wait3A_250 = arith.constant 0 : i32
      %dma_wait3A_251 = tpu.memref_slice %arg10[%dma_wait3A_249, %dma_wait3A_250] : memref<1280x32xf32, #tpu.memory_space<vmem>> -> memref<128x32xf32, #tpu.memory_space<vmem>>
      %dma_wait3A_252 = arith.constant 0 : i32
      %dma_wait3A_253 = tpu.memref_slice %arg9[%add3A_71, %dma_wait3A_252] : memref<40x128xi32, #tpu.memory_space<vmem>> -> memref<1x128xi32, #tpu.memory_space<vmem>>
      %dma_wait3A_254 = tpu.memref_squeeze %dma_wait3A_253 : memref<1x128xi32, #tpu.memory_space<vmem>> -> memref<128xi32, #tpu.memory_space<vmem>>
      %dma_wait3A_255 = arith.constant 0 : i32
      %dma_wait3A_256 = arith.constant 0 : i32
      %dma_wait3A_257 = tpu.memref_slice %arg12[%dma_wait3A_255, %dma_wait3A_256] : memref<10240x32xf32, #tpu.memory_space<vmem_shared>> -> memref<10240x32xf32, #tpu.memory_space<vmem_shared>>
      tpu.wait_indirect_dma semaphore(%arg14 : memref<!tpu.dma_semaphore, #tpu.memory_space<semaphore_mem>>) src(%dma_wait3A_251 : memref<128x32xf32, #tpu.memory_space<vmem>>) dst(%dma_wait3A_257 : memref<10240x32xf32, #tpu.memory_space<vmem_shared>>)
      %dma_wait3A_258 = arith.constant 0 : i32
      %dma_wait3A_259 = tpu.memref_slice %arg9[%add3A_71, %dma_wait3A_258] : memref<40x128xi32, #tpu.memory_space<vmem>> -> memref<1x128xi32, #tpu.memory_space<vmem>>
      %dma_wait3A_260 = tpu.memref_squeeze %dma_wait3A_259 : memref<1x128xi32, #tpu.memory_space<vmem>> -> memref<128xi32, #tpu.memory_space<vmem>>
      %dma_wait3A_261 = arith.constant 0 : i32
      %dma_wait3A_262 = arith.constant 0 : i32
      %dma_wait3A_263 = tpu.memref_slice %arg13[%dma_wait3A_261, %dma_wait3A_262] : memref<10240x8xf32, #tpu.memory_space<vmem_shared>> -> memref<10240x8xf32, #tpu.memory_space<vmem_shared>>
      tpu.wait_indirect_dma semaphore(%arg14 : memref<!tpu.dma_semaphore, #tpu.memory_space<semaphore_mem>>) src(%arg11 : memref<128x8xf32, #tpu.memory_space<vmem>>) dst(%dma_wait3A_263 : memref<10240x8xf32, #tpu.memory_space<vmem_shared>>)
      %dma_wait3A_264 = arith.constant 384 : i32
      %dma_wait3A_265 = arith.constant 0 : i32
      %dma_wait3A_266 = tpu.memref_slice %arg10[%dma_wait3A_264, %dma_wait3A_265] : memref<1280x32xf32, #tpu.memory_space<vmem>> -> memref<128x32xf32, #tpu.memory_space<vmem>>
      %dma_wait3A_267 = arith.constant 0 : i32
      %dma_wait3A_268 = tpu.memref_slice %arg9[%add3A_90, %dma_wait3A_267] : memref<40x128xi32, #tpu.memory_space<vmem>> -> memref<1x128xi32, #tpu.memory_space<vmem>>
      %dma_wait3A_269 = tpu.memref_squeeze %dma_wait3A_268 : memref<1x128xi32, #tpu.memory_space<vmem>> -> memref<128xi32, #tpu.memory_space<vmem>>
      %dma_wait3A_270 = arith.constant 0 : i32
      %dma_wait3A_271 = arith.constant 0 : i32
      %dma_wait3A_272 = tpu.memref_slice %arg12[%dma_wait3A_270, %dma_wait3A_271] : memref<10240x32xf32, #tpu.memory_space<vmem_shared>> -> memref<10240x32xf32, #tpu.memory_space<vmem_shared>>
      tpu.wait_indirect_dma semaphore(%arg14 : memref<!tpu.dma_semaphore, #tpu.memory_space<semaphore_mem>>) src(%dma_wait3A_266 : memref<128x32xf32, #tpu.memory_space<vmem>>) dst(%dma_wait3A_272 : memref<10240x32xf32, #tpu.memory_space<vmem_shared>>)
      %dma_wait3A_273 = arith.constant 0 : i32
      %dma_wait3A_274 = tpu.memref_slice %arg9[%add3A_90, %dma_wait3A_273] : memref<40x128xi32, #tpu.memory_space<vmem>> -> memref<1x128xi32, #tpu.memory_space<vmem>>
      %dma_wait3A_275 = tpu.memref_squeeze %dma_wait3A_274 : memref<1x128xi32, #tpu.memory_space<vmem>> -> memref<128xi32, #tpu.memory_space<vmem>>
      %dma_wait3A_276 = arith.constant 0 : i32
      %dma_wait3A_277 = arith.constant 0 : i32
      %dma_wait3A_278 = tpu.memref_slice %arg13[%dma_wait3A_276, %dma_wait3A_277] : memref<10240x8xf32, #tpu.memory_space<vmem_shared>> -> memref<10240x8xf32, #tpu.memory_space<vmem_shared>>
      tpu.wait_indirect_dma semaphore(%arg14 : memref<!tpu.dma_semaphore, #tpu.memory_space<semaphore_mem>>) src(%arg11 : memref<128x8xf32, #tpu.memory_space<vmem>>) dst(%dma_wait3A_278 : memref<10240x8xf32, #tpu.memory_space<vmem_shared>>)
      %dma_wait3A_279 = arith.constant 512 : i32
      %dma_wait3A_280 = arith.constant 0 : i32
      %dma_wait3A_281 = tpu.memref_slice %arg10[%dma_wait3A_279, %dma_wait3A_280] : memref<1280x32xf32, #tpu.memory_space<vmem>> -> memref<128x32xf32, #tpu.memory_space<vmem>>
      %dma_wait3A_282 = arith.constant 0 : i32
      %dma_wait3A_283 = tpu.memref_slice %arg9[%add3A_109, %dma_wait3A_282] : memref<40x128xi32, #tpu.memory_space<vmem>> -> memref<1x128xi32, #tpu.memory_space<vmem>>
      %dma_wait3A_284 = tpu.memref_squeeze %dma_wait3A_283 : memref<1x128xi32, #tpu.memory_space<vmem>> -> memref<128xi32, #tpu.memory_space<vmem>>
      %dma_wait3A_285 = arith.constant 0 : i32
      %dma_wait3A_286 = arith.constant 0 : i32
      %dma_wait3A_287 = tpu.memref_slice %arg12[%dma_wait3A_285, %dma_wait3A_286] : memref<10240x32xf32, #tpu.memory_space<vmem_shared>> -> memref<10240x32xf32, #tpu.memory_space<vmem_shared>>
      tpu.wait_indirect_dma semaphore(%arg14 : memref<!tpu.dma_semaphore, #tpu.memory_space<semaphore_mem>>) src(%dma_wait3A_281 : memref<128x32xf32, #tpu.memory_space<vmem>>) dst(%dma_wait3A_287 : memref<10240x32xf32, #tpu.memory_space<vmem_shared>>)
      %dma_wait3A_288 = arith.constant 0 : i32
      %dma_wait3A_289 = tpu.memref_slice %arg9[%add3A_109, %dma_wait3A_288] : memref<40x128xi32, #tpu.memory_space<vmem>> -> memref<1x128xi32, #tpu.memory_space<vmem>>
      %dma_wait3A_290 = tpu.memref_squeeze %dma_wait3A_289 : memref<1x128xi32, #tpu.memory_space<vmem>> -> memref<128xi32, #tpu.memory_space<vmem>>
      %dma_wait3A_291 = arith.constant 0 : i32
      %dma_wait3A_292 = arith.constant 0 : i32
      %dma_wait3A_293 = tpu.memref_slice %arg13[%dma_wait3A_291, %dma_wait3A_292] : memref<10240x8xf32, #tpu.memory_space<vmem_shared>> -> memref<10240x8xf32, #tpu.memory_space<vmem_shared>>
      tpu.wait_indirect_dma semaphore(%arg14 : memref<!tpu.dma_semaphore, #tpu.memory_space<semaphore_mem>>) src(%arg11 : memref<128x8xf32, #tpu.memory_space<vmem>>) dst(%dma_wait3A_293 : memref<10240x8xf32, #tpu.memory_space<vmem_shared>>)
      %dma_wait3A_294 = arith.constant 640 : i32
      %dma_wait3A_295 = arith.constant 0 : i32
      %dma_wait3A_296 = tpu.memref_slice %arg10[%dma_wait3A_294, %dma_wait3A_295] : memref<1280x32xf32, #tpu.memory_space<vmem>> -> memref<128x32xf32, #tpu.memory_space<vmem>>
      %dma_wait3A_297 = arith.constant 0 : i32
      %dma_wait3A_298 = tpu.memref_slice %arg9[%add3A_128, %dma_wait3A_297] : memref<40x128xi32, #tpu.memory_space<vmem>> -> memref<1x128xi32, #tpu.memory_space<vmem>>
      %dma_wait3A_299 = tpu.memref_squeeze %dma_wait3A_298 : memref<1x128xi32, #tpu.memory_space<vmem>> -> memref<128xi32, #tpu.memory_space<vmem>>
      %dma_wait3A_300 = arith.constant 0 : i32
      %dma_wait3A_301 = arith.constant 0 : i32
      %dma_wait3A_302 = tpu.memref_slice %arg12[%dma_wait3A_300, %dma_wait3A_301] : memref<10240x32xf32, #tpu.memory_space<vmem_shared>> -> memref<10240x32xf32, #tpu.memory_space<vmem_shared>>
      tpu.wait_indirect_dma semaphore(%arg14 : memref<!tpu.dma_semaphore, #tpu.memory_space<semaphore_mem>>) src(%dma_wait3A_296 : memref<128x32xf32, #tpu.memory_space<vmem>>) dst(%dma_wait3A_302 : memref<10240x32xf32, #tpu.memory_space<vmem_shared>>)
      %dma_wait3A_303 = arith.constant 0 : i32
      %dma_wait3A_304 = tpu.memref_slice %arg9[%add3A_128, %dma_wait3A_303] : memref<40x128xi32, #tpu.memory_space<vmem>> -> memref<1x128xi32, #tpu.memory_space<vmem>>
      %dma_wait3A_305 = tpu.memref_squeeze %dma_wait3A_304 : memref<1x128xi32, #tpu.memory_space<vmem>> -> memref<128xi32, #tpu.memory_space<vmem>>
      %dma_wait3A_306 = arith.constant 0 : i32
      %dma_wait3A_307 = arith.constant 0 : i32
      %dma_wait3A_308 = tpu.memref_slice %arg13[%dma_wait3A_306, %dma_wait3A_307] : memref<10240x8xf32, #tpu.memory_space<vmem_shared>> -> memref<10240x8xf32, #tpu.memory_space<vmem_shared>>
      tpu.wait_indirect_dma semaphore(%arg14 : memref<!tpu.dma_semaphore, #tpu.memory_space<semaphore_mem>>) src(%arg11 : memref<128x8xf32, #tpu.memory_space<vmem>>) dst(%dma_wait3A_308 : memref<10240x8xf32, #tpu.memory_space<vmem_shared>>)
      %dma_wait3A_309 = arith.constant 768 : i32
      %dma_wait3A_310 = arith.constant 0 : i32
      %dma_wait3A_311 = tpu.memref_slice %arg10[%dma_wait3A_309, %dma_wait3A_310] : memref<1280x32xf32, #tpu.memory_space<vmem>> -> memref<128x32xf32, #tpu.memory_space<vmem>>
      %dma_wait3A_312 = arith.constant 0 : i32
      %dma_wait3A_313 = tpu.memref_slice %arg9[%add3A_147, %dma_wait3A_312] : memref<40x128xi32, #tpu.memory_space<vmem>> -> memref<1x128xi32, #tpu.memory_space<vmem>>
      %dma_wait3A_314 = tpu.memref_squeeze %dma_wait3A_313 : memref<1x128xi32, #tpu.memory_space<vmem>> -> memref<128xi32, #tpu.memory_space<vmem>>
      %dma_wait3A_315 = arith.constant 0 : i32
      %dma_wait3A_316 = arith.constant 0 : i32
      %dma_wait3A_317 = tpu.memref_slice %arg12[%dma_wait3A_315, %dma_wait3A_316] : memref<10240x32xf32, #tpu.memory_space<vmem_shared>> -> memref<10240x32xf32, #tpu.memory_space<vmem_shared>>
      tpu.wait_indirect_dma semaphore(%arg14 : memref<!tpu.dma_semaphore, #tpu.memory_space<semaphore_mem>>) src(%dma_wait3A_311 : memref<128x32xf32, #tpu.memory_space<vmem>>) dst(%dma_wait3A_317 : memref<10240x32xf32, #tpu.memory_space<vmem_shared>>)
      %dma_wait3A_318 = arith.constant 0 : i32
      %dma_wait3A_319 = tpu.memref_slice %arg9[%add3A_147, %dma_wait3A_318] : memref<40x128xi32, #tpu.memory_space<vmem>> -> memref<1x128xi32, #tpu.memory_space<vmem>>
      %dma_wait3A_320 = tpu.memref_squeeze %dma_wait3A_319 : memref<1x128xi32, #tpu.memory_space<vmem>> -> memref<128xi32, #tpu.memory_space<vmem>>
      %dma_wait3A_321 = arith.constant 0 : i32
      %dma_wait3A_322 = arith.constant 0 : i32
      %dma_wait3A_323 = tpu.memref_slice %arg13[%dma_wait3A_321, %dma_wait3A_322] : memref<10240x8xf32, #tpu.memory_space<vmem_shared>> -> memref<10240x8xf32, #tpu.memory_space<vmem_shared>>
      tpu.wait_indirect_dma semaphore(%arg14 : memref<!tpu.dma_semaphore, #tpu.memory_space<semaphore_mem>>) src(%arg11 : memref<128x8xf32, #tpu.memory_space<vmem>>) dst(%dma_wait3A_323 : memref<10240x8xf32, #tpu.memory_space<vmem_shared>>)
      %dma_wait3A_324 = arith.constant 896 : i32
      %dma_wait3A_325 = arith.constant 0 : i32
      %dma_wait3A_326 = tpu.memref_slice %arg10[%dma_wait3A_324, %dma_wait3A_325] : memref<1280x32xf32, #tpu.memory_space<vmem>> -> memref<128x32xf32, #tpu.memory_space<vmem>>
      %dma_wait3A_327 = arith.constant 0 : i32
      %dma_wait3A_328 = tpu.memref_slice %arg9[%add3A_166, %dma_wait3A_327] : memref<40x128xi32, #tpu.memory_space<vmem>> -> memref<1x128xi32, #tpu.memory_space<vmem>>
      %dma_wait3A_329 = tpu.memref_squeeze %dma_wait3A_328 : memref<1x128xi32, #tpu.memory_space<vmem>> -> memref<128xi32, #tpu.memory_space<vmem>>
      %dma_wait3A_330 = arith.constant 0 : i32
      %dma_wait3A_331 = arith.constant 0 : i32
      %dma_wait3A_332 = tpu.memref_slice %arg12[%dma_wait3A_330, %dma_wait3A_331] : memref<10240x32xf32, #tpu.memory_space<vmem_shared>> -> memref<10240x32xf32, #tpu.memory_space<vmem_shared>>
      tpu.wait_indirect_dma semaphore(%arg14 : memref<!tpu.dma_semaphore, #tpu.memory_space<semaphore_mem>>) src(%dma_wait3A_326 : memref<128x32xf32, #tpu.memory_space<vmem>>) dst(%dma_wait3A_332 : memref<10240x32xf32, #tpu.memory_space<vmem_shared>>)
      %dma_wait3A_333 = arith.constant 0 : i32
      %dma_wait3A_334 = tpu.memref_slice %arg9[%add3A_166, %dma_wait3A_333] : memref<40x128xi32, #tpu.memory_space<vmem>> -> memref<1x128xi32, #tpu.memory_space<vmem>>
      %dma_wait3A_335 = tpu.memref_squeeze %dma_wait3A_334 : memref<1x128xi32, #tpu.memory_space<vmem>> -> memref<128xi32, #tpu.memory_space<vmem>>
      %dma_wait3A_336 = arith.constant 0 : i32
      %dma_wait3A_337 = arith.constant 0 : i32
      %dma_wait3A_338 = tpu.memref_slice %arg13[%dma_wait3A_336, %dma_wait3A_337] : memref<10240x8xf32, #tpu.memory_space<vmem_shared>> -> memref<10240x8xf32, #tpu.memory_space<vmem_shared>>
      tpu.wait_indirect_dma semaphore(%arg14 : memref<!tpu.dma_semaphore, #tpu.memory_space<semaphore_mem>>) src(%arg11 : memref<128x8xf32, #tpu.memory_space<vmem>>) dst(%dma_wait3A_338 : memref<10240x8xf32, #tpu.memory_space<vmem_shared>>)
      %dma_wait3A_339 = arith.constant 1024 : i32
      %dma_wait3A_340 = arith.constant 0 : i32
      %dma_wait3A_341 = tpu.memref_slice %arg10[%dma_wait3A_339, %dma_wait3A_340] : memref<1280x32xf32, #tpu.memory_space<vmem>> -> memref<128x32xf32, #tpu.memory_space<vmem>>
      %dma_wait3A_342 = arith.constant 0 : i32
      %dma_wait3A_343 = tpu.memref_slice %arg9[%add3A_185, %dma_wait3A_342] : memref<40x128xi32, #tpu.memory_space<vmem>> -> memref<1x128xi32, #tpu.memory_space<vmem>>
      %dma_wait3A_344 = tpu.memref_squeeze %dma_wait3A_343 : memref<1x128xi32, #tpu.memory_space<vmem>> -> memref<128xi32, #tpu.memory_space<vmem>>
      %dma_wait3A_345 = arith.constant 0 : i32
      %dma_wait3A_346 = arith.constant 0 : i32
      %dma_wait3A_347 = tpu.memref_slice %arg12[%dma_wait3A_345, %dma_wait3A_346] : memref<10240x32xf32, #tpu.memory_space<vmem_shared>> -> memref<10240x32xf32, #tpu.memory_space<vmem_shared>>
      tpu.wait_indirect_dma semaphore(%arg14 : memref<!tpu.dma_semaphore, #tpu.memory_space<semaphore_mem>>) src(%dma_wait3A_341 : memref<128x32xf32, #tpu.memory_space<vmem>>) dst(%dma_wait3A_347 : memref<10240x32xf32, #tpu.memory_space<vmem_shared>>)
      %dma_wait3A_348 = arith.constant 0 : i32
      %dma_wait3A_349 = tpu.memref_slice %arg9[%add3A_185, %dma_wait3A_348] : memref<40x128xi32, #tpu.memory_space<vmem>> -> memref<1x128xi32, #tpu.memory_space<vmem>>
      %dma_wait3A_350 = tpu.memref_squeeze %dma_wait3A_349 : memref<1x128xi32, #tpu.memory_space<vmem>> -> memref<128xi32, #tpu.memory_space<vmem>>
      %dma_wait3A_351 = arith.constant 0 : i32
      %dma_wait3A_352 = arith.constant 0 : i32
      %dma_wait3A_353 = tpu.memref_slice %arg13[%dma_wait3A_351, %dma_wait3A_352] : memref<10240x8xf32, #tpu.memory_space<vmem_shared>> -> memref<10240x8xf32, #tpu.memory_space<vmem_shared>>
      tpu.wait_indirect_dma semaphore(%arg14 : memref<!tpu.dma_semaphore, #tpu.memory_space<semaphore_mem>>) src(%arg11 : memref<128x8xf32, #tpu.memory_space<vmem>>) dst(%dma_wait3A_353 : memref<10240x8xf32, #tpu.memory_space<vmem_shared>>)
      %dma_wait3A_354 = arith.constant 1152 : i32
      %dma_wait3A_355 = arith.constant 0 : i32
      %dma_wait3A_356 = tpu.memref_slice %arg10[%dma_wait3A_354, %dma_wait3A_355] : memref<1280x32xf32, #tpu.memory_space<vmem>> -> memref<128x32xf32, #tpu.memory_space<vmem>>
      %dma_wait3A_357 = arith.constant 0 : i32
      %dma_wait3A_358 = tpu.memref_slice %arg9[%add3A_204, %dma_wait3A_357] : memref<40x128xi32, #tpu.memory_space<vmem>> -> memref<1x128xi32, #tpu.memory_space<vmem>>
      %dma_wait3A_359 = tpu.memref_squeeze %dma_wait3A_358 : memref<1x128xi32, #tpu.memory_space<vmem>> -> memref<128xi32, #tpu.memory_space<vmem>>
      %dma_wait3A_360 = arith.constant 0 : i32
      %dma_wait3A_361 = arith.constant 0 : i32
      %dma_wait3A_362 = tpu.memref_slice %arg12[%dma_wait3A_360, %dma_wait3A_361] : memref<10240x32xf32, #tpu.memory_space<vmem_shared>> -> memref<10240x32xf32, #tpu.memory_space<vmem_shared>>
      tpu.wait_indirect_dma semaphore(%arg14 : memref<!tpu.dma_semaphore, #tpu.memory_space<semaphore_mem>>) src(%dma_wait3A_356 : memref<128x32xf32, #tpu.memory_space<vmem>>) dst(%dma_wait3A_362 : memref<10240x32xf32, #tpu.memory_space<vmem_shared>>)
      %dma_wait3A_363 = arith.constant 0 : i32
      %dma_wait3A_364 = tpu.memref_slice %arg9[%add3A_204, %dma_wait3A_363] : memref<40x128xi32, #tpu.memory_space<vmem>> -> memref<1x128xi32, #tpu.memory_space<vmem>>
      %dma_wait3A_365 = tpu.memref_squeeze %dma_wait3A_364 : memref<1x128xi32, #tpu.memory_space<vmem>> -> memref<128xi32, #tpu.memory_space<vmem>>
      %dma_wait3A_366 = arith.constant 0 : i32
      %dma_wait3A_367 = arith.constant 0 : i32
      %dma_wait3A_368 = tpu.memref_slice %arg13[%dma_wait3A_366, %dma_wait3A_367] : memref<10240x8xf32, #tpu.memory_space<vmem_shared>> -> memref<10240x8xf32, #tpu.memory_space<vmem_shared>>
      tpu.wait_indirect_dma semaphore(%arg14 : memref<!tpu.dma_semaphore, #tpu.memory_space<semaphore_mem>>) src(%arg11 : memref<128x8xf32, #tpu.memory_space<vmem>>) dst(%dma_wait3A_368 : memref<10240x8xf32, #tpu.memory_space<vmem_shared>>)
    }
    %scan3A_13 = arith.constant 4 : i32
    %barrier3A_14 = arith.constant 0 : index
    tpu.barrier barrier_id(%barrier3A_14)
    %mul3A_15 = arith.constant 640 : i32
    %mul3A_16 = arith.muli %arg1, %mul3A_15 : i32
    %mul3A_17 = arith.constant 640 : i32
    %mul3A_18 = arith.muli %arg1, %mul3A_17 : i32
    "tpu.region"() ({
      %run_scoped3A = tpu.sem_alloc : memref<!tpu.dma_semaphore, #tpu.memory_space<semaphore_mem>>
      %dma_start3A = arith.constant 0 : i32
      %dma_start3A_23 = tpu.memref_slice %arg7[%arg0, %mul3A_18, %dma_start3A] : memref<2x10240x32xf32, #tpu.memory_space<hbm>> -> memref<1x640x32xf32, #tpu.memory_space<hbm>>
      %dma_start3A_24 = tpu.memref_squeeze %dma_start3A_23 : memref<1x640x32xf32, #tpu.memory_space<hbm>> -> memref<640x32xf32, #tpu.memory_space<hbm>>
      %dma_start3A_25 = arith.constant 0 : i32
      %dma_start3A_26 = tpu.memref_slice %arg12[%mul3A_16, %dma_start3A_25] : memref<10240x32xf32, #tpu.memory_space<vmem_shared>> -> memref<640x32xf32, #tpu.memory_space<vmem_shared>>
      tpu.enqueue_dma source(%dma_start3A_26 : memref<640x32xf32, #tpu.memory_space<vmem_shared>>) target(%dma_start3A_24 : memref<640x32xf32, #tpu.memory_space<hbm>>) target_semaphore(%run_scoped3A : memref<!tpu.dma_semaphore, #tpu.memory_space<semaphore_mem>>)
      %dma_wait3A = arith.constant 0 : i32
      %dma_wait3A_27 = tpu.memref_slice %arg7[%arg0, %mul3A_18, %dma_wait3A] : memref<2x10240x32xf32, #tpu.memory_space<hbm>> -> memref<1x640x32xf32, #tpu.memory_space<hbm>>
      %dma_wait3A_28 = tpu.memref_squeeze %dma_wait3A_27 : memref<1x640x32xf32, #tpu.memory_space<hbm>> -> memref<640x32xf32, #tpu.memory_space<hbm>>
      %dma_wait3A_29 = arith.constant 0 : i32
      %dma_wait3A_30 = tpu.memref_slice %arg12[%mul3A_16, %dma_wait3A_29] : memref<10240x32xf32, #tpu.memory_space<vmem_shared>> -> memref<640x32xf32, #tpu.memory_space<vmem_shared>>
      tpu.wait_dma2 semaphore(%run_scoped3A : memref<!tpu.dma_semaphore, #tpu.memory_space<semaphore_mem>>) src(%dma_wait3A_30 : memref<640x32xf32, #tpu.memory_space<vmem_shared>>) dst(%dma_wait3A_28 : memref<640x32xf32, #tpu.memory_space<hbm>>)
      tpu.yield
    }) : () -> ()
    %mul3A_19 = arith.constant 640 : i32
    %mul3A_20 = arith.muli %arg1, %mul3A_19 : i32
    %mul3A_21 = arith.constant 640 : i32
    %mul3A_22 = arith.muli %arg1, %mul3A_21 : i32
    "tpu.region"() ({
      %run_scoped3A = tpu.sem_alloc : memref<!tpu.dma_semaphore, #tpu.memory_space<semaphore_mem>>
      %dma_start3A = arith.constant 0 : i32
      %dma_start3A_23 = tpu.memref_slice %arg8[%arg0, %mul3A_22, %dma_start3A] : memref<2x10240x8xf32, #tpu.memory_space<hbm>> -> memref<1x640x8xf32, #tpu.memory_space<hbm>>
      %dma_start3A_24 = tpu.memref_squeeze %dma_start3A_23 : memref<1x640x8xf32, #tpu.memory_space<hbm>> -> memref<640x8xf32, #tpu.memory_space<hbm>>
      %dma_start3A_25 = arith.constant 0 : i32
      %dma_start3A_26 = tpu.memref_slice %arg13[%mul3A_20, %dma_start3A_25] : memref<10240x8xf32, #tpu.memory_space<vmem_shared>> -> memref<640x8xf32, #tpu.memory_space<vmem_shared>>
      tpu.enqueue_dma source(%dma_start3A_26 : memref<640x8xf32, #tpu.memory_space<vmem_shared>>) target(%dma_start3A_24 : memref<640x8xf32, #tpu.memory_space<hbm>>) target_semaphore(%run_scoped3A : memref<!tpu.dma_semaphore, #tpu.memory_space<semaphore_mem>>)
      %dma_wait3A = arith.constant 0 : i32
      %dma_wait3A_27 = tpu.memref_slice %arg8[%arg0, %mul3A_22, %dma_wait3A] : memref<2x10240x8xf32, #tpu.memory_space<hbm>> -> memref<1x640x8xf32, #tpu.memory_space<hbm>>
      %dma_wait3A_28 = tpu.memref_squeeze %dma_wait3A_27 : memref<1x640x8xf32, #tpu.memory_space<hbm>> -> memref<640x8xf32, #tpu.memory_space<hbm>>
      %dma_wait3A_29 = arith.constant 0 : i32
      %dma_wait3A_30 = tpu.memref_slice %arg13[%mul3A_20, %dma_wait3A_29] : memref<10240x8xf32, #tpu.memory_space<vmem_shared>> -> memref<640x8xf32, #tpu.memory_space<vmem_shared>>
      tpu.wait_dma2 semaphore(%run_scoped3A : memref<!tpu.dma_semaphore, #tpu.memory_space<semaphore_mem>>) src(%dma_wait3A_30 : memref<640x8xf32, #tpu.memory_space<vmem_shared>>) dst(%dma_wait3A_28 : memref<640x8xf32, #tpu.memory_space<hbm>>)
      tpu.yield
    }) : () -> ()
    return
  }
}

#map = affine_map<(d0, d1) -> (0, 0)>
#map1 = affine_map<(d0, d1) -> (0, 0, 0)>
module attributes {stable_mosaic.version = 14 : i64} {
  func.func @k(%arg0: i32, %arg1: i32, %arg2: memref<10240x32xbf16, #tpu.memory_space<hbm>>, %arg3: memref<32x40x128xi32, #tpu.memory_space<hbm>>, %arg4: memref<163840x32xbf16, #tpu.memory_space<hbm>>, %arg5: memref<40x128xi32, #tpu.memory_space<vmem>>, %arg6: memref<1280x32xbf16, #tpu.memory_space<vmem>>, %arg7: memref<!tpu.dma_semaphore, #tpu.memory_space<semaphore_mem>>) attributes {dimension_semantics = [#tpu.dimension_semantics<core_parallel>, #tpu.dimension_semantics<subcore_parallel>], iteration_bounds = array<i64: 2, 16>, scalar_prefetch = 0 : i64, scratch_operands = 3 : i64, tpu.core_type = #tpu.core_type<sc_vector_subcore>, window_params = [{transform_indices = #map}, {transform_indices = #map1}, {transform_indices = #map}]} {
    %mul3A = arith.constant 2 : i32
    %mul3A_0 = arith.muli %arg1, %mul3A : i32
    %add3A = arith.addi %mul3A_0, %arg0 : i32
    "tpu.region"() ({
      %run_scoped3A = tpu.sem_alloc : memref<!tpu.dma_semaphore, #tpu.memory_space<semaphore_mem>>
      %dma_start3A = arith.constant 0 : i32
      %dma_start3A_6 = arith.constant 0 : i32
      %dma_start3A_7 = tpu.memref_slice %arg3[%add3A, %dma_start3A, %dma_start3A_6] : memref<32x40x128xi32, #tpu.memory_space<hbm>> -> memref<1x40x128xi32, #tpu.memory_space<hbm>>
      %dma_start3A_8 = tpu.memref_squeeze %dma_start3A_7 : memref<1x40x128xi32, #tpu.memory_space<hbm>> -> memref<40x128xi32, #tpu.memory_space<hbm>>
      %dma_start3A_9 = arith.constant 0 : i32
      %dma_start3A_10 = arith.constant 0 : i32
      %dma_start3A_11 = tpu.memref_slice %arg3[%add3A, %dma_start3A_9, %dma_start3A_10] : memref<32x40x128xi32, #tpu.memory_space<hbm>> -> memref<1x40x128xi32, #tpu.memory_space<hbm>>
      %dma_start3A_12 = tpu.memref_squeeze %dma_start3A_11 : memref<1x40x128xi32, #tpu.memory_space<hbm>> -> memref<40x128xi32, #tpu.memory_space<hbm>>
      tpu.enqueue_dma source(%dma_start3A_12 : memref<40x128xi32, #tpu.memory_space<hbm>>) target(%arg5 : memref<40x128xi32, #tpu.memory_space<vmem>>) target_semaphore(%run_scoped3A : memref<!tpu.dma_semaphore, #tpu.memory_space<semaphore_mem>>)
      %dma_wait3A = arith.constant 0 : i32
      %dma_wait3A_13 = arith.constant 0 : i32
      %dma_wait3A_14 = tpu.memref_slice %arg3[%add3A, %dma_wait3A, %dma_wait3A_13] : memref<32x40x128xi32, #tpu.memory_space<hbm>> -> memref<1x40x128xi32, #tpu.memory_space<hbm>>
      %dma_wait3A_15 = tpu.memref_squeeze %dma_wait3A_14 : memref<1x40x128xi32, #tpu.memory_space<hbm>> -> memref<40x128xi32, #tpu.memory_space<hbm>>
      %dma_wait3A_16 = arith.constant 0 : i32
      %dma_wait3A_17 = arith.constant 0 : i32
      %dma_wait3A_18 = tpu.memref_slice %arg3[%add3A, %dma_wait3A_16, %dma_wait3A_17] : memref<32x40x128xi32, #tpu.memory_space<hbm>> -> memref<1x40x128xi32, #tpu.memory_space<hbm>>
      %dma_wait3A_19 = tpu.memref_squeeze %dma_wait3A_18 : memref<1x40x128xi32, #tpu.memory_space<hbm>> -> memref<40x128xi32, #tpu.memory_space<hbm>>
      tpu.wait_dma2 semaphore(%run_scoped3A : memref<!tpu.dma_semaphore, #tpu.memory_space<semaphore_mem>>) src(%dma_wait3A_19 : memref<40x128xi32, #tpu.memory_space<hbm>>) dst(%arg5 : memref<40x128xi32, #tpu.memory_space<vmem>>)
      tpu.yield
    }) : () -> ()
    %scan3A = arith.constant 0 : i32
    %scan3A_1 = arith.constant 0 : i32
    %scan3A_2 = arith.constant 4 : i32
    %scan3A_3 = arith.addi %scan3A_1, %scan3A_2 : i32
    %scan3A_4 = arith.constant 1 : i32
    scf.for %scan3A_6 = %scan3A_1 to %scan3A_3 step %scan3A_4  : i32 {
      %mul3A_7 = arith.constant 10 : i32
      %mul3A_8 = arith.muli %scan3A_6, %mul3A_7 : i32
      %add3A_9 = arith.constant 0 : i32
      %add3A_10 = arith.addi %mul3A_8, %add3A_9 : i32
      %dma_start3A = arith.constant 0 : i32
      %dma_start3A_11 = arith.constant 0 : i32
      %dma_start3A_12 = tpu.memref_slice %arg6[%dma_start3A, %dma_start3A_11] : memref<1280x32xbf16, #tpu.memory_space<vmem>> -> memref<128x32xbf16, #tpu.memory_space<vmem>>
      %dma_start3A_13 = arith.constant 0 : i32
      %dma_start3A_14 = tpu.memref_slice %arg5[%add3A_10, %dma_start3A_13] : memref<40x128xi32, #tpu.memory_space<vmem>> -> memref<1x128xi32, #tpu.memory_space<vmem>>
      %dma_start3A_15 = tpu.memref_squeeze %dma_start3A_14 : memref<1x128xi32, #tpu.memory_space<vmem>> -> memref<128xi32, #tpu.memory_space<vmem>>
      %dma_start3A_16 = arith.constant 0 : i32
      %dma_start3A_17 = arith.constant 0 : i32
      %dma_start3A_18 = tpu.memref_slice %arg2[%dma_start3A_16, %dma_start3A_17] : memref<10240x32xbf16, #tpu.memory_space<hbm>> -> memref<10240x32xbf16, #tpu.memory_space<hbm>>
      tpu.enqueue_indirect_dma source(%dma_start3A_18 : memref<10240x32xbf16, #tpu.memory_space<hbm>>) target(%dma_start3A_12 : memref<128x32xbf16, #tpu.memory_space<vmem>>) offsets(%dma_start3A_15 : memref<128xi32, #tpu.memory_space<vmem>>) semaphore(%arg7 : memref<!tpu.dma_semaphore, #tpu.memory_space<semaphore_mem>>)
      %mul3A_19 = arith.constant 10 : i32
      %mul3A_20 = arith.muli %scan3A_6, %mul3A_19 : i32
      %add3A_21 = arith.constant 1 : i32
      %add3A_22 = arith.addi %mul3A_20, %add3A_21 : i32
      %dma_start3A_23 = arith.constant 128 : i32
      %dma_start3A_24 = arith.constant 0 : i32
      %dma_start3A_25 = tpu.memref_slice %arg6[%dma_start3A_23, %dma_start3A_24] : memref<1280x32xbf16, #tpu.memory_space<vmem>> -> memref<128x32xbf16, #tpu.memory_space<vmem>>
      %dma_start3A_26 = arith.constant 0 : i32
      %dma_start3A_27 = tpu.memref_slice %arg5[%add3A_22, %dma_start3A_26] : memref<40x128xi32, #tpu.memory_space<vmem>> -> memref<1x128xi32, #tpu.memory_space<vmem>>
      %dma_start3A_28 = tpu.memref_squeeze %dma_start3A_27 : memref<1x128xi32, #tpu.memory_space<vmem>> -> memref<128xi32, #tpu.memory_space<vmem>>
      %dma_start3A_29 = arith.constant 0 : i32
      %dma_start3A_30 = arith.constant 0 : i32
      %dma_start3A_31 = tpu.memref_slice %arg2[%dma_start3A_29, %dma_start3A_30] : memref<10240x32xbf16, #tpu.memory_space<hbm>> -> memref<10240x32xbf16, #tpu.memory_space<hbm>>
      tpu.enqueue_indirect_dma source(%dma_start3A_31 : memref<10240x32xbf16, #tpu.memory_space<hbm>>) target(%dma_start3A_25 : memref<128x32xbf16, #tpu.memory_space<vmem>>) offsets(%dma_start3A_28 : memref<128xi32, #tpu.memory_space<vmem>>) semaphore(%arg7 : memref<!tpu.dma_semaphore, #tpu.memory_space<semaphore_mem>>)
      %mul3A_32 = arith.constant 10 : i32
      %mul3A_33 = arith.muli %scan3A_6, %mul3A_32 : i32
      %add3A_34 = arith.constant 2 : i32
      %add3A_35 = arith.addi %mul3A_33, %add3A_34 : i32
      %dma_start3A_36 = arith.constant 256 : i32
      %dma_start3A_37 = arith.constant 0 : i32
      %dma_start3A_38 = tpu.memref_slice %arg6[%dma_start3A_36, %dma_start3A_37] : memref<1280x32xbf16, #tpu.memory_space<vmem>> -> memref<128x32xbf16, #tpu.memory_space<vmem>>
      %dma_start3A_39 = arith.constant 0 : i32
      %dma_start3A_40 = tpu.memref_slice %arg5[%add3A_35, %dma_start3A_39] : memref<40x128xi32, #tpu.memory_space<vmem>> -> memref<1x128xi32, #tpu.memory_space<vmem>>
      %dma_start3A_41 = tpu.memref_squeeze %dma_start3A_40 : memref<1x128xi32, #tpu.memory_space<vmem>> -> memref<128xi32, #tpu.memory_space<vmem>>
      %dma_start3A_42 = arith.constant 0 : i32
      %dma_start3A_43 = arith.constant 0 : i32
      %dma_start3A_44 = tpu.memref_slice %arg2[%dma_start3A_42, %dma_start3A_43] : memref<10240x32xbf16, #tpu.memory_space<hbm>> -> memref<10240x32xbf16, #tpu.memory_space<hbm>>
      tpu.enqueue_indirect_dma source(%dma_start3A_44 : memref<10240x32xbf16, #tpu.memory_space<hbm>>) target(%dma_start3A_38 : memref<128x32xbf16, #tpu.memory_space<vmem>>) offsets(%dma_start3A_41 : memref<128xi32, #tpu.memory_space<vmem>>) semaphore(%arg7 : memref<!tpu.dma_semaphore, #tpu.memory_space<semaphore_mem>>)
      %mul3A_45 = arith.constant 10 : i32
      %mul3A_46 = arith.muli %scan3A_6, %mul3A_45 : i32
      %add3A_47 = arith.constant 3 : i32
      %add3A_48 = arith.addi %mul3A_46, %add3A_47 : i32
      %dma_start3A_49 = arith.constant 384 : i32
      %dma_start3A_50 = arith.constant 0 : i32
      %dma_start3A_51 = tpu.memref_slice %arg6[%dma_start3A_49, %dma_start3A_50] : memref<1280x32xbf16, #tpu.memory_space<vmem>> -> memref<128x32xbf16, #tpu.memory_space<vmem>>
      %dma_start3A_52 = arith.constant 0 : i32
      %dma_start3A_53 = tpu.memref_slice %arg5[%add3A_48, %dma_start3A_52] : memref<40x128xi32, #tpu.memory_space<vmem>> -> memref<1x128xi32, #tpu.memory_space<vmem>>
      %dma_start3A_54 = tpu.memref_squeeze %dma_start3A_53 : memref<1x128xi32, #tpu.memory_space<vmem>> -> memref<128xi32, #tpu.memory_space<vmem>>
      %dma_start3A_55 = arith.constant 0 : i32
      %dma_start3A_56 = arith.constant 0 : i32
      %dma_start3A_57 = tpu.memref_slice %arg2[%dma_start3A_55, %dma_start3A_56] : memref<10240x32xbf16, #tpu.memory_space<hbm>> -> memref<10240x32xbf16, #tpu.memory_space<hbm>>
      tpu.enqueue_indirect_dma source(%dma_start3A_57 : memref<10240x32xbf16, #tpu.memory_space<hbm>>) target(%dma_start3A_51 : memref<128x32xbf16, #tpu.memory_space<vmem>>) offsets(%dma_start3A_54 : memref<128xi32, #tpu.memory_space<vmem>>) semaphore(%arg7 : memref<!tpu.dma_semaphore, #tpu.memory_space<semaphore_mem>>)
      %mul3A_58 = arith.constant 10 : i32
      %mul3A_59 = arith.muli %scan3A_6, %mul3A_58 : i32
      %add3A_60 = arith.constant 4 : i32
      %add3A_61 = arith.addi %mul3A_59, %add3A_60 : i32
      %dma_start3A_62 = arith.constant 512 : i32
      %dma_start3A_63 = arith.constant 0 : i32
      %dma_start3A_64 = tpu.memref_slice %arg6[%dma_start3A_62, %dma_start3A_63] : memref<1280x32xbf16, #tpu.memory_space<vmem>> -> memref<128x32xbf16, #tpu.memory_space<vmem>>
      %dma_start3A_65 = arith.constant 0 : i32
      %dma_start3A_66 = tpu.memref_slice %arg5[%add3A_61, %dma_start3A_65] : memref<40x128xi32, #tpu.memory_space<vmem>> -> memref<1x128xi32, #tpu.memory_space<vmem>>
      %dma_start3A_67 = tpu.memref_squeeze %dma_start3A_66 : memref<1x128xi32, #tpu.memory_space<vmem>> -> memref<128xi32, #tpu.memory_space<vmem>>
      %dma_start3A_68 = arith.constant 0 : i32
      %dma_start3A_69 = arith.constant 0 : i32
      %dma_start3A_70 = tpu.memref_slice %arg2[%dma_start3A_68, %dma_start3A_69] : memref<10240x32xbf16, #tpu.memory_space<hbm>> -> memref<10240x32xbf16, #tpu.memory_space<hbm>>
      tpu.enqueue_indirect_dma source(%dma_start3A_70 : memref<10240x32xbf16, #tpu.memory_space<hbm>>) target(%dma_start3A_64 : memref<128x32xbf16, #tpu.memory_space<vmem>>) offsets(%dma_start3A_67 : memref<128xi32, #tpu.memory_space<vmem>>) semaphore(%arg7 : memref<!tpu.dma_semaphore, #tpu.memory_space<semaphore_mem>>)
      %mul3A_71 = arith.constant 10 : i32
      %mul3A_72 = arith.muli %scan3A_6, %mul3A_71 : i32
      %add3A_73 = arith.constant 5 : i32
      %add3A_74 = arith.addi %mul3A_72, %add3A_73 : i32
      %dma_start3A_75 = arith.constant 640 : i32
      %dma_start3A_76 = arith.constant 0 : i32
      %dma_start3A_77 = tpu.memref_slice %arg6[%dma_start3A_75, %dma_start3A_76] : memref<1280x32xbf16, #tpu.memory_space<vmem>> -> memref<128x32xbf16, #tpu.memory_space<vmem>>
      %dma_start3A_78 = arith.constant 0 : i32
      %dma_start3A_79 = tpu.memref_slice %arg5[%add3A_74, %dma_start3A_78] : memref<40x128xi32, #tpu.memory_space<vmem>> -> memref<1x128xi32, #tpu.memory_space<vmem>>
      %dma_start3A_80 = tpu.memref_squeeze %dma_start3A_79 : memref<1x128xi32, #tpu.memory_space<vmem>> -> memref<128xi32, #tpu.memory_space<vmem>>
      %dma_start3A_81 = arith.constant 0 : i32
      %dma_start3A_82 = arith.constant 0 : i32
      %dma_start3A_83 = tpu.memref_slice %arg2[%dma_start3A_81, %dma_start3A_82] : memref<10240x32xbf16, #tpu.memory_space<hbm>> -> memref<10240x32xbf16, #tpu.memory_space<hbm>>
      tpu.enqueue_indirect_dma source(%dma_start3A_83 : memref<10240x32xbf16, #tpu.memory_space<hbm>>) target(%dma_start3A_77 : memref<128x32xbf16, #tpu.memory_space<vmem>>) offsets(%dma_start3A_80 : memref<128xi32, #tpu.memory_space<vmem>>) semaphore(%arg7 : memref<!tpu.dma_semaphore, #tpu.memory_space<semaphore_mem>>)
      %mul3A_84 = arith.constant 10 : i32
      %mul3A_85 = arith.muli %scan3A_6, %mul3A_84 : i32
      %add3A_86 = arith.constant 6 : i32
      %add3A_87 = arith.addi %mul3A_85, %add3A_86 : i32
      %dma_start3A_88 = arith.constant 768 : i32
      %dma_start3A_89 = arith.constant 0 : i32
      %dma_start3A_90 = tpu.memref_slice %arg6[%dma_start3A_88, %dma_start3A_89] : memref<1280x32xbf16, #tpu.memory_space<vmem>> -> memref<128x32xbf16, #tpu.memory_space<vmem>>
      %dma_start3A_91 = arith.constant 0 : i32
      %dma_start3A_92 = tpu.memref_slice %arg5[%add3A_87, %dma_start3A_91] : memref<40x128xi32, #tpu.memory_space<vmem>> -> memref<1x128xi32, #tpu.memory_space<vmem>>
      %dma_start3A_93 = tpu.memref_squeeze %dma_start3A_92 : memref<1x128xi32, #tpu.memory_space<vmem>> -> memref<128xi32, #tpu.memory_space<vmem>>
      %dma_start3A_94 = arith.constant 0 : i32
      %dma_start3A_95 = arith.constant 0 : i32
      %dma_start3A_96 = tpu.memref_slice %arg2[%dma_start3A_94, %dma_start3A_95] : memref<10240x32xbf16, #tpu.memory_space<hbm>> -> memref<10240x32xbf16, #tpu.memory_space<hbm>>
      tpu.enqueue_indirect_dma source(%dma_start3A_96 : memref<10240x32xbf16, #tpu.memory_space<hbm>>) target(%dma_start3A_90 : memref<128x32xbf16, #tpu.memory_space<vmem>>) offsets(%dma_start3A_93 : memref<128xi32, #tpu.memory_space<vmem>>) semaphore(%arg7 : memref<!tpu.dma_semaphore, #tpu.memory_space<semaphore_mem>>)
      %mul3A_97 = arith.constant 10 : i32
      %mul3A_98 = arith.muli %scan3A_6, %mul3A_97 : i32
      %add3A_99 = arith.constant 7 : i32
      %add3A_100 = arith.addi %mul3A_98, %add3A_99 : i32
      %dma_start3A_101 = arith.constant 896 : i32
      %dma_start3A_102 = arith.constant 0 : i32
      %dma_start3A_103 = tpu.memref_slice %arg6[%dma_start3A_101, %dma_start3A_102] : memref<1280x32xbf16, #tpu.memory_space<vmem>> -> memref<128x32xbf16, #tpu.memory_space<vmem>>
      %dma_start3A_104 = arith.constant 0 : i32
      %dma_start3A_105 = tpu.memref_slice %arg5[%add3A_100, %dma_start3A_104] : memref<40x128xi32, #tpu.memory_space<vmem>> -> memref<1x128xi32, #tpu.memory_space<vmem>>
      %dma_start3A_106 = tpu.memref_squeeze %dma_start3A_105 : memref<1x128xi32, #tpu.memory_space<vmem>> -> memref<128xi32, #tpu.memory_space<vmem>>
      %dma_start3A_107 = arith.constant 0 : i32
      %dma_start3A_108 = arith.constant 0 : i32
      %dma_start3A_109 = tpu.memref_slice %arg2[%dma_start3A_107, %dma_start3A_108] : memref<10240x32xbf16, #tpu.memory_space<hbm>> -> memref<10240x32xbf16, #tpu.memory_space<hbm>>
      tpu.enqueue_indirect_dma source(%dma_start3A_109 : memref<10240x32xbf16, #tpu.memory_space<hbm>>) target(%dma_start3A_103 : memref<128x32xbf16, #tpu.memory_space<vmem>>) offsets(%dma_start3A_106 : memref<128xi32, #tpu.memory_space<vmem>>) semaphore(%arg7 : memref<!tpu.dma_semaphore, #tpu.memory_space<semaphore_mem>>)
      %mul3A_110 = arith.constant 10 : i32
      %mul3A_111 = arith.muli %scan3A_6, %mul3A_110 : i32
      %add3A_112 = arith.constant 8 : i32
      %add3A_113 = arith.addi %mul3A_111, %add3A_112 : i32
      %dma_start3A_114 = arith.constant 1024 : i32
      %dma_start3A_115 = arith.constant 0 : i32
      %dma_start3A_116 = tpu.memref_slice %arg6[%dma_start3A_114, %dma_start3A_115] : memref<1280x32xbf16, #tpu.memory_space<vmem>> -> memref<128x32xbf16, #tpu.memory_space<vmem>>
      %dma_start3A_117 = arith.constant 0 : i32
      %dma_start3A_118 = tpu.memref_slice %arg5[%add3A_113, %dma_start3A_117] : memref<40x128xi32, #tpu.memory_space<vmem>> -> memref<1x128xi32, #tpu.memory_space<vmem>>
      %dma_start3A_119 = tpu.memref_squeeze %dma_start3A_118 : memref<1x128xi32, #tpu.memory_space<vmem>> -> memref<128xi32, #tpu.memory_space<vmem>>
      %dma_start3A_120 = arith.constant 0 : i32
      %dma_start3A_121 = arith.constant 0 : i32
      %dma_start3A_122 = tpu.memref_slice %arg2[%dma_start3A_120, %dma_start3A_121] : memref<10240x32xbf16, #tpu.memory_space<hbm>> -> memref<10240x32xbf16, #tpu.memory_space<hbm>>
      tpu.enqueue_indirect_dma source(%dma_start3A_122 : memref<10240x32xbf16, #tpu.memory_space<hbm>>) target(%dma_start3A_116 : memref<128x32xbf16, #tpu.memory_space<vmem>>) offsets(%dma_start3A_119 : memref<128xi32, #tpu.memory_space<vmem>>) semaphore(%arg7 : memref<!tpu.dma_semaphore, #tpu.memory_space<semaphore_mem>>)
      %mul3A_123 = arith.constant 10 : i32
      %mul3A_124 = arith.muli %scan3A_6, %mul3A_123 : i32
      %add3A_125 = arith.constant 9 : i32
      %add3A_126 = arith.addi %mul3A_124, %add3A_125 : i32
      %dma_start3A_127 = arith.constant 1152 : i32
      %dma_start3A_128 = arith.constant 0 : i32
      %dma_start3A_129 = tpu.memref_slice %arg6[%dma_start3A_127, %dma_start3A_128] : memref<1280x32xbf16, #tpu.memory_space<vmem>> -> memref<128x32xbf16, #tpu.memory_space<vmem>>
      %dma_start3A_130 = arith.constant 0 : i32
      %dma_start3A_131 = tpu.memref_slice %arg5[%add3A_126, %dma_start3A_130] : memref<40x128xi32, #tpu.memory_space<vmem>> -> memref<1x128xi32, #tpu.memory_space<vmem>>
      %dma_start3A_132 = tpu.memref_squeeze %dma_start3A_131 : memref<1x128xi32, #tpu.memory_space<vmem>> -> memref<128xi32, #tpu.memory_space<vmem>>
      %dma_start3A_133 = arith.constant 0 : i32
      %dma_start3A_134 = arith.constant 0 : i32
      %dma_start3A_135 = tpu.memref_slice %arg2[%dma_start3A_133, %dma_start3A_134] : memref<10240x32xbf16, #tpu.memory_space<hbm>> -> memref<10240x32xbf16, #tpu.memory_space<hbm>>
      tpu.enqueue_indirect_dma source(%dma_start3A_135 : memref<10240x32xbf16, #tpu.memory_space<hbm>>) target(%dma_start3A_129 : memref<128x32xbf16, #tpu.memory_space<vmem>>) offsets(%dma_start3A_132 : memref<128xi32, #tpu.memory_space<vmem>>) semaphore(%arg7 : memref<!tpu.dma_semaphore, #tpu.memory_space<semaphore_mem>>)
      %dma_wait3A = arith.constant 0 : i32
      %dma_wait3A_136 = arith.constant 0 : i32
      %dma_wait3A_137 = tpu.memref_slice %arg6[%dma_wait3A, %dma_wait3A_136] : memref<1280x32xbf16, #tpu.memory_space<vmem>> -> memref<128x32xbf16, #tpu.memory_space<vmem>>
      %dma_wait3A_138 = arith.constant 0 : i32
      %dma_wait3A_139 = tpu.memref_slice %arg5[%add3A_10, %dma_wait3A_138] : memref<40x128xi32, #tpu.memory_space<vmem>> -> memref<1x128xi32, #tpu.memory_space<vmem>>
      %dma_wait3A_140 = tpu.memref_squeeze %dma_wait3A_139 : memref<1x128xi32, #tpu.memory_space<vmem>> -> memref<128xi32, #tpu.memory_space<vmem>>
      %dma_wait3A_141 = arith.constant 0 : i32
      %dma_wait3A_142 = arith.constant 0 : i32
      %dma_wait3A_143 = tpu.memref_slice %arg2[%dma_wait3A_141, %dma_wait3A_142] : memref<10240x32xbf16, #tpu.memory_space<hbm>> -> memref<10240x32xbf16, #tpu.memory_space<hbm>>
      tpu.wait_indirect_dma semaphore(%arg7 : memref<!tpu.dma_semaphore, #tpu.memory_space<semaphore_mem>>) src(%dma_wait3A_143 : memref<10240x32xbf16, #tpu.memory_space<hbm>>) dst(%dma_wait3A_137 : memref<128x32xbf16, #tpu.memory_space<vmem>>)
      %dma_wait3A_144 = arith.constant 128 : i32
      %dma_wait3A_145 = arith.constant 0 : i32
      %dma_wait3A_146 = tpu.memref_slice %arg6[%dma_wait3A_144, %dma_wait3A_145] : memref<1280x32xbf16, #tpu.memory_space<vmem>> -> memref<128x32xbf16, #tpu.memory_space<vmem>>
      %dma_wait3A_147 = arith.constant 0 : i32
      %dma_wait3A_148 = tpu.memref_slice %arg5[%add3A_22, %dma_wait3A_147] : memref<40x128xi32, #tpu.memory_space<vmem>> -> memref<1x128xi32, #tpu.memory_space<vmem>>
      %dma_wait3A_149 = tpu.memref_squeeze %dma_wait3A_148 : memref<1x128xi32, #tpu.memory_space<vmem>> -> memref<128xi32, #tpu.memory_space<vmem>>
      %dma_wait3A_150 = arith.constant 0 : i32
      %dma_wait3A_151 = arith.constant 0 : i32
      %dma_wait3A_152 = tpu.memref_slice %arg2[%dma_wait3A_150, %dma_wait3A_151] : memref<10240x32xbf16, #tpu.memory_space<hbm>> -> memref<10240x32xbf16, #tpu.memory_space<hbm>>
      tpu.wait_indirect_dma semaphore(%arg7 : memref<!tpu.dma_semaphore, #tpu.memory_space<semaphore_mem>>) src(%dma_wait3A_152 : memref<10240x32xbf16, #tpu.memory_space<hbm>>) dst(%dma_wait3A_146 : memref<128x32xbf16, #tpu.memory_space<vmem>>)
      %dma_wait3A_153 = arith.constant 256 : i32
      %dma_wait3A_154 = arith.constant 0 : i32
      %dma_wait3A_155 = tpu.memref_slice %arg6[%dma_wait3A_153, %dma_wait3A_154] : memref<1280x32xbf16, #tpu.memory_space<vmem>> -> memref<128x32xbf16, #tpu.memory_space<vmem>>
      %dma_wait3A_156 = arith.constant 0 : i32
      %dma_wait3A_157 = tpu.memref_slice %arg5[%add3A_35, %dma_wait3A_156] : memref<40x128xi32, #tpu.memory_space<vmem>> -> memref<1x128xi32, #tpu.memory_space<vmem>>
      %dma_wait3A_158 = tpu.memref_squeeze %dma_wait3A_157 : memref<1x128xi32, #tpu.memory_space<vmem>> -> memref<128xi32, #tpu.memory_space<vmem>>
      %dma_wait3A_159 = arith.constant 0 : i32
      %dma_wait3A_160 = arith.constant 0 : i32
      %dma_wait3A_161 = tpu.memref_slice %arg2[%dma_wait3A_159, %dma_wait3A_160] : memref<10240x32xbf16, #tpu.memory_space<hbm>> -> memref<10240x32xbf16, #tpu.memory_space<hbm>>
      tpu.wait_indirect_dma semaphore(%arg7 : memref<!tpu.dma_semaphore, #tpu.memory_space<semaphore_mem>>) src(%dma_wait3A_161 : memref<10240x32xbf16, #tpu.memory_space<hbm>>) dst(%dma_wait3A_155 : memref<128x32xbf16, #tpu.memory_space<vmem>>)
      %dma_wait3A_162 = arith.constant 384 : i32
      %dma_wait3A_163 = arith.constant 0 : i32
      %dma_wait3A_164 = tpu.memref_slice %arg6[%dma_wait3A_162, %dma_wait3A_163] : memref<1280x32xbf16, #tpu.memory_space<vmem>> -> memref<128x32xbf16, #tpu.memory_space<vmem>>
      %dma_wait3A_165 = arith.constant 0 : i32
      %dma_wait3A_166 = tpu.memref_slice %arg5[%add3A_48, %dma_wait3A_165] : memref<40x128xi32, #tpu.memory_space<vmem>> -> memref<1x128xi32, #tpu.memory_space<vmem>>
      %dma_wait3A_167 = tpu.memref_squeeze %dma_wait3A_166 : memref<1x128xi32, #tpu.memory_space<vmem>> -> memref<128xi32, #tpu.memory_space<vmem>>
      %dma_wait3A_168 = arith.constant 0 : i32
      %dma_wait3A_169 = arith.constant 0 : i32
      %dma_wait3A_170 = tpu.memref_slice %arg2[%dma_wait3A_168, %dma_wait3A_169] : memref<10240x32xbf16, #tpu.memory_space<hbm>> -> memref<10240x32xbf16, #tpu.memory_space<hbm>>
      tpu.wait_indirect_dma semaphore(%arg7 : memref<!tpu.dma_semaphore, #tpu.memory_space<semaphore_mem>>) src(%dma_wait3A_170 : memref<10240x32xbf16, #tpu.memory_space<hbm>>) dst(%dma_wait3A_164 : memref<128x32xbf16, #tpu.memory_space<vmem>>)
      %dma_wait3A_171 = arith.constant 512 : i32
      %dma_wait3A_172 = arith.constant 0 : i32
      %dma_wait3A_173 = tpu.memref_slice %arg6[%dma_wait3A_171, %dma_wait3A_172] : memref<1280x32xbf16, #tpu.memory_space<vmem>> -> memref<128x32xbf16, #tpu.memory_space<vmem>>
      %dma_wait3A_174 = arith.constant 0 : i32
      %dma_wait3A_175 = tpu.memref_slice %arg5[%add3A_61, %dma_wait3A_174] : memref<40x128xi32, #tpu.memory_space<vmem>> -> memref<1x128xi32, #tpu.memory_space<vmem>>
      %dma_wait3A_176 = tpu.memref_squeeze %dma_wait3A_175 : memref<1x128xi32, #tpu.memory_space<vmem>> -> memref<128xi32, #tpu.memory_space<vmem>>
      %dma_wait3A_177 = arith.constant 0 : i32
      %dma_wait3A_178 = arith.constant 0 : i32
      %dma_wait3A_179 = tpu.memref_slice %arg2[%dma_wait3A_177, %dma_wait3A_178] : memref<10240x32xbf16, #tpu.memory_space<hbm>> -> memref<10240x32xbf16, #tpu.memory_space<hbm>>
      tpu.wait_indirect_dma semaphore(%arg7 : memref<!tpu.dma_semaphore, #tpu.memory_space<semaphore_mem>>) src(%dma_wait3A_179 : memref<10240x32xbf16, #tpu.memory_space<hbm>>) dst(%dma_wait3A_173 : memref<128x32xbf16, #tpu.memory_space<vmem>>)
      %dma_wait3A_180 = arith.constant 640 : i32
      %dma_wait3A_181 = arith.constant 0 : i32
      %dma_wait3A_182 = tpu.memref_slice %arg6[%dma_wait3A_180, %dma_wait3A_181] : memref<1280x32xbf16, #tpu.memory_space<vmem>> -> memref<128x32xbf16, #tpu.memory_space<vmem>>
      %dma_wait3A_183 = arith.constant 0 : i32
      %dma_wait3A_184 = tpu.memref_slice %arg5[%add3A_74, %dma_wait3A_183] : memref<40x128xi32, #tpu.memory_space<vmem>> -> memref<1x128xi32, #tpu.memory_space<vmem>>
      %dma_wait3A_185 = tpu.memref_squeeze %dma_wait3A_184 : memref<1x128xi32, #tpu.memory_space<vmem>> -> memref<128xi32, #tpu.memory_space<vmem>>
      %dma_wait3A_186 = arith.constant 0 : i32
      %dma_wait3A_187 = arith.constant 0 : i32
      %dma_wait3A_188 = tpu.memref_slice %arg2[%dma_wait3A_186, %dma_wait3A_187] : memref<10240x32xbf16, #tpu.memory_space<hbm>> -> memref<10240x32xbf16, #tpu.memory_space<hbm>>
      tpu.wait_indirect_dma semaphore(%arg7 : memref<!tpu.dma_semaphore, #tpu.memory_space<semaphore_mem>>) src(%dma_wait3A_188 : memref<10240x32xbf16, #tpu.memory_space<hbm>>) dst(%dma_wait3A_182 : memref<128x32xbf16, #tpu.memory_space<vmem>>)
      %dma_wait3A_189 = arith.constant 768 : i32
      %dma_wait3A_190 = arith.constant 0 : i32
      %dma_wait3A_191 = tpu.memref_slice %arg6[%dma_wait3A_189, %dma_wait3A_190] : memref<1280x32xbf16, #tpu.memory_space<vmem>> -> memref<128x32xbf16, #tpu.memory_space<vmem>>
      %dma_wait3A_192 = arith.constant 0 : i32
      %dma_wait3A_193 = tpu.memref_slice %arg5[%add3A_87, %dma_wait3A_192] : memref<40x128xi32, #tpu.memory_space<vmem>> -> memref<1x128xi32, #tpu.memory_space<vmem>>
      %dma_wait3A_194 = tpu.memref_squeeze %dma_wait3A_193 : memref<1x128xi32, #tpu.memory_space<vmem>> -> memref<128xi32, #tpu.memory_space<vmem>>
      %dma_wait3A_195 = arith.constant 0 : i32
      %dma_wait3A_196 = arith.constant 0 : i32
      %dma_wait3A_197 = tpu.memref_slice %arg2[%dma_wait3A_195, %dma_wait3A_196] : memref<10240x32xbf16, #tpu.memory_space<hbm>> -> memref<10240x32xbf16, #tpu.memory_space<hbm>>
      tpu.wait_indirect_dma semaphore(%arg7 : memref<!tpu.dma_semaphore, #tpu.memory_space<semaphore_mem>>) src(%dma_wait3A_197 : memref<10240x32xbf16, #tpu.memory_space<hbm>>) dst(%dma_wait3A_191 : memref<128x32xbf16, #tpu.memory_space<vmem>>)
      %dma_wait3A_198 = arith.constant 896 : i32
      %dma_wait3A_199 = arith.constant 0 : i32
      %dma_wait3A_200 = tpu.memref_slice %arg6[%dma_wait3A_198, %dma_wait3A_199] : memref<1280x32xbf16, #tpu.memory_space<vmem>> -> memref<128x32xbf16, #tpu.memory_space<vmem>>
      %dma_wait3A_201 = arith.constant 0 : i32
      %dma_wait3A_202 = tpu.memref_slice %arg5[%add3A_100, %dma_wait3A_201] : memref<40x128xi32, #tpu.memory_space<vmem>> -> memref<1x128xi32, #tpu.memory_space<vmem>>
      %dma_wait3A_203 = tpu.memref_squeeze %dma_wait3A_202 : memref<1x128xi32, #tpu.memory_space<vmem>> -> memref<128xi32, #tpu.memory_space<vmem>>
      %dma_wait3A_204 = arith.constant 0 : i32
      %dma_wait3A_205 = arith.constant 0 : i32
      %dma_wait3A_206 = tpu.memref_slice %arg2[%dma_wait3A_204, %dma_wait3A_205] : memref<10240x32xbf16, #tpu.memory_space<hbm>> -> memref<10240x32xbf16, #tpu.memory_space<hbm>>
      tpu.wait_indirect_dma semaphore(%arg7 : memref<!tpu.dma_semaphore, #tpu.memory_space<semaphore_mem>>) src(%dma_wait3A_206 : memref<10240x32xbf16, #tpu.memory_space<hbm>>) dst(%dma_wait3A_200 : memref<128x32xbf16, #tpu.memory_space<vmem>>)
      %dma_wait3A_207 = arith.constant 1024 : i32
      %dma_wait3A_208 = arith.constant 0 : i32
      %dma_wait3A_209 = tpu.memref_slice %arg6[%dma_wait3A_207, %dma_wait3A_208] : memref<1280x32xbf16, #tpu.memory_space<vmem>> -> memref<128x32xbf16, #tpu.memory_space<vmem>>
      %dma_wait3A_210 = arith.constant 0 : i32
      %dma_wait3A_211 = tpu.memref_slice %arg5[%add3A_113, %dma_wait3A_210] : memref<40x128xi32, #tpu.memory_space<vmem>> -> memref<1x128xi32, #tpu.memory_space<vmem>>
      %dma_wait3A_212 = tpu.memref_squeeze %dma_wait3A_211 : memref<1x128xi32, #tpu.memory_space<vmem>> -> memref<128xi32, #tpu.memory_space<vmem>>
      %dma_wait3A_213 = arith.constant 0 : i32
      %dma_wait3A_214 = arith.constant 0 : i32
      %dma_wait3A_215 = tpu.memref_slice %arg2[%dma_wait3A_213, %dma_wait3A_214] : memref<10240x32xbf16, #tpu.memory_space<hbm>> -> memref<10240x32xbf16, #tpu.memory_space<hbm>>
      tpu.wait_indirect_dma semaphore(%arg7 : memref<!tpu.dma_semaphore, #tpu.memory_space<semaphore_mem>>) src(%dma_wait3A_215 : memref<10240x32xbf16, #tpu.memory_space<hbm>>) dst(%dma_wait3A_209 : memref<128x32xbf16, #tpu.memory_space<vmem>>)
      %dma_wait3A_216 = arith.constant 1152 : i32
      %dma_wait3A_217 = arith.constant 0 : i32
      %dma_wait3A_218 = tpu.memref_slice %arg6[%dma_wait3A_216, %dma_wait3A_217] : memref<1280x32xbf16, #tpu.memory_space<vmem>> -> memref<128x32xbf16, #tpu.memory_space<vmem>>
      %dma_wait3A_219 = arith.constant 0 : i32
      %dma_wait3A_220 = tpu.memref_slice %arg5[%add3A_126, %dma_wait3A_219] : memref<40x128xi32, #tpu.memory_space<vmem>> -> memref<1x128xi32, #tpu.memory_space<vmem>>
      %dma_wait3A_221 = tpu.memref_squeeze %dma_wait3A_220 : memref<1x128xi32, #tpu.memory_space<vmem>> -> memref<128xi32, #tpu.memory_space<vmem>>
      %dma_wait3A_222 = arith.constant 0 : i32
      %dma_wait3A_223 = arith.constant 0 : i32
      %dma_wait3A_224 = tpu.memref_slice %arg2[%dma_wait3A_222, %dma_wait3A_223] : memref<10240x32xbf16, #tpu.memory_space<hbm>> -> memref<10240x32xbf16, #tpu.memory_space<hbm>>
      tpu.wait_indirect_dma semaphore(%arg7 : memref<!tpu.dma_semaphore, #tpu.memory_space<semaphore_mem>>) src(%dma_wait3A_224 : memref<10240x32xbf16, #tpu.memory_space<hbm>>) dst(%dma_wait3A_218 : memref<128x32xbf16, #tpu.memory_space<vmem>>)
      %mul3A_225 = arith.constant 5120 : i32
      %mul3A_226 = arith.muli %add3A, %mul3A_225 : i32
      %mul3A_227 = arith.constant 10 : i32
      %mul3A_228 = arith.muli %scan3A_6, %mul3A_227 : i32
      %mul3A_229 = arith.constant 128 : i32
      %mul3A_230 = arith.muli %mul3A_228, %mul3A_229 : i32
      %add3A_231 = arith.addi %mul3A_226, %mul3A_230 : i32
      "tpu.region"() ({
        %run_scoped3A = tpu.sem_alloc : memref<!tpu.dma_semaphore, #tpu.memory_space<semaphore_mem>>
        %dma_start3A_232 = arith.constant 0 : i32
        %dma_start3A_233 = tpu.memref_slice %arg4[%add3A_231, %dma_start3A_232] : memref<163840x32xbf16, #tpu.memory_space<hbm>> -> memref<1280x32xbf16, #tpu.memory_space<hbm>>
        %dma_start3A_234 = arith.constant 0 : i32
        %dma_start3A_235 = tpu.memref_slice %arg4[%add3A_231, %dma_start3A_234] : memref<163840x32xbf16, #tpu.memory_space<hbm>> -> memref<1280x32xbf16, #tpu.memory_space<hbm>>
        tpu.enqueue_dma source(%arg6 : memref<1280x32xbf16, #tpu.memory_space<vmem>>) target(%dma_start3A_235 : memref<1280x32xbf16, #tpu.memory_space<hbm>>) target_semaphore(%run_scoped3A : memref<!tpu.dma_semaphore, #tpu.memory_space<semaphore_mem>>)
        %dma_wait3A_236 = arith.constant 0 : i32
        %dma_wait3A_237 = tpu.memref_slice %arg4[%add3A_231, %dma_wait3A_236] : memref<163840x32xbf16, #tpu.memory_space<hbm>> -> memref<1280x32xbf16, #tpu.memory_space<hbm>>
        %dma_wait3A_238 = arith.constant 0 : i32
        %dma_wait3A_239 = tpu.memref_slice %arg4[%add3A_231, %dma_wait3A_238] : memref<163840x32xbf16, #tpu.memory_space<hbm>> -> memref<1280x32xbf16, #tpu.memory_space<hbm>>
        tpu.wait_dma2 semaphore(%run_scoped3A : memref<!tpu.dma_semaphore, #tpu.memory_space<semaphore_mem>>) src(%arg6 : memref<1280x32xbf16, #tpu.memory_space<vmem>>) dst(%dma_wait3A_239 : memref<1280x32xbf16, #tpu.memory_space<hbm>>)
        tpu.yield
      }) : () -> ()
    }
    %scan3A_5 = arith.constant 4 : i32
    return
  }
}

#map = affine_map<(d0, d1) -> (0, 0)>
#map1 = affine_map<(d0, d1) -> (0, 0, 0)>
module attributes {stable_mosaic.version = 14 : i64} {
  func.func @k(%arg0: i32, %arg1: i32, %arg2: memref<163840x32xf32, #tpu.memory_space<hbm>>, %arg3: memref<32x40x128xi32, #tpu.memory_space<hbm>>, %arg4: memref<10240x32xf32, #tpu.memory_space<hbm>>, %arg5: memref<10240x8xf32, #tpu.memory_space<hbm>>, %arg6: memref<128x8xf32, #tpu.memory_space<hbm>>, %arg7: memref<2x10240x32xf32, #tpu.memory_space<hbm>>, %arg8: memref<2x10240x8xf32, #tpu.memory_space<hbm>>, %arg9: memref<40x128xi32, #tpu.memory_space<vmem>>, %arg10: memref<1280x32xf32, #tpu.memory_space<vmem>>, %arg11: memref<128x8xf32, #tpu.memory_space<vmem>>, %arg12: memref<10240x32xf32, #tpu.memory_space<vmem_shared>>, %arg13: memref<10240x8xf32, #tpu.memory_space<vmem_shared>>, %arg14: memref<!tpu.dma_semaphore, #tpu.memory_space<semaphore_mem>>) attributes {dimension_semantics = [#tpu.dimension_semantics<core_parallel>, #tpu.dimension_semantics<subcore_parallel>], iteration_bounds = array<i64: 2, 16>, scalar_prefetch = 0 : i64, scratch_operands = 6 : i64, tpu.core_type = #tpu.core_type<sc_vector_subcore>, window_params = [{transform_indices = #map}, {transform_indices = #map1}, {transform_indices = #map}, {transform_indices = #map}, {transform_indices = #map}, {transform_indices = #map1}, {transform_indices = #map1}]} {
    %mul3A = arith.constant 2 : i32
    %mul3A_0 = arith.muli %arg1, %mul3A : i32
    %add3A = arith.addi %mul3A_0, %arg0 : i32
    %mul3A_1 = arith.constant 640 : i32
    %mul3A_2 = arith.muli %arg1, %mul3A_1 : i32
    %mul3A_3 = arith.constant 640 : i32
    %mul3A_4 = arith.muli %arg1, %mul3A_3 : i32
    "tpu.region"() ({
      %run_scoped3A = tpu.sem_alloc : memref<!tpu.dma_semaphore, #tpu.memory_space<semaphore_mem>>
      %dma_start3A = arith.constant 0 : i32
      %dma_start3A_23 = tpu.memref_slice %arg12[%mul3A_4, %dma_start3A] : memref<10240x32xf32, #tpu.memory_space<vmem_shared>> -> memref<640x32xf32, #tpu.memory_space<vmem_shared>>
      %dma_start3A_24 = arith.constant 0 : i32
      %dma_start3A_25 = tpu.memref_slice %arg4[%mul3A_2, %dma_start3A_24] : memref<10240x32xf32, #tpu.memory_space<hbm>> -> memref<640x32xf32, #tpu.memory_space<hbm>>
      tpu.enqueue_dma source(%dma_start3A_25 : memref<640x32xf32, #tpu.memory_space<hbm>>) target(%dma_start3A_23 : memref<640x32xf32, #tpu.memory_space<vmem_shared>>) target_semaphore(%run_scoped3A : memref<!tpu.dma_semaphore, #tpu.memory_space<semaphore_mem>>)
      %dma_wait3A = arith.constant 0 : i32
      %dma_wait3A_26 = tpu.memref_slice %arg12[%mul3A_4, %dma_wait3A] : memref<10240x32xf32, #tpu.memory_space<vmem_shared>> -> memref<640x32xf32, #tpu.memory_space<vmem_shared>>
      %dma_wait3A_27 = arith.constant 0 : i32
      %dma_wait3A_28 = tpu.memref_slice %arg4[%mul3A_2, %dma_wait3A_27] : memref<10240x32xf32, #tpu.memory_space<hbm>> -> memref<640x32xf32, #tpu.memory_space<hbm>>
      tpu.wait_dma2 semaphore(%run_scoped3A : memref<!tpu.dma_semaphore, #tpu.memory_space<semaphore_mem>>) src(%dma_wait3A_28 : memref<640x32xf32, #tpu.memory_space<hbm>>) dst(%dma_wait3A_26 : memref<640x32xf32, #tpu.memory_space<vmem_shared>>)
      tpu.yield
    }) : () -> ()
    %mul3A_5 = arith.constant 640 : i32
    %mul3A_6 = arith.muli %arg1, %mul3A_5 : i32
    %mul3A_7 = arith.constant 640 : i32
    %mul3A_8 = arith.muli %arg1, %mul3A_7 : i32
    "tpu.region"() ({
      %run_scoped3A = tpu.sem_alloc : memref<!tpu.dma_semaphore, #tpu.memory_space<semaphore_mem>>
      %dma_start3A = arith.constant 0 : i32
      %dma_start3A_23 = tpu.memref_slice %arg13[%mul3A_8, %dma_start3A] : memref<10240x8xf32, #tpu.memory_space<vmem_shared>> -> memref<640x8xf32, #tpu.memory_space<vmem_shared>>
      %dma_start3A_24 = arith.constant 0 : i32
      %dma_start3A_25 = tpu.memref_slice %arg5[%mul3A_6, %dma_start3A_24] : memref<10240x8xf32, #tpu.memory_space<hbm>> -> memref<640x8xf32, #tpu.memory_space<hbm>>
      tpu.enqueue_dma source(%dma_start3A_25 : memref<640x8xf32, #tpu.memory_space<hbm>>) target(%dma_start3A_23 : memref<640x8xf32, #tpu.memory_space<vmem_shared>>) target_semaphore(%run_scoped3A : memref<!tpu.dma_semaphore, #tpu.memory_space<semaphore_mem>>)
      %dma_wait3A = arith.constant 0 : i32
      %dma_wait3A_26 = tpu.memref_slice %arg13[%mul3A_8, %dma_wait3A] : memref<10240x8xf32, #tpu.memory_space<vmem_shared>> -> memref<640x8xf32, #tpu.memory_space<vmem_shared>>
      %dma_wait3A_27 = arith.constant 0 : i32
      %dma_wait3A_28 = tpu.memref_slice %arg5[%mul3A_6, %dma_wait3A_27] : memref<10240x8xf32, #tpu.memory_space<hbm>> -> memref<640x8xf32, #tpu.memory_space<hbm>>
      tpu.wait_dma2 semaphore(%run_scoped3A : memref<!tpu.dma_semaphore, #tpu.memory_space<semaphore_mem>>) src(%dma_wait3A_28 : memref<640x8xf32, #tpu.memory_space<hbm>>) dst(%dma_wait3A_26 : memref<640x8xf32, #tpu.memory_space<vmem_shared>>)
      tpu.yield
    }) : () -> ()
    "tpu.region"() ({
      %run_scoped3A = tpu.sem_alloc : memref<!tpu.dma_semaphore, #tpu.memory_space<semaphore_mem>>
      tpu.enqueue_dma source(%arg6 : memref<128x8xf32, #tpu.memory_space<hbm>>) target(%arg11 : memref<128x8xf32, #tpu.memory_space<vmem>>) target_semaphore(%run_scoped3A : memref<!tpu.dma_semaphore, #tpu.memory_space<semaphore_mem>>)
      tpu.wait_dma2 semaphore(%run_scoped3A : memref<!tpu.dma_semaphore, #tpu.memory_space<semaphore_mem>>) src(%arg6 : memref<128x8xf32, #tpu.memory_space<hbm>>) dst(%arg11 : memref<128x8xf32, #tpu.memory_space<vmem>>)
      tpu.yield
    }) : () -> ()
    "tpu.region"() ({
      %run_scoped3A = tpu.sem_alloc : memref<!tpu.dma_semaphore, #tpu.memory_space<semaphore_mem>>
      %dma_start3A = arith.constant 0 : i32
      %dma_start3A_23 = arith.constant 0 : i32
      %dma_start3A_24 = tpu.memref_slice %arg3[%add3A, %dma_start3A, %dma_start3A_23] : memref<32x40x128xi32, #tpu.memory_space<hbm>> -> memref<1x40x128xi32, #tpu.memory_space<hbm>>
      %dma_start3A_25 = tpu.memref_squeeze %dma_start3A_24 : memref<1x40x128xi32, #tpu.memory_space<hbm>> -> memref<40x128xi32, #tpu.memory_space<hbm>>
      %dma_start3A_26 = arith.constant 0 : i32
      %dma_start3A_27 = arith.constant 0 : i32
      %dma_start3A_28 = tpu.memref_slice %arg3[%add3A, %dma_start3A_26, %dma_start3A_27] : memref<32x40x128xi32, #tpu.memory_space<hbm>> -> memref<1x40x128xi32, #tpu.memory_space<hbm>>
      %dma_start3A_29 = tpu.memref_squeeze %dma_start3A_28 : memref<1x40x128xi32, #tpu.memory_space<hbm>> -> memref<40x128xi32, #tpu.memory_space<hbm>>
      tpu.enqueue_dma source(%dma_start3A_29 : memref<40x128xi32, #tpu.memory_space<hbm>>) target(%arg9 : memref<40x128xi32, #tpu.memory_space<vmem>>) target_semaphore(%run_scoped3A : memref<!tpu.dma_semaphore, #tpu.memory_space<semaphore_mem>>)
      %dma_wait3A = arith.constant 0 : i32
      %dma_wait3A_30 = arith.constant 0 : i32
      %dma_wait3A_31 = tpu.memref_slice %arg3[%add3A, %dma_wait3A, %dma_wait3A_30] : memref<32x40x128xi32, #tpu.memory_space<hbm>> -> memref<1x40x128xi32, #tpu.memory_space<hbm>>
      %dma_wait3A_32 = tpu.memref_squeeze %dma_wait3A_31 : memref<1x40x128xi32, #tpu.memory_space<hbm>> -> memref<40x128xi32, #tpu.memory_space<hbm>>
      %dma_wait3A_33 = arith.constant 0 : i32
      %dma_wait3A_34 = arith.constant 0 : i32
      %dma_wait3A_35 = tpu.memref_slice %arg3[%add3A, %dma_wait3A_33, %dma_wait3A_34] : memref<32x40x128xi32, #tpu.memory_space<hbm>> -> memref<1x40x128xi32, #tpu.memory_space<hbm>>
      %dma_wait3A_36 = tpu.memref_squeeze %dma_wait3A_35 : memref<1x40x128xi32, #tpu.memory_space<hbm>> -> memref<40x128xi32, #tpu.memory_space<hbm>>
      tpu.wait_dma2 semaphore(%run_scoped3A : memref<!tpu.dma_semaphore, #tpu.memory_space<semaphore_mem>>) src(%dma_wait3A_36 : memref<40x128xi32, #tpu.memory_space<hbm>>) dst(%arg9 : memref<40x128xi32, #tpu.memory_space<vmem>>)
      tpu.yield
    }) : () -> ()
    %barrier3A = arith.constant 0 : index
    tpu.barrier barrier_id(%barrier3A)
    %scan3A = arith.constant 0 : i32
    %scan3A_9 = arith.constant 0 : i32
    %scan3A_10 = arith.constant 4 : i32
    %scan3A_11 = arith.addi %scan3A_9, %scan3A_10 : i32
    %scan3A_12 = arith.constant 1 : i32
    scf.for %scan3A_23 = %scan3A_9 to %scan3A_11 step %scan3A_12  : i32 {
      %mul3A_24 = arith.constant 5120 : i32
      %mul3A_25 = arith.muli %add3A, %mul3A_24 : i32
      %mul3A_26 = arith.constant 10 : i32
      %mul3A_27 = arith.muli %scan3A_23, %mul3A_26 : i32
      %mul3A_28 = arith.constant 128 : i32
      %mul3A_29 = arith.muli %mul3A_27, %mul3A_28 : i32
      %add3A_30 = arith.addi %mul3A_25, %mul3A_29 : i32
      "tpu.region"() ({
        %run_scoped3A = tpu.sem_alloc : memref<!tpu.dma_semaphore, #tpu.memory_space<semaphore_mem>>
        %dma_start3A_369 = arith.constant 0 : i32
        %dma_start3A_370 = tpu.memref_slice %arg2[%add3A_30, %dma_start3A_369] : memref<163840x32xf32, #tpu.memory_space<hbm>> -> memref<1280x32xf32, #tpu.memory_space<hbm>>
        %dma_start3A_371 = arith.constant 0 : i32
        %dma_start3A_372 = tpu.memref_slice %arg2[%add3A_30, %dma_start3A_371] : memref<163840x32xf32, #tpu.memory_space<hbm>> -> memref<1280x32xf32, #tpu.memory_space<hbm>>
        tpu.enqueue_dma source(%dma_start3A_372 : memref<1280x32xf32, #tpu.memory_space<hbm>>) target(%arg10 : memref<1280x32xf32, #tpu.memory_space<vmem>>) target_semaphore(%run_scoped3A : memref<!tpu.dma_semaphore, #tpu.memory_space<semaphore_mem>>)
        %dma_wait3A_373 = arith.constant 0 : i32
        %dma_wait3A_374 = tpu.memref_slice %arg2[%add3A_30, %dma_wait3A_373] : memref<163840x32xf32, #tpu.memory_space<hbm>> -> memref<1280x32xf32, #tpu.memory_space<hbm>>
        %dma_wait3A_375 = arith.constant 0 : i32
        %dma_wait3A_376 = tpu.memref_slice %arg2[%add3A_30, %dma_wait3A_375] : memref<163840x32xf32, #tpu.memory_space<hbm>> -> memref<1280x32xf32, #tpu.memory_space<hbm>>
        tpu.wait_dma2 semaphore(%run_scoped3A : memref<!tpu.dma_semaphore, #tpu.memory_space<semaphore_mem>>) src(%dma_wait3A_376 : memref<1280x32xf32, #tpu.memory_space<hbm>>) dst(%arg10 : memref<1280x32xf32, #tpu.memory_space<vmem>>)
        tpu.yield
      }) : () -> ()
      %mul3A_31 = arith.constant 10 : i32
      %mul3A_32 = arith.muli %scan3A_23, %mul3A_31 : i32
      %add3A_33 = arith.constant 0 : i32
      %add3A_34 = arith.addi %mul3A_32, %add3A_33 : i32
      %dma_start3A = arith.constant 0 : i32
      %dma_start3A_35 = arith.constant 0 : i32
      %dma_start3A_36 = tpu.memref_slice %arg10[%dma_start3A, %dma_start3A_35] : memref<1280x32xf32, #tpu.memory_space<vmem>> -> memref<128x32xf32, #tpu.memory_space<vmem>>
      %dma_start3A_37 = arith.constant 0 : i32
      %dma_start3A_38 = tpu.memref_slice %arg9[%add3A_34, %dma_start3A_37] : memref<40x128xi32, #tpu.memory_space<vmem>> -> memref<1x128xi32, #tpu.memory_space<vmem>>
      %dma_start3A_39 = tpu.memref_squeeze %dma_start3A_38 : memref<1x128xi32, #tpu.memory_space<vmem>> -> memref<128xi32, #tpu.memory_space<vmem>>
      %dma_start3A_40 = arith.constant 0 : i32
      %dma_start3A_41 = arith.constant 0 : i32
      %dma_start3A_42 = tpu.memref_slice %arg12[%dma_start3A_40, %dma_start3A_41] : memref<10240x32xf32, #tpu.memory_space<vmem_shared>> -> memref<10240x32xf32, #tpu.memory_space<vmem_shared>>
      tpu.enqueue_indirect_dma source(%dma_start3A_36 : memref<128x32xf32, #tpu.memory_space<vmem>>) target(%dma_start3A_42 : memref<10240x32xf32, #tpu.memory_space<vmem_shared>>) offsets(%dma_start3A_39 : memref<128xi32, #tpu.memory_space<vmem>>) semaphore(%arg14 : memref<!tpu.dma_semaphore, #tpu.memory_space<semaphore_mem>>) {add = true}
      %dma_start3A_43 = arith.constant 0 : i32
      %dma_start3A_44 = tpu.memref_slice %arg9[%add3A_34, %dma_start3A_43] : memref<40x128xi32, #tpu.memory_space<vmem>> -> memref<1x128xi32, #tpu.memory_space<vmem>>
      %dma_start3A_45 = tpu.memref_squeeze %dma_start3A_44 : memref<1x128xi32, #tpu.memory_space<vmem>> -> memref<128xi32, #tpu.memory_space<vmem>>
      %dma_start3A_46 = arith.constant 0 : i32
      %dma_start3A_47 = arith.constant 0 : i32
      %dma_start3A_48 = tpu.memref_slice %arg13[%dma_start3A_46, %dma_start3A_47] : memref<10240x8xf32, #tpu.memory_space<vmem_shared>> -> memref<10240x8xf32, #tpu.memory_space<vmem_shared>>
      tpu.enqueue_indirect_dma source(%arg11 : memref<128x8xf32, #tpu.memory_space<vmem>>) target(%dma_start3A_48 : memref<10240x8xf32, #tpu.memory_space<vmem_shared>>) offsets(%dma_start3A_45 : memref<128xi32, #tpu.memory_space<vmem>>) semaphore(%arg14 : memref<!tpu.dma_semaphore, #tpu.memory_space<semaphore_mem>>) {add = true}
      %mul3A_49 = arith.constant 10 : i32
      %mul3A_50 = arith.muli %scan3A_23, %mul3A_49 : i32
      %add3A_51 = arith.constant 1 : i32
      %add3A_52 = arith.addi %mul3A_50, %add3A_51 : i32
      %dma_start3A_53 = arith.constant 128 : i32
      %dma_start3A_54 = arith.constant 0 : i32
      %dma_start3A_55 = tpu.memref_slice %arg10[%dma_start3A_53, %dma_start3A_54] : memref<1280x32xf32, #tpu.memory_space<vmem>> -> memref<128x32xf32, #tpu.memory_space<vmem>>
      %dma_start3A_56 = arith.constant 0 : i32
      %dma_start3A_57 = tpu.memref_slice %arg9[%add3A_52, %dma_start3A_56] : memref<40x128xi32, #tpu.memory_space<vmem>> -> memref<1x128xi32, #tpu.memory_space<vmem>>
      %dma_start3A_58 = tpu.memref_squeeze %dma_start3A_57 : memref<1x128xi32, #tpu.memory_space<vmem>> -> memref<128xi32, #tpu.memory_space<vmem>>
      %dma_start3A_59 = arith.constant 0 : i32
      %dma_start3A_60 = arith.constant 0 : i32
      %dma_start3A_61 = tpu.memref_slice %arg12[%dma_start3A_59, %dma_start3A_60] : memref<10240x32xf32, #tpu.memory_space<vmem_shared>> -> memref<10240x32xf32, #tpu.memory_space<vmem_shared>>
      tpu.enqueue_indirect_dma source(%dma_start3A_55 : memref<128x32xf32, #tpu.memory_space<vmem>>) target(%dma_start3A_61 : memref<10240x32xf32, #tpu.memory_space<vmem_shared>>) offsets(%dma_start3A_58 : memref<128xi32, #tpu.memory_space<vmem>>) semaphore(%arg14 : memref<!tpu.dma_semaphore, #tpu.memory_space<semaphore_mem>>) {add = true}
      %dma_start3A_62 = arith.constant 0 : i32
      %dma_start3A_63 = tpu.memref_slice %arg9[%add3A_52, %dma_start3A_62] : memref<40x128xi32, #tpu.memory_space<vmem>> -> memref<1x128xi32, #tpu.memory_space<vmem>>
      %dma_start3A_64 = tpu.memref_squeeze %dma_start3A_63 : memref<1x128xi32, #tpu.memory_space<vmem>> -> memref<128xi32, #tpu.memory_space<vmem>>
      %dma_start3A_65 = arith.constant 0 : i32
      %dma_start3A_66 = arith.constant 0 : i32
      %dma_start3A_67 = tpu.memref_slice %arg13[%dma_start3A_65, %dma_start3A_66] : memref<10240x8xf32, #tpu.memory_space<vmem_shared>> -> memref<10240x8xf32, #tpu.memory_space<vmem_shared>>
      tpu.enqueue_indirect_dma source(%arg11 : memref<128x8xf32, #tpu.memory_space<vmem>>) target(%dma_start3A_67 : memref<10240x8xf32, #tpu.memory_space<vmem_shared>>) offsets(%dma_start3A_64 : memref<128xi32, #tpu.memory_space<vmem>>) semaphore(%arg14 : memref<!tpu.dma_semaphore, #tpu.memory_space<semaphore_mem>>) {add = true}
      %mul3A_68 = arith.constant 10 : i32
      %mul3A_69 = arith.muli %scan3A_23, %mul3A_68 : i32
      %add3A_70 = arith.constant 2 : i32
      %add3A_71 = arith.addi %mul3A_69, %add3A_70 : i32
      %dma_start3A_72 = arith.constant 256 : i32
      %dma_start3A_73 = arith.constant 0 : i32
      %dma_start3A_74 = tpu.memref_slice %arg10[%dma_start3A_72, %dma_start3A_73] : memref<1280x32xf32, #tpu.memory_space<vmem>> -> memref<128x32xf32, #tpu.memory_space<vmem>>
      %dma_start3A_75 = arith.constant 0 : i32
      %dma_start3A_76 = tpu.memref_slice %arg9[%add3A_71, %dma_start3A_75] : memref<40x128xi32, #tpu.memory_space<vmem>> -> memref<1x128xi32, #tpu.memory_space<vmem>>
      %dma_start3A_77 = tpu.memref_squeeze %dma_start3A_76 : memref<1x128xi32, #tpu.memory_space<vmem>> -> memref<128xi32, #tpu.memory_space<vmem>>
      %dma_start3A_78 = arith.constant 0 : i32
      %dma_start3A_79 = arith.constant 0 : i32
      %dma_start3A_80 = tpu.memref_slice %arg12[%dma_start3A_78, %dma_start3A_79] : memref<10240x32xf32, #tpu.memory_space<vmem_shared>> -> memref<10240x32xf32, #tpu.memory_space<vmem_shared>>
      tpu.enqueue_indirect_dma source(%dma_start3A_74 : memref<128x32xf32, #tpu.memory_space<vmem>>) target(%dma_start3A_80 : memref<10240x32xf32, #tpu.memory_space<vmem_shared>>) offsets(%dma_start3A_77 : memref<128xi32, #tpu.memory_space<vmem>>) semaphore(%arg14 : memref<!tpu.dma_semaphore, #tpu.memory_space<semaphore_mem>>) {add = true}
      %dma_start3A_81 = arith.constant 0 : i32
      %dma_start3A_82 = tpu.memref_slice %arg9[%add3A_71, %dma_start3A_81] : memref<40x128xi32, #tpu.memory_space<vmem>> -> memref<1x128xi32, #tpu.memory_space<vmem>>
      %dma_start3A_83 = tpu.memref_squeeze %dma_start3A_82 : memref<1x128xi32, #tpu.memory_space<vmem>> -> memref<128xi32, #tpu.memory_space<vmem>>
      %dma_start3A_84 = arith.constant 0 : i32
      %dma_start3A_85 = arith.constant 0 : i32
      %dma_start3A_86 = tpu.memref_slice %arg13[%dma_start3A_84, %dma_start3A_85] : memref<10240x8xf32, #tpu.memory_space<vmem_shared>> -> memref<10240x8xf32, #tpu.memory_space<vmem_shared>>
      tpu.enqueue_indirect_dma source(%arg11 : memref<128x8xf32, #tpu.memory_space<vmem>>) target(%dma_start3A_86 : memref<10240x8xf32, #tpu.memory_space<vmem_shared>>) offsets(%dma_start3A_83 : memref<128xi32, #tpu.memory_space<vmem>>) semaphore(%arg14 : memref<!tpu.dma_semaphore, #tpu.memory_space<semaphore_mem>>) {add = true}
      %mul3A_87 = arith.constant 10 : i32
      %mul3A_88 = arith.muli %scan3A_23, %mul3A_87 : i32
      %add3A_89 = arith.constant 3 : i32
      %add3A_90 = arith.addi %mul3A_88, %add3A_89 : i32
      %dma_start3A_91 = arith.constant 384 : i32
      %dma_start3A_92 = arith.constant 0 : i32
      %dma_start3A_93 = tpu.memref_slice %arg10[%dma_start3A_91, %dma_start3A_92] : memref<1280x32xf32, #tpu.memory_space<vmem>> -> memref<128x32xf32, #tpu.memory_space<vmem>>
      %dma_start3A_94 = arith.constant 0 : i32
      %dma_start3A_95 = tpu.memref_slice %arg9[%add3A_90, %dma_start3A_94] : memref<40x128xi32, #tpu.memory_space<vmem>> -> memref<1x128xi32, #tpu.memory_space<vmem>>
      %dma_start3A_96 = tpu.memref_squeeze %dma_start3A_95 : memref<1x128xi32, #tpu.memory_space<vmem>> -> memref<128xi32, #tpu.memory_space<vmem>>
      %dma_start3A_97 = arith.constant 0 : i32
      %dma_start3A_98 = arith.constant 0 : i32
      %dma_start3A_99 = tpu.memref_slice %arg12[%dma_start3A_97, %dma_start3A_98] : memref<10240x32xf32, #tpu.memory_space<vmem_shared>> -> memref<10240x32xf32, #tpu.memory_space<vmem_shared>>
      tpu.enqueue_indirect_dma source(%dma_start3A_93 : memref<128x32xf32, #tpu.memory_space<vmem>>) target(%dma_start3A_99 : memref<10240x32xf32, #tpu.memory_space<vmem_shared>>) offsets(%dma_start3A_96 : memref<128xi32, #tpu.memory_space<vmem>>) semaphore(%arg14 : memref<!tpu.dma_semaphore, #tpu.memory_space<semaphore_mem>>) {add = true}
      %dma_start3A_100 = arith.constant 0 : i32
      %dma_start3A_101 = tpu.memref_slice %arg9[%add3A_90, %dma_start3A_100] : memref<40x128xi32, #tpu.memory_space<vmem>> -> memref<1x128xi32, #tpu.memory_space<vmem>>
      %dma_start3A_102 = tpu.memref_squeeze %dma_start3A_101 : memref<1x128xi32, #tpu.memory_space<vmem>> -> memref<128xi32, #tpu.memory_space<vmem>>
      %dma_start3A_103 = arith.constant 0 : i32
      %dma_start3A_104 = arith.constant 0 : i32
      %dma_start3A_105 = tpu.memref_slice %arg13[%dma_start3A_103, %dma_start3A_104] : memref<10240x8xf32, #tpu.memory_space<vmem_shared>> -> memref<10240x8xf32, #tpu.memory_space<vmem_shared>>
      tpu.enqueue_indirect_dma source(%arg11 : memref<128x8xf32, #tpu.memory_space<vmem>>) target(%dma_start3A_105 : memref<10240x8xf32, #tpu.memory_space<vmem_shared>>) offsets(%dma_start3A_102 : memref<128xi32, #tpu.memory_space<vmem>>) semaphore(%arg14 : memref<!tpu.dma_semaphore, #tpu.memory_space<semaphore_mem>>) {add = true}
      %mul3A_106 = arith.constant 10 : i32
      %mul3A_107 = arith.muli %scan3A_23, %mul3A_106 : i32
      %add3A_108 = arith.constant 4 : i32
      %add3A_109 = arith.addi %mul3A_107, %add3A_108 : i32
      %dma_start3A_110 = arith.constant 512 : i32
      %dma_start3A_111 = arith.constant 0 : i32
      %dma_start3A_112 = tpu.memref_slice %arg10[%dma_start3A_110, %dma_start3A_111] : memref<1280x32xf32, #tpu.memory_space<vmem>> -> memref<128x32xf32, #tpu.memory_space<vmem>>
      %dma_start3A_113 = arith.constant 0 : i32
      %dma_start3A_114 = tpu.memref_slice %arg9[%add3A_109, %dma_start3A_113] : memref<40x128xi32, #tpu.memory_space<vmem>> -> memref<1x128xi32, #tpu.memory_space<vmem>>
      %dma_start3A_115 = tpu.memref_squeeze %dma_start3A_114 : memref<1x128xi32, #tpu.memory_space<vmem>> -> memref<128xi32, #tpu.memory_space<vmem>>
      %dma_start3A_116 = arith.constant 0 : i32
      %dma_start3A_117 = arith.constant 0 : i32
      %dma_start3A_118 = tpu.memref_slice %arg12[%dma_start3A_116, %dma_start3A_117] : memref<10240x32xf32, #tpu.memory_space<vmem_shared>> -> memref<10240x32xf32, #tpu.memory_space<vmem_shared>>
      tpu.enqueue_indirect_dma source(%dma_start3A_112 : memref<128x32xf32, #tpu.memory_space<vmem>>) target(%dma_start3A_118 : memref<10240x32xf32, #tpu.memory_space<vmem_shared>>) offsets(%dma_start3A_115 : memref<128xi32, #tpu.memory_space<vmem>>) semaphore(%arg14 : memref<!tpu.dma_semaphore, #tpu.memory_space<semaphore_mem>>) {add = true}
      %dma_start3A_119 = arith.constant 0 : i32
      %dma_start3A_120 = tpu.memref_slice %arg9[%add3A_109, %dma_start3A_119] : memref<40x128xi32, #tpu.memory_space<vmem>> -> memref<1x128xi32, #tpu.memory_space<vmem>>
      %dma_start3A_121 = tpu.memref_squeeze %dma_start3A_120 : memref<1x128xi32, #tpu.memory_space<vmem>> -> memref<128xi32, #tpu.memory_space<vmem>>
      %dma_start3A_122 = arith.constant 0 : i32
      %dma_start3A_123 = arith.constant 0 : i32
      %dma_start3A_124 = tpu.memref_slice %arg13[%dma_start3A_122, %dma_start3A_123] : memref<10240x8xf32, #tpu.memory_space<vmem_shared>> -> memref<10240x8xf32, #tpu.memory_space<vmem_shared>>
      tpu.enqueue_indirect_dma source(%arg11 : memref<128x8xf32, #tpu.memory_space<vmem>>) target(%dma_start3A_124 : memref<10240x8xf32, #tpu.memory_space<vmem_shared>>) offsets(%dma_start3A_121 : memref<128xi32, #tpu.memory_space<vmem>>) semaphore(%arg14 : memref<!tpu.dma_semaphore, #tpu.memory_space<semaphore_mem>>) {add = true}
      %mul3A_125 = arith.constant 10 : i32
      %mul3A_126 = arith.muli %scan3A_23, %mul3A_125 : i32
      %add3A_127 = arith.constant 5 : i32
      %add3A_128 = arith.addi %mul3A_126, %add3A_127 : i32
      %dma_start3A_129 = arith.constant 640 : i32
      %dma_start3A_130 = arith.constant 0 : i32
      %dma_start3A_131 = tpu.memref_slice %arg10[%dma_start3A_129, %dma_start3A_130] : memref<1280x32xf32, #tpu.memory_space<vmem>> -> memref<128x32xf32, #tpu.memory_space<vmem>>
      %dma_start3A_132 = arith.constant 0 : i32
      %dma_start3A_133 = tpu.memref_slice %arg9[%add3A_128, %dma_start3A_132] : memref<40x128xi32, #tpu.memory_space<vmem>> -> memref<1x128xi32, #tpu.memory_space<vmem>>
      %dma_start3A_134 = tpu.memref_squeeze %dma_start3A_133 : memref<1x128xi32, #tpu.memory_space<vmem>> -> memref<128xi32, #tpu.memory_space<vmem>>
      %dma_start3A_135 = arith.constant 0 : i32
      %dma_start3A_136 = arith.constant 0 : i32
      %dma_start3A_137 = tpu.memref_slice %arg12[%dma_start3A_135, %dma_start3A_136] : memref<10240x32xf32, #tpu.memory_space<vmem_shared>> -> memref<10240x32xf32, #tpu.memory_space<vmem_shared>>
      tpu.enqueue_indirect_dma source(%dma_start3A_131 : memref<128x32xf32, #tpu.memory_space<vmem>>) target(%dma_start3A_137 : memref<10240x32xf32, #tpu.memory_space<vmem_shared>>) offsets(%dma_start3A_134 : memref<128xi32, #tpu.memory_space<vmem>>) semaphore(%arg14 : memref<!tpu.dma_semaphore, #tpu.memory_space<semaphore_mem>>) {add = true}
      %dma_start3A_138 = arith.constant 0 : i32
      %dma_start3A_139 = tpu.memref_slice %arg9[%add3A_128, %dma_start3A_138] : memref<40x128xi32, #tpu.memory_space<vmem>> -> memref<1x128xi32, #tpu.memory_space<vmem>>
      %dma_start3A_140 = tpu.memref_squeeze %dma_start3A_139 : memref<1x128xi32, #tpu.memory_space<vmem>> -> memref<128xi32, #tpu.memory_space<vmem>>
      %dma_start3A_141 = arith.constant 0 : i32
      %dma_start3A_142 = arith.constant 0 : i32
      %dma_start3A_143 = tpu.memref_slice %arg13[%dma_start3A_141, %dma_start3A_142] : memref<10240x8xf32, #tpu.memory_space<vmem_shared>> -> memref<10240x8xf32, #tpu.memory_space<vmem_shared>>
      tpu.enqueue_indirect_dma source(%arg11 : memref<128x8xf32, #tpu.memory_space<vmem>>) target(%dma_start3A_143 : memref<10240x8xf32, #tpu.memory_space<vmem_shared>>) offsets(%dma_start3A_140 : memref<128xi32, #tpu.memory_space<vmem>>) semaphore(%arg14 : memref<!tpu.dma_semaphore, #tpu.memory_space<semaphore_mem>>) {add = true}
      %mul3A_144 = arith.constant 10 : i32
      %mul3A_145 = arith.muli %scan3A_23, %mul3A_144 : i32
      %add3A_146 = arith.constant 6 : i32
      %add3A_147 = arith.addi %mul3A_145, %add3A_146 : i32
      %dma_start3A_148 = arith.constant 768 : i32
      %dma_start3A_149 = arith.constant 0 : i32
      %dma_start3A_150 = tpu.memref_slice %arg10[%dma_start3A_148, %dma_start3A_149] : memref<1280x32xf32, #tpu.memory_space<vmem>> -> memref<128x32xf32, #tpu.memory_space<vmem>>
      %dma_start3A_151 = arith.constant 0 : i32
      %dma_start3A_152 = tpu.memref_slice %arg9[%add3A_147, %dma_start3A_151] : memref<40x128xi32, #tpu.memory_space<vmem>> -> memref<1x128xi32, #tpu.memory_space<vmem>>
      %dma_start3A_153 = tpu.memref_squeeze %dma_start3A_152 : memref<1x128xi32, #tpu.memory_space<vmem>> -> memref<128xi32, #tpu.memory_space<vmem>>
      %dma_start3A_154 = arith.constant 0 : i32
      %dma_start3A_155 = arith.constant 0 : i32
      %dma_start3A_156 = tpu.memref_slice %arg12[%dma_start3A_154, %dma_start3A_155] : memref<10240x32xf32, #tpu.memory_space<vmem_shared>> -> memref<10240x32xf32, #tpu.memory_space<vmem_shared>>
      tpu.enqueue_indirect_dma source(%dma_start3A_150 : memref<128x32xf32, #tpu.memory_space<vmem>>) target(%dma_start3A_156 : memref<10240x32xf32, #tpu.memory_space<vmem_shared>>) offsets(%dma_start3A_153 : memref<128xi32, #tpu.memory_space<vmem>>) semaphore(%arg14 : memref<!tpu.dma_semaphore, #tpu.memory_space<semaphore_mem>>) {add = true}
      %dma_start3A_157 = arith.constant 0 : i32
      %dma_start3A_158 = tpu.memref_slice %arg9[%add3A_147, %dma_start3A_157] : memref<40x128xi32, #tpu.memory_space<vmem>> -> memref<1x128xi32, #tpu.memory_space<vmem>>
      %dma_start3A_159 = tpu.memref_squeeze %dma_start3A_158 : memref<1x128xi32, #tpu.memory_space<vmem>> -> memref<128xi32, #tpu.memory_space<vmem>>
      %dma_start3A_160 = arith.constant 0 : i32
      %dma_start3A_161 = arith.constant 0 : i32
      %dma_start3A_162 = tpu.memref_slice %arg13[%dma_start3A_160, %dma_start3A_161] : memref<10240x8xf32, #tpu.memory_space<vmem_shared>> -> memref<10240x8xf32, #tpu.memory_space<vmem_shared>>
      tpu.enqueue_indirect_dma source(%arg11 : memref<128x8xf32, #tpu.memory_space<vmem>>) target(%dma_start3A_162 : memref<10240x8xf32, #tpu.memory_space<vmem_shared>>) offsets(%dma_start3A_159 : memref<128xi32, #tpu.memory_space<vmem>>) semaphore(%arg14 : memref<!tpu.dma_semaphore, #tpu.memory_space<semaphore_mem>>) {add = true}
      %mul3A_163 = arith.constant 10 : i32
      %mul3A_164 = arith.muli %scan3A_23, %mul3A_163 : i32
      %add3A_165 = arith.constant 7 : i32
      %add3A_166 = arith.addi %mul3A_164, %add3A_165 : i32
      %dma_start3A_167 = arith.constant 896 : i32
      %dma_start3A_168 = arith.constant 0 : i32
      %dma_start3A_169 = tpu.memref_slice %arg10[%dma_start3A_167, %dma_start3A_168] : memref<1280x32xf32, #tpu.memory_space<vmem>> -> memref<128x32xf32, #tpu.memory_space<vmem>>
      %dma_start3A_170 = arith.constant 0 : i32
      %dma_start3A_171 = tpu.memref_slice %arg9[%add3A_166, %dma_start3A_170] : memref<40x128xi32, #tpu.memory_space<vmem>> -> memref<1x128xi32, #tpu.memory_space<vmem>>
      %dma_start3A_172 = tpu.memref_squeeze %dma_start3A_171 : memref<1x128xi32, #tpu.memory_space<vmem>> -> memref<128xi32, #tpu.memory_space<vmem>>
      %dma_start3A_173 = arith.constant 0 : i32
      %dma_start3A_174 = arith.constant 0 : i32
      %dma_start3A_175 = tpu.memref_slice %arg12[%dma_start3A_173, %dma_start3A_174] : memref<10240x32xf32, #tpu.memory_space<vmem_shared>> -> memref<10240x32xf32, #tpu.memory_space<vmem_shared>>
      tpu.enqueue_indirect_dma source(%dma_start3A_169 : memref<128x32xf32, #tpu.memory_space<vmem>>) target(%dma_start3A_175 : memref<10240x32xf32, #tpu.memory_space<vmem_shared>>) offsets(%dma_start3A_172 : memref<128xi32, #tpu.memory_space<vmem>>) semaphore(%arg14 : memref<!tpu.dma_semaphore, #tpu.memory_space<semaphore_mem>>) {add = true}
      %dma_start3A_176 = arith.constant 0 : i32
      %dma_start3A_177 = tpu.memref_slice %arg9[%add3A_166, %dma_start3A_176] : memref<40x128xi32, #tpu.memory_space<vmem>> -> memref<1x128xi32, #tpu.memory_space<vmem>>
      %dma_start3A_178 = tpu.memref_squeeze %dma_start3A_177 : memref<1x128xi32, #tpu.memory_space<vmem>> -> memref<128xi32, #tpu.memory_space<vmem>>
      %dma_start3A_179 = arith.constant 0 : i32
      %dma_start3A_180 = arith.constant 0 : i32
      %dma_start3A_181 = tpu.memref_slice %arg13[%dma_start3A_179, %dma_start3A_180] : memref<10240x8xf32, #tpu.memory_space<vmem_shared>> -> memref<10240x8xf32, #tpu.memory_space<vmem_shared>>
      tpu.enqueue_indirect_dma source(%arg11 : memref<128x8xf32, #tpu.memory_space<vmem>>) target(%dma_start3A_181 : memref<10240x8xf32, #tpu.memory_space<vmem_shared>>) offsets(%dma_start3A_178 : memref<128xi32, #tpu.memory_space<vmem>>) semaphore(%arg14 : memref<!tpu.dma_semaphore, #tpu.memory_space<semaphore_mem>>) {add = true}
      %mul3A_182 = arith.constant 10 : i32
      %mul3A_183 = arith.muli %scan3A_23, %mul3A_182 : i32
      %add3A_184 = arith.constant 8 : i32
      %add3A_185 = arith.addi %mul3A_183, %add3A_184 : i32
      %dma_start3A_186 = arith.constant 1024 : i32
      %dma_start3A_187 = arith.constant 0 : i32
      %dma_start3A_188 = tpu.memref_slice %arg10[%dma_start3A_186, %dma_start3A_187] : memref<1280x32xf32, #tpu.memory_space<vmem>> -> memref<128x32xf32, #tpu.memory_space<vmem>>
      %dma_start3A_189 = arith.constant 0 : i32
      %dma_start3A_190 = tpu.memref_slice %arg9[%add3A_185, %dma_start3A_189] : memref<40x128xi32, #tpu.memory_space<vmem>> -> memref<1x128xi32, #tpu.memory_space<vmem>>
      %dma_start3A_191 = tpu.memref_squeeze %dma_start3A_190 : memref<1x128xi32, #tpu.memory_space<vmem>> -> memref<128xi32, #tpu.memory_space<vmem>>
      %dma_start3A_192 = arith.constant 0 : i32
      %dma_start3A_193 = arith.constant 0 : i32
      %dma_start3A_194 = tpu.memref_slice %arg12[%dma_start3A_192, %dma_start3A_193] : memref<10240x32xf32, #tpu.memory_space<vmem_shared>> -> memref<10240x32xf32, #tpu.memory_space<vmem_shared>>
      tpu.enqueue_indirect_dma source(%dma_start3A_188 : memref<128x32xf32, #tpu.memory_space<vmem>>) target(%dma_start3A_194 : memref<10240x32xf32, #tpu.memory_space<vmem_shared>>) offsets(%dma_start3A_191 : memref<128xi32, #tpu.memory_space<vmem>>) semaphore(%arg14 : memref<!tpu.dma_semaphore, #tpu.memory_space<semaphore_mem>>) {add = true}
      %dma_start3A_195 = arith.constant 0 : i32
      %dma_start3A_196 = tpu.memref_slice %arg9[%add3A_185, %dma_start3A_195] : memref<40x128xi32, #tpu.memory_space<vmem>> -> memref<1x128xi32, #tpu.memory_space<vmem>>
      %dma_start3A_197 = tpu.memref_squeeze %dma_start3A_196 : memref<1x128xi32, #tpu.memory_space<vmem>> -> memref<128xi32, #tpu.memory_space<vmem>>
      %dma_start3A_198 = arith.constant 0 : i32
      %dma_start3A_199 = arith.constant 0 : i32
      %dma_start3A_200 = tpu.memref_slice %arg13[%dma_start3A_198, %dma_start3A_199] : memref<10240x8xf32, #tpu.memory_space<vmem_shared>> -> memref<10240x8xf32, #tpu.memory_space<vmem_shared>>
      tpu.enqueue_indirect_dma source(%arg11 : memref<128x8xf32, #tpu.memory_space<vmem>>) target(%dma_start3A_200 : memref<10240x8xf32, #tpu.memory_space<vmem_shared>>) offsets(%dma_start3A_197 : memref<128xi32, #tpu.memory_space<vmem>>) semaphore(%arg14 : memref<!tpu.dma_semaphore, #tpu.memory_space<semaphore_mem>>) {add = true}
      %mul3A_201 = arith.constant 10 : i32
      %mul3A_202 = arith.muli %scan3A_23, %mul3A_201 : i32
      %add3A_203 = arith.constant 9 : i32
      %add3A_204 = arith.addi %mul3A_202, %add3A_203 : i32
      %dma_start3A_205 = arith.constant 1152 : i32
      %dma_start3A_206 = arith.constant 0 : i32
      %dma_start3A_207 = tpu.memref_slice %arg10[%dma_start3A_205, %dma_start3A_206] : memref<1280x32xf32, #tpu.memory_space<vmem>> -> memref<128x32xf32, #tpu.memory_space<vmem>>
      %dma_start3A_208 = arith.constant 0 : i32
      %dma_start3A_209 = tpu.memref_slice %arg9[%add3A_204, %dma_start3A_208] : memref<40x128xi32, #tpu.memory_space<vmem>> -> memref<1x128xi32, #tpu.memory_space<vmem>>
      %dma_start3A_210 = tpu.memref_squeeze %dma_start3A_209 : memref<1x128xi32, #tpu.memory_space<vmem>> -> memref<128xi32, #tpu.memory_space<vmem>>
      %dma_start3A_211 = arith.constant 0 : i32
      %dma_start3A_212 = arith.constant 0 : i32
      %dma_start3A_213 = tpu.memref_slice %arg12[%dma_start3A_211, %dma_start3A_212] : memref<10240x32xf32, #tpu.memory_space<vmem_shared>> -> memref<10240x32xf32, #tpu.memory_space<vmem_shared>>
      tpu.enqueue_indirect_dma source(%dma_start3A_207 : memref<128x32xf32, #tpu.memory_space<vmem>>) target(%dma_start3A_213 : memref<10240x32xf32, #tpu.memory_space<vmem_shared>>) offsets(%dma_start3A_210 : memref<128xi32, #tpu.memory_space<vmem>>) semaphore(%arg14 : memref<!tpu.dma_semaphore, #tpu.memory_space<semaphore_mem>>) {add = true}
      %dma_start3A_214 = arith.constant 0 : i32
      %dma_start3A_215 = tpu.memref_slice %arg9[%add3A_204, %dma_start3A_214] : memref<40x128xi32, #tpu.memory_space<vmem>> -> memref<1x128xi32, #tpu.memory_space<vmem>>
      %dma_start3A_216 = tpu.memref_squeeze %dma_start3A_215 : memref<1x128xi32, #tpu.memory_space<vmem>> -> memref<128xi32, #tpu.memory_space<vmem>>
      %dma_start3A_217 = arith.constant 0 : i32
      %dma_start3A_218 = arith.constant 0 : i32
      %dma_start3A_219 = tpu.memref_slice %arg13[%dma_start3A_217, %dma_start3A_218] : memref<10240x8xf32, #tpu.memory_space<vmem_shared>> -> memref<10240x8xf32, #tpu.memory_space<vmem_shared>>
      tpu.enqueue_indirect_dma source(%arg11 : memref<128x8xf32, #tpu.memory_space<vmem>>) target(%dma_start3A_219 : memref<10240x8xf32, #tpu.memory_space<vmem_shared>>) offsets(%dma_start3A_216 : memref<128xi32, #tpu.memory_space<vmem>>) semaphore(%arg14 : memref<!tpu.dma_semaphore, #tpu.memory_space<semaphore_mem>>) {add = true}
      %dma_wait3A = arith.constant 0 : i32
      %dma_wait3A_220 = arith.constant 0 : i32
      %dma_wait3A_221 = tpu.memref_slice %arg10[%dma_wait3A, %dma_wait3A_220] : memref<1280x32xf32, #tpu.memory_space<vmem>> -> memref<128x32xf32, #tpu.memory_space<vmem>>
      %dma_wait3A_222 = arith.constant 0 : i32
      %dma_wait3A_223 = tpu.memref_slice %arg9[%add3A_34, %dma_wait3A_222] : memref<40x128xi32, #tpu.memory_space<vmem>> -> memref<1x128xi32, #tpu.memory_space<vmem>>
      %dma_wait3A_224 = tpu.memref_squeeze %dma_wait3A_223 : memref<1x128xi32, #tpu.memory_space<vmem>> -> memref<128xi32, #tpu.memory_space<vmem>>
      %dma_wait3A_225 = arith.constant 0 : i32
      %dma_wait3A_226 = arith.constant 0 : i32
      %dma_wait3A_227 = tpu.memref_slice %arg12[%dma_wait3A_225, %dma_wait3A_226] : memref<10240x32xf32, #tpu.memory_space<vmem_shared>> -> memref<10240x32xf32, #tpu.memory_space<vmem_shared>>
      tpu.wait_indirect_dma semaphore(%arg14 : memref<!tpu.dma_semaphore, #tpu.memory_space<semaphore_mem>>) src(%dma_wait3A_221 : memref<128x32xf32, #tpu.memory_space<vmem>>) dst(%dma_wait3A_227 : memref<10240x32xf32, #tpu.memory_space<vmem_shared>>)
      %dma_wait3A_228 = arith.constant 0 : i32
      %dma_wait3A_229 = tpu.memref_slice %arg9[%add3A_34, %dma_wait3A_228] : memref<40x128xi32, #tpu.memory_space<vmem>> -> memref<1x128xi32, #tpu.memory_space<vmem>>
      %dma_wait3A_230 = tpu.memref_squeeze %dma_wait3A_229 : memref<1x128xi32, #tpu.memory_space<vmem>> -> memref<128xi32, #tpu.memory_space<vmem>>
      %dma_wait3A_231 = arith.constant 0 : i32
      %dma_wait3A_232 = arith.constant 0 : i32
      %dma_wait3A_233 = tpu.memref_slice %arg13[%dma_wait3A_231, %dma_wait3A_232] : memref<10240x8xf32, #tpu.memory_space<vmem_shared>> -> memref<10240x8xf32, #tpu.memory_space<vmem_shared>>
      tpu.wait_indirect_dma semaphore(%arg14 : memref<!tpu.dma_semaphore, #tpu.memory_space<semaphore_mem>>) src(%arg11 : memref<128x8xf32, #tpu.memory_space<vmem>>) dst(%dma_wait3A_233 : memref<10240x8xf32, #tpu.memory_space<vmem_shared>>)
      %dma_wait3A_234 = arith.constant 128 : i32
      %dma_wait3A_235 = arith.constant 0 : i32
      %dma_wait3A_236 = tpu.memref_slice %arg10[%dma_wait3A_234, %dma_wait3A_235] : memref<1280x32xf32, #tpu.memory_space<vmem>> -> memref<128x32xf32, #tpu.memory_space<vmem>>
      %dma_wait3A_237 = arith.constant 0 : i32
      %dma_wait3A_238 = tpu.memref_slice %arg9[%add3A_52, %dma_wait3A_237] : memref<40x128xi32, #tpu.memory_space<vmem>> -> memref<1x128xi32, #tpu.memory_space<vmem>>
      %dma_wait3A_239 = tpu.memref_squeeze %dma_wait3A_238 : memref<1x128xi32, #tpu.memory_space<vmem>> -> memref<128xi32, #tpu.memory_space<vmem>>
      %dma_wait3A_240 = arith.constant 0 : i32
      %dma_wait3A_241 = arith.constant 0 : i32
      %dma_wait3A_242 = tpu.memref_slice %arg12[%dma_wait3A_240, %dma_wait3A_241] : memref<10240x32xf32, #tpu.memory_space<vmem_shared>> -> memref<10240x32xf32, #tpu.memory_space<vmem_shared>>
      tpu.wait_indirect_dma semaphore(%arg14 : memref<!tpu.dma_semaphore, #tpu.memory_space<semaphore_mem>>) src(%dma_wait3A_236 : memref<128x32xf32, #tpu.memory_space<vmem>>) dst(%dma_wait3A_242 : memref<10240x32xf32, #tpu.memory_space<vmem_shared>>)
      %dma_wait3A_243 = arith.constant 0 : i32
      %dma_wait3A_244 = tpu.memref_slice %arg9[%add3A_52, %dma_wait3A_243] : memref<40x128xi32, #tpu.memory_space<vmem>> -> memref<1x128xi32, #tpu.memory_space<vmem>>
      %dma_wait3A_245 = tpu.memref_squeeze %dma_wait3A_244 : memref<1x128xi32, #tpu.memory_space<vmem>> -> memref<128xi32, #tpu.memory_space<vmem>>
      %dma_wait3A_246 = arith.constant 0 : i32
      %dma_wait3A_247 = arith.constant 0 : i32
      %dma_wait3A_248 = tpu.memref_slice %arg13[%dma_wait3A_246, %dma_wait3A_247] : memref<10240x8xf32, #tpu.memory_space<vmem_shared>> -> memref<10240x8xf32, #tpu.memory_space<vmem_shared>>
      tpu.wait_indirect_dma semaphore(%arg14 : memref<!tpu.dma_semaphore, #tpu.memory_space<semaphore_mem>>) src(%arg11 : memref<128x8xf32, #tpu.memory_space<vmem>>) dst(%dma_wait3A_248 : memref<10240x8xf32, #tpu.memory_space<vmem_shared>>)
      %dma_wait3A_249 = arith.constant 256 : i32
      %dma_wait3A_250 = arith.constant 0 : i32
      %dma_wait3A_251 = tpu.memref_slice %arg10[%dma_wait3A_249, %dma_wait3A_250] : memref<1280x32xf32, #tpu.memory_space<vmem>> -> memref<128x32xf32, #tpu.memory_space<vmem>>
      %dma_wait3A_252 = arith.constant 0 : i32
      %dma_wait3A_253 = tpu.memref_slice %arg9[%add3A_71, %dma_wait3A_252] : memref<40x128xi32, #tpu.memory_space<vmem>> -> memref<1x128xi32, #tpu.memory_space<vmem>>
      %dma_wait3A_254 = tpu.memref_squeeze %dma_wait3A_253 : memref<1x128xi32, #tpu.memory_space<vmem>> -> memref<128xi32, #tpu.memory_space<vmem>>
      %dma_wait3A_255 = arith.constant 0 : i32
      %dma_wait3A_256 = arith.constant 0 : i32
      %dma_wait3A_257 = tpu.memref_slice %arg12[%dma_wait3A_255, %dma_wait3A_256] : memref<10240x32xf32, #tpu.memory_space<vmem_shared>> -> memref<10240x32xf32, #tpu.memory_space<vmem_shared>>
      tpu.wait_indirect_dma semaphore(%arg14 : memref<!tpu.dma_semaphore, #tpu.memory_space<semaphore_mem>>) src(%dma_wait3A_251 : memref<128x32xf32, #tpu.memory_space<vmem>>) dst(%dma_wait3A_257 : memref<10240x32xf32, #tpu.memory_space<vmem_shared>>)
      %dma_wait3A_258 = arith.constant 0 : i32
      %dma_wait3A_259 = tpu.memref_slice %arg9[%add3A_71, %dma_wait3A_258] : memref<40x128xi32, #tpu.memory_space<vmem>> -> memref<1x128xi32, #tpu.memory_space<vmem>>
      %dma_wait3A_260 = tpu.memref_squeeze %dma_wait3A_259 : memref<1x128xi32, #tpu.memory_space<vmem>> -> memref<128xi32, #tpu.memory_space<vmem>>
      %dma_wait3A_261 = arith.constant 0 : i32
      %dma_wait3A_262 = arith.constant 0 : i32
      %dma_wait3A_263 = tpu.memref_slice %arg13[%dma_wait3A_261, %dma_wait3A_262] : memref<10240x8xf32, #tpu.memory_space<vmem_shared>> -> memref<10240x8xf32, #tpu.memory_space<vmem_shared>>
      tpu.wait_indirect_dma semaphore(%arg14 : memref<!tpu.dma_semaphore, #tpu.memory_space<semaphore_mem>>) src(%arg11 : memref<128x8xf32, #tpu.memory_space<vmem>>) dst(%dma_wait3A_263 : memref<10240x8xf32, #tpu.memory_space<vmem_shared>>)
      %dma_wait3A_264 = arith.constant 384 : i32
      %dma_wait3A_265 = arith.constant 0 : i32
      %dma_wait3A_266 = tpu.memref_slice %arg10[%dma_wait3A_264, %dma_wait3A_265] : memref<1280x32xf32, #tpu.memory_space<vmem>> -> memref<128x32xf32, #tpu.memory_space<vmem>>
      %dma_wait3A_267 = arith.constant 0 : i32
      %dma_wait3A_268 = tpu.memref_slice %arg9[%add3A_90, %dma_wait3A_267] : memref<40x128xi32, #tpu.memory_space<vmem>> -> memref<1x128xi32, #tpu.memory_space<vmem>>
      %dma_wait3A_269 = tpu.memref_squeeze %dma_wait3A_268 : memref<1x128xi32, #tpu.memory_space<vmem>> -> memref<128xi32, #tpu.memory_space<vmem>>
      %dma_wait3A_270 = arith.constant 0 : i32
      %dma_wait3A_271 = arith.constant 0 : i32
      %dma_wait3A_272 = tpu.memref_slice %arg12[%dma_wait3A_270, %dma_wait3A_271] : memref<10240x32xf32, #tpu.memory_space<vmem_shared>> -> memref<10240x32xf32, #tpu.memory_space<vmem_shared>>
      tpu.wait_indirect_dma semaphore(%arg14 : memref<!tpu.dma_semaphore, #tpu.memory_space<semaphore_mem>>) src(%dma_wait3A_266 : memref<128x32xf32, #tpu.memory_space<vmem>>) dst(%dma_wait3A_272 : memref<10240x32xf32, #tpu.memory_space<vmem_shared>>)
      %dma_wait3A_273 = arith.constant 0 : i32
      %dma_wait3A_274 = tpu.memref_slice %arg9[%add3A_90, %dma_wait3A_273] : memref<40x128xi32, #tpu.memory_space<vmem>> -> memref<1x128xi32, #tpu.memory_space<vmem>>
      %dma_wait3A_275 = tpu.memref_squeeze %dma_wait3A_274 : memref<1x128xi32, #tpu.memory_space<vmem>> -> memref<128xi32, #tpu.memory_space<vmem>>
      %dma_wait3A_276 = arith.constant 0 : i32
      %dma_wait3A_277 = arith.constant 0 : i32
      %dma_wait3A_278 = tpu.memref_slice %arg13[%dma_wait3A_276, %dma_wait3A_277] : memref<10240x8xf32, #tpu.memory_space<vmem_shared>> -> memref<10240x8xf32, #tpu.memory_space<vmem_shared>>
      tpu.wait_indirect_dma semaphore(%arg14 : memref<!tpu.dma_semaphore, #tpu.memory_space<semaphore_mem>>) src(%arg11 : memref<128x8xf32, #tpu.memory_space<vmem>>) dst(%dma_wait3A_278 : memref<10240x8xf32, #tpu.memory_space<vmem_shared>>)
      %dma_wait3A_279 = arith.constant 512 : i32
      %dma_wait3A_280 = arith.constant 0 : i32
      %dma_wait3A_281 = tpu.memref_slice %arg10[%dma_wait3A_279, %dma_wait3A_280] : memref<1280x32xf32, #tpu.memory_space<vmem>> -> memref<128x32xf32, #tpu.memory_space<vmem>>
      %dma_wait3A_282 = arith.constant 0 : i32
      %dma_wait3A_283 = tpu.memref_slice %arg9[%add3A_109, %dma_wait3A_282] : memref<40x128xi32, #tpu.memory_space<vmem>> -> memref<1x128xi32, #tpu.memory_space<vmem>>
      %dma_wait3A_284 = tpu.memref_squeeze %dma_wait3A_283 : memref<1x128xi32, #tpu.memory_space<vmem>> -> memref<128xi32, #tpu.memory_space<vmem>>
      %dma_wait3A_285 = arith.constant 0 : i32
      %dma_wait3A_286 = arith.constant 0 : i32
      %dma_wait3A_287 = tpu.memref_slice %arg12[%dma_wait3A_285, %dma_wait3A_286] : memref<10240x32xf32, #tpu.memory_space<vmem_shared>> -> memref<10240x32xf32, #tpu.memory_space<vmem_shared>>
      tpu.wait_indirect_dma semaphore(%arg14 : memref<!tpu.dma_semaphore, #tpu.memory_space<semaphore_mem>>) src(%dma_wait3A_281 : memref<128x32xf32, #tpu.memory_space<vmem>>) dst(%dma_wait3A_287 : memref<10240x32xf32, #tpu.memory_space<vmem_shared>>)
      %dma_wait3A_288 = arith.constant 0 : i32
      %dma_wait3A_289 = tpu.memref_slice %arg9[%add3A_109, %dma_wait3A_288] : memref<40x128xi32, #tpu.memory_space<vmem>> -> memref<1x128xi32, #tpu.memory_space<vmem>>
      %dma_wait3A_290 = tpu.memref_squeeze %dma_wait3A_289 : memref<1x128xi32, #tpu.memory_space<vmem>> -> memref<128xi32, #tpu.memory_space<vmem>>
      %dma_wait3A_291 = arith.constant 0 : i32
      %dma_wait3A_292 = arith.constant 0 : i32
      %dma_wait3A_293 = tpu.memref_slice %arg13[%dma_wait3A_291, %dma_wait3A_292] : memref<10240x8xf32, #tpu.memory_space<vmem_shared>> -> memref<10240x8xf32, #tpu.memory_space<vmem_shared>>
      tpu.wait_indirect_dma semaphore(%arg14 : memref<!tpu.dma_semaphore, #tpu.memory_space<semaphore_mem>>) src(%arg11 : memref<128x8xf32, #tpu.memory_space<vmem>>) dst(%dma_wait3A_293 : memref<10240x8xf32, #tpu.memory_space<vmem_shared>>)
      %dma_wait3A_294 = arith.constant 640 : i32
      %dma_wait3A_295 = arith.constant 0 : i32
      %dma_wait3A_296 = tpu.memref_slice %arg10[%dma_wait3A_294, %dma_wait3A_295] : memref<1280x32xf32, #tpu.memory_space<vmem>> -> memref<128x32xf32, #tpu.memory_space<vmem>>
      %dma_wait3A_297 = arith.constant 0 : i32
      %dma_wait3A_298 = tpu.memref_slice %arg9[%add3A_128, %dma_wait3A_297] : memref<40x128xi32, #tpu.memory_space<vmem>> -> memref<1x128xi32, #tpu.memory_space<vmem>>
      %dma_wait3A_299 = tpu.memref_squeeze %dma_wait3A_298 : memref<1x128xi32, #tpu.memory_space<vmem>> -> memref<128xi32, #tpu.memory_space<vmem>>
      %dma_wait3A_300 = arith.constant 0 : i32
      %dma_wait3A_301 = arith.constant 0 : i32
      %dma_wait3A_302 = tpu.memref_slice %arg12[%dma_wait3A_300, %dma_wait3A_301] : memref<10240x32xf32, #tpu.memory_space<vmem_shared>> -> memref<10240x32xf32, #tpu.memory_space<vmem_shared>>
      tpu.wait_indirect_dma semaphore(%arg14 : memref<!tpu.dma_semaphore, #tpu.memory_space<semaphore_mem>>) src(%dma_wait3A_296 : memref<128x32xf32, #tpu.memory_space<vmem>>) dst(%dma_wait3A_302 : memref<10240x32xf32, #tpu.memory_space<vmem_shared>>)
      %dma_wait3A_303 = arith.constant 0 : i32
      %dma_wait3A_304 = tpu.memref_slice %arg9[%add3A_128, %dma_wait3A_303] : memref<40x128xi32, #tpu.memory_space<vmem>> -> memref<1x128xi32, #tpu.memory_space<vmem>>
      %dma_wait3A_305 = tpu.memref_squeeze %dma_wait3A_304 : memref<1x128xi32, #tpu.memory_space<vmem>> -> memref<128xi32, #tpu.memory_space<vmem>>
      %dma_wait3A_306 = arith.constant 0 : i32
      %dma_wait3A_307 = arith.constant 0 : i32
      %dma_wait3A_308 = tpu.memref_slice %arg13[%dma_wait3A_306, %dma_wait3A_307] : memref<10240x8xf32, #tpu.memory_space<vmem_shared>> -> memref<10240x8xf32, #tpu.memory_space<vmem_shared>>
      tpu.wait_indirect_dma semaphore(%arg14 : memref<!tpu.dma_semaphore, #tpu.memory_space<semaphore_mem>>) src(%arg11 : memref<128x8xf32, #tpu.memory_space<vmem>>) dst(%dma_wait3A_308 : memref<10240x8xf32, #tpu.memory_space<vmem_shared>>)
      %dma_wait3A_309 = arith.constant 768 : i32
      %dma_wait3A_310 = arith.constant 0 : i32
      %dma_wait3A_311 = tpu.memref_slice %arg10[%dma_wait3A_309, %dma_wait3A_310] : memref<1280x32xf32, #tpu.memory_space<vmem>> -> memref<128x32xf32, #tpu.memory_space<vmem>>
      %dma_wait3A_312 = arith.constant 0 : i32
      %dma_wait3A_313 = tpu.memref_slice %arg9[%add3A_147, %dma_wait3A_312] : memref<40x128xi32, #tpu.memory_space<vmem>> -> memref<1x128xi32, #tpu.memory_space<vmem>>
      %dma_wait3A_314 = tpu.memref_squeeze %dma_wait3A_313 : memref<1x128xi32, #tpu.memory_space<vmem>> -> memref<128xi32, #tpu.memory_space<vmem>>
      %dma_wait3A_315 = arith.constant 0 : i32
      %dma_wait3A_316 = arith.constant 0 : i32
      %dma_wait3A_317 = tpu.memref_slice %arg12[%dma_wait3A_315, %dma_wait3A_316] : memref<10240x32xf32, #tpu.memory_space<vmem_shared>> -> memref<10240x32xf32, #tpu.memory_space<vmem_shared>>
      tpu.wait_indirect_dma semaphore(%arg14 : memref<!tpu.dma_semaphore, #tpu.memory_space<semaphore_mem>>) src(%dma_wait3A_311 : memref<128x32xf32, #tpu.memory_space<vmem>>) dst(%dma_wait3A_317 : memref<10240x32xf32, #tpu.memory_space<vmem_shared>>)
      %dma_wait3A_318 = arith.constant 0 : i32
      %dma_wait3A_319 = tpu.memref_slice %arg9[%add3A_147, %dma_wait3A_318] : memref<40x128xi32, #tpu.memory_space<vmem>> -> memref<1x128xi32, #tpu.memory_space<vmem>>
      %dma_wait3A_320 = tpu.memref_squeeze %dma_wait3A_319 : memref<1x128xi32, #tpu.memory_space<vmem>> -> memref<128xi32, #tpu.memory_space<vmem>>
      %dma_wait3A_321 = arith.constant 0 : i32
      %dma_wait3A_322 = arith.constant 0 : i32
      %dma_wait3A_323 = tpu.memref_slice %arg13[%dma_wait3A_321, %dma_wait3A_322] : memref<10240x8xf32, #tpu.memory_space<vmem_shared>> -> memref<10240x8xf32, #tpu.memory_space<vmem_shared>>
      tpu.wait_indirect_dma semaphore(%arg14 : memref<!tpu.dma_semaphore, #tpu.memory_space<semaphore_mem>>) src(%arg11 : memref<128x8xf32, #tpu.memory_space<vmem>>) dst(%dma_wait3A_323 : memref<10240x8xf32, #tpu.memory_space<vmem_shared>>)
      %dma_wait3A_324 = arith.constant 896 : i32
      %dma_wait3A_325 = arith.constant 0 : i32
      %dma_wait3A_326 = tpu.memref_slice %arg10[%dma_wait3A_324, %dma_wait3A_325] : memref<1280x32xf32, #tpu.memory_space<vmem>> -> memref<128x32xf32, #tpu.memory_space<vmem>>
      %dma_wait3A_327 = arith.constant 0 : i32
      %dma_wait3A_328 = tpu.memref_slice %arg9[%add3A_166, %dma_wait3A_327] : memref<40x128xi32, #tpu.memory_space<vmem>> -> memref<1x128xi32, #tpu.memory_space<vmem>>
      %dma_wait3A_329 = tpu.memref_squeeze %dma_wait3A_328 : memref<1x128xi32, #tpu.memory_space<vmem>> -> memref<128xi32, #tpu.memory_space<vmem>>
      %dma_wait3A_330 = arith.constant 0 : i32
      %dma_wait3A_331 = arith.constant 0 : i32
      %dma_wait3A_332 = tpu.memref_slice %arg12[%dma_wait3A_330, %dma_wait3A_331] : memref<10240x32xf32, #tpu.memory_space<vmem_shared>> -> memref<10240x32xf32, #tpu.memory_space<vmem_shared>>
      tpu.wait_indirect_dma semaphore(%arg14 : memref<!tpu.dma_semaphore, #tpu.memory_space<semaphore_mem>>) src(%dma_wait3A_326 : memref<128x32xf32, #tpu.memory_space<vmem>>) dst(%dma_wait3A_332 : memref<10240x32xf32, #tpu.memory_space<vmem_shared>>)
      %dma_wait3A_333 = arith.constant 0 : i32
      %dma_wait3A_334 = tpu.memref_slice %arg9[%add3A_166, %dma_wait3A_333] : memref<40x128xi32, #tpu.memory_space<vmem>> -> memref<1x128xi32, #tpu.memory_space<vmem>>
      %dma_wait3A_335 = tpu.memref_squeeze %dma_wait3A_334 : memref<1x128xi32, #tpu.memory_space<vmem>> -> memref<128xi32, #tpu.memory_space<vmem>>
      %dma_wait3A_336 = arith.constant 0 : i32
      %dma_wait3A_337 = arith.constant 0 : i32
      %dma_wait3A_338 = tpu.memref_slice %arg13[%dma_wait3A_336, %dma_wait3A_337] : memref<10240x8xf32, #tpu.memory_space<vmem_shared>> -> memref<10240x8xf32, #tpu.memory_space<vmem_shared>>
      tpu.wait_indirect_dma semaphore(%arg14 : memref<!tpu.dma_semaphore, #tpu.memory_space<semaphore_mem>>) src(%arg11 : memref<128x8xf32, #tpu.memory_space<vmem>>) dst(%dma_wait3A_338 : memref<10240x8xf32, #tpu.memory_space<vmem_shared>>)
      %dma_wait3A_339 = arith.constant 1024 : i32
      %dma_wait3A_340 = arith.constant 0 : i32
      %dma_wait3A_341 = tpu.memref_slice %arg10[%dma_wait3A_339, %dma_wait3A_340] : memref<1280x32xf32, #tpu.memory_space<vmem>> -> memref<128x32xf32, #tpu.memory_space<vmem>>
      %dma_wait3A_342 = arith.constant 0 : i32
      %dma_wait3A_343 = tpu.memref_slice %arg9[%add3A_185, %dma_wait3A_342] : memref<40x128xi32, #tpu.memory_space<vmem>> -> memref<1x128xi32, #tpu.memory_space<vmem>>
      %dma_wait3A_344 = tpu.memref_squeeze %dma_wait3A_343 : memref<1x128xi32, #tpu.memory_space<vmem>> -> memref<128xi32, #tpu.memory_space<vmem>>
      %dma_wait3A_345 = arith.constant 0 : i32
      %dma_wait3A_346 = arith.constant 0 : i32
      %dma_wait3A_347 = tpu.memref_slice %arg12[%dma_wait3A_345, %dma_wait3A_346] : memref<10240x32xf32, #tpu.memory_space<vmem_shared>> -> memref<10240x32xf32, #tpu.memory_space<vmem_shared>>
      tpu.wait_indirect_dma semaphore(%arg14 : memref<!tpu.dma_semaphore, #tpu.memory_space<semaphore_mem>>) src(%dma_wait3A_341 : memref<128x32xf32, #tpu.memory_space<vmem>>) dst(%dma_wait3A_347 : memref<10240x32xf32, #tpu.memory_space<vmem_shared>>)
      %dma_wait3A_348 = arith.constant 0 : i32
      %dma_wait3A_349 = tpu.memref_slice %arg9[%add3A_185, %dma_wait3A_348] : memref<40x128xi32, #tpu.memory_space<vmem>> -> memref<1x128xi32, #tpu.memory_space<vmem>>
      %dma_wait3A_350 = tpu.memref_squeeze %dma_wait3A_349 : memref<1x128xi32, #tpu.memory_space<vmem>> -> memref<128xi32, #tpu.memory_space<vmem>>
      %dma_wait3A_351 = arith.constant 0 : i32
      %dma_wait3A_352 = arith.constant 0 : i32
      %dma_wait3A_353 = tpu.memref_slice %arg13[%dma_wait3A_351, %dma_wait3A_352] : memref<10240x8xf32, #tpu.memory_space<vmem_shared>> -> memref<10240x8xf32, #tpu.memory_space<vmem_shared>>
      tpu.wait_indirect_dma semaphore(%arg14 : memref<!tpu.dma_semaphore, #tpu.memory_space<semaphore_mem>>) src(%arg11 : memref<128x8xf32, #tpu.memory_space<vmem>>) dst(%dma_wait3A_353 : memref<10240x8xf32, #tpu.memory_space<vmem_shared>>)
      %dma_wait3A_354 = arith.constant 1152 : i32
      %dma_wait3A_355 = arith.constant 0 : i32
      %dma_wait3A_356 = tpu.memref_slice %arg10[%dma_wait3A_354, %dma_wait3A_355] : memref<1280x32xf32, #tpu.memory_space<vmem>> -> memref<128x32xf32, #tpu.memory_space<vmem>>
      %dma_wait3A_357 = arith.constant 0 : i32
      %dma_wait3A_358 = tpu.memref_slice %arg9[%add3A_204, %dma_wait3A_357] : memref<40x128xi32, #tpu.memory_space<vmem>> -> memref<1x128xi32, #tpu.memory_space<vmem>>
      %dma_wait3A_359 = tpu.memref_squeeze %dma_wait3A_358 : memref<1x128xi32, #tpu.memory_space<vmem>> -> memref<128xi32, #tpu.memory_space<vmem>>
      %dma_wait3A_360 = arith.constant 0 : i32
      %dma_wait3A_361 = arith.constant 0 : i32
      %dma_wait3A_362 = tpu.memref_slice %arg12[%dma_wait3A_360, %dma_wait3A_361] : memref<10240x32xf32, #tpu.memory_space<vmem_shared>> -> memref<10240x32xf32, #tpu.memory_space<vmem_shared>>
      tpu.wait_indirect_dma semaphore(%arg14 : memref<!tpu.dma_semaphore, #tpu.memory_space<semaphore_mem>>) src(%dma_wait3A_356 : memref<128x32xf32, #tpu.memory_space<vmem>>) dst(%dma_wait3A_362 : memref<10240x32xf32, #tpu.memory_space<vmem_shared>>)
      %dma_wait3A_363 = arith.constant 0 : i32
      %dma_wait3A_364 = tpu.memref_slice %arg9[%add3A_204, %dma_wait3A_363] : memref<40x128xi32, #tpu.memory_space<vmem>> -> memref<1x128xi32, #tpu.memory_space<vmem>>
      %dma_wait3A_365 = tpu.memref_squeeze %dma_wait3A_364 : memref<1x128xi32, #tpu.memory_space<vmem>> -> memref<128xi32, #tpu.memory_space<vmem>>
      %dma_wait3A_366 = arith.constant 0 : i32
      %dma_wait3A_367 = arith.constant 0 : i32
      %dma_wait3A_368 = tpu.memref_slice %arg13[%dma_wait3A_366, %dma_wait3A_367] : memref<10240x8xf32, #tpu.memory_space<vmem_shared>> -> memref<10240x8xf32, #tpu.memory_space<vmem_shared>>
      tpu.wait_indirect_dma semaphore(%arg14 : memref<!tpu.dma_semaphore, #tpu.memory_space<semaphore_mem>>) src(%arg11 : memref<128x8xf32, #tpu.memory_space<vmem>>) dst(%dma_wait3A_368 : memref<10240x8xf32, #tpu.memory_space<vmem_shared>>)
    }
    %scan3A_13 = arith.constant 4 : i32
    %barrier3A_14 = arith.constant 0 : index
    tpu.barrier barrier_id(%barrier3A_14)
    %mul3A_15 = arith.constant 640 : i32
    %mul3A_16 = arith.muli %arg1, %mul3A_15 : i32
    %mul3A_17 = arith.constant 640 : i32
    %mul3A_18 = arith.muli %arg1, %mul3A_17 : i32
    "tpu.region"() ({
      %run_scoped3A = tpu.sem_alloc : memref<!tpu.dma_semaphore, #tpu.memory_space<semaphore_mem>>
      %dma_start3A = arith.constant 0 : i32
      %dma_start3A_23 = tpu.memref_slice %arg7[%arg0, %mul3A_18, %dma_start3A] : memref<2x10240x32xf32, #tpu.memory_space<hbm>> -> memref<1x640x32xf32, #tpu.memory_space<hbm>>
      %dma_start3A_24 = tpu.memref_squeeze %dma_start3A_23 : memref<1x640x32xf32, #tpu.memory_space<hbm>> -> memref<640x32xf32, #tpu.memory_space<hbm>>
      %dma_start3A_25 = arith.constant 0 : i32
      %dma_start3A_26 = tpu.memref_slice %arg12[%mul3A_16, %dma_start3A_25] : memref<10240x32xf32, #tpu.memory_space<vmem_shared>> -> memref<640x32xf32, #tpu.memory_space<vmem_shared>>
      tpu.enqueue_dma source(%dma_start3A_26 : memref<640x32xf32, #tpu.memory_space<vmem_shared>>) target(%dma_start3A_24 : memref<640x32xf32, #tpu.memory_space<hbm>>) target_semaphore(%run_scoped3A : memref<!tpu.dma_semaphore, #tpu.memory_space<semaphore_mem>>)
      %dma_wait3A = arith.constant 0 : i32
      %dma_wait3A_27 = tpu.memref_slice %arg7[%arg0, %mul3A_18, %dma_wait3A] : memref<2x10240x32xf32, #tpu.memory_space<hbm>> -> memref<1x640x32xf32, #tpu.memory_space<hbm>>
      %dma_wait3A_28 = tpu.memref_squeeze %dma_wait3A_27 : memref<1x640x32xf32, #tpu.memory_space<hbm>> -> memref<640x32xf32, #tpu.memory_space<hbm>>
      %dma_wait3A_29 = arith.constant 0 : i32
      %dma_wait3A_30 = tpu.memref_slice %arg12[%mul3A_16, %dma_wait3A_29] : memref<10240x32xf32, #tpu.memory_space<vmem_shared>> -> memref<640x32xf32, #tpu.memory_space<vmem_shared>>
      tpu.wait_dma2 semaphore(%run_scoped3A : memref<!tpu.dma_semaphore, #tpu.memory_space<semaphore_mem>>) src(%dma_wait3A_30 : memref<640x32xf32, #tpu.memory_space<vmem_shared>>) dst(%dma_wait3A_28 : memref<640x32xf32, #tpu.memory_space<hbm>>)
      tpu.yield
    }) : () -> ()
    %mul3A_19 = arith.constant 640 : i32
    %mul3A_20 = arith.muli %arg1, %mul3A_19 : i32
    %mul3A_21 = arith.constant 640 : i32
    %mul3A_22 = arith.muli %arg1, %mul3A_21 : i32
    "tpu.region"() ({
      %run_scoped3A = tpu.sem_alloc : memref<!tpu.dma_semaphore, #tpu.memory_space<semaphore_mem>>
      %dma_start3A = arith.constant 0 : i32
      %dma_start3A_23 = tpu.memref_slice %arg8[%arg0, %mul3A_22, %dma_start3A] : memref<2x10240x8xf32, #tpu.memory_space<hbm>> -> memref<1x640x8xf32, #tpu.memory_space<hbm>>
      %dma_start3A_24 = tpu.memref_squeeze %dma_start3A_23 : memref<1x640x8xf32, #tpu.memory_space<hbm>> -> memref<640x8xf32, #tpu.memory_space<hbm>>
      %dma_start3A_25 = arith.constant 0 : i32
      %dma_start3A_26 = tpu.memref_slice %arg13[%mul3A_20, %dma_start3A_25] : memref<10240x8xf32, #tpu.memory_space<vmem_shared>> -> memref<640x8xf32, #tpu.memory_space<vmem_shared>>
      tpu.enqueue_dma source(%dma_start3A_26 : memref<640x8xf32, #tpu.memory_space<vmem_shared>>) target(%dma_start3A_24 : memref<640x8xf32, #tpu.memory_space<hbm>>) target_semaphore(%run_scoped3A : memref<!tpu.dma_semaphore, #tpu.memory_space<semaphore_mem>>)
      %dma_wait3A = arith.constant 0 : i32
      %dma_wait3A_27 = tpu.memref_slice %arg8[%arg0, %mul3A_22, %dma_wait3A] : memref<2x10240x8xf32, #tpu.memory_space<hbm>> -> memref<1x640x8xf32, #tpu.memory_space<hbm>>
      %dma_wait3A_28 = tpu.memref_squeeze %dma_wait3A_27 : memref<1x640x8xf32, #tpu.memory_space<hbm>> -> memref<640x8xf32, #tpu.memory_space<hbm>>
      %dma_wait3A_29 = arith.constant 0 : i32
      %dma_wait3A_30 = tpu.memref_slice %arg13[%mul3A_20, %dma_wait3A_29] : memref<10240x8xf32, #tpu.memory_space<vmem_shared>> -> memref<640x8xf32, #tpu.memory_space<vmem_shared>>
      tpu.wait_dma2 semaphore(%run_scoped3A : memref<!tpu.dma_semaphore, #tpu.memory_space<semaphore_mem>>) src(%dma_wait3A_30 : memref<640x8xf32, #tpu.memory_space<vmem_shared>>) dst(%dma_wait3A_28 : memref<640x8xf32, #tpu.memory_space<hbm>>)
      tpu.yield
    }) : () -> ()
    return
  }
}

module attributes {stable_mosaic.version = 14 : i64} {
  func.func @_msg1_body(%arg0: i32, %arg1: memref<16x1280xf32, #tpu.memory_space<vmem>>, %arg2: memref<1280x32xbf16, #tpu.memory_space<vmem>>, %arg3: memref<16x32xf32, #tpu.memory_space<vmem>>, %arg4: memref<1x32xf32, #tpu.memory_space<vmem>>, %arg5: memref<1024x32xbf16, #tpu.memory_space<vmem>>, %arg6: memref<32x32xbf16, #tpu.memory_space<vmem>>, %arg7: memref<32x1024xbf16, #tpu.memory_space<vmem>>, %arg8: memref<32x1024xbf16, #tpu.memory_space<vmem>>, %arg9: memref<16x32xf32, #tpu.memory_space<vmem>>, %arg10: memref<1x32xf32, #tpu.memory_space<vmem>>, %arg11: memref<1280x32xf32, #tpu.memory_space<vmem>>, %arg12: memref<1280x32xf32, #tpu.memory_space<vmem>>) attributes {dimension_semantics = [#tpu.dimension_semantics<arbitrary>], iteration_bounds = array<i64: 128>, scalar_prefetch = 0 : i64, scratch_operands = 0 : i64, tpu.core_type = #tpu.core_type<tc>, window_params = [{transform_indices = @transform_0, window_bounds = array<i64: 16, 1280>}, {transform_indices = @transform_1, window_bounds = array<i64: 1280, 32>}, {pipeline_mode = #tpu.pipeline_mode<synchronous>, transform_indices = @transform_2, window_bounds = array<i64: 16, 32>}, {pipeline_mode = #tpu.pipeline_mode<synchronous>, transform_indices = @transform_3, window_bounds = array<i64: 1, 32>}, {pipeline_mode = #tpu.pipeline_mode<synchronous>, transform_indices = @transform_4, window_bounds = array<i64: 1024, 32>}, {pipeline_mode = #tpu.pipeline_mode<synchronous>, transform_indices = @transform_5, window_bounds = array<i64: 32, 32>}, {pipeline_mode = #tpu.pipeline_mode<synchronous>, transform_indices = @transform_6, window_bounds = array<i64: 32, 1024>}, {pipeline_mode = #tpu.pipeline_mode<synchronous>, transform_indices = @transform_7, window_bounds = array<i64: 32, 1024>}, {pipeline_mode = #tpu.pipeline_mode<synchronous>, transform_indices = @transform_8, window_bounds = array<i64: 16, 32>}, {pipeline_mode = #tpu.pipeline_mode<synchronous>, transform_indices = @transform_9, window_bounds = array<i64: 1, 32>}, {transform_indices = @transform_10, window_bounds = array<i64: 1280, 32>}, {transform_indices = @transform_11, window_bounds = array<i64: 1280, 32>}]} {
    %get3A = arith.constant 0 : index
    %get3A_0 = arith.constant 0 : index
    %get3A_1 = vector.load %arg1[%get3A, %get3A_0] : memref<16x1280xf32, #tpu.memory_space<vmem>>, vector<16x1280xf32>
    %get3A_2 = arith.constant 0 : index
    %get3A_3 = arith.constant 0 : index
    %get3A_4 = vector.load %arg3[%get3A_2, %get3A_3] : memref<16x32xf32, #tpu.memory_space<vmem>>, vector<16x32xf32>
    %dot_general3A = arith.constant dense<0.000000e+00> : vector<1280x32xf32>
    %dot_general3A_5 = tpu.matmul %get3A_1, %get3A_4, %dot_general3A {dimension_numbers = #tpu.dot_dimension_numbers<[0], [0], [1], [1], [0, 1, 1, 1], [], []>, transpose_lhs_hint = false} : vector<16x1280xf32>, vector<16x32xf32>, vector<1280x32xf32> -> vector<1280x32xf32>
    %get3A_6 = arith.constant 0 : index
    %get3A_7 = arith.constant 0 : index
    %get3A_8 = vector.load %arg4[%get3A_6, %get3A_7] : memref<1x32xf32, #tpu.memory_space<vmem>>, vector<1x32xf32>
    %add3A = vector.broadcast %get3A_8 : vector<1x32xf32> to vector<1280x32xf32>
    %add3A_9 = arith.addf %dot_general3A_5, %add3A : vector<1280x32xf32>
    %max3A = arith.constant 0.000000e+00 : f32
    %max3A_10 = vector.broadcast %max3A : f32 to vector<1280x32xf32>
    %max3A_11 = arith.maximumf %add3A_9, %max3A_10 : vector<1280x32xf32>
    %get3A_12 = arith.constant 0 : index
    %get3A_13 = arith.constant 0 : index
    %get3A_14 = vector.load %arg9[%get3A_12, %get3A_13] : memref<16x32xf32, #tpu.memory_space<vmem>>, vector<16x32xf32>
    %dot_general3A_15 = arith.constant dense<0.000000e+00> : vector<1280x32xf32>
    %dot_general3A_16 = tpu.matmul %get3A_1, %get3A_14, %dot_general3A_15 {dimension_numbers = #tpu.dot_dimension_numbers<[0], [0], [1], [1], [0, 1, 1, 1], [], []>, transpose_lhs_hint = false} : vector<16x1280xf32>, vector<16x32xf32>, vector<1280x32xf32> -> vector<1280x32xf32>
    %get3A_17 = arith.constant 0 : index
    %get3A_18 = arith.constant 0 : index
    %get3A_19 = vector.load %arg10[%get3A_17, %get3A_18] : memref<1x32xf32, #tpu.memory_space<vmem>>, vector<1x32xf32>
    %add3A_20 = vector.broadcast %get3A_19 : vector<1x32xf32> to vector<1280x32xf32>
    %add3A_21 = arith.addf %dot_general3A_16, %add3A_20 : vector<1280x32xf32>
    %max3A_22 = arith.constant 0.000000e+00 : f32
    %max3A_23 = vector.broadcast %max3A_22 : f32 to vector<1280x32xf32>
    %max3A_24 = arith.maximumf %add3A_21, %max3A_23 : vector<1280x32xf32>
    %swap3A = arith.constant 0 : index
    %swap3A_25 = arith.constant 0 : index
    %swap3A_26 = vector.load %arg12[%swap3A, %swap3A_25] : memref<1280x32xf32, #tpu.memory_space<vmem>>, vector<1280x32xf32>
    tpu.vector_store %arg12[%swap3A, %swap3A_25], %max3A_24 {strides = array<i32>} : memref<1280x32xf32, #tpu.memory_space<vmem>>, vector<1280x32xf32>,
    %get3A_27 = arith.constant 0 : index
    %get3A_28 = arith.constant 0 : index
    %get3A_29 = vector.load %arg2[%get3A_27, %get3A_28] : memref<1280x32xbf16, #tpu.memory_space<vmem>>, vector<1280x32xbf16>
    %convert_element_type3A = arith.truncf %max3A_11 : vector<1280x32xf32> to vector<1280x32xbf16>
    %get3A_30 = arith.constant 0 : index
    %get3A_31 = arith.constant 0 : index
    %get3A_32 = vector.load %arg7[%get3A_30, %get3A_31] : memref<32x1024xbf16, #tpu.memory_space<vmem>>, vector<32x1024xbf16>
    %dot_general3A_33 = arith.constant dense<0.000000e+00> : vector<1280x1024xf32>
    %dot_general3A_34 = tpu.matmul %convert_element_type3A, %get3A_32, %dot_general3A_33 {dimension_numbers = #tpu.dot_dimension_numbers<[1], [0], [0], [1], [0, 0, 1, 1], [], []>, transpose_lhs_hint = false} : vector<1280x32xbf16>, vector<32x1024xbf16>, vector<1280x1024xf32> -> vector<1280x1024xf32>
    %get3A_35 = arith.constant 0 : index
    %get3A_36 = arith.constant 0 : index
    %get3A_37 = vector.load %arg8[%get3A_35, %get3A_36] : memref<32x1024xbf16, #tpu.memory_space<vmem>>, vector<32x1024xbf16>
    %dot_general3A_38 = arith.constant dense<0.000000e+00> : vector<1280x1024xf32>
    %dot_general3A_39 = tpu.matmul %get3A_29, %get3A_37, %dot_general3A_38 {dimension_numbers = #tpu.dot_dimension_numbers<[1], [0], [0], [1], [0, 0, 1, 1], [], []>, transpose_lhs_hint = false} : vector<1280x32xbf16>, vector<32x1024xbf16>, vector<1280x1024xf32> -> vector<1280x1024xf32>
    %mul3A = arith.mulf %dot_general3A_34, %dot_general3A_39 : vector<1280x1024xf32>
    %convert_element_type3A_40 = arith.truncf %mul3A : vector<1280x1024xf32> to vector<1280x1024xbf16>
    %get3A_41 = arith.constant 0 : index
    %get3A_42 = arith.constant 0 : index
    %get3A_43 = vector.load %arg5[%get3A_41, %get3A_42] : memref<1024x32xbf16, #tpu.memory_space<vmem>>, vector<1024x32xbf16>
    %dot_general3A_44 = arith.constant dense<0.000000e+00> : vector<1280x32xf32>
    %dot_general3A_45 = tpu.matmul %convert_element_type3A_40, %get3A_43, %dot_general3A_44 {dimension_numbers = #tpu.dot_dimension_numbers<[1], [0], [0], [1], [0, 0, 1, 1], [], []>, transpose_lhs_hint = false} : vector<1280x1024xbf16>, vector<1024x32xbf16>, vector<1280x32xf32> -> vector<1280x32xf32>
    %get3A_46 = arith.constant 0 : index
    %get3A_47 = arith.constant 0 : index
    %get3A_48 = vector.load %arg6[%get3A_46, %get3A_47] : memref<32x32xbf16, #tpu.memory_space<vmem>>, vector<32x32xbf16>
    %dot_general3A_49 = arith.constant dense<0.000000e+00> : vector<1280x32xf32>
    %dot_general3A_50 = tpu.matmul %get3A_29, %get3A_48, %dot_general3A_49 {dimension_numbers = #tpu.dot_dimension_numbers<[1], [0], [0], [1], [0, 0, 1, 1], [], []>, transpose_lhs_hint = false} : vector<1280x32xbf16>, vector<32x32xbf16>, vector<1280x32xf32> -> vector<1280x32xf32>
    %add3A_51 = arith.addf %dot_general3A_45, %dot_general3A_50 : vector<1280x32xf32>
    %swap3A_52 = arith.constant 0 : index
    %swap3A_53 = arith.constant 0 : index
    %swap3A_54 = vector.load %arg11[%swap3A_52, %swap3A_53] : memref<1280x32xf32, #tpu.memory_space<vmem>>, vector<1280x32xf32>
    tpu.vector_store %arg11[%swap3A_52, %swap3A_53], %add3A_51 {strides = array<i32>} : memref<1280x32xf32, #tpu.memory_space<vmem>>, vector<1280x32xf32>,
    return
  }
  func.func @transform_0(%arg0: i32) -> (i32, i32) {
    %c0_i32 = arith.constant 0 : i32
    %c0_i32_0 = arith.constant 0 : i32
    return %c0_i32, %arg0 : i32, i32
  }
  func.func @transform_1(%arg0: i32) -> (i32, i32) {
    %c0_i32 = arith.constant 0 : i32
    %c0_i32_0 = arith.constant 0 : i32
    return %arg0, %c0_i32 : i32, i32
  }
  func.func @transform_2(%arg0: i32) -> (i32, i32) {
    %c0_i32 = arith.constant 0 : i32
    %c0_i32_0 = arith.constant 0 : i32
    %c0_i32_1 = arith.constant 0 : i32
    return %c0_i32, %c0_i32_0 : i32, i32
  }
  func.func @transform_3(%arg0: i32) -> (i32, i32) {
    %c0_i32 = arith.constant 0 : i32
    %c0_i32_0 = arith.constant 0 : i32
    %c0_i32_1 = arith.constant 0 : i32
    return %c0_i32, %c0_i32_0 : i32, i32
  }
  func.func @transform_4(%arg0: i32) -> (i32, i32) {
    %c0_i32 = arith.constant 0 : i32
    %c0_i32_0 = arith.constant 0 : i32
    %c0_i32_1 = arith.constant 0 : i32
    return %c0_i32, %c0_i32_0 : i32, i32
  }
  func.func @transform_5(%arg0: i32) -> (i32, i32) {
    %c0_i32 = arith.constant 0 : i32
    %c0_i32_0 = arith.constant 0 : i32
    %c0_i32_1 = arith.constant 0 : i32
    return %c0_i32, %c0_i32_0 : i32, i32
  }
  func.func @transform_6(%arg0: i32) -> (i32, i32) {
    %c0_i32 = arith.constant 0 : i32
    %c0_i32_0 = arith.constant 0 : i32
    %c0_i32_1 = arith.constant 0 : i32
    return %c0_i32, %c0_i32_0 : i32, i32
  }
  func.func @transform_7(%arg0: i32) -> (i32, i32) {
    %c0_i32 = arith.constant 0 : i32
    %c0_i32_0 = arith.constant 0 : i32
    %c0_i32_1 = arith.constant 0 : i32
    return %c0_i32, %c0_i32_0 : i32, i32
  }
  func.func @transform_8(%arg0: i32) -> (i32, i32) {
    %c0_i32 = arith.constant 0 : i32
    %c0_i32_0 = arith.constant 0 : i32
    %c0_i32_1 = arith.constant 0 : i32
    return %c0_i32, %c0_i32_0 : i32, i32
  }
  func.func @transform_9(%arg0: i32) -> (i32, i32) {
    %c0_i32 = arith.constant 0 : i32
    %c0_i32_0 = arith.constant 0 : i32
    %c0_i32_1 = arith.constant 0 : i32
    return %c0_i32, %c0_i32_0 : i32, i32
  }
  func.func @transform_10(%arg0: i32) -> (i32, i32) {
    %c0_i32 = arith.constant 0 : i32
    %c0_i32_0 = arith.constant 0 : i32
    return %arg0, %c0_i32 : i32, i32
  }
  func.func @transform_11(%arg0: i32) -> (i32, i32) {
    %c0_i32 = arith.constant 0 : i32
    %c0_i32_0 = arith.constant 0 : i32
    return %arg0, %c0_i32 : i32, i32
  }
}

module attributes {stable_mosaic.version = 14 : i64} {
  func.func @_update_body(%arg0: i32, %arg1: memref<2x1024x32xf32, #tpu.memory_space<vmem>>, %arg2: memref<2x1024x8xf32, #tpu.memory_space<vmem>>, %arg3: memref<1024x32xf32, #tpu.memory_space<vmem>>, %arg4: memref<32x32xf32, #tpu.memory_space<vmem>>, %arg5: memref<1x32xf32, #tpu.memory_space<vmem>>, %arg6: memref<1024x32xf32, #tpu.memory_space<vmem>>) attributes {dimension_semantics = [#tpu.dimension_semantics<arbitrary>], iteration_bounds = array<i64: 10>, scalar_prefetch = 0 : i64, scratch_operands = 0 : i64, tpu.core_type = #tpu.core_type<tc>, window_params = [{transform_indices = @transform_0, window_bounds = array<i64: 2, 1024, 32>}, {transform_indices = @transform_1, window_bounds = array<i64: 2, 1024, 8>}, {transform_indices = @transform_2, window_bounds = array<i64: 1024, 32>}, {pipeline_mode = #tpu.pipeline_mode<synchronous>, transform_indices = @transform_3, window_bounds = array<i64: 32, 32>}, {pipeline_mode = #tpu.pipeline_mode<synchronous>, transform_indices = @transform_4, window_bounds = array<i64: 1, 32>}, {transform_indices = @transform_5, window_bounds = array<i64: 1024, 32>}]} {
    %get3A = arith.constant 0 : index
    %get3A_0 = arith.constant 0 : index
    %get3A_1 = arith.constant 0 : index
    %get3A_2 = vector.load %arg1[%get3A, %get3A_0, %get3A_1] : memref<2x1024x32xf32, #tpu.memory_space<vmem>>, vector<1x1024x32xf32>
    %get3A_3 = vector.shape_cast %get3A_2 : vector<1x1024x32xf32> to vector<1024x32xf32>
    %get3A_4 = arith.constant 1 : index
    %get3A_5 = arith.constant 0 : index
    %get3A_6 = arith.constant 0 : index
    %get3A_7 = vector.load %arg1[%get3A_4, %get3A_5, %get3A_6] : memref<2x1024x32xf32, #tpu.memory_space<vmem>>, vector<1x1024x32xf32>
    %get3A_8 = vector.shape_cast %get3A_7 : vector<1x1024x32xf32> to vector<1024x32xf32>
    %add3A = arith.addf %get3A_3, %get3A_8 : vector<1024x32xf32>
    %get3A_9 = arith.constant 0 : index
    %get3A_10 = arith.constant 0 : index
    %get3A_11 = arith.constant 0 : index
    %get3A_12 = vector.load %arg2[%get3A_9, %get3A_10, %get3A_11] : memref<2x1024x8xf32, #tpu.memory_space<vmem>>, vector<1x1024x1xf32>
    %get3A_13 = vector.shape_cast %get3A_12 : vector<1x1024x1xf32> to vector<1024x1xf32>
    %get3A_14 = arith.constant 1 : index
    %get3A_15 = arith.constant 0 : index
    %get3A_16 = arith.constant 0 : index
    %get3A_17 = vector.load %arg2[%get3A_14, %get3A_15, %get3A_16] : memref<2x1024x8xf32, #tpu.memory_space<vmem>>, vector<1x1024x1xf32>
    %get3A_18 = vector.shape_cast %get3A_17 : vector<1x1024x1xf32> to vector<1024x1xf32>
    %add3A_19 = arith.addf %get3A_13, %get3A_18 : vector<1024x1xf32>
    %max3A = arith.constant 1.000000e+00 : f32
    %max3A_20 = vector.broadcast %max3A : f32 to vector<1024x1xf32>
    %max3A_21 = arith.maximumf %add3A_19, %max3A_20 : vector<1024x1xf32>
    %div3A = arith.constant 1.000000e+00 : f32
    %div3A_22 = vector.broadcast %div3A : f32 to vector<1024x1xf32>
    %div3A_23 = arith.divf %div3A_22, %max3A_21 : vector<1024x1xf32>
    %mul3A = vector.broadcast %div3A_23 : vector<1024x1xf32> to vector<1024x32xf32>
    %mul3A_24 = arith.mulf %add3A, %mul3A : vector<1024x32xf32>
    %get3A_25 = arith.constant 0 : index
    %get3A_26 = arith.constant 0 : index
    %get3A_27 = vector.load %arg3[%get3A_25, %get3A_26] : memref<1024x32xf32, #tpu.memory_space<vmem>>, vector<1024x32xf32>
    %get3A_28 = arith.constant 0 : index
    %get3A_29 = arith.constant 0 : index
    %get3A_30 = vector.load %arg4[%get3A_28, %get3A_29] : memref<32x32xf32, #tpu.memory_space<vmem>>, vector<32x32xf32>
    %dot_general3A = arith.constant dense<0.000000e+00> : vector<1024x32xf32>
    %dot_general3A_31 = tpu.matmul %get3A_27, %get3A_30, %dot_general3A {dimension_numbers = #tpu.dot_dimension_numbers<[1], [0], [0], [1], [0, 0, 1, 1], [], []>, transpose_lhs_hint = false} : vector<1024x32xf32>, vector<32x32xf32>, vector<1024x32xf32> -> vector<1024x32xf32>
    %add3A_32 = arith.addf %mul3A_24, %dot_general3A_31 : vector<1024x32xf32>
    %get3A_33 = arith.constant 0 : index
    %get3A_34 = arith.constant 0 : index
    %get3A_35 = vector.load %arg5[%get3A_33, %get3A_34] : memref<1x32xf32, #tpu.memory_space<vmem>>, vector<1x32xf32>
    %add3A_36 = vector.broadcast %get3A_35 : vector<1x32xf32> to vector<1024x32xf32>
    %add3A_37 = arith.addf %add3A_32, %add3A_36 : vector<1024x32xf32>
    %max3A_38 = arith.constant 0.000000e+00 : f32
    %max3A_39 = vector.broadcast %max3A_38 : f32 to vector<1024x32xf32>
    %max3A_40 = arith.maximumf %add3A_37, %max3A_39 : vector<1024x32xf32>
    %swap3A = arith.constant 0 : index
    %swap3A_41 = arith.constant 0 : index
    %swap3A_42 = vector.load %arg6[%swap3A, %swap3A_41] : memref<1024x32xf32, #tpu.memory_space<vmem>>, vector<1024x32xf32>
    tpu.vector_store %arg6[%swap3A, %swap3A_41], %max3A_40 {strides = array<i32>} : memref<1024x32xf32, #tpu.memory_space<vmem>>, vector<1024x32xf32>,
    return
  }
  func.func @transform_0(%arg0: i32) -> (i32, i32, i32) {
    %c0_i32 = arith.constant 0 : i32
    %c0_i32_0 = arith.constant 0 : i32
    %c0_i32_1 = arith.constant 0 : i32
    return %c0_i32, %arg0, %c0_i32_0 : i32, i32, i32
  }
  func.func @transform_1(%arg0: i32) -> (i32, i32, i32) {
    %c0_i32 = arith.constant 0 : i32
    %c0_i32_0 = arith.constant 0 : i32
    %c0_i32_1 = arith.constant 0 : i32
    return %c0_i32, %arg0, %c0_i32_0 : i32, i32, i32
  }
  func.func @transform_2(%arg0: i32) -> (i32, i32) {
    %c0_i32 = arith.constant 0 : i32
    %c0_i32_0 = arith.constant 0 : i32
    return %arg0, %c0_i32 : i32, i32
  }
  func.func @transform_3(%arg0: i32) -> (i32, i32) {
    %c0_i32 = arith.constant 0 : i32
    %c0_i32_0 = arith.constant 0 : i32
    %c0_i32_1 = arith.constant 0 : i32
    return %c0_i32, %c0_i32_0 : i32, i32
  }
  func.func @transform_4(%arg0: i32) -> (i32, i32) {
    %c0_i32 = arith.constant 0 : i32
    %c0_i32_0 = arith.constant 0 : i32
    %c0_i32_1 = arith.constant 0 : i32
    return %c0_i32, %c0_i32_0 : i32, i32
  }
  func.func @transform_5(%arg0: i32) -> (i32, i32) {
    %c0_i32 = arith.constant 0 : i32
    %c0_i32_0 = arith.constant 0 : i32
    return %arg0, %c0_i32 : i32, i32
  }
}

module attributes {stable_mosaic.version = 14 : i64} {
  func.func @_msg2_body(%arg0: i32, %arg1: memref<1280x32xf32, #tpu.memory_space<vmem>>, %arg2: memref<1280x32xbf16, #tpu.memory_space<vmem>>, %arg3: memref<1024x32xbf16, #tpu.memory_space<vmem>>, %arg4: memref<32x32xbf16, #tpu.memory_space<vmem>>, %arg5: memref<32x1024xbf16, #tpu.memory_space<vmem>>, %arg6: memref<32x1024xbf16, #tpu.memory_space<vmem>>, %arg7: memref<1280x32xf32, #tpu.memory_space<vmem>>) attributes {dimension_semantics = [#tpu.dimension_semantics<arbitrary>], iteration_bounds = array<i64: 128>, scalar_prefetch = 0 : i64, scratch_operands = 0 : i64, tpu.core_type = #tpu.core_type<tc>, window_params = [{transform_indices = @transform_0, window_bounds = array<i64: 1280, 32>}, {transform_indices = @transform_1, window_bounds = array<i64: 1280, 32>}, {pipeline_mode = #tpu.pipeline_mode<synchronous>, transform_indices = @transform_2, window_bounds = array<i64: 1024, 32>}, {pipeline_mode = #tpu.pipeline_mode<synchronous>, transform_indices = @transform_3, window_bounds = array<i64: 32, 32>}, {pipeline_mode = #tpu.pipeline_mode<synchronous>, transform_indices = @transform_4, window_bounds = array<i64: 32, 1024>}, {pipeline_mode = #tpu.pipeline_mode<synchronous>, transform_indices = @transform_5, window_bounds = array<i64: 32, 1024>}, {transform_indices = @transform_6, window_bounds = array<i64: 1280, 32>}]} {
    %get3A = arith.constant 0 : index
    %get3A_0 = arith.constant 0 : index
    %get3A_1 = vector.load %arg1[%get3A, %get3A_0] : memref<1280x32xf32, #tpu.memory_space<vmem>>, vector<1280x32xf32>
    %get3A_2 = arith.constant 0 : index
    %get3A_3 = arith.constant 0 : index
    %get3A_4 = vector.load %arg2[%get3A_2, %get3A_3] : memref<1280x32xbf16, #tpu.memory_space<vmem>>, vector<1280x32xbf16>
    %convert_element_type3A = arith.truncf %get3A_1 : vector<1280x32xf32> to vector<1280x32xbf16>
    %get3A_5 = arith.constant 0 : index
    %get3A_6 = arith.constant 0 : index
    %get3A_7 = vector.load %arg5[%get3A_5, %get3A_6] : memref<32x1024xbf16, #tpu.memory_space<vmem>>, vector<32x1024xbf16>
    %dot_general3A = arith.constant dense<0.000000e+00> : vector<1280x1024xf32>
    %dot_general3A_8 = tpu.matmul %convert_element_type3A, %get3A_7, %dot_general3A {dimension_numbers = #tpu.dot_dimension_numbers<[1], [0], [0], [1], [0, 0, 1, 1], [], []>, transpose_lhs_hint = false} : vector<1280x32xbf16>, vector<32x1024xbf16>, vector<1280x1024xf32> -> vector<1280x1024xf32>
    %get3A_9 = arith.constant 0 : index
    %get3A_10 = arith.constant 0 : index
    %get3A_11 = vector.load %arg6[%get3A_9, %get3A_10] : memref<32x1024xbf16, #tpu.memory_space<vmem>>, vector<32x1024xbf16>
    %dot_general3A_12 = arith.constant dense<0.000000e+00> : vector<1280x1024xf32>
    %dot_general3A_13 = tpu.matmul %get3A_4, %get3A_11, %dot_general3A_12 {dimension_numbers = #tpu.dot_dimension_numbers<[1], [0], [0], [1], [0, 0, 1, 1], [], []>, transpose_lhs_hint = false} : vector<1280x32xbf16>, vector<32x1024xbf16>, vector<1280x1024xf32> -> vector<1280x1024xf32>
    %mul3A = arith.mulf %dot_general3A_8, %dot_general3A_13 : vector<1280x1024xf32>
    %convert_element_type3A_14 = arith.truncf %mul3A : vector<1280x1024xf32> to vector<1280x1024xbf16>
    %get3A_15 = arith.constant 0 : index
    %get3A_16 = arith.constant 0 : index
    %get3A_17 = vector.load %arg3[%get3A_15, %get3A_16] : memref<1024x32xbf16, #tpu.memory_space<vmem>>, vector<1024x32xbf16>
    %dot_general3A_18 = arith.constant dense<0.000000e+00> : vector<1280x32xf32>
    %dot_general3A_19 = tpu.matmul %convert_element_type3A_14, %get3A_17, %dot_general3A_18 {dimension_numbers = #tpu.dot_dimension_numbers<[1], [0], [0], [1], [0, 0, 1, 1], [], []>, transpose_lhs_hint = false} : vector<1280x1024xbf16>, vector<1024x32xbf16>, vector<1280x32xf32> -> vector<1280x32xf32>
    %get3A_20 = arith.constant 0 : index
    %get3A_21 = arith.constant 0 : index
    %get3A_22 = vector.load %arg4[%get3A_20, %get3A_21] : memref<32x32xbf16, #tpu.memory_space<vmem>>, vector<32x32xbf16>
    %dot_general3A_23 = arith.constant dense<0.000000e+00> : vector<1280x32xf32>
    %dot_general3A_24 = tpu.matmul %get3A_4, %get3A_22, %dot_general3A_23 {dimension_numbers = #tpu.dot_dimension_numbers<[1], [0], [0], [1], [0, 0, 1, 1], [], []>, transpose_lhs_hint = false} : vector<1280x32xbf16>, vector<32x32xbf16>, vector<1280x32xf32> -> vector<1280x32xf32>
    %add3A = arith.addf %dot_general3A_19, %dot_general3A_24 : vector<1280x32xf32>
    %swap3A = arith.constant 0 : index
    %swap3A_25 = arith.constant 0 : index
    %swap3A_26 = vector.load %arg7[%swap3A, %swap3A_25] : memref<1280x32xf32, #tpu.memory_space<vmem>>, vector<1280x32xf32>
    tpu.vector_store %arg7[%swap3A, %swap3A_25], %add3A {strides = array<i32>} : memref<1280x32xf32, #tpu.memory_space<vmem>>, vector<1280x32xf32>,
    return
  }
  func.func @transform_0(%arg0: i32) -> (i32, i32) {
    %c0_i32 = arith.constant 0 : i32
    %c0_i32_0 = arith.constant 0 : i32
    return %arg0, %c0_i32 : i32, i32
  }
  func.func @transform_1(%arg0: i32) -> (i32, i32) {
    %c0_i32 = arith.constant 0 : i32
    %c0_i32_0 = arith.constant 0 : i32
    return %arg0, %c0_i32 : i32, i32
  }
  func.func @transform_2(%arg0: i32) -> (i32, i32) {
    %c0_i32 = arith.constant 0 : i32
    %c0_i32_0 = arith.constant 0 : i32
    %c0_i32_1 = arith.constant 0 : i32
    return %c0_i32, %c0_i32_0 : i32, i32
  }
  func.func @transform_3(%arg0: i32) -> (i32, i32) {
    %c0_i32 = arith.constant 0 : i32
    %c0_i32_0 = arith.constant 0 : i32
    %c0_i32_1 = arith.constant 0 : i32
    return %c0_i32, %c0_i32_0 : i32, i32
  }
  func.func @transform_4(%arg0: i32) -> (i32, i32) {
    %c0_i32 = arith.constant 0 : i32
    %c0_i32_0 = arith.constant 0 : i32
    %c0_i32_1 = arith.constant 0 : i32
    return %c0_i32, %c0_i32_0 : i32, i32
  }
  func.func @transform_5(%arg0: i32) -> (i32, i32) {
    %c0_i32 = arith.constant 0 : i32
    %c0_i32_0 = arith.constant 0 : i32
    %c0_i32_1 = arith.constant 0 : i32
    return %c0_i32, %c0_i32_0 : i32, i32
  }
  func.func @transform_6(%arg0: i32) -> (i32, i32) {
    %c0_i32 = arith.constant 0 : i32
    %c0_i32_0 = arith.constant 0 : i32
    return %arg0, %c0_i32 : i32, i32
  }
}

module attributes {stable_mosaic.version = 14 : i64} {
  func.func @_pool_body(%arg0: i32, %arg1: memref<10240x32xf32, #tpu.memory_space<vmem>>, %arg2: memref<10240x1xi32, #tpu.memory_space<vmem>>, %arg3: memref<16x64xf32, #tpu.memory_space<vmem>>, %arg4: memref<16x64xf32, #tpu.memory_space<vmem>>, %arg5: memref<32x1xf32, #tpu.memory_space<vmem>>, %arg6: memref<1x1xf32, #tpu.memory_space<vmem>>, %arg7: memref<160x1xf32, #tpu.memory_space<vmem>>, %arg8: memref<1x1xf32, #tpu.memory_space<vmem>>, %arg9: memref<16x1xf32, #tpu.memory_space<vmem>>) attributes {dimension_semantics = [#tpu.dimension_semantics<arbitrary>], iteration_bounds = array<i64: 1>, scalar_prefetch = 0 : i64, scratch_operands = 0 : i64, tpu.core_type = #tpu.core_type<tc>, window_params = [{pipeline_mode = #tpu.pipeline_mode<synchronous>, transform_indices = @transform_0, window_bounds = array<i64: 10240, 32>}, {pipeline_mode = #tpu.pipeline_mode<synchronous>, transform_indices = @transform_1, window_bounds = array<i64: 10240, 1>}, {pipeline_mode = #tpu.pipeline_mode<synchronous>, transform_indices = @transform_2, window_bounds = array<i64: 16, 64>}, {pipeline_mode = #tpu.pipeline_mode<synchronous>, transform_indices = @transform_3, window_bounds = array<i64: 16, 64>}, {pipeline_mode = #tpu.pipeline_mode<synchronous>, transform_indices = @transform_4, window_bounds = array<i64: 32, 1>}, {pipeline_mode = #tpu.pipeline_mode<synchronous>, transform_indices = @transform_5, window_bounds = array<i64: 1, 1>}, {pipeline_mode = #tpu.pipeline_mode<synchronous>, transform_indices = @transform_6, window_bounds = array<i64: 160, 1>}, {pipeline_mode = #tpu.pipeline_mode<synchronous>, transform_indices = @transform_7, window_bounds = array<i64: 1, 1>}, {pipeline_mode = #tpu.pipeline_mode<synchronous>, transform_indices = @transform_8, window_bounds = array<i64: 16, 1>}]} {
    %get3A = arith.constant 0 : index
    %get3A_0 = arith.constant 0 : index
    %get3A_1 = vector.load %arg1[%get3A, %get3A_0] : memref<10240x32xf32, #tpu.memory_space<vmem>>, vector<10240x32xf32>
    %get3A_2 = arith.constant 0 : index
    %get3A_3 = arith.constant 0 : index
    %get3A_4 = vector.load %arg2[%get3A_2, %get3A_3] : memref<10240x1xi32, #tpu.memory_space<vmem>>, vector<10240x1xi32>
    %get3A_5 = arith.constant 0 : index
    %get3A_6 = arith.constant 0 : index
    %get3A_7 = vector.load %arg5[%get3A_5, %get3A_6] : memref<32x1xf32, #tpu.memory_space<vmem>>, vector<32x1xf32>
    %dot_general3A = arith.constant dense<0.000000e+00> : vector<10240x1xf32>
    %dot_general3A_8 = tpu.matmul %get3A_1, %get3A_7, %dot_general3A {dimension_numbers = #tpu.dot_dimension_numbers<[1], [0], [0], [1], [0, 0, 1, 1], [], []>, transpose_lhs_hint = false} : vector<10240x32xf32>, vector<32x1xf32>, vector<10240x1xf32> -> vector<10240x1xf32>
    %get3A_9 = arith.constant 0 : index
    %get3A_10 = arith.constant 0 : index
    %get3A_11 = vector.load %arg6[%get3A_9, %get3A_10] : memref<1x1xf32, #tpu.memory_space<vmem>>, vector<1x1xf32>
    %add3A = vector.broadcast %get3A_11 : vector<1x1xf32> to vector<10240x1xf32>
    %add3A_12 = arith.addf %dot_general3A_8, %add3A : vector<10240x1xf32>
    %iota3A = tpu.iota {dimensions = array<i32: 1>} : vector<10240x16xi32>
    %eq3A = vector.broadcast %get3A_4 : vector<10240x1xi32> to vector<10240x16xi32>
    %eq3A_13 = arith.cmpi eq, %eq3A, %iota3A : vector<10240x16xi32>
    %convert_element_type3A = arith.extui %eq3A_13 : vector<10240x16xi1> to vector<10240x16xi32>
    %convert_element_type3A_14 = arith.sitofp %convert_element_type3A : vector<10240x16xi32> to vector<10240x16xf32>
    %gt3A = arith.constant 0.000000e+00 : f32
    %gt3A_15 = vector.broadcast %gt3A : f32 to vector<10240x16xf32>
    %gt3A_16 = arith.cmpf ogt, %convert_element_type3A_14, %gt3A_15 : vector<10240x16xf32>
    %jit3A = arith.constant -3.000000e+38 : f32
    %broadcast_in_dim3A = vector.shape_cast %add3A_12 : vector<10240x1xf32> to vector<10240x1xf32>
    %broadcast_in_dim3A_17 = vector.broadcast %broadcast_in_dim3A : vector<10240x1xf32> to vector<10240x16xf32>
    %broadcast_in_dim3A_18 = vector.broadcast %jit3A : f32 to vector<10240x16xf32>
    %select_n3A = arith.select %gt3A_16, %broadcast_in_dim3A_17, %broadcast_in_dim3A_18 : vector<10240x16xi1>, vector<10240x16xf32>
    %reduce_max3A = arith.constant dense<0xFF800000> : vector<16xf32>
    %reduce_max3A_19 = vector.multi_reduction <maximumf>, %select_n3A, %reduce_max3A [0] : vector<10240x16xf32> to vector<16xf32>
    %broadcast_in_dim3A_20 = vector.shape_cast %reduce_max3A_19 : vector<16xf32> to vector<1x16xf32>
    %gt3A_21 = arith.constant -9.99999968E+37 : f32
    %gt3A_22 = vector.broadcast %gt3A_21 : f32 to vector<1x16xf32>
    %gt3A_23 = arith.cmpf ogt, %broadcast_in_dim3A_20, %gt3A_22 : vector<1x16xf32>
    %jit3A_24 = arith.constant 0.000000e+00 : f32
    %broadcast_in_dim3A_25 = vector.broadcast %jit3A_24 : f32 to vector<1x16xf32>
    %select_n3A_26 = arith.select %gt3A_23, %broadcast_in_dim3A_20, %broadcast_in_dim3A_25 : vector<1x16xi1>, vector<1x16xf32>
    %mul3A = vector.broadcast %select_n3A_26 : vector<1x16xf32> to vector<10240x16xf32>
    %mul3A_27 = arith.mulf %convert_element_type3A_14, %mul3A : vector<10240x16xf32>
    %reduce_sum3A = arith.constant dense<0.000000e+00> : vector<10240xf32>
    %reduce_sum3A_28 = vector.multi_reduction <add>, %mul3A_27, %reduce_sum3A [1] : vector<10240x16xf32> to vector<10240xf32>
    %broadcast_in_dim3A_29 = vector.shape_cast %reduce_sum3A_28 : vector<10240xf32> to vector<10240x1xf32>
    %sub3A = arith.subf %add3A_12, %broadcast_in_dim3A_29 : vector<10240x1xf32>
    %exp3A = math.exp %sub3A : vector<10240x1xf32>
    %mul3A_30 = vector.broadcast %exp3A : vector<10240x1xf32> to vector<10240x16xf32>
    %mul3A_31 = arith.mulf %convert_element_type3A_14, %mul3A_30 : vector<10240x16xf32>
    %reduce_sum3A_32 = arith.constant dense<0.000000e+00> : vector<16xf32>
    %reduce_sum3A_33 = vector.multi_reduction <add>, %mul3A_31, %reduce_sum3A_32 [0] : vector<10240x16xf32> to vector<16xf32>
    %broadcast_in_dim3A_34 = vector.shape_cast %reduce_sum3A_33 : vector<16xf32> to vector<1x16xf32>
    %add3A_35 = arith.constant 1.000000e-16 : f32
    %add3A_36 = vector.broadcast %add3A_35 : f32 to vector<1x16xf32>
    %add3A_37 = arith.addf %broadcast_in_dim3A_34, %add3A_36 : vector<1x16xf32>
    %div3A = vector.broadcast %add3A_37 : vector<1x16xf32> to vector<10240x16xf32>
    %div3A_38 = arith.divf %mul3A_31, %div3A : vector<10240x16xf32>
    %dot_general3A_39 = arith.constant dense<0.000000e+00> : vector<16x32xf32>
    %dot_general3A_40 = tpu.matmul %div3A_38, %get3A_1, %dot_general3A_39 {dimension_numbers = #tpu.dot_dimension_numbers<[0], [0], [1], [1], [0, 1, 1, 1], [], []>, transpose_lhs_hint = false} : vector<10240x16xf32>, vector<10240x32xf32>, vector<16x32xf32> -> vector<16x32xf32>
    %get3A_41 = arith.constant 0 : index
    %get3A_42 = arith.constant 0 : index
    %get3A_43 = vector.load %arg3[%get3A_41, %get3A_42] : memref<16x64xf32, #tpu.memory_space<vmem>>, vector<16x64xf32>
    %get3A_44 = arith.constant 0 : index
    %get3A_45 = arith.constant 0 : index
    %get3A_46 = vector.load %arg4[%get3A_44, %get3A_45] : memref<16x64xf32, #tpu.memory_space<vmem>>, vector<16x64xf32>
    %concatenate3A = tpu.concatenate %dot_general3A_40, %get3A_43, %get3A_46 in 1 : vector<16x32xf32>, vector<16x64xf32>, vector<16x64xf32> -> vector<16x160xf32>
    %get3A_47 = arith.constant 0 : index
    %get3A_48 = arith.constant 0 : index
    %get3A_49 = vector.load %arg7[%get3A_47, %get3A_48] : memref<160x1xf32, #tpu.memory_space<vmem>>, vector<160x1xf32>
    %dot_general3A_50 = arith.constant dense<0.000000e+00> : vector<16x1xf32>
    %dot_general3A_51 = tpu.matmul %concatenate3A, %get3A_49, %dot_general3A_50 {dimension_numbers = #tpu.dot_dimension_numbers<[1], [0], [0], [1], [0, 0, 1, 1], [], []>, transpose_lhs_hint = false} : vector<16x160xf32>, vector<160x1xf32>, vector<16x1xf32> -> vector<16x1xf32>
    %get3A_52 = arith.constant 0 : index
    %get3A_53 = arith.constant 0 : index
    %get3A_54 = vector.load %arg8[%get3A_52, %get3A_53] : memref<1x1xf32, #tpu.memory_space<vmem>>, vector<1x1xf32>
    %add3A_55 = vector.broadcast %get3A_54 : vector<1x1xf32> to vector<16x1xf32>
    %add3A_56 = arith.addf %dot_general3A_51, %add3A_55 : vector<16x1xf32>
    %swap3A = arith.constant 0 : index
    %swap3A_57 = arith.constant 0 : index
    %swap3A_58 = vector.load %arg9[%swap3A, %swap3A_57] : memref<16x1xf32, #tpu.memory_space<vmem>>, vector<16x1xf32>
    tpu.vector_store %arg9[%swap3A, %swap3A_57], %add3A_56 {strides = array<i32>} : memref<16x1xf32, #tpu.memory_space<vmem>>, vector<16x1xf32>,
    return
  }
  func.func @transform_0(%arg0: i32) -> (i32, i32) {
    %c0_i32 = arith.constant 0 : i32
    %c0_i32_0 = arith.constant 0 : i32
    %c0_i32_1 = arith.constant 0 : i32
    return %c0_i32, %c0_i32_0 : i32, i32
  }
  func.func @transform_1(%arg0: i32) -> (i32, i32) {
    %c0_i32 = arith.constant 0 : i32
    %c0_i32_0 = arith.constant 0 : i32
    %c0_i32_1 = arith.constant 0 : i32
    return %c0_i32, %c0_i32_0 : i32, i32
  }
  func.func @transform_2(%arg0: i32) -> (i32, i32) {
    %c0_i32 = arith.constant 0 : i32
    %c0_i32_0 = arith.constant 0 : i32
    %c0_i32_1 = arith.constant 0 : i32
    return %c0_i32, %c0_i32_0 : i32, i32
  }
  func.func @transform_3(%arg0: i32) -> (i32, i32) {
    %c0_i32 = arith.constant 0 : i32
    %c0_i32_0 = arith.constant 0 : i32
    %c0_i32_1 = arith.constant 0 : i32
    return %c0_i32, %c0_i32_0 : i32, i32
  }
  func.func @transform_4(%arg0: i32) -> (i32, i32) {
    %c0_i32 = arith.constant 0 : i32
    %c0_i32_0 = arith.constant 0 : i32
    %c0_i32_1 = arith.constant 0 : i32
    return %c0_i32, %c0_i32_0 : i32, i32
  }
  func.func @transform_5(%arg0: i32) -> (i32, i32) {
    %c0_i32 = arith.constant 0 : i32
    %c0_i32_0 = arith.constant 0 : i32
    %c0_i32_1 = arith.constant 0 : i32
    return %c0_i32, %c0_i32_0 : i32, i32
  }
  func.func @transform_6(%arg0: i32) -> (i32, i32) {
    %c0_i32 = arith.constant 0 : i32
    %c0_i32_0 = arith.constant 0 : i32
    %c0_i32_1 = arith.constant 0 : i32
    return %c0_i32, %c0_i32_0 : i32, i32
  }
  func.func @transform_7(%arg0: i32) -> (i32, i32) {
    %c0_i32 = arith.constant 0 : i32
    %c0_i32_0 = arith.constant 0 : i32
    %c0_i32_1 = arith.constant 0 : i32
    return %c0_i32, %c0_i32_0 : i32, i32
  }
  func.func @transform_8(%arg0: i32) -> (i32, i32) {
    %c0_i32 = arith.constant 0 : i32
    %c0_i32_0 = arith.constant 0 : i32
    %c0_i32_1 = arith.constant 0 : i32
    return %c0_i32, %c0_i32_0 : i32, i32
  }
}

</mosaic_0001>

<sc_bundles>
// kernel: kernel.11.cloned.1.call-start
scs
__scs_entry_jumppad:
0x0: {  	(pc) =	sbr.rel $0x88, $3  }
0x1: {  	(tag) =	ssettag $0x0;
	lr =	simm.s32 $0x1  }
0x2: {  	[smem:$0x3F8B] =	sst lr;
	_ =	strace $0xD0000000  }
0x3: {  	_ = 	snop  }
0x4: {  	_ = 	snop  }
0x5: {  	_ = 	snop  }
0x6: {  	_ = 	snop  }
0x7: {  	_ = 	snop  }
__scs_overlays_trampoline_lowered:
0x8: {  	[smem:$0x3F9A] =	sst s0  }
0x9: {  	[smem:$0x3F9B] =	sst s1  }
0xa: {  	[smem:$0x3F9C] =	sst s2  }
0xb: {  	[smem:$0x3F9D] =	sst s3  }
0xc: {  	[smem:$0x3F9E] =	sst s4  }
0xd: {  	[smem:$0x3F9F] =	sst s5  }
0xe: {  	[smem:$0x3FA0] =	sst s6  }
0xf: {  	[smem:$0x3FA1] =	sst s7  }
0x10: {  	[smem:$0x3FA2] =	sst s8  }
0x11: {  	[smem:$0x3FA3] =	sst s9;
	s0 =	simm.s32 @!p0 $0x0  }
0x12: {  	s1 =	sld [smem:$0x3F89];
	s0 =	simm.s32 @p0 $0x1  }
0x13: {  	[smem:$0x3FA4] =	sst s0;
	s0 =	simm.s32 @!p1 $0x0  }
0x14: {  	s2 =	sld [smem:$0x3F88];
	s0 =	simm.s32 @p1 $0x1  }
0x15: {  	[smem:$0x3FA5] =	sst s0;
	s0 =	simm.s32 @!p2 $0x0  }
0x16: {  	s3 =	sld [smem:$0x3FDB];
	s0 =	simm.s32 @p2 $0x1  }
0x17: {  	s4 =	simm.s32 $0x1BF5;
	[smem:$0x3FA7] =	sst s0  }
0x18: {  	s0 =	sld [smem:$0x3F8A];
	_ =	swait.ge [sflag:s4], $0x0  }
0x19: {  	s7 =	sld [smem:$0x3F8B]  }
0x1a: {  	s8 =	sadd.s32 $0xFFFFE003, lr  }
0x1b: {  	s9 =	sadd.s32 $0xFFFFFEF7, lr;
	s5 =	simm.s32 $0xFFFFFFFF;
	p2 =	slt.u32 s8, $0xFFFFF086  }
0x1c: {  	p1 =	slt.u32 s9, $0xF7A;
	s5 =	simm.s32 @!p2 $0x0  }
0x1d: {  	s5 =	simm.s32 @p1 $0x1;
	p0 =	seq.s32 s7, s2  }
0x1e: {  	s7 =	smul.u32 @!p0 $0xF7A, s2;
	p2 =	seq.s32 @!p0 s5, $0x0  }
0x1f: {  	s9 =	smul.u32 $0xF7A, s1;
	s8 =	simm.s32 @!p0 $0x1BF5;
	p2 =	por !p2, p0  }
0x20: {  	[sflag:s8] =	ssyncset.s32 @!p0 $0xFFFFF086;
	s6 =	sadd.s32 @!p0 s3, s7;
	s7 =	simm.s32 @!p0 $0x108  }
0x21: {  	s3 =	sadd.s32 s3, s9;
	s6 =	sadd.s32 @!p0 $0x88, s6;
	s7 =	simm.s32 @p2 $0x1082  }
0x22: {  	[simem:s7], [sflag:s8] =	dma.local @!p0 [hbm:s6], $0xF7A  }
0x23: {  	s9 =	sor.u32 $0xD0000000, s2;
	s6 =	simm.s32 $0x108;
	_ =	swait.ge @!p0 [sflag:s8], $0x0  }
0x24: {  	s3 =	sadd.s32 $0x88, s3;
	s6 =	simm.s32 @!p1 $0x1082;
	[sflag:s4] =	ssyncset.s32 $0xFFFFF086  }
0x25: {  	[simem:s6], [sflag:s4] =	dma.local [hbm:s3], $0xF7A  }
0x26: {  	[smem:$0x3F8B] =	sst s1;
	(tag) =	ssettag s2;
	_ =	strace s9  }
0x27: {  	s1 =	sld [smem:$0x3F9B]  }
0x28: {  	s2 =	sld [smem:$0x3F9C]  }
0x29: {  	s4 =	sld [smem:$0x3F9E]  }
0x2a: {  	p0 =	seq.s32 s5, $0x0;
	s5 =	sld [smem:$0x3F9F]  }
0x2b: {  	s6 =	sld [smem:$0x3FA0]  }
0x2c: {  	s7 =	sld [smem:$0x3FA1]  }
0x2d: {  	s3 =	simm.s32 $0x108;
	s8 =	sld [smem:$0x3FA2]  }
0x2e: {  	s3 =	simm.s32 @!p0 $0x1082;
	s9 =	sld [smem:$0x3FA3]  }
0x2f: {  	lr =	sadd.s32 s0, s3;
	s0 =	sld [smem:$0x3F9A]  }
0x30: {  	s3 =	sld [smem:$0x3F9D]  }
0x31: {  	[smem:$0x3FA6] =	sst s10  }
0x32: {  	s10 =	sld [smem:$0x3FA4];
	_ =	sdelay $0x3  }
0x33: {  	p0 =	seq.s32 s10, $0x1;
	s10 =	sld [smem:$0x3FA6];
	_ =	sdelay $0x3  }
0x34: {  	[smem:$0x3FA6] =	sst s10  }
0x35: {  	s10 =	sld [smem:$0x3FA5];
	_ =	sdelay $0x3  }
0x36: {  	p1 =	seq.s32 s10, $0x1;
	s10 =	sld [smem:$0x3FA6];
	_ =	sdelay $0x3  }
0x37: {  	[smem:$0x3FA6] =	sst s10  }
0x38: {  	s10 =	sld [smem:$0x3FA7]  }
0x39: {  	_ = 	snop;
	(pc) =	sbr.ind lr, $3  }
0x3a: {  	_ = 	snop  }
0x3b: {  	_ = 	snop  }
0x3c: {  	p2 =	seq.s32 s10, $0x1;
	s10 =	sld [smem:$0x3FA6]  }
0x3d: {  	_ =	shalt  }
0x3e: {  	_ =	shalt  }
0x3f: {  	_ =	shalt  }
0x40: {  	_ =	shalt  }
0x41: {  	_ =	shalt  }
0x42: {  	_ =	shalt  }
0x43: {  	_ =	shalt  }
0x44: {  	_ =	shalt  }
0x45: {  	_ =	shalt  }
0x46: {  	_ =	shalt  }
0x47: {  	_ =	shalt  }
0x48: {  	_ =	shalt  }
0x49: {  	_ =	shalt  }
0x4a: {  	_ =	shalt  }
0x4b: {  	_ =	shalt  }
0x4c: {  	_ =	shalt  }
0x4d: {  	_ =	shalt  }
0x4e: {  	_ =	shalt  }
0x4f: {  	_ =	shalt  }
0x50: {  	_ =	shalt  }
0x51: {  	_ =	shalt  }
0x52: {  	_ =	shalt  }
0x53: {  	_ =	shalt  }
0x54: {  	_ =	shalt  }
0x55: {  	_ =	shalt  }
0x56: {  	_ =	shalt  }
0x57: {  	_ =	shalt  }
0x58: {  	_ =	shalt  }
0x59: {  	_ =	shalt  }
0x5a: {  	_ =	shalt  }
0x5b: {  	_ =	shalt  }
0x5c: {  	_ =	shalt  }
0x5d: {  	_ =	shalt  }
0x5e: {  	_ =	shalt  }
0x5f: {  	_ =	shalt  }
0x60: {  	_ =	shalt  }
0x61: {  	_ =	shalt  }
0x62: {  	_ =	shalt  }
0x63: {  	_ =	shalt  }
0x64: {  	_ =	shalt  }
0x65: {  	_ =	shalt  }
0x66: {  	_ =	shalt  }
0x67: {  	_ =	shalt  }
0x68: {  	_ =	shalt  }
0x69: {  	_ =	shalt  }
0x6a: {  	_ =	shalt  }
0x6b: {  	_ =	shalt  }
0x6c: {  	_ =	shalt  }
0x6d: {  	_ =	shalt  }
0x6e: {  	_ =	shalt  }
0x6f: {  	_ =	shalt  }
0x70: {  	_ =	shalt  }
0x71: {  	_ =	shalt  }
0x72: {  	_ =	shalt  }
0x73: {  	_ =	shalt  }
0x74: {  	_ =	shalt  }
0x75: {  	_ =	shalt  }
0x76: {  	_ =	shalt  }
0x77: {  	_ =	shalt  }
0x78: {  	_ =	shalt  }
0x79: {  	_ =	shalt  }
0x7a: {  	_ =	shalt  }
0x7b: {  	_ =	shalt  }
0x7c: {  	_ =	shalt  }
0x7d: {  	_ =	shalt  }
0x7e: {  	_ =	shalt  }
0x7f: {  	_ =	shalt  }
0x80: {  	_ =	shalt  }
0x81: {  	_ =	shalt  }
0x82: {  	_ =	shalt  }
0x83: {  	_ =	shalt  }
0x84: {  	_ =	shalt  }
0x85: {  	_ =	shalt  }
0x86: {  	_ =	shalt  }
0x87: {  	_ =	shalt  }
.Lfunc_end0:
.L_simem_size_0:
called_computation_lowered:
.L_overlay_start_0:
0x88: {  	s2 =	sld [smem:$0x3FD9]  }
0x89: {  	s3 =	sld [smem:$0x3FFE];
	_ =	sdelay $0x1  }
0x8a: {  	s1 =	srdreg.scid  }
0x8b: {  	s0 =	sand.u32 $0x1, s1  }
0x8c: {  	s16 =	sshll.u32 s0, $0xA;
	s2 =	sadd.s32 s3, s2  }
0x8d: {  	s2 =	sadd.s32 s2, s16  }
0x8e: {  	[smem:$0x3FB2] =	sst s2  }
0x8f: {  	_ = 	snop  }
0x90: {  	(tm) =	ssettm $0x1  }
0x91: {  	s17 =	sld [smem:$0x3FFB];
	_ =	sdelay $0x3  }
0x92: {  	_ =	strace s17  }
0x93: {  	s2 =	sld [smem:$0x3FFC];
	_ =	sdelay $0x3  }
0x94: {  	_ =	strace s2  }
0x95: {  	s2 =	sld [smem:$0x3FFD];
	_ =	sdelay $0x3  }
0x96: {  	_ =	strace s2  }
0x97: {  	_ =	strace $0x8FFFFFFF  }
0x98: {  	s18 =	sld [smem:$0x3FDB];
	_ =	sdelay $0x1  }
0x99: {  	s19 =	simm.s32 $_scs_section_size  }
0x9a: {  	s4 =	simm.s32 $_size__tile_overlayer_lowered;
	s5 =	simm.s32 $_tile_overlayer_lowered  }
0x9b: {  	s22 =	simm.s32 $0x1BFF;
	s21 =	sshll.u32 s5, $0x1;
	s2 =	sadd.s32 s19, s18  }
0x9c: {  	s6 =	simm.s32 $0x0;
	s20 =	sshll.u32 s4, $0x1;
	s4 =	sadd.s32 s21, s2  }
0x9d: {  	[timem:s6], [sflag:s22] =	dma.local [hbm:s4], s20  }
0x9e: {  	_ =	swait.ge [sflag:s22], s20  }
0x9f: {  	s3 =	ssub.s32 $0x0, s20;
	[sflag:s22] =	ssyncset.done $0x0  }
0xa0: {  	[sflag:s22] =	ssyncadd.s32 s3;
	_ =	sdelay $0x1  }
0xa1: {  	s23 =	simm.s32 $0x1B8B  }
0xa2: {  	_ =	swait.ge [sflag:s23], $0x1  }
0xa3: {  	[sflag:s23] =	ssyncset.done $0x0  }
0xa4: {  	s25 =	simm.s32 $0x1B8E;
	s24 =	sld [smem:$0x3FFE];
	[sflag:s23] =	ssyncadd.s32 $0xFFFFFFFF  }
0xa5: {  	s26 =	simm.s32 $execute0_lowered;
	[smem:$0x3FD2] =	sst s25  }
0xa6: {  	s4 =	sshll.u32 s26, $0x1;
	_ =	strace $0x80000046;
	[dreg:$0x1] =	wrdreg $0xFFFFFFFF  }
0xa7: {  	s28 =	simm.s32 $_size_execute0_lowered;
	s2 =	sadd.s32 s2, s4;
	[dreg:$0x0] =	wrdreg $0x0  }
0xa8: {  	s4 =	sshll.u32 s28, $0x1;
	[dreg:$0x2] =	wrdreg s2  }
0xa9: {  	[dreg:$0x3] =	wrdreg s4  }
0xaa: {  	[dreg:$0x4] =	wrdreg $0xC0  }
0xab: {  	_ =	task [dreg:s6], $0x5FFFF  }
0xac: {  	[dreg:$0x1] =	wrdreg $0xFFFFFFFF  }
0xad: {  	[dreg:$0x0] =	wrdreg $0x60  }
0xae: {  	[dreg:$0x2] =	wrdreg s24  }
0xaf: {  	[dreg:$0x3] =	wrdreg $0x9  }
0xb0: {  	_ =	task.clear_ibuf [dreg:s6], $0x4FFFF;
	_ =	strace $0x90000046  }
0xb1: {  	s29 =	simm.s32 $0x9;
	_ =	strace $0x80000048  }
0xb2: {  	_ =	swait.ge [sflag:s29], $0x1  }
0xb3: {  	[sflag:s29] =	ssyncadd.s32 $0xFFFFFFFF  }
0xb4: {  	_ =	strace $0x90000048  }
0xb5: {  	_ =	sfence  }
0xb6: {  	s30 =	sld [smem:$0x0];
	_ =	sdelay $0x2  }
0xb7: {  	s31 =	sshll.u32 s1, $0xD;
	s1 =	sshrl.u32 s1, $0x2  }
0xb8: {  	s3 =	sand.u32 $0x4000, s31;
	s1 =	sadd.s32 s1, s30  }
0xb9: {  	s0 =	sor.u32 s3, s0;
	s1 =	sshll.u32 s1, $0x11  }
0xba: {  	s0 =	sor.u32 s1, s0  }
0xbb: {  	s0 =	sadd.s32 $0x8F2B, s0  }
0xbc: {  	[sflag:s0] =	ssyncadd.remote.s32 $0x1  }
0xbd: {  	_ =	sfence.sel $0xFFFF  }
0xbe: {  	[dreg:$0x0] =	wrdreg $0xFFFFFFFF;
	(pc) =	sbr.abs _section_cstart, $3  }
0xbf: {  	[dreg:$0x1] =	wrdreg $0xFFFFFFFF  }
0xc0: {  	_ =	task.clear_ibuf [dreg:s6], $0x2FFFF;
	_ =	strace $0x9FFFFFFF  }
0xc1: {  	(tm) =	ssettm $0x7FFFFFFF  }
tec
execute0_lowered:
.L_overlay_start_1:
0x0: {  	(tag) =	ssettag $0x1  }
0x1: {  	s4 =	rddreg [dreg:$0x0]  }
0x2: {  	s0 =	rddreg [dreg:$0x1]  }
0x3: {  	s3 =	srdreg.scid;
	s1 =	stileid.u32;
	s2 =	simm.s32 $0x0  }
0x4: {  	s11 =	simm.s32 $0x2400;
	s12 =	simm.s32 $0x2C00;
	s13 =	simm.s32 $0x3400  }
0x5: {  	s14 =	simm.s32 $0x3C00;
	s15 =	simm.s32 $0x4400;
	s16 =	simm.s32 $0x4C00  }
0x6: {  	s17 =	simm.s32 $0x5400;
	s18 =	simm.s32 $0x5C00;
	s19 =	simm.s32 $0x1  }
0x7: {  	s20 =	simm.s32 $0x0;
	s5 =	sand.u32 $0x1, s3;
	s28 =	sshll.u32 s1, $0x1  }
0x8: {  	[smem:$0x7FF] =	sst s2;
	s7 =	smul.u32 $0x5000, s1;
	s3 =	sor.u32 s5, s28  }
0x9: {  	_ =	strace $0x80000047;
	s8 =	ssub.s32 $0x2, s5;
	s10 =	smul.u32 $0x2800, s5  }
0xa: {  	s6 =	smul.u32 $0x1400, s3;
	s3 =	sadd.s32 $0x4800, s4;
	s9 =	sshrl.u32 s8, $0x1  }
0xb: {  	s30 =	sadd.s32 s7, s4;
	s7 =	simm.s32 $0x2;
	s31 =	ssub.s32 s8, s9  }
0xc: {  	s8 =	simm.s32 $0x80;
	s9 =	simm.s32 $0x1400;
	s6 =	sshrl.u32 s6, $0x3  }
0xd: {  	s5 =	smax.u32 s31, $0x1;
	s29 =	sadd.s32 s6, s4;
	s6 =	sadd.s32 s10, s30  }
0xe: {  	s10 =	simm.s32 $0x1C00;
	s4 =	sadd.s32 $0x9800, s29;
	s6 =	sadd.s32 $0xE800, s6  }
.LBB2_1:
0xf: {  	[tilespmem:s2], [sflag:$0x2] =	stream.linear.gather [hbm4b:s4+s2], $0x1400, $0x38;
	[tilespmem:$0x6400] =	vst v63  }
0x10: {  	_ =	swait.ge [sflag:s7], $0x1400  }
0x11: {  	[sflag:s7] =	ssyncset.done $0x0  }
0x12: {  	s21 =	simm.s32 $0x0;
	[sflag:s7] =	ssyncadd.s32 $0xFFFFEC00  }
0x13: {  	[tilespmem:s9], [sflag:$0x1] =	stream.indirect.gather [hbm4b:s3+s8], $0x10, s21, s8, $0xb8;
	[tilespmem:$0x6400] =	vst v63  }
0x14: {  	s22 =	simm.s32 $0x80  }
0x15: {  	[tilespmem:s10], [sflag:$0x1] =	stream.indirect.gather [hbm4b:s3+s8], $0x10, s22, s8, $0xb8;
	[tilespmem:$0x6400] =	vst v63  }
0x16: {  	s23 =	simm.s32 $0x100  }
0x17: {  	[tilespmem:s11], [sflag:$0x1] =	stream.indirect.gather [hbm4b:s3+s8], $0x10, s23, s8, $0xb8;
	[tilespmem:$0x6400] =	vst v63  }
0x18: {  	s24 =	simm.s32 $0x180  }
0x19: {  	[tilespmem:s12], [sflag:$0x1] =	stream.indirect.gather [hbm4b:s3+s8], $0x10, s24, s8, $0xb8;
	[tilespmem:$0x6400] =	vst v63  }
0x1a: {  	s25 =	simm.s32 $0x200  }
0x1b: {  	[tilespmem:s13], [sflag:$0x1] =	stream.indirect.gather [hbm4b:s3+s8], $0x10, s25, s8, $0xb8;
	[tilespmem:$0x6400] =	vst v63  }
0x1c: {  	s26 =	simm.s32 $0x280  }
0x1d: {  	[tilespmem:s14], [sflag:$0x1] =	stream.indirect.gather [hbm4b:s3+s8], $0x10, s26, s8, $0xb8;
	[tilespmem:$0x6400] =	vst v63  }
0x1e: {  	s28 =	simm.s32 $0x300  }
0x1f: {  	[tilespmem:s15], [sflag:$0x1] =	stream.indirect.gather [hbm4b:s3+s8], $0x10, s28, s8, $0xb8;
	[tilespmem:$0x6400] =	vst v63  }
0x20: {  	s29 =	simm.s32 $0x380  }
0x21: {  	[tilespmem:s16], [sflag:$0x1] =	stream.indirect.gather [hbm4b:s3+s8], $0x10, s29, s8, $0xb8;
	[tilespmem:$0x6400] =	vst v63  }
0x22: {  	s30 =	simm.s32 $0x400  }
0x23: {  	[tilespmem:s17], [sflag:$0x1] =	stream.indirect.gather [hbm4b:s3+s8], $0x10, s30, s8, $0xb8;
	[tilespmem:$0x6400] =	vst v63  }
0x24: {  	s31 =	simm.s32 $0x480  }
0x25: {  	[tilespmem:s18], [sflag:$0x1] =	stream.indirect.gather [hbm4b:s3+s8], $0x10, s31, s8, $0xb8;
	[tilespmem:$0x6400] =	vst v63  }
0x26: {  	_ =	swait.ge [sflag:s19], $0x800  }
0x27: {  	[sflag:s19] =	ssyncset.done $0x0  }
0x28: {  	[sflag:s19] =	ssyncadd.s32 $0xFFFFF800  }
0x29: {  	_ =	swait.ge [sflag:s19], $0x800  }
0x2a: {  	[sflag:s19] =	ssyncset.done $0x0  }
0x2b: {  	[sflag:s19] =	ssyncadd.s32 $0xFFFFF800  }
0x2c: {  	_ =	swait.ge [sflag:s19], $0x800  }
0x2d: {  	[sflag:s19] =	ssyncset.done $0x0  }
0x2e: {  	[sflag:s19] =	ssyncadd.s32 $0xFFFFF800  }
0x2f: {  	_ =	swait.ge [sflag:s19], $0x800  }
0x30: {  	[sflag:s19] =	ssyncset.done $0x0  }
0x31: {  	[sflag:s19] =	ssyncadd.s32 $0xFFFFF800  }
0x32: {  	_ =	swait.ge [sflag:s19], $0x800  }
0x33: {  	[sflag:s19] =	ssyncset.done $0x0  }
0x34: {  	[sflag:s19] =	ssyncadd.s32 $0xFFFFF800  }
0x35: {  	_ =	swait.ge [sflag:s19], $0x800  }
0x36: {  	[sflag:s19] =	ssyncset.done $0x0  }
0x37: {  	[sflag:s19] =	ssyncadd.s32 $0xFFFFF800  }
0x38: {  	_ =	swait.ge [sflag:s19], $0x800  }
0x39: {  	[sflag:s19] =	ssyncset.done $0x0  }
0x3a: {  	[sflag:s19] =	ssyncadd.s32 $0xFFFFF800  }
0x3b: {  	_ =	swait.ge [sflag:s19], $0x800  }
0x3c: {  	[sflag:s19] =	ssyncset.done $0x0  }
0x3d: {  	[sflag:s19] =	ssyncadd.s32 $0xFFFFF800  }
0x3e: {  	_ =	swait.ge [sflag:s19], $0x800  }
0x3f: {  	[sflag:s19] =	ssyncset.done $0x0  }
0x40: {  	[sflag:s19] =	ssyncadd.s32 $0xFFFFF800  }
0x41: {  	_ =	swait.ge [sflag:s19], $0x800  }
0x42: {  	[sflag:s19] =	ssyncset.done $0x0  }
0x43: {  	[sflag:s19] =	ssyncadd.s32 $0xFFFFF800  }
0x44: {  	[hbm4b:s6+s2] =	stream.linear.scatter [tilespmem:s9], [sflag:$0x2], $0x5000, $0x38;
	[tilespmem:$0x6400] =	vst v63  }
0x45: {  	s21 =	sadd.s32 $0xA00, s6;
	_ =	swait.ge [sflag:s7], $0x5000  }
0x46: {  	s22 =	simm.s32 $0x1400;
	s24 =	simm.s32 $0x2800;
	[sflag:s7] =	ssyncset.done $0x0  }
.LBB2_2:
0x47: {  	s25 =	sshra.s32 s22, $0x2  }
0x48: {  	[sflag:s7] =	ssyncadd.s32 $0xFFFFB000;
	s22 =	smov.u32 s24;
	s23 =	sadd.s32 $0x1400, s24  }
0x49: {  	[tilespmem:s9], [sflag:$0x1] =	stream.indirect.gather [hbm4b:s3+s8], $0x10, s25, s8, $0xb8;
	[tilespmem:$0x6400] =	vst v63  }
0x4a: {  	p0 =	sne.s32 s24, $0x3C00;
	s24 =	sadd.s32 $0x80, s25  }
0x4b: {  	[tilespmem:s10], [sflag:$0x1] =	stream.indirect.gather [hbm4b:s3+s8], $0x10, s24, s8, $0xb8;
	[tilespmem:$0x6400] =	vst v63  }
0x4c: {  	s24 =	sadd.s32 $0x100, s25  }
0x4d: {  	[tilespmem:s11], [sflag:$0x1] =	stream.indirect.gather [hbm4b:s3+s8], $0x10, s24, s8, $0xb8;
	[tilespmem:$0x6400] =	vst v63  }
0x4e: {  	s24 =	sadd.s32 $0x180, s25  }
0x4f: {  	[tilespmem:s12], [sflag:$0x1] =	stream.indirect.gather [hbm4b:s3+s8], $0x10, s24, s8, $0xb8;
	[tilespmem:$0x6400] =	vst v63  }
0x50: {  	s24 =	sadd.s32 $0x200, s25  }
0x51: {  	[tilespmem:s13], [sflag:$0x1] =	stream.indirect.gather [hbm4b:s3+s8], $0x10, s24, s8, $0xb8;
	[tilespmem:$0x6400] =	vst v63  }
0x52: {  	s24 =	sadd.s32 $0x280, s25  }
0x53: {  	[tilespmem:s14], [sflag:$0x1] =	stream.indirect.gather [hbm4b:s3+s8], $0x10, s24, s8, $0xb8;
	[tilespmem:$0x6400] =	vst v63  }
0x54: {  	s24 =	sadd.s32 $0x300, s25  }
0x55: {  	[tilespmem:s15], [sflag:$0x1] =	stream.indirect.gather [hbm4b:s3+s8], $0x10, s24, s8, $0xb8;
	[tilespmem:$0x6400] =	vst v63  }
0x56: {  	s24 =	sadd.s32 $0x380, s25  }
0x57: {  	[tilespmem:s16], [sflag:$0x1] =	stream.indirect.gather [hbm4b:s3+s8], $0x10, s24, s8, $0xb8;
	[tilespmem:$0x6400] =	vst v63  }
0x58: {  	s24 =	sadd.s32 $0x400, s25  }
0x59: {  	[tilespmem:s17], [sflag:$0x1] =	stream.indirect.gather [hbm4b:s3+s8], $0x10, s24, s8, $0xb8;
	[tilespmem:$0x6400] =	vst v63  }
0x5a: {  	s24 =	sadd.s32 $0x480, s25  }
0x5b: {  	[tilespmem:s18], [sflag:$0x1] =	stream.indirect.gather [hbm4b:s3+s8], $0x10, s24, s8, $0xb8;
	[tilespmem:$0x6400] =	vst v63  }
0x5c: {  	_ =	swait.ge [sflag:s19], $0x800  }
0x5d: {  	[sflag:s19] =	ssyncset.done $0x0  }
0x5e: {  	[sflag:s19] =	ssyncadd.s32 $0xFFFFF800  }
0x5f: {  	_ =	swait.ge [sflag:s19], $0x800  }
0x60: {  	[sflag:s19] =	ssyncset.done $0x0  }
0x61: {  	[sflag:s19] =	ssyncadd.s32 $0xFFFFF800  }
0x62: {  	_ =	swait.ge [sflag:s19], $0x800  }
0x63: {  	[sflag:s19] =	ssyncset.done $0x0  }
0x64: {  	[sflag:s19] =	ssyncadd.s32 $0xFFFFF800  }
0x65: {  	_ =	swait.ge [sflag:s19], $0x800  }
0x66: {  	[sflag:s19] =	ssyncset.done $0x0  }
0x67: {  	[sflag:s19] =	ssyncadd.s32 $0xFFFFF800  }
0x68: {  	_ =	swait.ge [sflag:s19], $0x800  }
0x69: {  	[sflag:s19] =	ssyncset.done $0x0  }
0x6a: {  	[sflag:s19] =	ssyncadd.s32 $0xFFFFF800  }
0x6b: {  	_ =	swait.ge [sflag:s19], $0x800  }
0x6c: {  	[sflag:s19] =	ssyncset.done $0x0  }
0x6d: {  	[sflag:s19] =	ssyncadd.s32 $0xFFFFF800  }
0x6e: {  	_ =	swait.ge [sflag:s19], $0x800  }
0x6f: {  	[sflag:s19] =	ssyncset.done $0x0  }
0x70: {  	[sflag:s19] =	ssyncadd.s32 $0xFFFFF800  }
0x71: {  	_ =	swait.ge [sflag:s19], $0x800  }
0x72: {  	[sflag:s19] =	ssyncset.done $0x0  }
0x73: {  	[sflag:s19] =	ssyncadd.s32 $0xFFFFF800  }
0x74: {  	_ =	swait.ge [sflag:s19], $0x800  }
0x75: {  	[sflag:s19] =	ssyncset.done $0x0  }
0x76: {  	[sflag:s19] =	ssyncadd.s32 $0xFFFFF800  }
0x77: {  	_ =	swait.ge [sflag:s19], $0x800  }
.Ltmp0:
0x78: {  	[sflag:s19] =	ssyncset.done $0x0;
	(pc) =	sbr.rel @p0 .LBB2_2-.Ltmp0, $4  }
0x79: {  	[sflag:s19] =	ssyncadd.s32 $0xFFFFF800  }
0x7a: {  	[hbm4b:s21+s2] =	stream.linear.scatter [tilespmem:s9], [sflag:$0x2], $0x5000, $0x38;
	[tilespmem:$0x6400] =	vst v63  }
0x7b: {  	_ =	swait.ge [sflag:s7], $0x5000  }
0x7c: {  	s24 =	smov.u32 s23;
	s21 =	sadd.s32 $0xA00, s21;
	[sflag:s7] =	ssyncset.done $0x0  }
0x7d: {  	s22 =	sshra.s32 s22, $0x2;
	[sflag:s7] =	ssyncadd.s32 $0xFFFFB000  }
0x7e: {  	[tilespmem:s9], [sflag:$0x1] =	stream.indirect.gather [hbm4b:s3+s8], $0x10, s22, s8, $0xb8;
	[tilespmem:$0x6400] =	vst v63  }
0x7f: {  	s23 =	sadd.s32 $0x80, s22  }
0x80: {  	[tilespmem:s10], [sflag:$0x1] =	stream.indirect.gather [hbm4b:s3+s8], $0x10, s23, s8, $0xb8;
	[tilespmem:$0x6400] =	vst v63  }
0x81: {  	s24 =	sadd.s32 $0x100, s22  }
0x82: {  	[tilespmem:s11], [sflag:$0x1] =	stream.indirect.gather [hbm4b:s3+s8], $0x10, s24, s8, $0xb8;
	[tilespmem:$0x6400] =	vst v63  }
0x83: {  	s25 =	sadd.s32 $0x180, s22  }
0x84: {  	[tilespmem:s12], [sflag:$0x1] =	stream.indirect.gather [hbm4b:s3+s8], $0x10, s25, s8, $0xb8;
	[tilespmem:$0x6400] =	vst v63  }
0x85: {  	s26 =	sadd.s32 $0x200, s22  }
0x86: {  	[tilespmem:s13], [sflag:$0x1] =	stream.indirect.gather [hbm4b:s3+s8], $0x10, s26, s8, $0xb8;
	[tilespmem:$0x6400] =	vst v63  }
0x87: {  	s28 =	sadd.s32 $0x280, s22  }
0x88: {  	[tilespmem:s14], [sflag:$0x1] =	stream.indirect.gather [hbm4b:s3+s8], $0x10, s28, s8, $0xb8;
	[tilespmem:$0x6400] =	vst v63  }
0x89: {  	s29 =	sadd.s32 $0x300, s22  }
0x8a: {  	[tilespmem:s15], [sflag:$0x1] =	stream.indirect.gather [hbm4b:s3+s8], $0x10, s29, s8, $0xb8;
	[tilespmem:$0x6400] =	vst v63  }
0x8b: {  	s30 =	sadd.s32 $0x380, s22  }
0x8c: {  	[tilespmem:s16], [sflag:$0x1] =	stream.indirect.gather [hbm4b:s3+s8], $0x10, s30, s8, $0xb8;
	[tilespmem:$0x6400] =	vst v63  }
0x8d: {  	s31 =	sadd.s32 $0x400, s22  }
0x8e: {  	[tilespmem:s17], [sflag:$0x1] =	stream.indirect.gather [hbm4b:s3+s8], $0x10, s31, s8, $0xb8;
	[tilespmem:$0x6400] =	vst v63  }
0x8f: {  	s22 =	sadd.s32 $0x480, s22  }
0x90: {  	[tilespmem:s18], [sflag:$0x1] =	stream.indirect.gather [hbm4b:s3+s8], $0x10, s22, s8, $0xb8;
	[tilespmem:$0x6400] =	vst v63  }
0x91: {  	_ =	swait.ge [sflag:s19], $0x800  }
0x92: {  	[sflag:s19] =	ssyncset.done $0x0  }
0x93: {  	[sflag:s19] =	ssyncadd.s32 $0xFFFFF800  }
0x94: {  	_ =	swait.ge [sflag:s19], $0x800  }
0x95: {  	[sflag:s19] =	ssyncset.done $0x0  }
0x96: {  	[sflag:s19] =	ssyncadd.s32 $0xFFFFF800  }
0x97: {  	_ =	swait.ge [sflag:s19], $0x800  }
0x98: {  	[sflag:s19] =	ssyncset.done $0x0  }
0x99: {  	[sflag:s19] =	ssyncadd.s32 $0xFFFFF800  }
0x9a: {  	_ =	swait.ge [sflag:s19], $0x800  }
0x9b: {  	[sflag:s19] =	ssyncset.done $0x0  }
0x9c: {  	[sflag:s19] =	ssyncadd.s32 $0xFFFFF800  }
0x9d: {  	_ =	swait.ge [sflag:s19], $0x800  }
0x9e: {  	[sflag:s19] =	ssyncset.done $0x0  }
0x9f: {  	[sflag:s19] =	ssyncadd.s32 $0xFFFFF800  }
0xa0: {  	_ =	swait.ge [sflag:s19], $0x800  }
0xa1: {  	[sflag:s19] =	ssyncset.done $0x0  }
0xa2: {  	[sflag:s19] =	ssyncadd.s32 $0xFFFFF800  }
0xa3: {  	_ =	swait.ge [sflag:s19], $0x800  }
0xa4: {  	[sflag:s19] =	ssyncset.done $0x0  }
0xa5: {  	[sflag:s19] =	ssyncadd.s32 $0xFFFFF800  }
0xa6: {  	_ =	swait.ge [sflag:s19], $0x800  }
0xa7: {  	[sflag:s19] =	ssyncset.done $0x0  }
0xa8: {  	[sflag:s19] =	ssyncadd.s32 $0xFFFFF800  }
0xa9: {  	_ =	swait.ge [sflag:s19], $0x800  }
0xaa: {  	[sflag:s19] =	ssyncset.done $0x0  }
0xab: {  	[sflag:s19] =	ssyncadd.s32 $0xFFFFF800  }
0xac: {  	s20 =	sadd.s32 $0x1, s20;
	_ =	swait.ge [sflag:s19], $0x800  }
0xad: {  	p0 =	sne.s32 s20, s5;
	[sflag:s19] =	ssyncset.done $0x0  }
.Ltmp1:
0xae: {  	[sflag:s19] =	ssyncadd.s32 $0xFFFFF800;
	(pc) =	sbr.rel @p0 .LBB2_1-.Ltmp1, $4  }
0xaf: {  	[hbm4b:s21+s2] =	stream.linear.scatter [tilespmem:s9], [sflag:$0x2], $0x5000, $0x38;
	[tilespmem:$0x6400] =	vst v63  }
0xb0: {  	_ =	swait.ge [sflag:s7], $0x5000  }
0xb1: {  	[sflag:s7] =	ssyncset.done $0x0  }
0xb2: {  	[sflag:s7] =	ssyncadd.s32 $0xFFFFB000  }
0xb3: {  	_ =	sfence.sel $0x180000  }
0xb4: {  	[bflag:$0x0] =	sbarrier.arrive $0xFFFF  }
0xb5: {  	p0 =	sne.s32 s1, $0x0;
	_ =	strace $0x90000047  }
0xb6: {  	s0 =	sadd.s32 @!p0 $0x100000, s0;
	[bflag:$0x2] =	sbarrier.arrive $0xFFFF  }
0xb7: {  	[sflag:s0] =	ssyncadd.tile.s32 @!p0 $0x1;
	_ =	shalt  }
.Lfunc_end2:
_tile_overlayer_lowered:
.L_overlay_start_2:
0xb8: {  	(tag) =	ssettag $0x2  }
0xb9: {  	s0 =	rddreg [dreg:$0x0];
	s2 =	stileid.u32  }
0xba: {  	s1 =	rddreg [dreg:$0x1];
	p0 =	sne.s32 s2, $0x0  }
0xbb: {  	s3 =	rddreg [dreg:$0x2];
	[bflag:$0x3] =	sbarrier.arrive $0xFFFF;
	s2 =	simm.s32 @!p0 $0x1C02  }
0xbc: {  	[timem:s3], [sflag:s2] =	dma.local @!p0 [hbm:s0], s1  }
0xbd: {  	s0 =	simm.s32 @!p0 $0x2  }
0xbe: {  	_ =	swait.ge @!p0 [sflag:s0], s1  }
0xbf: {  	s1 =	ssub.s32 @!p0 $0x0, s1;
	[sflag:s0] =	ssyncset.done @!p0 $0x0  }
0xc0: {  	[sflag:s0] =	ssyncadd.s32 @!p0 s1  }
0xc1: {  	[bflag:$0x3] =	sbarrier.arrive $0xFFFF  }
0xc2: {  	_ =	shalt  }

// kernel: kernel.14.cloned.1.call-start
scs
__scs_entry_jumppad:
0x0: {  	(pc) =	sbr.rel $0x88, $3  }
0x1: {  	(tag) =	ssettag $0x0;
	lr =	simm.s32 $0x1  }
0x2: {  	[smem:$0x3F8B] =	sst lr;
	_ =	strace $0xD0000000  }
0x3: {  	_ = 	snop  }
0x4: {  	_ = 	snop  }
0x5: {  	_ = 	snop  }
0x6: {  	_ = 	snop  }
0x7: {  	_ = 	snop  }
__scs_overlays_trampoline_lowered:
0x8: {  	[smem:$0x3F9A] =	sst s0  }
0x9: {  	[smem:$0x3F9B] =	sst s1  }
0xa: {  	[smem:$0x3F9C] =	sst s2  }
0xb: {  	[smem:$0x3F9D] =	sst s3  }
0xc: {  	[smem:$0x3F9E] =	sst s4  }
0xd: {  	[smem:$0x3F9F] =	sst s5  }
0xe: {  	[smem:$0x3FA0] =	sst s6  }
0xf: {  	[smem:$0x3FA1] =	sst s7  }
0x10: {  	[smem:$0x3FA2] =	sst s8  }
0x11: {  	[smem:$0x3FA3] =	sst s9;
	s0 =	simm.s32 @!p0 $0x0  }
0x12: {  	s1 =	sld [smem:$0x3F89];
	s0 =	simm.s32 @p0 $0x1  }
0x13: {  	[smem:$0x3FA4] =	sst s0;
	s0 =	simm.s32 @!p1 $0x0  }
0x14: {  	s2 =	sld [smem:$0x3F88];
	s0 =	simm.s32 @p1 $0x1  }
0x15: {  	[smem:$0x3FA5] =	sst s0;
	s0 =	simm.s32 @!p2 $0x0  }
0x16: {  	s3 =	sld [smem:$0x3FDB];
	s0 =	simm.s32 @p2 $0x1  }
0x17: {  	s4 =	simm.s32 $0x1BF5;
	[smem:$0x3FA7] =	sst s0  }
0x18: {  	s0 =	sld [smem:$0x3F8A];
	_ =	swait.ge [sflag:s4], $0x0  }
0x19: {  	s7 =	sld [smem:$0x3F8B]  }
0x1a: {  	s8 =	sadd.s32 $0xFFFFE003, lr  }
0x1b: {  	s9 =	sadd.s32 $0xFFFFFEF7, lr;
	s5 =	simm.s32 $0xFFFFFFFF;
	p2 =	slt.u32 s8, $0xFFFFF086  }
0x1c: {  	p1 =	slt.u32 s9, $0xF7A;
	s5 =	simm.s32 @!p2 $0x0  }
0x1d: {  	s5 =	simm.s32 @p1 $0x1;
	p0 =	seq.s32 s7, s2  }
0x1e: {  	s7 =	smul.u32 @!p0 $0xF7A, s2;
	p2 =	seq.s32 @!p0 s5, $0x0  }
0x1f: {  	s9 =	smul.u32 $0xF7A, s1;
	s8 =	simm.s32 @!p0 $0x1BF5;
	p2 =	por !p2, p0  }
0x20: {  	[sflag:s8] =	ssyncset.s32 @!p0 $0xFFFFF086;
	s6 =	sadd.s32 @!p0 s3, s7;
	s7 =	simm.s32 @!p0 $0x108  }
0x21: {  	s3 =	sadd.s32 s3, s9;
	s6 =	sadd.s32 @!p0 $0x88, s6;
	s7 =	simm.s32 @p2 $0x1082  }
0x22: {  	[simem:s7], [sflag:s8] =	dma.local @!p0 [hbm:s6], $0xF7A  }
0x23: {  	s9 =	sor.u32 $0xD0000000, s2;
	s6 =	simm.s32 $0x108;
	_ =	swait.ge @!p0 [sflag:s8], $0x0  }
0x24: {  	s3 =	sadd.s32 $0x88, s3;
	s6 =	simm.s32 @!p1 $0x1082;
	[sflag:s4] =	ssyncset.s32 $0xFFFFF086  }
0x25: {  	[simem:s6], [sflag:s4] =	dma.local [hbm:s3], $0xF7A  }
0x26: {  	[smem:$0x3F8B] =	sst s1;
	(tag) =	ssettag s2;
	_ =	strace s9  }
0x27: {  	s1 =	sld [smem:$0x3F9B]  }
0x28: {  	s2 =	sld [smem:$0x3F9C]  }
0x29: {  	s4 =	sld [smem:$0x3F9E]  }
0x2a: {  	p0 =	seq.s32 s5, $0x0;
	s5 =	sld [smem:$0x3F9F]  }
0x2b: {  	s6 =	sld [smem:$0x3FA0]  }
0x2c: {  	s7 =	sld [smem:$0x3FA1]  }
0x2d: {  	s3 =	simm.s32 $0x108;
	s8 =	sld [smem:$0x3FA2]  }
0x2e: {  	s3 =	simm.s32 @!p0 $0x1082;
	s9 =	sld [smem:$0x3FA3]  }
0x2f: {  	lr =	sadd.s32 s0, s3;
	s0 =	sld [smem:$0x3F9A]  }
0x30: {  	s3 =	sld [smem:$0x3F9D]  }
0x31: {  	[smem:$0x3FA6] =	sst s10  }
0x32: {  	s10 =	sld [smem:$0x3FA4];
	_ =	sdelay $0x3  }
0x33: {  	p0 =	seq.s32 s10, $0x1;
	s10 =	sld [smem:$0x3FA6];
	_ =	sdelay $0x3  }
0x34: {  	[smem:$0x3FA6] =	sst s10  }
0x35: {  	s10 =	sld [smem:$0x3FA5];
	_ =	sdelay $0x3  }
0x36: {  	p1 =	seq.s32 s10, $0x1;
	s10 =	sld [smem:$0x3FA6];
	_ =	sdelay $0x3  }
0x37: {  	[smem:$0x3FA6] =	sst s10  }
0x38: {  	s10 =	sld [smem:$0x3FA7]  }
0x39: {  	_ = 	snop;
	(pc) =	sbr.ind lr, $3  }
0x3a: {  	_ = 	snop  }
0x3b: {  	_ = 	snop  }
0x3c: {  	p2 =	seq.s32 s10, $0x1;
	s10 =	sld [smem:$0x3FA6]  }
0x3d: {  	_ =	shalt  }
0x3e: {  	_ =	shalt  }
0x3f: {  	_ =	shalt  }
0x40: {  	_ =	shalt  }
0x41: {  	_ =	shalt  }
0x42: {  	_ =	shalt  }
0x43: {  	_ =	shalt  }
0x44: {  	_ =	shalt  }
0x45: {  	_ =	shalt  }
0x46: {  	_ =	shalt  }
0x47: {  	_ =	shalt  }
0x48: {  	_ =	shalt  }
0x49: {  	_ =	shalt  }
0x4a: {  	_ =	shalt  }
0x4b: {  	_ =	shalt  }
0x4c: {  	_ =	shalt  }
0x4d: {  	_ =	shalt  }
0x4e: {  	_ =	shalt  }
0x4f: {  	_ =	shalt  }
0x50: {  	_ =	shalt  }
0x51: {  	_ =	shalt  }
0x52: {  	_ =	shalt  }
0x53: {  	_ =	shalt  }
0x54: {  	_ =	shalt  }
0x55: {  	_ =	shalt  }
0x56: {  	_ =	shalt  }
0x57: {  	_ =	shalt  }
0x58: {  	_ =	shalt  }
0x59: {  	_ =	shalt  }
0x5a: {  	_ =	shalt  }
0x5b: {  	_ =	shalt  }
0x5c: {  	_ =	shalt  }
0x5d: {  	_ =	shalt  }
0x5e: {  	_ =	shalt  }
0x5f: {  	_ =	shalt  }
0x60: {  	_ =	shalt  }
0x61: {  	_ =	shalt  }
0x62: {  	_ =	shalt  }
0x63: {  	_ =	shalt  }
0x64: {  	_ =	shalt  }
0x65: {  	_ =	shalt  }
0x66: {  	_ =	shalt  }
0x67: {  	_ =	shalt  }
0x68: {  	_ =	shalt  }
0x69: {  	_ =	shalt  }
0x6a: {  	_ =	shalt  }
0x6b: {  	_ =	shalt  }
0x6c: {  	_ =	shalt  }
0x6d: {  	_ =	shalt  }
0x6e: {  	_ =	shalt  }
0x6f: {  	_ =	shalt  }
0x70: {  	_ =	shalt  }
0x71: {  	_ =	shalt  }
0x72: {  	_ =	shalt  }
0x73: {  	_ =	shalt  }
0x74: {  	_ =	shalt  }
0x75: {  	_ =	shalt  }
0x76: {  	_ =	shalt  }
0x77: {  	_ =	shalt  }
0x78: {  	_ =	shalt  }
0x79: {  	_ =	shalt  }
0x7a: {  	_ =	shalt  }
0x7b: {  	_ =	shalt  }
0x7c: {  	_ =	shalt  }
0x7d: {  	_ =	shalt  }
0x7e: {  	_ =	shalt  }
0x7f: {  	_ =	shalt  }
0x80: {  	_ =	shalt  }
0x81: {  	_ =	shalt  }
0x82: {  	_ =	shalt  }
0x83: {  	_ =	shalt  }
0x84: {  	_ =	shalt  }
0x85: {  	_ =	shalt  }
0x86: {  	_ =	shalt  }
0x87: {  	_ =	shalt  }
.Lfunc_end0:
.L_simem_size_0:
called_computation.1_lowered:
.L_overlay_start_0:
0x88: {  	s2 =	sld [smem:$0x3FD9]  }
0x89: {  	s3 =	sld [smem:$0x3FFE];
	_ =	sdelay $0x1  }
0x8a: {  	s1 =	srdreg.scid  }
0x8b: {  	s0 =	sand.u32 $0x1, s1  }
0x8c: {  	s16 =	sshll.u32 s0, $0xA;
	s2 =	sadd.s32 s3, s2  }
0x8d: {  	s2 =	sadd.s32 s2, s16  }
0x8e: {  	[smem:$0x3FB2] =	sst s2  }
0x8f: {  	_ = 	snop  }
0x90: {  	(tm) =	ssettm $0x1  }
0x91: {  	s17 =	sld [smem:$0x3FFB];
	_ =	sdelay $0x3  }
0x92: {  	_ =	strace s17  }
0x93: {  	s2 =	sld [smem:$0x3FFC];
	_ =	sdelay $0x3  }
0x94: {  	_ =	strace s2  }
0x95: {  	s2 =	sld [smem:$0x3FFD];
	_ =	sdelay $0x3  }
0x96: {  	_ =	strace s2  }
0x97: {  	_ =	strace $0x8FFFFFFF  }
0x98: {  	s18 =	sld [smem:$0x3FDB];
	_ =	sdelay $0x1  }
0x99: {  	s19 =	simm.s32 $_scs_section_size  }
0x9a: {  	s4 =	simm.s32 $_size__tile_overlayer_lowered;
	s5 =	simm.s32 $_tile_overlayer_lowered  }
0x9b: {  	s22 =	simm.s32 $0x1BFF;
	s21 =	sshll.u32 s5, $0x1;
	s2 =	sadd.s32 s19, s18  }
0x9c: {  	s6 =	simm.s32 $0x0;
	s20 =	sshll.u32 s4, $0x1;
	s4 =	sadd.s32 s21, s2  }
0x9d: {  	[timem:s6], [sflag:s22] =	dma.local [hbm:s4], s20  }
0x9e: {  	_ =	swait.ge [sflag:s22], s20  }
0x9f: {  	s3 =	ssub.s32 $0x0, s20;
	[sflag:s22] =	ssyncset.done $0x0  }
0xa0: {  	[sflag:s22] =	ssyncadd.s32 s3;
	_ =	sdelay $0x1  }
0xa1: {  	s23 =	simm.s32 $0x1B8B  }
0xa2: {  	_ =	swait.ge [sflag:s23], $0x1  }
0xa3: {  	[sflag:s23] =	ssyncset.done $0x0  }
0xa4: {  	s25 =	simm.s32 $0x1B8E;
	s24 =	sld [smem:$0x3FFE];
	[sflag:s23] =	ssyncadd.s32 $0xFFFFFFFF  }
0xa5: {  	s26 =	simm.s32 $execute0_lowered;
	[smem:$0x3FD2] =	sst s25  }
0xa6: {  	s4 =	sshll.u32 s26, $0x1;
	_ =	strace $0x80000049;
	[dreg:$0x1] =	wrdreg $0xFFFFFFFF  }
0xa7: {  	s28 =	simm.s32 $_size_execute0_lowered;
	s2 =	sadd.s32 s2, s4;
	[dreg:$0x0] =	wrdreg $0x0  }
0xa8: {  	s4 =	sshll.u32 s28, $0x1;
	[dreg:$0x2] =	wrdreg s2  }
0xa9: {  	[dreg:$0x3] =	wrdreg s4  }
0xaa: {  	[dreg:$0x4] =	wrdreg $0xC0  }
0xab: {  	_ =	task [dreg:s6], $0x5FFFF  }
0xac: {  	[dreg:$0x1] =	wrdreg $0xFFFFFFFF  }
0xad: {  	[dreg:$0x0] =	wrdreg $0x60  }
0xae: {  	[dreg:$0x2] =	wrdreg s24  }
0xaf: {  	[dreg:$0x3] =	wrdreg $0xB8000  }
0xb0: {  	[dreg:$0x4] =	wrdreg $0x108000  }
0xb1: {  	[dreg:$0x5] =	wrdreg $0x9  }
0xb2: {  	_ =	task.clear_ibuf [dreg:s6], $0x6FFFF;
	_ =	strace $0x90000049  }
0xb3: {  	s29 =	simm.s32 $0x9;
	_ =	strace $0x8000004B  }
0xb4: {  	_ =	swait.ge [sflag:s29], $0x1  }
0xb5: {  	[sflag:s29] =	ssyncadd.s32 $0xFFFFFFFF  }
0xb6: {  	_ =	strace $0x9000004B  }
0xb7: {  	_ =	sfence  }
0xb8: {  	s30 =	sld [smem:$0x0];
	_ =	sdelay $0x2  }
0xb9: {  	s31 =	sshll.u32 s1, $0xD;
	s1 =	sshrl.u32 s1, $0x2  }
0xba: {  	s3 =	sand.u32 $0x4000, s31;
	s1 =	sadd.s32 s1, s30  }
0xbb: {  	s0 =	sor.u32 s3, s0;
	s1 =	sshll.u32 s1, $0x11  }
0xbc: {  	s0 =	sor.u32 s1, s0  }
0xbd: {  	s0 =	sadd.s32 $0x8F2B, s0  }
0xbe: {  	[sflag:s0] =	ssyncadd.remote.s32 $0x1  }
0xbf: {  	_ =	sfence.sel $0xFFFF  }
0xc0: {  	[dreg:$0x0] =	wrdreg $0xFFFFFFFF;
	(pc) =	sbr.abs _section_cstart, $3  }
0xc1: {  	[dreg:$0x1] =	wrdreg $0xFFFFFFFF  }
0xc2: {  	_ =	task.clear_ibuf [dreg:s6], $0x2FFFF;
	_ =	strace $0x9FFFFFFF  }
0xc3: {  	(tm) =	ssettm $0x7FFFFFFF  }
tec
execute0_lowered:
.L_overlay_start_1:
0x0: {  	(tag) =	ssettag $0x1  }
0x1: {  	s0 =	rddreg [dreg:$0x0];
	s16 =	stileid.u32  }
0x2: {  	s1 =	srdreg.scid;
	s2 =	rddreg [dreg:$0x1]  }
0x3: {  	s3 =	rddreg [dreg:$0x2];
	s17 =	simm.s32 $0xB400;
	s5 =	smul.u32 $0xA000, s16  }
0x4: {  	s28 =	simm.s32 $0x9400;
	s29 =	simm.s32 $0xA400;
	s7 =	smul.u32 $0x5000, s16  }
0x5: {  	s30 =	simm.s32 $0x1;
	s1 =	sand.u32 $0x1, s1;
	s8 =	smul.u32 $0x1400, s16  }
0x6: {  	s31 =	simm.s32 $0x0;
	s4 =	sshll.u32 s16, $0x1;
	s18 =	smul.u32 $0x50000, s1  }
0x7: {  	s13 =	sadd.s32 $0x7000, s0;
	s6 =	sor.u32 s1, s4;
	s12 =	smul.u32 $0x14000, s1  }
0x8: {  	s4 =	simm.s32 $0x0;
	s19 =	ssub.s32 $0x2, s1;
	s1 =	smul.u32 $0x5000, s1  }
0x9: {  	s23 =	sshll.u32 s16, $0x6;
	s6 =	smul.u32 $0x1400, s6;
	[smem:$0x7FF] =	sst s4  }
0xa: {  	s5 =	sadd.s32 s5, s0;
	s10 =	sshrl.u32 s7, $0x3;
	s11 =	sshrl.u32 s8, $0x3  }
0xb: {  	s14 =	sshrl.u32 s19, $0x1;
	s21 =	sadd.s32 s7, s2;
	s24 =	sadd.s32 s8, s3  }
0xc: {  	_ =	strace $0x8000004A;
	s10 =	sadd.s32 s10, s0;
	s11 =	sadd.s32 s11, s0  }
0xd: {  	[dreg:$0x4] =	wrdreg s13;
	s12 =	sadd.s32 s8, s12;
	s20 =	ssub.s32 s19, s14  }
0xe: {  	s26 =	sadd.s32 s1, s5;
	s14 =	sshrl.u32 s21, $0x3;
	s16 =	sshrl.u32 s24, $0x3  }
0xf: {  	s19 =	simm.s32 $0x80;
	s21 =	simm.s32 $0x3400;
	s24 =	simm.s32 $0x6400  }
0x10: {  	s6 =	sshrl.u32 s6, $0x3;
	s12 =	sshrl.u32 s12, $0x3;
	s22 =	sadd.s32 $0xE800, s10  }
0x11: {  	s25 =	sadd.s32 $0x4800, s11;
	s13 =	sadd.s32 $0x63800, s26;
	s26 =	simm.s32 $0x8400  }
0x12: {  	s9 =	sadd.s32 s6, s0;
	s6 =	sadd.s32 s7, s18;
	[dreg:$0x5] =	wrdreg s22  }
0x13: {  	s7 =	sor.u32 $0x1C02, s23;
	[dreg:$0x6] =	wrdreg s25;
	s18 =	simm.s32 $0x1400  }
0x14: {  	s22 =	simm.s32 $0x4400;
	s23 =	simm.s32 $0x5400;
	s6 =	sshrl.u32 s6, $0x3  }
0x15: {  	s25 =	simm.s32 $0x7400;
	s9 =	sadd.s32 $0x5E800, s9;
	s15 =	sadd.s32 s6, s0  }
0x16: {  	s0 =	sadd.s32 s12, s0;
	s12 =	smax.u32 s20, $0x1;
	s20 =	simm.s32 $0x2400  }
0x17: {  	s10 =	sadd.s32 $0x1D800, s15;
	s11 =	sadd.s32 $0x18800, s0;
	s15 =	simm.s32 $0x2  }
.LBB2_1:
0x18: {  	s0 =	rddreg [dreg:$0x5]  }
0x19: {  	[spmem:s14], [sflag:s7] =	dma.local [hbm:s0], $0xA00  }
0x1a: {  	_ =	swait.ge [sflag:s15], $0xA00  }
0x1b: {  	[sflag:s15] =	ssyncset.done $0x0  }
0x1c: {  	s8 =	rddreg [dreg:$0x6];
	[sflag:s15] =	ssyncadd.s32 $0xFFFFF600  }
0x1d: {  	[spmem:s16], [sflag:s7] =	dma.local [hbm:s8], $0x280  }
0x1e: {  	_ =	swait.ge [sflag:s15], $0x280  }
0x1f: {  	[sflag:s15] =	ssyncset.done $0x0  }
0x20: {  	s1 =	rddreg [dreg:$0x4];
	[sflag:s15] =	ssyncadd.s32 $0xFFFFFD80  }
0x21: {  	[tilespmem:s17], [sflag:$0x2] =	stream.linear.gather [hbm4b:s1+s4], $0x400, $0x38;
	[tilespmem:$0x11C00] =	vst v63  }
0x22: {  	_ =	swait.ge [sflag:s15], $0x400  }
0x23: {  	[sflag:s15] =	ssyncset.done $0x0  }
0x24: {  	[sflag:s15] =	ssyncadd.s32 $0xFFFFFC00  }
0x25: {  	[tilespmem:s4], [sflag:$0x2] =	stream.linear.gather [hbm4b:s9+s4], $0x1400, $0x38;
	[tilespmem:$0x11C00] =	vst v63  }
0x26: {  	_ =	swait.ge [sflag:s15], $0x1400  }
0x27: {  	[sflag:s15] =	ssyncset.done $0x0  }
0x28: {  	[sflag:s15] =	ssyncadd.s32 $0xFFFFEC00  }
0x29: {  	s5 =	sadd.s32 $0x0, s13;
	[bflag:$0x0] =	sbarrier.arrive $0xFFFF  }
0x2a: {  	[tilespmem:s18], [sflag:$0x2] =	stream.linear.gather [hbm4b:s5+s4], $0xA000, $0x38;
	[tilespmem:$0x11C00] =	vst v63  }
0x2b: {  	_ =	swait.ge [sflag:s15], $0xA000  }
0x2c: {  	[sflag:s15] =	ssyncset.done $0x0  }
0x2d: {  	s6 =	simm.s32 $0x0;
	[sflag:s15] =	ssyncadd.s32 $0xFFFF6000  }
0x2e: {  	[spmem:s2] =	stream.indirect.scatter.add.f32 [tilespmem:s18], [sflag:$0x1], $0x20, s6, s19, $0xb8;
	[tilespmem:$0x11C00] =	vst v63  }
0x2f: {  	_ = 	snop  }
0x30: {  	[spmem:s3] =	stream.indirect.scatter.add.f32 [tilespmem:s17], [sflag:$0x1], $0x8, s6, s19, $0xb8;
	[tilespmem:$0x11C00] =	vst v63  }
0x31: {  	s8 =	simm.s32 $0x80  }
0x32: {  	[spmem:s2] =	stream.indirect.scatter.add.f32 [tilespmem:s20], [sflag:$0x1], $0x20, s8, s19, $0xb8;
	[tilespmem:$0x11C00] =	vst v63  }
0x33: {  	_ = 	snop  }
0x34: {  	[spmem:s3] =	stream.indirect.scatter.add.f32 [tilespmem:s17], [sflag:$0x1], $0x8, s8, s19, $0xb8;
	[tilespmem:$0x11C00] =	vst v63  }
0x35: {  	s1 =	simm.s32 $0x100  }
0x36: {  	[spmem:s2] =	stream.indirect.scatter.add.f32 [tilespmem:s21], [sflag:$0x1], $0x20, s1, s19, $0xb8;
	[tilespmem:$0x11C00] =	vst v63  }
0x37: {  	_ = 	snop  }
0x38: {  	[spmem:s3] =	stream.indirect.scatter.add.f32 [tilespmem:s17], [sflag:$0x1], $0x8, s1, s19, $0xb8;
	[tilespmem:$0x11C00] =	vst v63  }
0x39: {  	s5 =	simm.s32 $0x180  }
0x3a: {  	[spmem:s2] =	stream.indirect.scatter.add.f32 [tilespmem:s22], [sflag:$0x1], $0x20, s5, s19, $0xb8;
	[tilespmem:$0x11C00] =	vst v63  }
0x3b: {  	_ = 	snop  }
0x3c: {  	[spmem:s3] =	stream.indirect.scatter.add.f32 [tilespmem:s17], [sflag:$0x1], $0x8, s5, s19, $0xb8;
	[tilespmem:$0x11C00] =	vst v63  }
0x3d: {  	s6 =	simm.s32 $0x200  }
0x3e: {  	[spmem:s2] =	stream.indirect.scatter.add.f32 [tilespmem:s23], [sflag:$0x1], $0x20, s6, s19, $0xb8;
	[tilespmem:$0x11C00] =	vst v63  }
0x3f: {  	_ = 	snop  }
0x40: {  	[spmem:s3] =	stream.indirect.scatter.add.f32 [tilespmem:s17], [sflag:$0x1], $0x8, s6, s19, $0xb8;
	[tilespmem:$0x11C00] =	vst v63  }
0x41: {  	s8 =	simm.s32 $0x280  }
0x42: {  	[spmem:s2] =	stream.indirect.scatter.add.f32 [tilespmem:s24], [sflag:$0x1], $0x20, s8, s19, $0xb8;
	[tilespmem:$0x11C00] =	vst v63  }
0x43: {  	_ = 	snop  }
0x44: {  	[spmem:s3] =	stream.indirect.scatter.add.f32 [tilespmem:s17], [sflag:$0x1], $0x8, s8, s19, $0xb8;
	[tilespmem:$0x11C00] =	vst v63  }
0x45: {  	s1 =	simm.s32 $0x300  }
0x46: {  	[spmem:s2] =	stream.indirect.scatter.add.f32 [tilespmem:s25], [sflag:$0x1], $0x20, s1, s19, $0xb8;
	[tilespmem:$0x11C00] =	vst v63  }
0x47: {  	_ = 	snop  }
0x48: {  	[spmem:s3] =	stream.indirect.scatter.add.f32 [tilespmem:s17], [sflag:$0x1], $0x8, s1, s19, $0xb8;
	[tilespmem:$0x11C00] =	vst v63  }
0x49: {  	s5 =	simm.s32 $0x380  }
0x4a: {  	[spmem:s2] =	stream.indirect.scatter.add.f32 [tilespmem:s26], [sflag:$0x1], $0x20, s5, s19, $0xb8;
	[tilespmem:$0x11C00] =	vst v63  }
0x4b: {  	_ = 	snop  }
0x4c: {  	[spmem:s3] =	stream.indirect.scatter.add.f32 [tilespmem:s17], [sflag:$0x1], $0x8, s5, s19, $0xb8;
	[tilespmem:$0x11C00] =	vst v63  }
0x4d: {  	s6 =	simm.s32 $0x400  }
0x4e: {  	[spmem:s2] =	stream.indirect.scatter.add.f32 [tilespmem:s28], [sflag:$0x1], $0x20, s6, s19, $0xb8;
	[tilespmem:$0x11C00] =	vst v63  }
0x4f: {  	_ = 	snop  }
0x50: {  	[spmem:s3] =	stream.indirect.scatter.add.f32 [tilespmem:s17], [sflag:$0x1], $0x8, s6, s19, $0xb8;
	[tilespmem:$0x11C00] =	vst v63  }
0x51: {  	s8 =	simm.s32 $0x480  }
0x52: {  	[spmem:s2] =	stream.indirect.scatter.add.f32 [tilespmem:s29], [sflag:$0x1], $0x20, s8, s19, $0xb8;
	[tilespmem:$0x11C00] =	vst v63  }
0x53: {  	_ = 	snop  }
0x54: {  	[spmem:s3] =	stream.indirect.scatter.add.f32 [tilespmem:s17], [sflag:$0x1], $0x8, s8, s19, $0xb8;
	[tilespmem:$0x11C00] =	vst v63  }
0x55: {  	_ =	swait.ge [sflag:s30], $0x1000  }
0x56: {  	[sflag:s30] =	ssyncset.done $0x0  }
0x57: {  	[sflag:s30] =	ssyncadd.s32 $0xFFFFF000  }
0x58: {  	_ =	swait.ge [sflag:s30], $0x400  }
0x59: {  	[sflag:s30] =	ssyncset.done $0x0  }
0x5a: {  	[sflag:s30] =	ssyncadd.s32 $0xFFFFFC00  }
0x5b: {  	_ =	swait.ge [sflag:s30], $0x1000  }
0x5c: {  	[sflag:s30] =	ssyncset.done $0x0  }
0x5d: {  	[sflag:s30] =	ssyncadd.s32 $0xFFFFF000  }
0x5e: {  	_ =	swait.ge [sflag:s30], $0x400  }
0x5f: {  	[sflag:s30] =	ssyncset.done $0x0  }
0x60: {  	[sflag:s30] =	ssyncadd.s32 $0xFFFFFC00  }
0x61: {  	_ =	swait.ge [sflag:s30], $0x1000  }
0x62: {  	[sflag:s30] =	ssyncset.done $0x0  }
0x63: {  	[sflag:s30] =	ssyncadd.s32 $0xFFFFF000  }
0x64: {  	_ =	swait.ge [sflag:s30], $0x400  }
0x65: {  	[sflag:s30] =	ssyncset.done $0x0  }
0x66: {  	[sflag:s30] =	ssyncadd.s32 $0xFFFFFC00  }
0x67: {  	_ =	swait.ge [sflag:s30], $0x1000  }
0x68: {  	[sflag:s30] =	ssyncset.done $0x0  }
0x69: {  	[sflag:s30] =	ssyncadd.s32 $0xFFFFF000  }
0x6a: {  	_ =	swait.ge [sflag:s30], $0x400  }
0x6b: {  	[sflag:s30] =	ssyncset.done $0x0  }
0x6c: {  	[sflag:s30] =	ssyncadd.s32 $0xFFFFFC00  }
0x6d: {  	_ =	swait.ge [sflag:s30], $0x1000  }
0x6e: {  	[sflag:s30] =	ssyncset.done $0x0  }
0x6f: {  	[sflag:s30] =	ssyncadd.s32 $0xFFFFF000  }
0x70: {  	_ =	swait.ge [sflag:s30], $0x400  }
0x71: {  	[sflag:s30] =	ssyncset.done $0x0  }
0x72: {  	[sflag:s30] =	ssyncadd.s32 $0xFFFFFC00  }
0x73: {  	_ =	swait.ge [sflag:s30], $0x1000  }
0x74: {  	[sflag:s30] =	ssyncset.done $0x0  }
0x75: {  	[sflag:s30] =	ssyncadd.s32 $0xFFFFF000  }
0x76: {  	_ =	swait.ge [sflag:s30], $0x400  }
0x77: {  	[sflag:s30] =	ssyncset.done $0x0  }
0x78: {  	[sflag:s30] =	ssyncadd.s32 $0xFFFFFC00  }
0x79: {  	_ =	swait.ge [sflag:s30], $0x1000  }
0x7a: {  	[sflag:s30] =	ssyncset.done $0x0  }
0x7b: {  	[sflag:s30] =	ssyncadd.s32 $0xFFFFF000  }
0x7c: {  	_ =	swait.ge [sflag:s30], $0x400  }
0x7d: {  	[sflag:s30] =	ssyncset.done $0x0  }
0x7e: {  	[sflag:s30] =	ssyncadd.s32 $0xFFFFFC00  }
0x7f: {  	_ =	swait.ge [sflag:s30], $0x1000  }
0x80: {  	[sflag:s30] =	ssyncset.done $0x0  }
0x81: {  	[sflag:s30] =	ssyncadd.s32 $0xFFFFF000  }
0x82: {  	_ =	swait.ge [sflag:s30], $0x400  }
0x83: {  	[sflag:s30] =	ssyncset.done $0x0  }
0x84: {  	[sflag:s30] =	ssyncadd.s32 $0xFFFFFC00  }
0x85: {  	_ =	swait.ge [sflag:s30], $0x1000  }
0x86: {  	[sflag:s30] =	ssyncset.done $0x0  }
0x87: {  	[sflag:s30] =	ssyncadd.s32 $0xFFFFF000  }
0x88: {  	_ =	swait.ge [sflag:s30], $0x400  }
0x89: {  	[sflag:s30] =	ssyncset.done $0x0  }
0x8a: {  	[sflag:s30] =	ssyncadd.s32 $0xFFFFFC00  }
0x8b: {  	_ =	swait.ge [sflag:s30], $0x1000  }
0x8c: {  	[sflag:s30] =	ssyncset.done $0x0  }
0x8d: {  	[sflag:s30] =	ssyncadd.s32 $0xFFFFF000  }
0x8e: {  	_ =	swait.ge [sflag:s30], $0x400  }
0x8f: {  	s1 =	simm.s32 $0x1400;
	s5 =	simm.s32 $0x2800;
	[sflag:s30] =	ssyncset.done $0x0  }
.LBB2_2:
0x90: {  	s6 =	sadd.s32 s1, s13  }
0x91: {  	[sflag:s30] =	ssyncadd.s32 $0xFFFFFC00;
	s8 =	smov.u32 s5;
	s0 =	sadd.s32 $0x1400, s5  }
0x92: {  	[tilespmem:s18], [sflag:$0x2] =	stream.linear.gather [hbm4b:s6+s4], $0xA000, $0x38;
	[tilespmem:$0x11C00] =	vst v63  }
0x93: {  	p0 =	sne.s32 s5, $0x3C00;
	_ =	swait.ge [sflag:s15], $0xA000  }
0x94: {  	[sflag:s15] =	ssyncset.done $0x0  }
0x95: {  	s5 =	sshra.s32 s1, $0x2;
	s1 =	smov.u32 s8;
	[sflag:s15] =	ssyncadd.s32 $0xFFFF6000  }
0x96: {  	[spmem:s2] =	stream.indirect.scatter.add.f32 [tilespmem:s18], [sflag:$0x1], $0x20, s5, s19, $0xb8;
	[tilespmem:$0x11C00] =	vst v63  }
0x97: {  	_ = 	snop  }
0x98: {  	[spmem:s3] =	stream.indirect.scatter.add.f32 [tilespmem:s17], [sflag:$0x1], $0x8, s5, s19, $0xb8;
	[tilespmem:$0x11C00] =	vst v63  }
0x99: {  	s6 =	sadd.s32 $0x80, s5  }
0x9a: {  	[spmem:s2] =	stream.indirect.scatter.add.f32 [tilespmem:s20], [sflag:$0x1], $0x20, s6, s19, $0xb8;
	[tilespmem:$0x11C00] =	vst v63  }
0x9b: {  	_ = 	snop  }
0x9c: {  	[spmem:s3] =	stream.indirect.scatter.add.f32 [tilespmem:s17], [sflag:$0x1], $0x8, s6, s19, $0xb8;
	[tilespmem:$0x11C00] =	vst v63  }
0x9d: {  	s6 =	sadd.s32 $0x100, s5  }
0x9e: {  	[spmem:s2] =	stream.indirect.scatter.add.f32 [tilespmem:s21], [sflag:$0x1], $0x20, s6, s19, $0xb8;
	[tilespmem:$0x11C00] =	vst v63  }
0x9f: {  	_ = 	snop  }
0xa0: {  	[spmem:s3] =	stream.indirect.scatter.add.f32 [tilespmem:s17], [sflag:$0x1], $0x8, s6, s19, $0xb8;
	[tilespmem:$0x11C00] =	vst v63  }
0xa1: {  	s6 =	sadd.s32 $0x180, s5  }
0xa2: {  	[spmem:s2] =	stream.indirect.scatter.add.f32 [tilespmem:s22], [sflag:$0x1], $0x20, s6, s19, $0xb8;
	[tilespmem:$0x11C00] =	vst v63  }
0xa3: {  	_ = 	snop  }
0xa4: {  	[spmem:s3] =	stream.indirect.scatter.add.f32 [tilespmem:s17], [sflag:$0x1], $0x8, s6, s19, $0xb8;
	[tilespmem:$0x11C00] =	vst v63  }
0xa5: {  	s6 =	sadd.s32 $0x200, s5  }
0xa6: {  	[spmem:s2] =	stream.indirect.scatter.add.f32 [tilespmem:s23], [sflag:$0x1], $0x20, s6, s19, $0xb8;
	[tilespmem:$0x11C00] =	vst v63  }
0xa7: {  	_ = 	snop  }
0xa8: {  	[spmem:s3] =	stream.indirect.scatter.add.f32 [tilespmem:s17], [sflag:$0x1], $0x8, s6, s19, $0xb8;
	[tilespmem:$0x11C00] =	vst v63  }
0xa9: {  	s6 =	sadd.s32 $0x280, s5  }
0xaa: {  	[spmem:s2] =	stream.indirect.scatter.add.f32 [tilespmem:s24], [sflag:$0x1], $0x20, s6, s19, $0xb8;
	[tilespmem:$0x11C00] =	vst v63  }
0xab: {  	_ = 	snop  }
0xac: {  	[spmem:s3] =	stream.indirect.scatter.add.f32 [tilespmem:s17], [sflag:$0x1], $0x8, s6, s19, $0xb8;
	[tilespmem:$0x11C00] =	vst v63  }
0xad: {  	s6 =	sadd.s32 $0x300, s5  }
0xae: {  	[spmem:s2] =	stream.indirect.scatter.add.f32 [tilespmem:s25], [sflag:$0x1], $0x20, s6, s19, $0xb8;
	[tilespmem:$0x11C00] =	vst v63  }
0xaf: {  	_ = 	snop  }
0xb0: {  	[spmem:s3] =	stream.indirect.scatter.add.f32 [tilespmem:s17], [sflag:$0x1], $0x8, s6, s19, $0xb8;
	[tilespmem:$0x11C00] =	vst v63  }
0xb1: {  	s6 =	sadd.s32 $0x380, s5  }
0xb2: {  	[spmem:s2] =	stream.indirect.scatter.add.f32 [tilespmem:s26], [sflag:$0x1], $0x20, s6, s19, $0xb8;
	[tilespmem:$0x11C00] =	vst v63  }
0xb3: {  	_ = 	snop  }
0xb4: {  	[spmem:s3] =	stream.indirect.scatter.add.f32 [tilespmem:s17], [sflag:$0x1], $0x8, s6, s19, $0xb8;
	[tilespmem:$0x11C00] =	vst v63  }
0xb5: {  	s6 =	sadd.s32 $0x400, s5  }
0xb6: {  	[spmem:s2] =	stream.indirect.scatter.add.f32 [tilespmem:s28], [sflag:$0x1], $0x20, s6, s19, $0xb8;
	[tilespmem:$0x11C00] =	vst v63  }
0xb7: {  	_ = 	snop  }
0xb8: {  	[spmem:s3] =	stream.indirect.scatter.add.f32 [tilespmem:s17], [sflag:$0x1], $0x8, s6, s19, $0xb8;
	[tilespmem:$0x11C00] =	vst v63  }
0xb9: {  	s5 =	sadd.s32 $0x480, s5  }
0xba: {  	[spmem:s2] =	stream.indirect.scatter.add.f32 [tilespmem:s29], [sflag:$0x1], $0x20, s5, s19, $0xb8;
	[tilespmem:$0x11C00] =	vst v63  }
0xbb: {  	_ = 	snop  }
0xbc: {  	[spmem:s3] =	stream.indirect.scatter.add.f32 [tilespmem:s17], [sflag:$0x1], $0x8, s5, s19, $0xb8;
	[tilespmem:$0x11C00] =	vst v63  }
0xbd: {  	_ =	swait.ge [sflag:s30], $0x1000  }
0xbe: {  	[sflag:s30] =	ssyncset.done $0x0  }
0xbf: {  	[sflag:s30] =	ssyncadd.s32 $0xFFFFF000  }
0xc0: {  	_ =	swait.ge [sflag:s30], $0x400  }
0xc1: {  	[sflag:s30] =	ssyncset.done $0x0  }
0xc2: {  	[sflag:s30] =	ssyncadd.s32 $0xFFFFFC00  }
0xc3: {  	_ =	swait.ge [sflag:s30], $0x1000  }
0xc4: {  	[sflag:s30] =	ssyncset.done $0x0  }
0xc5: {  	[sflag:s30] =	ssyncadd.s32 $0xFFFFF000  }
0xc6: {  	_ =	swait.ge [sflag:s30], $0x400  }
0xc7: {  	[sflag:s30] =	ssyncset.done $0x0  }
0xc8: {  	[sflag:s30] =	ssyncadd.s32 $0xFFFFFC00  }
0xc9: {  	_ =	swait.ge [sflag:s30], $0x1000  }
0xca: {  	[sflag:s30] =	ssyncset.done $0x0  }
0xcb: {  	[sflag:s30] =	ssyncadd.s32 $0xFFFFF000  }
0xcc: {  	_ =	swait.ge [sflag:s30], $0x400  }
0xcd: {  	[sflag:s30] =	ssyncset.done $0x0  }
0xce: {  	[sflag:s30] =	ssyncadd.s32 $0xFFFFFC00  }
0xcf: {  	_ =	swait.ge [sflag:s30], $0x1000  }
0xd0: {  	[sflag:s30] =	ssyncset.done $0x0  }
0xd1: {  	[sflag:s30] =	ssyncadd.s32 $0xFFFFF000  }
0xd2: {  	_ =	swait.ge [sflag:s30], $0x400  }
0xd3: {  	[sflag:s30] =	ssyncset.done $0x0  }
0xd4: {  	[sflag:s30] =	ssyncadd.s32 $0xFFFFFC00  }
0xd5: {  	_ =	swait.ge [sflag:s30], $0x1000  }
0xd6: {  	[sflag:s30] =	ssyncset.done $0x0  }
0xd7: {  	[sflag:s30] =	ssyncadd.s32 $0xFFFFF000  }
0xd8: {  	_ =	swait.ge [sflag:s30], $0x400  }
0xd9: {  	[sflag:s30] =	ssyncset.done $0x0  }
0xda: {  	[sflag:s30] =	ssyncadd.s32 $0xFFFFFC00  }
0xdb: {  	_ =	swait.ge [sflag:s30], $0x1000  }
0xdc: {  	[sflag:s30] =	ssyncset.done $0x0  }
0xdd: {  	[sflag:s30] =	ssyncadd.s32 $0xFFFFF000  }
0xde: {  	_ =	swait.ge [sflag:s30], $0x400  }
0xdf: {  	[sflag:s30] =	ssyncset.done $0x0  }
0xe0: {  	[sflag:s30] =	ssyncadd.s32 $0xFFFFFC00  }
0xe1: {  	_ =	swait.ge [sflag:s30], $0x1000  }
0xe2: {  	[sflag:s30] =	ssyncset.done $0x0  }
0xe3: {  	[sflag:s30] =	ssyncadd.s32 $0xFFFFF000  }
0xe4: {  	_ =	swait.ge [sflag:s30], $0x400  }
0xe5: {  	[sflag:s30] =	ssyncset.done $0x0  }
0xe6: {  	[sflag:s30] =	ssyncadd.s32 $0xFFFFFC00  }
0xe7: {  	_ =	swait.ge [sflag:s30], $0x1000  }
0xe8: {  	[sflag:s30] =	ssyncset.done $0x0  }
0xe9: {  	[sflag:s30] =	ssyncadd.s32 $0xFFFFF000  }
0xea: {  	_ =	swait.ge [sflag:s30], $0x400  }
0xeb: {  	[sflag:s30] =	ssyncset.done $0x0  }
0xec: {  	[sflag:s30] =	ssyncadd.s32 $0xFFFFFC00  }
0xed: {  	_ =	swait.ge [sflag:s30], $0x1000  }
0xee: {  	[sflag:s30] =	ssyncset.done $0x0  }
0xef: {  	[sflag:s30] =	ssyncadd.s32 $0xFFFFF000  }
0xf0: {  	_ =	swait.ge [sflag:s30], $0x400  }
0xf1: {  	[sflag:s30] =	ssyncset.done $0x0  }
0xf2: {  	[sflag:s30] =	ssyncadd.s32 $0xFFFFFC00  }
.Ltmp0:
0xf3: {  	_ =	swait.ge [sflag:s30], $0x1000;
	(pc) =	sbr.rel @p0 .LBB2_2-.Ltmp0, $4  }
0xf4: {  	[sflag:s30] =	ssyncset.done $0x0  }
0xf5: {  	[sflag:s30] =	ssyncadd.s32 $0xFFFFF000  }
0xf6: {  	_ =	swait.ge [sflag:s30], $0x400  }
0xf7: {  	s5 =	smov.u32 s0;
	[sflag:s30] =	ssyncset.done $0x0  }
0xf8: {  	s0 =	sadd.s32 s1, s13;
	[sflag:s30] =	ssyncadd.s32 $0xFFFFFC00  }
0xf9: {  	[tilespmem:s18], [sflag:$0x2] =	stream.linear.gather [hbm4b:s0+s4], $0xA000, $0x38;
	[tilespmem:$0x11C00] =	vst v63  }
0xfa: {  	_ =	swait.ge [sflag:s15], $0xA000  }
0xfb: {  	[sflag:s15] =	ssyncset.done $0x0  }
0xfc: {  	s0 =	sshra.s32 s1, $0x2;
	[sflag:s15] =	ssyncadd.s32 $0xFFFF6000  }
0xfd: {  	[spmem:s2] =	stream.indirect.scatter.add.f32 [tilespmem:s18], [sflag:$0x1], $0x20, s0, s19, $0xb8;
	[tilespmem:$0x11C00] =	vst v63  }
0xfe: {  	_ = 	snop  }
0xff: {  	[spmem:s3] =	stream.indirect.scatter.add.f32 [tilespmem:s17], [sflag:$0x1], $0x8, s0, s19, $0xb8;
	[tilespmem:$0x11C00] =	vst v63  }
0x100: {  	s1 =	sadd.s32 $0x80, s0  }
0x101: {  	[spmem:s2] =	stream.indirect.scatter.add.f32 [tilespmem:s20], [sflag:$0x1], $0x20, s1, s19, $0xb8;
	[tilespmem:$0x11C00] =	vst v63  }
0x102: {  	_ = 	snop  }
0x103: {  	[spmem:s3] =	stream.indirect.scatter.add.f32 [tilespmem:s17], [sflag:$0x1], $0x8, s1, s19, $0xb8;
	[tilespmem:$0x11C00] =	vst v63  }
0x104: {  	s8 =	sadd.s32 $0x100, s0  }
0x105: {  	[spmem:s2] =	stream.indirect.scatter.add.f32 [tilespmem:s21], [sflag:$0x1], $0x20, s8, s19, $0xb8;
	[tilespmem:$0x11C00] =	vst v63  }
0x106: {  	_ = 	snop  }
0x107: {  	[spmem:s3] =	stream.indirect.scatter.add.f32 [tilespmem:s17], [sflag:$0x1], $0x8, s8, s19, $0xb8;
	[tilespmem:$0x11C00] =	vst v63  }
0x108: {  	s5 =	sadd.s32 $0x180, s0  }
0x109: {  	[spmem:s2] =	stream.indirect.scatter.add.f32 [tilespmem:s22], [sflag:$0x1], $0x20, s5, s19, $0xb8;
	[tilespmem:$0x11C00] =	vst v63  }
0x10a: {  	_ = 	snop  }
0x10b: {  	[spmem:s3] =	stream.indirect.scatter.add.f32 [tilespmem:s17], [sflag:$0x1], $0x8, s5, s19, $0xb8;
	[tilespmem:$0x11C00] =	vst v63  }
0x10c: {  	s6 =	sadd.s32 $0x200, s0  }
0x10d: {  	[spmem:s2] =	stream.indirect.scatter.add.f32 [tilespmem:s23], [sflag:$0x1], $0x20, s6, s19, $0xb8;
	[tilespmem:$0x11C00] =	vst v63  }
0x10e: {  	_ = 	snop  }
0x10f: {  	[spmem:s3] =	stream.indirect.scatter.add.f32 [tilespmem:s17], [sflag:$0x1], $0x8, s6, s19, $0xb8;
	[tilespmem:$0x11C00] =	vst v63  }
0x110: {  	s8 =	sadd.s32 $0x280, s0  }
0x111: {  	[spmem:s2] =	stream.indirect.scatter.add.f32 [tilespmem:s24], [sflag:$0x1], $0x20, s8, s19, $0xb8;
	[tilespmem:$0x11C00] =	vst v63  }
0x112: {  	_ = 	snop  }
0x113: {  	[spmem:s3] =	stream.indirect.scatter.add.f32 [tilespmem:s17], [sflag:$0x1], $0x8, s8, s19, $0xb8;
	[tilespmem:$0x11C00] =	vst v63  }
0x114: {  	s5 =	sadd.s32 $0x300, s0  }
0x115: {  	[spmem:s2] =	stream.indirect.scatter.add.f32 [tilespmem:s25], [sflag:$0x1], $0x20, s5, s19, $0xb8;
	[tilespmem:$0x11C00] =	vst v63  }
0x116: {  	_ = 	snop  }
0x117: {  	[spmem:s3] =	stream.indirect.scatter.add.f32 [tilespmem:s17], [sflag:$0x1], $0x8, s5, s19, $0xb8;
	[tilespmem:$0x11C00] =	vst v63  }
0x118: {  	s6 =	sadd.s32 $0x380, s0  }
0x119: {  	[spmem:s2] =	stream.indirect.scatter.add.f32 [tilespmem:s26], [sflag:$0x1], $0x20, s6, s19, $0xb8;
	[tilespmem:$0x11C00] =	vst v63  }
0x11a: {  	_ = 	snop  }
0x11b: {  	[spmem:s3] =	stream.indirect.scatter.add.f32 [tilespmem:s17], [sflag:$0x1], $0x8, s6, s19, $0xb8;
	[tilespmem:$0x11C00] =	vst v63  }
0x11c: {  	s8 =	sadd.s32 $0x400, s0  }
0x11d: {  	[spmem:s2] =	stream.indirect.scatter.add.f32 [tilespmem:s28], [sflag:$0x1], $0x20, s8, s19, $0xb8;
	[tilespmem:$0x11C00] =	vst v63  }
0x11e: {  	_ = 	snop  }
0x11f: {  	[spmem:s3] =	stream.indirect.scatter.add.f32 [tilespmem:s17], [sflag:$0x1], $0x8, s8, s19, $0xb8;
	[tilespmem:$0x11C00] =	vst v63  }
0x120: {  	s0 =	sadd.s32 $0x480, s0  }
0x121: {  	[spmem:s2] =	stream.indirect.scatter.add.f32 [tilespmem:s29], [sflag:$0x1], $0x20, s0, s19, $0xb8;
	[tilespmem:$0x11C00] =	vst v63  }
0x122: {  	_ = 	snop  }
0x123: {  	[spmem:s3] =	stream.indirect.scatter.add.f32 [tilespmem:s17], [sflag:$0x1], $0x8, s0, s19, $0xb8;
	[tilespmem:$0x11C00] =	vst v63  }
0x124: {  	_ =	swait.ge [sflag:s30], $0x1000  }
0x125: {  	[sflag:s30] =	ssyncset.done $0x0  }
0x126: {  	[sflag:s30] =	ssyncadd.s32 $0xFFFFF000  }
0x127: {  	_ =	swait.ge [sflag:s30], $0x400  }
0x128: {  	[sflag:s30] =	ssyncset.done $0x0  }
0x129: {  	[sflag:s30] =	ssyncadd.s32 $0xFFFFFC00  }
0x12a: {  	_ =	swait.ge [sflag:s30], $0x1000  }
0x12b: {  	[sflag:s30] =	ssyncset.done $0x0  }
0x12c: {  	[sflag:s30] =	ssyncadd.s32 $0xFFFFF000  }
0x12d: {  	_ =	swait.ge [sflag:s30], $0x400  }
0x12e: {  	[sflag:s30] =	ssyncset.done $0x0  }
0x12f: {  	[sflag:s30] =	ssyncadd.s32 $0xFFFFFC00  }
0x130: {  	_ =	swait.ge [sflag:s30], $0x1000  }
0x131: {  	[sflag:s30] =	ssyncset.done $0x0  }
0x132: {  	[sflag:s30] =	ssyncadd.s32 $0xFFFFF000  }
0x133: {  	_ =	swait.ge [sflag:s30], $0x400  }
0x134: {  	[sflag:s30] =	ssyncset.done $0x0  }
0x135: {  	[sflag:s30] =	ssyncadd.s32 $0xFFFFFC00  }
0x136: {  	_ =	swait.ge [sflag:s30], $0x1000  }
0x137: {  	[sflag:s30] =	ssyncset.done $0x0  }
0x138: {  	[sflag:s30] =	ssyncadd.s32 $0xFFFFF000  }
0x139: {  	_ =	swait.ge [sflag:s30], $0x400  }
0x13a: {  	[sflag:s30] =	ssyncset.done $0x0  }
0x13b: {  	[sflag:s30] =	ssyncadd.s32 $0xFFFFFC00  }
0x13c: {  	_ =	swait.ge [sflag:s30], $0x1000  }
0x13d: {  	[sflag:s30] =	ssyncset.done $0x0  }
0x13e: {  	[sflag:s30] =	ssyncadd.s32 $0xFFFFF000  }
0x13f: {  	_ =	swait.ge [sflag:s30], $0x400  }
0x140: {  	[sflag:s30] =	ssyncset.done $0x0  }
0x141: {  	[sflag:s30] =	ssyncadd.s32 $0xFFFFFC00  }
0x142: {  	_ =	swait.ge [sflag:s30], $0x1000  }
0x143: {  	[sflag:s30] =	ssyncset.done $0x0  }
0x144: {  	[sflag:s30] =	ssyncadd.s32 $0xFFFFF000  }
0x145: {  	_ =	swait.ge [sflag:s30], $0x400  }
0x146: {  	[sflag:s30] =	ssyncset.done $0x0  }
0x147: {  	[sflag:s30] =	ssyncadd.s32 $0xFFFFFC00  }
0x148: {  	_ =	swait.ge [sflag:s30], $0x1000  }
0x149: {  	[sflag:s30] =	ssyncset.done $0x0  }
0x14a: {  	[sflag:s30] =	ssyncadd.s32 $0xFFFFF000  }
0x14b: {  	_ =	swait.ge [sflag:s30], $0x400  }
0x14c: {  	[sflag:s30] =	ssyncset.done $0x0  }
0x14d: {  	[sflag:s30] =	ssyncadd.s32 $0xFFFFFC00  }
0x14e: {  	_ =	swait.ge [sflag:s30], $0x1000  }
0x14f: {  	[sflag:s30] =	ssyncset.done $0x0  }
0x150: {  	[sflag:s30] =	ssyncadd.s32 $0xFFFFF000  }
0x151: {  	_ =	swait.ge [sflag:s30], $0x400  }
0x152: {  	[sflag:s30] =	ssyncset.done $0x0  }
0x153: {  	[sflag:s30] =	ssyncadd.s32 $0xFFFFFC00  }
0x154: {  	_ =	swait.ge [sflag:s30], $0x1000  }
0x155: {  	[sflag:s30] =	ssyncset.done $0x0  }
0x156: {  	[sflag:s30] =	ssyncadd.s32 $0xFFFFF000  }
0x157: {  	_ =	swait.ge [sflag:s30], $0x400  }
0x158: {  	[sflag:s30] =	ssyncset.done $0x0  }
0x159: {  	[sflag:s30] =	ssyncadd.s32 $0xFFFFFC00  }
0x15a: {  	_ =	swait.ge [sflag:s30], $0x1000  }
0x15b: {  	[sflag:s30] =	ssyncset.done $0x0  }
0x15c: {  	[sflag:s30] =	ssyncadd.s32 $0xFFFFF000  }
0x15d: {  	_ =	swait.ge [sflag:s30], $0x400  }
0x15e: {  	[sflag:s30] =	ssyncset.done $0x0  }
0x15f: {  	[sflag:s30] =	ssyncadd.s32 $0xFFFFFC00  }
0x160: {  	[bflag:$0x0] =	sbarrier.arrive $0xFFFF  }
0x161: {  	[hbm:s10], [sflag:s7] =	dma.local [spmem:s14], $0xA00  }
0x162: {  	s31 =	sadd.s32 $0x1, s31;
	_ =	swait.ge [sflag:s15], $0xA00  }
0x163: {  	p0 =	sne.s32 s31, s12;
	[sflag:s15] =	ssyncset.done $0x0  }
.Ltmp1:
0x164: {  	[sflag:s15] =	ssyncadd.s32 $0xFFFFF600;
	(pc) =	sbr.rel @p0 .LBB2_1-.Ltmp1, $4  }
0x165: {  	[hbm:s11], [sflag:s7] =	dma.local [spmem:s16], $0x280  }
0x166: {  	_ =	swait.ge [sflag:s15], $0x280  }
0x167: {  	[sflag:s15] =	ssyncset.done $0x0  }
0x168: {  	[sflag:s15] =	ssyncadd.s32 $0xFFFFFD80  }
0x169: {  	_ =	sfence.sel $0x180000  }
0x16a: {  	[bflag:$0x0] =	sbarrier.arrive $0xFFFF  }
0x16b: {  	_ =	strace $0x9000004A  }
0x16c: {  	s0 =	stileid.u32;
	[bflag:$0x2] =	sbarrier.arrive $0xFFFF  }
0x16d: {  	p0 =	sne.s32 s0, $0x0;
	s0 =	rddreg [dreg:$0x3]  }
0x16e: {  	s0 =	sadd.s32 @!p0 $0x100000, s0  }
0x16f: {  	[sflag:s0] =	ssyncadd.tile.s32 @!p0 $0x1;
	_ =	shalt  }
.Lfunc_end2:
_tile_overlayer_lowered:
.L_overlay_start_2:
0x170: {  	(tag) =	ssettag $0x2  }
0x171: {  	s0 =	rddreg [dreg:$0x0];
	s2 =	stileid.u32  }
0x172: {  	s1 =	rddreg [dreg:$0x1];
	p0 =	sne.s32 s2, $0x0  }
0x173: {  	s3 =	rddreg [dreg:$0x2];
	[bflag:$0x3] =	sbarrier.arrive $0xFFFF;
	s2 =	simm.s32 @!p0 $0x1C02  }
0x174: {  	[timem:s3], [sflag:s2] =	dma.local @!p0 [hbm:s0], s1  }
0x175: {  	s0 =	simm.s32 @!p0 $0x2  }
0x176: {  	_ =	swait.ge @!p0 [sflag:s0], s1  }
0x177: {  	s1 =	ssub.s32 @!p0 $0x0, s1;
	[sflag:s0] =	ssyncset.done @!p0 $0x0  }
0x178: {  	[sflag:s0] =	ssyncadd.s32 @!p0 s1  }
0x179: {  	[bflag:$0x3] =	sbarrier.arrive $0xFFFF  }
0x17a: {  	_ =	shalt  }

// kernel: kernel.17.cloned.1.call-start
scs
__scs_entry_jumppad:
0x0: {  	(pc) =	sbr.rel $0x88, $3  }
0x1: {  	(tag) =	ssettag $0x0;
	lr =	simm.s32 $0x1  }
0x2: {  	[smem:$0x3F8B] =	sst lr;
	_ =	strace $0xD0000000  }
0x3: {  	_ = 	snop  }
0x4: {  	_ = 	snop  }
0x5: {  	_ = 	snop  }
0x6: {  	_ = 	snop  }
0x7: {  	_ = 	snop  }
__scs_overlays_trampoline_lowered:
0x8: {  	[smem:$0x3F9A] =	sst s0  }
0x9: {  	[smem:$0x3F9B] =	sst s1  }
0xa: {  	[smem:$0x3F9C] =	sst s2  }
0xb: {  	[smem:$0x3F9D] =	sst s3  }
0xc: {  	[smem:$0x3F9E] =	sst s4  }
0xd: {  	[smem:$0x3F9F] =	sst s5  }
0xe: {  	[smem:$0x3FA0] =	sst s6  }
0xf: {  	[smem:$0x3FA1] =	sst s7  }
0x10: {  	[smem:$0x3FA2] =	sst s8  }
0x11: {  	[smem:$0x3FA3] =	sst s9;
	s0 =	simm.s32 @!p0 $0x0  }
0x12: {  	s1 =	sld [smem:$0x3F89];
	s0 =	simm.s32 @p0 $0x1  }
0x13: {  	[smem:$0x3FA4] =	sst s0;
	s0 =	simm.s32 @!p1 $0x0  }
0x14: {  	s2 =	sld [smem:$0x3F88];
	s0 =	simm.s32 @p1 $0x1  }
0x15: {  	[smem:$0x3FA5] =	sst s0;
	s0 =	simm.s32 @!p2 $0x0  }
0x16: {  	s3 =	sld [smem:$0x3FDB];
	s0 =	simm.s32 @p2 $0x1  }
0x17: {  	s4 =	simm.s32 $0x1BF5;
	[smem:$0x3FA7] =	sst s0  }
0x18: {  	s0 =	sld [smem:$0x3F8A];
	_ =	swait.ge [sflag:s4], $0x0  }
0x19: {  	s7 =	sld [smem:$0x3F8B]  }
0x1a: {  	s8 =	sadd.s32 $0xFFFFE003, lr  }
0x1b: {  	s9 =	sadd.s32 $0xFFFFFEF7, lr;
	s5 =	simm.s32 $0xFFFFFFFF;
	p2 =	slt.u32 s8, $0xFFFFF086  }
0x1c: {  	p1 =	slt.u32 s9, $0xF7A;
	s5 =	simm.s32 @!p2 $0x0  }
0x1d: {  	s5 =	simm.s32 @p1 $0x1;
	p0 =	seq.s32 s7, s2  }
0x1e: {  	s7 =	smul.u32 @!p0 $0xF7A, s2;
	p2 =	seq.s32 @!p0 s5, $0x0  }
0x1f: {  	s9 =	smul.u32 $0xF7A, s1;
	s8 =	simm.s32 @!p0 $0x1BF5;
	p2 =	por !p2, p0  }
0x20: {  	[sflag:s8] =	ssyncset.s32 @!p0 $0xFFFFF086;
	s6 =	sadd.s32 @!p0 s3, s7;
	s7 =	simm.s32 @!p0 $0x108  }
0x21: {  	s3 =	sadd.s32 s3, s9;
	s6 =	sadd.s32 @!p0 $0x88, s6;
	s7 =	simm.s32 @p2 $0x1082  }
0x22: {  	[simem:s7], [sflag:s8] =	dma.local @!p0 [hbm:s6], $0xF7A  }
0x23: {  	s9 =	sor.u32 $0xD0000000, s2;
	s6 =	simm.s32 $0x108;
	_ =	swait.ge @!p0 [sflag:s8], $0x0  }
0x24: {  	s3 =	sadd.s32 $0x88, s3;
	s6 =	simm.s32 @!p1 $0x1082;
	[sflag:s4] =	ssyncset.s32 $0xFFFFF086  }
0x25: {  	[simem:s6], [sflag:s4] =	dma.local [hbm:s3], $0xF7A  }
0x26: {  	[smem:$0x3F8B] =	sst s1;
	(tag) =	ssettag s2;
	_ =	strace s9  }
0x27: {  	s1 =	sld [smem:$0x3F9B]  }
0x28: {  	s2 =	sld [smem:$0x3F9C]  }
0x29: {  	s4 =	sld [smem:$0x3F9E]  }
0x2a: {  	p0 =	seq.s32 s5, $0x0;
	s5 =	sld [smem:$0x3F9F]  }
0x2b: {  	s6 =	sld [smem:$0x3FA0]  }
0x2c: {  	s7 =	sld [smem:$0x3FA1]  }
0x2d: {  	s3 =	simm.s32 $0x108;
	s8 =	sld [smem:$0x3FA2]  }
0x2e: {  	s3 =	simm.s32 @!p0 $0x1082;
	s9 =	sld [smem:$0x3FA3]  }
0x2f: {  	lr =	sadd.s32 s0, s3;
	s0 =	sld [smem:$0x3F9A]  }
0x30: {  	s3 =	sld [smem:$0x3F9D]  }
0x31: {  	[smem:$0x3FA6] =	sst s10  }
0x32: {  	s10 =	sld [smem:$0x3FA4];
	_ =	sdelay $0x3  }
0x33: {  	p0 =	seq.s32 s10, $0x1;
	s10 =	sld [smem:$0x3FA6];
	_ =	sdelay $0x3  }
0x34: {  	[smem:$0x3FA6] =	sst s10  }
0x35: {  	s10 =	sld [smem:$0x3FA5];
	_ =	sdelay $0x3  }
0x36: {  	p1 =	seq.s32 s10, $0x1;
	s10 =	sld [smem:$0x3FA6];
	_ =	sdelay $0x3  }
0x37: {  	[smem:$0x3FA6] =	sst s10  }
0x38: {  	s10 =	sld [smem:$0x3FA7]  }
0x39: {  	_ = 	snop;
	(pc) =	sbr.ind lr, $3  }
0x3a: {  	_ = 	snop  }
0x3b: {  	_ = 	snop  }
0x3c: {  	p2 =	seq.s32 s10, $0x1;
	s10 =	sld [smem:$0x3FA6]  }
0x3d: {  	_ =	shalt  }
0x3e: {  	_ =	shalt  }
0x3f: {  	_ =	shalt  }
0x40: {  	_ =	shalt  }
0x41: {  	_ =	shalt  }
0x42: {  	_ =	shalt  }
0x43: {  	_ =	shalt  }
0x44: {  	_ =	shalt  }
0x45: {  	_ =	shalt  }
0x46: {  	_ =	shalt  }
0x47: {  	_ =	shalt  }
0x48: {  	_ =	shalt  }
0x49: {  	_ =	shalt  }
0x4a: {  	_ =	shalt  }
0x4b: {  	_ =	shalt  }
0x4c: {  	_ =	shalt  }
0x4d: {  	_ =	shalt  }
0x4e: {  	_ =	shalt  }
0x4f: {  	_ =	shalt  }
0x50: {  	_ =	shalt  }
0x51: {  	_ =	shalt  }
0x52: {  	_ =	shalt  }
0x53: {  	_ =	shalt  }
0x54: {  	_ =	shalt  }
0x55: {  	_ =	shalt  }
0x56: {  	_ =	shalt  }
0x57: {  	_ =	shalt  }
0x58: {  	_ =	shalt  }
0x59: {  	_ =	shalt  }
0x5a: {  	_ =	shalt  }
0x5b: {  	_ =	shalt  }
0x5c: {  	_ =	shalt  }
0x5d: {  	_ =	shalt  }
0x5e: {  	_ =	shalt  }
0x5f: {  	_ =	shalt  }
0x60: {  	_ =	shalt  }
0x61: {  	_ =	shalt  }
0x62: {  	_ =	shalt  }
0x63: {  	_ =	shalt  }
0x64: {  	_ =	shalt  }
0x65: {  	_ =	shalt  }
0x66: {  	_ =	shalt  }
0x67: {  	_ =	shalt  }
0x68: {  	_ =	shalt  }
0x69: {  	_ =	shalt  }
0x6a: {  	_ =	shalt  }
0x6b: {  	_ =	shalt  }
0x6c: {  	_ =	shalt  }
0x6d: {  	_ =	shalt  }
0x6e: {  	_ =	shalt  }
0x6f: {  	_ =	shalt  }
0x70: {  	_ =	shalt  }
0x71: {  	_ =	shalt  }
0x72: {  	_ =	shalt  }
0x73: {  	_ =	shalt  }
0x74: {  	_ =	shalt  }
0x75: {  	_ =	shalt  }
0x76: {  	_ =	shalt  }
0x77: {  	_ =	shalt  }
0x78: {  	_ =	shalt  }
0x79: {  	_ =	shalt  }
0x7a: {  	_ =	shalt  }
0x7b: {  	_ =	shalt  }
0x7c: {  	_ =	shalt  }
0x7d: {  	_ =	shalt  }
0x7e: {  	_ =	shalt  }
0x7f: {  	_ =	shalt  }
0x80: {  	_ =	shalt  }
0x81: {  	_ =	shalt  }
0x82: {  	_ =	shalt  }
0x83: {  	_ =	shalt  }
0x84: {  	_ =	shalt  }
0x85: {  	_ =	shalt  }
0x86: {  	_ =	shalt  }
0x87: {  	_ =	shalt  }
.Lfunc_end0:
.L_simem_size_0:
called_computation.2_lowered:
.L_overlay_start_0:
0x88: {  	s2 =	sld [smem:$0x3FD9]  }
0x89: {  	s3 =	sld [smem:$0x3FFE];
	_ =	sdelay $0x1  }
0x8a: {  	s1 =	srdreg.scid  }
0x8b: {  	s0 =	sand.u32 $0x1, s1  }
0x8c: {  	s16 =	sshll.u32 s0, $0xA;
	s2 =	sadd.s32 s3, s2  }
0x8d: {  	s2 =	sadd.s32 s2, s16  }
0x8e: {  	[smem:$0x3FB2] =	sst s2  }
0x8f: {  	_ = 	snop  }
0x90: {  	(tm) =	ssettm $0x1  }
0x91: {  	s17 =	sld [smem:$0x3FFB];
	_ =	sdelay $0x3  }
0x92: {  	_ =	strace s17  }
0x93: {  	s2 =	sld [smem:$0x3FFC];
	_ =	sdelay $0x3  }
0x94: {  	_ =	strace s2  }
0x95: {  	s2 =	sld [smem:$0x3FFD];
	_ =	sdelay $0x3  }
0x96: {  	_ =	strace s2  }
0x97: {  	_ =	strace $0x8FFFFFFF  }
0x98: {  	s18 =	sld [smem:$0x3FDB];
	_ =	sdelay $0x1  }
0x99: {  	s19 =	simm.s32 $_scs_section_size  }
0x9a: {  	s4 =	simm.s32 $_size__tile_overlayer_lowered;
	s5 =	simm.s32 $_tile_overlayer_lowered  }
0x9b: {  	s22 =	simm.s32 $0x1BFF;
	s21 =	sshll.u32 s5, $0x1;
	s2 =	sadd.s32 s19, s18  }
0x9c: {  	s6 =	simm.s32 $0x0;
	s20 =	sshll.u32 s4, $0x1;
	s4 =	sadd.s32 s21, s2  }
0x9d: {  	[timem:s6], [sflag:s22] =	dma.local [hbm:s4], s20  }
0x9e: {  	_ =	swait.ge [sflag:s22], s20  }
0x9f: {  	s3 =	ssub.s32 $0x0, s20;
	[sflag:s22] =	ssyncset.done $0x0  }
0xa0: {  	[sflag:s22] =	ssyncadd.s32 s3;
	_ =	sdelay $0x1  }
0xa1: {  	s23 =	simm.s32 $0x1B8B  }
0xa2: {  	_ =	swait.ge [sflag:s23], $0x1  }
0xa3: {  	[sflag:s23] =	ssyncset.done $0x0  }
0xa4: {  	s25 =	simm.s32 $0x1B8E;
	s24 =	sld [smem:$0x3FFE];
	[sflag:s23] =	ssyncadd.s32 $0xFFFFFFFF  }
0xa5: {  	s26 =	simm.s32 $execute0_lowered;
	[smem:$0x3FD2] =	sst s25  }
0xa6: {  	s4 =	sshll.u32 s26, $0x1;
	_ =	strace $0x8000004C;
	[dreg:$0x1] =	wrdreg $0xFFFFFFFF  }
0xa7: {  	s28 =	simm.s32 $_size_execute0_lowered;
	s2 =	sadd.s32 s2, s4;
	[dreg:$0x0] =	wrdreg $0x0  }
0xa8: {  	s4 =	sshll.u32 s28, $0x1;
	[dreg:$0x2] =	wrdreg s2  }
0xa9: {  	[dreg:$0x3] =	wrdreg s4  }
0xaa: {  	[dreg:$0x4] =	wrdreg $0xC0  }
0xab: {  	_ =	task [dreg:s6], $0x5FFFF  }
0xac: {  	[dreg:$0x1] =	wrdreg $0xFFFFFFFF  }
0xad: {  	[dreg:$0x0] =	wrdreg $0x60  }
0xae: {  	[dreg:$0x2] =	wrdreg s24  }
0xaf: {  	[dreg:$0x3] =	wrdreg $0x9  }
0xb0: {  	_ =	task.clear_ibuf [dreg:s6], $0x4FFFF;
	_ =	strace $0x9000004C  }
0xb1: {  	s29 =	simm.s32 $0x9;
	_ =	strace $0x8000004E  }
0xb2: {  	_ =	swait.ge [sflag:s29], $0x1  }
0xb3: {  	[sflag:s29] =	ssyncadd.s32 $0xFFFFFFFF  }
0xb4: {  	_ =	strace $0x9000004E  }
0xb5: {  	_ =	sfence  }
0xb6: {  	s30 =	sld [smem:$0x0];
	_ =	sdelay $0x2  }
0xb7: {  	s31 =	sshll.u32 s1, $0xD;
	s1 =	sshrl.u32 s1, $0x2  }
0xb8: {  	s3 =	sand.u32 $0x4000, s31;
	s1 =	sadd.s32 s1, s30  }
0xb9: {  	s0 =	sor.u32 s3, s0;
	s1 =	sshll.u32 s1, $0x11  }
0xba: {  	s0 =	sor.u32 s1, s0  }
0xbb: {  	s0 =	sadd.s32 $0x8F2B, s0  }
0xbc: {  	[sflag:s0] =	ssyncadd.remote.s32 $0x1  }
0xbd: {  	_ =	sfence.sel $0xFFFF  }
0xbe: {  	[dreg:$0x0] =	wrdreg $0xFFFFFFFF;
	(pc) =	sbr.abs _section_cstart, $3  }
0xbf: {  	[dreg:$0x1] =	wrdreg $0xFFFFFFFF  }
0xc0: {  	_ =	task.clear_ibuf [dreg:s6], $0x2FFFF;
	_ =	strace $0x9FFFFFFF  }
0xc1: {  	(tm) =	ssettm $0x7FFFFFFF  }
tec
execute0_lowered:
.L_overlay_start_1:
0x0: {  	(tag) =	ssettag $0x1  }
0x1: {  	s4 =	rddreg [dreg:$0x0]  }
0x2: {  	s0 =	rddreg [dreg:$0x1]  }
0x3: {  	s3 =	srdreg.scid;
	s1 =	stileid.u32;
	s2 =	simm.s32 $0x0  }
0x4: {  	s11 =	simm.s32 $0x2400;
	s12 =	simm.s32 $0x2C00;
	s13 =	simm.s32 $0x3400  }
0x5: {  	s14 =	simm.s32 $0x3C00;
	s15 =	simm.s32 $0x4400;
	s16 =	simm.s32 $0x4C00  }
0x6: {  	s17 =	simm.s32 $0x5400;
	s18 =	simm.s32 $0x5C00;
	s19 =	simm.s32 $0x1  }
0x7: {  	s20 =	simm.s32 $0x0;
	s5 =	sand.u32 $0x1, s3;
	s28 =	sshll.u32 s1, $0x1  }
0x8: {  	[smem:$0x7FF] =	sst s2;
	s7 =	smul.u32 $0x5000, s1;
	s3 =	sor.u32 s5, s28  }
0x9: {  	_ =	strace $0x8000004D;
	s8 =	ssub.s32 $0x2, s5;
	s10 =	smul.u32 $0x2800, s5  }
0xa: {  	s6 =	smul.u32 $0x1400, s3;
	s3 =	sadd.s32 $0x40800, s4;
	s9 =	sshrl.u32 s8, $0x1  }
0xb: {  	s30 =	sadd.s32 s7, s4;
	s7 =	simm.s32 $0x2;
	s31 =	ssub.s32 s8, s9  }
0xc: {  	s8 =	simm.s32 $0x80;
	s9 =	simm.s32 $0x1400;
	s6 =	sshrl.u32 s6, $0x3  }
0xd: {  	s5 =	smax.u32 s31, $0x1;
	s29 =	sadd.s32 s6, s4;
	s6 =	sadd.s32 s10, s30  }
0xe: {  	s10 =	simm.s32 $0x1C00;
	s4 =	sadd.s32 $0x9800, s29;
	s6 =	sadd.s32 $0x63800, s6  }
.LBB2_1:
0xf: {  	[tilespmem:s2], [sflag:$0x2] =	stream.linear.gather [hbm4b:s4+s2], $0x1400, $0x38;
	[tilespmem:$0x6400] =	vst v63  }
0x10: {  	_ =	swait.ge [sflag:s7], $0x1400  }
0x11: {  	[sflag:s7] =	ssyncset.done $0x0  }
0x12: {  	s21 =	simm.s32 $0x0;
	[sflag:s7] =	ssyncadd.s32 $0xFFFFEC00  }
0x13: {  	[tilespmem:s9], [sflag:$0x1] =	stream.indirect.gather [hbm4b:s3+s8], $0x10, s21, s8, $0xb8;
	[tilespmem:$0x6400] =	vst v63  }
0x14: {  	s22 =	simm.s32 $0x80  }
0x15: {  	[tilespmem:s10], [sflag:$0x1] =	stream.indirect.gather [hbm4b:s3+s8], $0x10, s22, s8, $0xb8;
	[tilespmem:$0x6400] =	vst v63  }
0x16: {  	s23 =	simm.s32 $0x100  }
0x17: {  	[tilespmem:s11], [sflag:$0x1] =	stream.indirect.gather [hbm4b:s3+s8], $0x10, s23, s8, $0xb8;
	[tilespmem:$0x6400] =	vst v63  }
0x18: {  	s24 =	simm.s32 $0x180  }
0x19: {  	[tilespmem:s12], [sflag:$0x1] =	stream.indirect.gather [hbm4b:s3+s8], $0x10, s24, s8, $0xb8;
	[tilespmem:$0x6400] =	vst v63  }
0x1a: {  	s25 =	simm.s32 $0x200  }
0x1b: {  	[tilespmem:s13], [sflag:$0x1] =	stream.indirect.gather [hbm4b:s3+s8], $0x10, s25, s8, $0xb8;
	[tilespmem:$0x6400] =	vst v63  }
0x1c: {  	s26 =	simm.s32 $0x280  }
0x1d: {  	[tilespmem:s14], [sflag:$0x1] =	stream.indirect.gather [hbm4b:s3+s8], $0x10, s26, s8, $0xb8;
	[tilespmem:$0x6400] =	vst v63  }
0x1e: {  	s28 =	simm.s32 $0x300  }
0x1f: {  	[tilespmem:s15], [sflag:$0x1] =	stream.indirect.gather [hbm4b:s3+s8], $0x10, s28, s8, $0xb8;
	[tilespmem:$0x6400] =	vst v63  }
0x20: {  	s29 =	simm.s32 $0x380  }
0x21: {  	[tilespmem:s16], [sflag:$0x1] =	stream.indirect.gather [hbm4b:s3+s8], $0x10, s29, s8, $0xb8;
	[tilespmem:$0x6400] =	vst v63  }
0x22: {  	s30 =	simm.s32 $0x400  }
0x23: {  	[tilespmem:s17], [sflag:$0x1] =	stream.indirect.gather [hbm4b:s3+s8], $0x10, s30, s8, $0xb8;
	[tilespmem:$0x6400] =	vst v63  }
0x24: {  	s31 =	simm.s32 $0x480  }
0x25: {  	[tilespmem:s18], [sflag:$0x1] =	stream.indirect.gather [hbm4b:s3+s8], $0x10, s31, s8, $0xb8;
	[tilespmem:$0x6400] =	vst v63  }
0x26: {  	_ =	swait.ge [sflag:s19], $0x800  }
0x27: {  	[sflag:s19] =	ssyncset.done $0x0  }
0x28: {  	[sflag:s19] =	ssyncadd.s32 $0xFFFFF800  }
0x29: {  	_ =	swait.ge [sflag:s19], $0x800  }
0x2a: {  	[sflag:s19] =	ssyncset.done $0x0  }
0x2b: {  	[sflag:s19] =	ssyncadd.s32 $0xFFFFF800  }
0x2c: {  	_ =	swait.ge [sflag:s19], $0x800  }
0x2d: {  	[sflag:s19] =	ssyncset.done $0x0  }
0x2e: {  	[sflag:s19] =	ssyncadd.s32 $0xFFFFF800  }
0x2f: {  	_ =	swait.ge [sflag:s19], $0x800  }
0x30: {  	[sflag:s19] =	ssyncset.done $0x0  }
0x31: {  	[sflag:s19] =	ssyncadd.s32 $0xFFFFF800  }
0x32: {  	_ =	swait.ge [sflag:s19], $0x800  }
0x33: {  	[sflag:s19] =	ssyncset.done $0x0  }
0x34: {  	[sflag:s19] =	ssyncadd.s32 $0xFFFFF800  }
0x35: {  	_ =	swait.ge [sflag:s19], $0x800  }
0x36: {  	[sflag:s19] =	ssyncset.done $0x0  }
0x37: {  	[sflag:s19] =	ssyncadd.s32 $0xFFFFF800  }
0x38: {  	_ =	swait.ge [sflag:s19], $0x800  }
0x39: {  	[sflag:s19] =	ssyncset.done $0x0  }
0x3a: {  	[sflag:s19] =	ssyncadd.s32 $0xFFFFF800  }
0x3b: {  	_ =	swait.ge [sflag:s19], $0x800  }
0x3c: {  	[sflag:s19] =	ssyncset.done $0x0  }
0x3d: {  	[sflag:s19] =	ssyncadd.s32 $0xFFFFF800  }
0x3e: {  	_ =	swait.ge [sflag:s19], $0x800  }
0x3f: {  	[sflag:s19] =	ssyncset.done $0x0  }
0x40: {  	[sflag:s19] =	ssyncadd.s32 $0xFFFFF800  }
0x41: {  	_ =	swait.ge [sflag:s19], $0x800  }
0x42: {  	[sflag:s19] =	ssyncset.done $0x0  }
0x43: {  	[sflag:s19] =	ssyncadd.s32 $0xFFFFF800  }
0x44: {  	[hbm4b:s6+s2] =	stream.linear.scatter [tilespmem:s9], [sflag:$0x2], $0x5000, $0x38;
	[tilespmem:$0x6400] =	vst v63  }
0x45: {  	s21 =	sadd.s32 $0xA00, s6;
	_ =	swait.ge [sflag:s7], $0x5000  }
0x46: {  	s22 =	simm.s32 $0x1400;
	s24 =	simm.s32 $0x2800;
	[sflag:s7] =	ssyncset.done $0x0  }
.LBB2_2:
0x47: {  	s25 =	sshra.s32 s22, $0x2  }
0x48: {  	[sflag:s7] =	ssyncadd.s32 $0xFFFFB000;
	s22 =	smov.u32 s24;
	s23 =	sadd.s32 $0x1400, s24  }
0x49: {  	[tilespmem:s9], [sflag:$0x1] =	stream.indirect.gather [hbm4b:s3+s8], $0x10, s25, s8, $0xb8;
	[tilespmem:$0x6400] =	vst v63  }
0x4a: {  	p0 =	sne.s32 s24, $0x3C00;
	s24 =	sadd.s32 $0x80, s25  }
0x4b: {  	[tilespmem:s10], [sflag:$0x1] =	stream.indirect.gather [hbm4b:s3+s8], $0x10, s24, s8, $0xb8;
	[tilespmem:$0x6400] =	vst v63  }
0x4c: {  	s24 =	sadd.s32 $0x100, s25  }
0x4d: {  	[tilespmem:s11], [sflag:$0x1] =	stream.indirect.gather [hbm4b:s3+s8], $0x10, s24, s8, $0xb8;
	[tilespmem:$0x6400] =	vst v63  }
0x4e: {  	s24 =	sadd.s32 $0x180, s25  }
0x4f: {  	[tilespmem:s12], [sflag:$0x1] =	stream.indirect.gather [hbm4b:s3+s8], $0x10, s24, s8, $0xb8;
	[tilespmem:$0x6400] =	vst v63  }
0x50: {  	s24 =	sadd.s32 $0x200, s25  }
0x51: {  	[tilespmem:s13], [sflag:$0x1] =	stream.indirect.gather [hbm4b:s3+s8], $0x10, s24, s8, $0xb8;
	[tilespmem:$0x6400] =	vst v63  }
0x52: {  	s24 =	sadd.s32 $0x280, s25  }
0x53: {  	[tilespmem:s14], [sflag:$0x1] =	stream.indirect.gather [hbm4b:s3+s8], $0x10, s24, s8, $0xb8;
	[tilespmem:$0x6400] =	vst v63  }
0x54: {  	s24 =	sadd.s32 $0x300, s25  }
0x55: {  	[tilespmem:s15], [sflag:$0x1] =	stream.indirect.gather [hbm4b:s3+s8], $0x10, s24, s8, $0xb8;
	[tilespmem:$0x6400] =	vst v63  }
0x56: {  	s24 =	sadd.s32 $0x380, s25  }
0x57: {  	[tilespmem:s16], [sflag:$0x1] =	stream.indirect.gather [hbm4b:s3+s8], $0x10, s24, s8, $0xb8;
	[tilespmem:$0x6400] =	vst v63  }
0x58: {  	s24 =	sadd.s32 $0x400, s25  }
0x59: {  	[tilespmem:s17], [sflag:$0x1] =	stream.indirect.gather [hbm4b:s3+s8], $0x10, s24, s8, $0xb8;
	[tilespmem:$0x6400] =	vst v63  }
0x5a: {  	s24 =	sadd.s32 $0x480, s25  }
0x5b: {  	[tilespmem:s18], [sflag:$0x1] =	stream.indirect.gather [hbm4b:s3+s8], $0x10, s24, s8, $0xb8;
	[tilespmem:$0x6400] =	vst v63  }
0x5c: {  	_ =	swait.ge [sflag:s19], $0x800  }
0x5d: {  	[sflag:s19] =	ssyncset.done $0x0  }
0x5e: {  	[sflag:s19] =	ssyncadd.s32 $0xFFFFF800  }
0x5f: {  	_ =	swait.ge [sflag:s19], $0x800  }
0x60: {  	[sflag:s19] =	ssyncset.done $0x0  }
0x61: {  	[sflag:s19] =	ssyncadd.s32 $0xFFFFF800  }
0x62: {  	_ =	swait.ge [sflag:s19], $0x800  }
0x63: {  	[sflag:s19] =	ssyncset.done $0x0  }
0x64: {  	[sflag:s19] =	ssyncadd.s32 $0xFFFFF800  }
0x65: {  	_ =	swait.ge [sflag:s19], $0x800  }
0x66: {  	[sflag:s19] =	ssyncset.done $0x0  }
0x67: {  	[sflag:s19] =	ssyncadd.s32 $0xFFFFF800  }
0x68: {  	_ =	swait.ge [sflag:s19], $0x800  }
0x69: {  	[sflag:s19] =	ssyncset.done $0x0  }
0x6a: {  	[sflag:s19] =	ssyncadd.s32 $0xFFFFF800  }
0x6b: {  	_ =	swait.ge [sflag:s19], $0x800  }
0x6c: {  	[sflag:s19] =	ssyncset.done $0x0  }
0x6d: {  	[sflag:s19] =	ssyncadd.s32 $0xFFFFF800  }
0x6e: {  	_ =	swait.ge [sflag:s19], $0x800  }
0x6f: {  	[sflag:s19] =	ssyncset.done $0x0  }
0x70: {  	[sflag:s19] =	ssyncadd.s32 $0xFFFFF800  }
0x71: {  	_ =	swait.ge [sflag:s19], $0x800  }
0x72: {  	[sflag:s19] =	ssyncset.done $0x0  }
0x73: {  	[sflag:s19] =	ssyncadd.s32 $0xFFFFF800  }
0x74: {  	_ =	swait.ge [sflag:s19], $0x800  }
0x75: {  	[sflag:s19] =	ssyncset.done $0x0  }
0x76: {  	[sflag:s19] =	ssyncadd.s32 $0xFFFFF800  }
0x77: {  	_ =	swait.ge [sflag:s19], $0x800  }
.Ltmp0:
0x78: {  	[sflag:s19] =	ssyncset.done $0x0;
	(pc) =	sbr.rel @p0 .LBB2_2-.Ltmp0, $4  }
0x79: {  	[sflag:s19] =	ssyncadd.s32 $0xFFFFF800  }
0x7a: {  	[hbm4b:s21+s2] =	stream.linear.scatter [tilespmem:s9], [sflag:$0x2], $0x5000, $0x38;
	[tilespmem:$0x6400] =	vst v63  }
0x7b: {  	_ =	swait.ge [sflag:s7], $0x5000  }
0x7c: {  	s24 =	smov.u32 s23;
	s21 =	sadd.s32 $0xA00, s21;
	[sflag:s7] =	ssyncset.done $0x0  }
0x7d: {  	s22 =	sshra.s32 s22, $0x2;
	[sflag:s7] =	ssyncadd.s32 $0xFFFFB000  }
0x7e: {  	[tilespmem:s9], [sflag:$0x1] =	stream.indirect.gather [hbm4b:s3+s8], $0x10, s22, s8, $0xb8;
	[tilespmem:$0x6400] =	vst v63  }
0x7f: {  	s23 =	sadd.s32 $0x80, s22  }
0x80: {  	[tilespmem:s10], [sflag:$0x1] =	stream.indirect.gather [hbm4b:s3+s8], $0x10, s23, s8, $0xb8;
	[tilespmem:$0x6400] =	vst v63  }
0x81: {  	s24 =	sadd.s32 $0x100, s22  }
0x82: {  	[tilespmem:s11], [sflag:$0x1] =	stream.indirect.gather [hbm4b:s3+s8], $0x10, s24, s8, $0xb8;
	[tilespmem:$0x6400] =	vst v63  }
0x83: {  	s25 =	sadd.s32 $0x180, s22  }
0x84: {  	[tilespmem:s12], [sflag:$0x1] =	stream.indirect.gather [hbm4b:s3+s8], $0x10, s25, s8, $0xb8;
	[tilespmem:$0x6400] =	vst v63  }
0x85: {  	s26 =	sadd.s32 $0x200, s22  }
0x86: {  	[tilespmem:s13], [sflag:$0x1] =	stream.indirect.gather [hbm4b:s3+s8], $0x10, s26, s8, $0xb8;
	[tilespmem:$0x6400] =	vst v63  }
0x87: {  	s28 =	sadd.s32 $0x280, s22  }
0x88: {  	[tilespmem:s14], [sflag:$0x1] =	stream.indirect.gather [hbm4b:s3+s8], $0x10, s28, s8, $0xb8;
	[tilespmem:$0x6400] =	vst v63  }
0x89: {  	s29 =	sadd.s32 $0x300, s22  }
0x8a: {  	[tilespmem:s15], [sflag:$0x1] =	stream.indirect.gather [hbm4b:s3+s8], $0x10, s29, s8, $0xb8;
	[tilespmem:$0x6400] =	vst v63  }
0x8b: {  	s30 =	sadd.s32 $0x380, s22  }
0x8c: {  	[tilespmem:s16], [sflag:$0x1] =	stream.indirect.gather [hbm4b:s3+s8], $0x10, s30, s8, $0xb8;
	[tilespmem:$0x6400] =	vst v63  }
0x8d: {  	s31 =	sadd.s32 $0x400, s22  }
0x8e: {  	[tilespmem:s17], [sflag:$0x1] =	stream.indirect.gather [hbm4b:s3+s8], $0x10, s31, s8, $0xb8;
	[tilespmem:$0x6400] =	vst v63  }
0x8f: {  	s22 =	sadd.s32 $0x480, s22  }
0x90: {  	[tilespmem:s18], [sflag:$0x1] =	stream.indirect.gather [hbm4b:s3+s8], $0x10, s22, s8, $0xb8;
	[tilespmem:$0x6400] =	vst v63  }
0x91: {  	_ =	swait.ge [sflag:s19], $0x800  }
0x92: {  	[sflag:s19] =	ssyncset.done $0x0  }
0x93: {  	[sflag:s19] =	ssyncadd.s32 $0xFFFFF800  }
0x94: {  	_ =	swait.ge [sflag:s19], $0x800  }
0x95: {  	[sflag:s19] =	ssyncset.done $0x0  }
0x96: {  	[sflag:s19] =	ssyncadd.s32 $0xFFFFF800  }
0x97: {  	_ =	swait.ge [sflag:s19], $0x800  }
0x98: {  	[sflag:s19] =	ssyncset.done $0x0  }
0x99: {  	[sflag:s19] =	ssyncadd.s32 $0xFFFFF800  }
0x9a: {  	_ =	swait.ge [sflag:s19], $0x800  }
0x9b: {  	[sflag:s19] =	ssyncset.done $0x0  }
0x9c: {  	[sflag:s19] =	ssyncadd.s32 $0xFFFFF800  }
0x9d: {  	_ =	swait.ge [sflag:s19], $0x800  }
0x9e: {  	[sflag:s19] =	ssyncset.done $0x0  }
0x9f: {  	[sflag:s19] =	ssyncadd.s32 $0xFFFFF800  }
0xa0: {  	_ =	swait.ge [sflag:s19], $0x800  }
0xa1: {  	[sflag:s19] =	ssyncset.done $0x0  }
0xa2: {  	[sflag:s19] =	ssyncadd.s32 $0xFFFFF800  }
0xa3: {  	_ =	swait.ge [sflag:s19], $0x800  }
0xa4: {  	[sflag:s19] =	ssyncset.done $0x0  }
0xa5: {  	[sflag:s19] =	ssyncadd.s32 $0xFFFFF800  }
0xa6: {  	_ =	swait.ge [sflag:s19], $0x800  }
0xa7: {  	[sflag:s19] =	ssyncset.done $0x0  }
0xa8: {  	[sflag:s19] =	ssyncadd.s32 $0xFFFFF800  }
0xa9: {  	_ =	swait.ge [sflag:s19], $0x800  }
0xaa: {  	[sflag:s19] =	ssyncset.done $0x0  }
0xab: {  	[sflag:s19] =	ssyncadd.s32 $0xFFFFF800  }
0xac: {  	s20 =	sadd.s32 $0x1, s20;
	_ =	swait.ge [sflag:s19], $0x800  }
0xad: {  	p0 =	sne.s32 s20, s5;
	[sflag:s19] =	ssyncset.done $0x0  }
.Ltmp1:
0xae: {  	[sflag:s19] =	ssyncadd.s32 $0xFFFFF800;
	(pc) =	sbr.rel @p0 .LBB2_1-.Ltmp1, $4  }
0xaf: {  	[hbm4b:s21+s2] =	stream.linear.scatter [tilespmem:s9], [sflag:$0x2], $0x5000, $0x38;
	[tilespmem:$0x6400] =	vst v63  }
0xb0: {  	_ =	swait.ge [sflag:s7], $0x5000  }
0xb1: {  	[sflag:s7] =	ssyncset.done $0x0  }
0xb2: {  	[sflag:s7] =	ssyncadd.s32 $0xFFFFB000  }
0xb3: {  	_ =	sfence.sel $0x180000  }
0xb4: {  	[bflag:$0x0] =	sbarrier.arrive $0xFFFF  }
0xb5: {  	p0 =	sne.s32 s1, $0x0;
	_ =	strace $0x9000004D  }
0xb6: {  	s0 =	sadd.s32 @!p0 $0x100000, s0;
	[bflag:$0x2] =	sbarrier.arrive $0xFFFF  }
0xb7: {  	[sflag:s0] =	ssyncadd.tile.s32 @!p0 $0x1;
	_ =	shalt  }
.Lfunc_end2:
_tile_overlayer_lowered:
.L_overlay_start_2:
0xb8: {  	(tag) =	ssettag $0x2  }
0xb9: {  	s0 =	rddreg [dreg:$0x0];
	s2 =	stileid.u32  }
0xba: {  	s1 =	rddreg [dreg:$0x1];
	p0 =	sne.s32 s2, $0x0  }
0xbb: {  	s3 =	rddreg [dreg:$0x2];
	[bflag:$0x3] =	sbarrier.arrive $0xFFFF;
	s2 =	simm.s32 @!p0 $0x1C02  }
0xbc: {  	[timem:s3], [sflag:s2] =	dma.local @!p0 [hbm:s0], s1  }
0xbd: {  	s0 =	simm.s32 @!p0 $0x2  }
0xbe: {  	_ =	swait.ge @!p0 [sflag:s0], s1  }
0xbf: {  	s1 =	ssub.s32 @!p0 $0x0, s1;
	[sflag:s0] =	ssyncset.done @!p0 $0x0  }
0xc0: {  	[sflag:s0] =	ssyncadd.s32 @!p0 s1  }
0xc1: {  	[bflag:$0x3] =	sbarrier.arrive $0xFFFF  }
0xc2: {  	_ =	shalt  }

// kernel: kernel.20.cloned.1.call-start
scs
__scs_entry_jumppad:
0x0: {  	(pc) =	sbr.rel $0x88, $3  }
0x1: {  	(tag) =	ssettag $0x0;
	lr =	simm.s32 $0x1  }
0x2: {  	[smem:$0x3F8B] =	sst lr;
	_ =	strace $0xD0000000  }
0x3: {  	_ = 	snop  }
0x4: {  	_ = 	snop  }
0x5: {  	_ = 	snop  }
0x6: {  	_ = 	snop  }
0x7: {  	_ = 	snop  }
__scs_overlays_trampoline_lowered:
0x8: {  	[smem:$0x3F9A] =	sst s0  }
0x9: {  	[smem:$0x3F9B] =	sst s1  }
0xa: {  	[smem:$0x3F9C] =	sst s2  }
0xb: {  	[smem:$0x3F9D] =	sst s3  }
0xc: {  	[smem:$0x3F9E] =	sst s4  }
0xd: {  	[smem:$0x3F9F] =	sst s5  }
0xe: {  	[smem:$0x3FA0] =	sst s6  }
0xf: {  	[smem:$0x3FA1] =	sst s7  }
0x10: {  	[smem:$0x3FA2] =	sst s8  }
0x11: {  	[smem:$0x3FA3] =	sst s9;
	s0 =	simm.s32 @!p0 $0x0  }
0x12: {  	s1 =	sld [smem:$0x3F89];
	s0 =	simm.s32 @p0 $0x1  }
0x13: {  	[smem:$0x3FA4] =	sst s0;
	s0 =	simm.s32 @!p1 $0x0  }
0x14: {  	s2 =	sld [smem:$0x3F88];
	s0 =	simm.s32 @p1 $0x1  }
0x15: {  	[smem:$0x3FA5] =	sst s0;
	s0 =	simm.s32 @!p2 $0x0  }
0x16: {  	s3 =	sld [smem:$0x3FDB];
	s0 =	simm.s32 @p2 $0x1  }
0x17: {  	s4 =	simm.s32 $0x1BF5;
	[smem:$0x3FA7] =	sst s0  }
0x18: {  	s0 =	sld [smem:$0x3F8A];
	_ =	swait.ge [sflag:s4], $0x0  }
0x19: {  	s7 =	sld [smem:$0x3F8B]  }
0x1a: {  	s8 =	sadd.s32 $0xFFFFE003, lr  }
0x1b: {  	s9 =	sadd.s32 $0xFFFFFEF7, lr;
	s5 =	simm.s32 $0xFFFFFFFF;
	p2 =	slt.u32 s8, $0xFFFFF086  }
0x1c: {  	p1 =	slt.u32 s9, $0xF7A;
	s5 =	simm.s32 @!p2 $0x0  }
0x1d: {  	s5 =	simm.s32 @p1 $0x1;
	p0 =	seq.s32 s7, s2  }
0x1e: {  	s7 =	smul.u32 @!p0 $0xF7A, s2;
	p2 =	seq.s32 @!p0 s5, $0x0  }
0x1f: {  	s9 =	smul.u32 $0xF7A, s1;
	s8 =	simm.s32 @!p0 $0x1BF5;
	p2 =	por !p2, p0  }
0x20: {  	[sflag:s8] =	ssyncset.s32 @!p0 $0xFFFFF086;
	s6 =	sadd.s32 @!p0 s3, s7;
	s7 =	simm.s32 @!p0 $0x108  }
0x21: {  	s3 =	sadd.s32 s3, s9;
	s6 =	sadd.s32 @!p0 $0x88, s6;
	s7 =	simm.s32 @p2 $0x1082  }
0x22: {  	[simem:s7], [sflag:s8] =	dma.local @!p0 [hbm:s6], $0xF7A  }
0x23: {  	s9 =	sor.u32 $0xD0000000, s2;
	s6 =	simm.s32 $0x108;
	_ =	swait.ge @!p0 [sflag:s8], $0x0  }
0x24: {  	s3 =	sadd.s32 $0x88, s3;
	s6 =	simm.s32 @!p1 $0x1082;
	[sflag:s4] =	ssyncset.s32 $0xFFFFF086  }
0x25: {  	[simem:s6], [sflag:s4] =	dma.local [hbm:s3], $0xF7A  }
0x26: {  	[smem:$0x3F8B] =	sst s1;
	(tag) =	ssettag s2;
	_ =	strace s9  }
0x27: {  	s1 =	sld [smem:$0x3F9B]  }
0x28: {  	s2 =	sld [smem:$0x3F9C]  }
0x29: {  	s4 =	sld [smem:$0x3F9E]  }
0x2a: {  	p0 =	seq.s32 s5, $0x0;
	s5 =	sld [smem:$0x3F9F]  }
0x2b: {  	s6 =	sld [smem:$0x3FA0]  }
0x2c: {  	s7 =	sld [smem:$0x3FA1]  }
0x2d: {  	s3 =	simm.s32 $0x108;
	s8 =	sld [smem:$0x3FA2]  }
0x2e: {  	s3 =	simm.s32 @!p0 $0x1082;
	s9 =	sld [smem:$0x3FA3]  }
0x2f: {  	lr =	sadd.s32 s0, s3;
	s0 =	sld [smem:$0x3F9A]  }
0x30: {  	s3 =	sld [smem:$0x3F9D]  }
0x31: {  	[smem:$0x3FA6] =	sst s10  }
0x32: {  	s10 =	sld [smem:$0x3FA4];
	_ =	sdelay $0x3  }
0x33: {  	p0 =	seq.s32 s10, $0x1;
	s10 =	sld [smem:$0x3FA6];
	_ =	sdelay $0x3  }
0x34: {  	[smem:$0x3FA6] =	sst s10  }
0x35: {  	s10 =	sld [smem:$0x3FA5];
	_ =	sdelay $0x3  }
0x36: {  	p1 =	seq.s32 s10, $0x1;
	s10 =	sld [smem:$0x3FA6];
	_ =	sdelay $0x3  }
0x37: {  	[smem:$0x3FA6] =	sst s10  }
0x38: {  	s10 =	sld [smem:$0x3FA7]  }
0x39: {  	_ = 	snop;
	(pc) =	sbr.ind lr, $3  }
0x3a: {  	_ = 	snop  }
0x3b: {  	_ = 	snop  }
0x3c: {  	p2 =	seq.s32 s10, $0x1;
	s10 =	sld [smem:$0x3FA6]  }
0x3d: {  	_ =	shalt  }
0x3e: {  	_ =	shalt  }
0x3f: {  	_ =	shalt  }
0x40: {  	_ =	shalt  }
0x41: {  	_ =	shalt  }
0x42: {  	_ =	shalt  }
0x43: {  	_ =	shalt  }
0x44: {  	_ =	shalt  }
0x45: {  	_ =	shalt  }
0x46: {  	_ =	shalt  }
0x47: {  	_ =	shalt  }
0x48: {  	_ =	shalt  }
0x49: {  	_ =	shalt  }
0x4a: {  	_ =	shalt  }
0x4b: {  	_ =	shalt  }
0x4c: {  	_ =	shalt  }
0x4d: {  	_ =	shalt  }
0x4e: {  	_ =	shalt  }
0x4f: {  	_ =	shalt  }
0x50: {  	_ =	shalt  }
0x51: {  	_ =	shalt  }
0x52: {  	_ =	shalt  }
0x53: {  	_ =	shalt  }
0x54: {  	_ =	shalt  }
0x55: {  	_ =	shalt  }
0x56: {  	_ =	shalt  }
0x57: {  	_ =	shalt  }
0x58: {  	_ =	shalt  }
0x59: {  	_ =	shalt  }
0x5a: {  	_ =	shalt  }
0x5b: {  	_ =	shalt  }
0x5c: {  	_ =	shalt  }
0x5d: {  	_ =	shalt  }
0x5e: {  	_ =	shalt  }
0x5f: {  	_ =	shalt  }
0x60: {  	_ =	shalt  }
0x61: {  	_ =	shalt  }
0x62: {  	_ =	shalt  }
0x63: {  	_ =	shalt  }
0x64: {  	_ =	shalt  }
0x65: {  	_ =	shalt  }
0x66: {  	_ =	shalt  }
0x67: {  	_ =	shalt  }
0x68: {  	_ =	shalt  }
0x69: {  	_ =	shalt  }
0x6a: {  	_ =	shalt  }
0x6b: {  	_ =	shalt  }
0x6c: {  	_ =	shalt  }
0x6d: {  	_ =	shalt  }
0x6e: {  	_ =	shalt  }
0x6f: {  	_ =	shalt  }
0x70: {  	_ =	shalt  }
0x71: {  	_ =	shalt  }
0x72: {  	_ =	shalt  }
0x73: {  	_ =	shalt  }
0x74: {  	_ =	shalt  }
0x75: {  	_ =	shalt  }
0x76: {  	_ =	shalt  }
0x77: {  	_ =	shalt  }
0x78: {  	_ =	shalt  }
0x79: {  	_ =	shalt  }
0x7a: {  	_ =	shalt  }
0x7b: {  	_ =	shalt  }
0x7c: {  	_ =	shalt  }
0x7d: {  	_ =	shalt  }
0x7e: {  	_ =	shalt  }
0x7f: {  	_ =	shalt  }
0x80: {  	_ =	shalt  }
0x81: {  	_ =	shalt  }
0x82: {  	_ =	shalt  }
0x83: {  	_ =	shalt  }
0x84: {  	_ =	shalt  }
0x85: {  	_ =	shalt  }
0x86: {  	_ =	shalt  }
0x87: {  	_ =	shalt  }
.Lfunc_end0:
.L_simem_size_0:
called_computation.3_lowered:
.L_overlay_start_0:
0x88: {  	s2 =	sld [smem:$0x3FD9]  }
0x89: {  	s3 =	sld [smem:$0x3FFE];
	_ =	sdelay $0x1  }
0x8a: {  	s1 =	srdreg.scid  }
0x8b: {  	s0 =	sand.u32 $0x1, s1  }
0x8c: {  	s16 =	sshll.u32 s0, $0xA;
	s2 =	sadd.s32 s3, s2  }
0x8d: {  	s2 =	sadd.s32 s2, s16  }
0x8e: {  	[smem:$0x3FB2] =	sst s2  }
0x8f: {  	_ = 	snop  }
0x90: {  	(tm) =	ssettm $0x1  }
0x91: {  	s17 =	sld [smem:$0x3FFB];
	_ =	sdelay $0x3  }
0x92: {  	_ =	strace s17  }
0x93: {  	s2 =	sld [smem:$0x3FFC];
	_ =	sdelay $0x3  }
0x94: {  	_ =	strace s2  }
0x95: {  	s2 =	sld [smem:$0x3FFD];
	_ =	sdelay $0x3  }
0x96: {  	_ =	strace s2  }
0x97: {  	_ =	strace $0x8FFFFFFF  }
0x98: {  	s18 =	sld [smem:$0x3FDB];
	_ =	sdelay $0x1  }
0x99: {  	s19 =	simm.s32 $_scs_section_size  }
0x9a: {  	s4 =	simm.s32 $_size__tile_overlayer_lowered;
	s5 =	simm.s32 $_tile_overlayer_lowered  }
0x9b: {  	s22 =	simm.s32 $0x1BFF;
	s21 =	sshll.u32 s5, $0x1;
	s2 =	sadd.s32 s19, s18  }
0x9c: {  	s6 =	simm.s32 $0x0;
	s20 =	sshll.u32 s4, $0x1;
	s4 =	sadd.s32 s21, s2  }
0x9d: {  	[timem:s6], [sflag:s22] =	dma.local [hbm:s4], s20  }
0x9e: {  	_ =	swait.ge [sflag:s22], s20  }
0x9f: {  	s3 =	ssub.s32 $0x0, s20;
	[sflag:s22] =	ssyncset.done $0x0  }
0xa0: {  	[sflag:s22] =	ssyncadd.s32 s3;
	_ =	sdelay $0x1  }
0xa1: {  	s23 =	simm.s32 $0x1B8B  }
0xa2: {  	_ =	swait.ge [sflag:s23], $0x1  }
0xa3: {  	[sflag:s23] =	ssyncset.done $0x0  }
0xa4: {  	s25 =	simm.s32 $0x1B8E;
	s24 =	sld [smem:$0x3FFE];
	[sflag:s23] =	ssyncadd.s32 $0xFFFFFFFF  }
0xa5: {  	s26 =	simm.s32 $execute0_lowered;
	[smem:$0x3FD2] =	sst s25  }
0xa6: {  	s4 =	sshll.u32 s26, $0x1;
	_ =	strace $0x8000004F;
	[dreg:$0x1] =	wrdreg $0xFFFFFFFF  }
0xa7: {  	s28 =	simm.s32 $_size_execute0_lowered;
	s2 =	sadd.s32 s2, s4;
	[dreg:$0x0] =	wrdreg $0x0  }
0xa8: {  	s4 =	sshll.u32 s28, $0x1;
	[dreg:$0x2] =	wrdreg s2  }
0xa9: {  	[dreg:$0x3] =	wrdreg s4  }
0xaa: {  	[dreg:$0x4] =	wrdreg $0xC0  }
0xab: {  	_ =	task [dreg:s6], $0x5FFFF  }
0xac: {  	[dreg:$0x1] =	wrdreg $0xFFFFFFFF  }
0xad: {  	[dreg:$0x0] =	wrdreg $0x60  }
0xae: {  	[dreg:$0x2] =	wrdreg s24  }
0xaf: {  	[dreg:$0x3] =	wrdreg $0xB8000  }
0xb0: {  	[dreg:$0x4] =	wrdreg $0x108000  }
0xb1: {  	[dreg:$0x5] =	wrdreg $0x9  }
0xb2: {  	_ =	task.clear_ibuf [dreg:s6], $0x6FFFF;
	_ =	strace $0x9000004F  }
0xb3: {  	s29 =	simm.s32 $0x9;
	_ =	strace $0x80000051  }
0xb4: {  	_ =	swait.ge [sflag:s29], $0x1  }
0xb5: {  	[sflag:s29] =	ssyncadd.s32 $0xFFFFFFFF  }
0xb6: {  	_ =	strace $0x90000051  }
0xb7: {  	_ =	sfence  }
0xb8: {  	s30 =	sld [smem:$0x0];
	_ =	sdelay $0x2  }
0xb9: {  	s31 =	sshll.u32 s1, $0xD;
	s1 =	sshrl.u32 s1, $0x2  }
0xba: {  	s3 =	sand.u32 $0x4000, s31;
	s1 =	sadd.s32 s1, s30  }
0xbb: {  	s0 =	sor.u32 s3, s0;
	s1 =	sshll.u32 s1, $0x11  }
0xbc: {  	s0 =	sor.u32 s1, s0  }
0xbd: {  	s0 =	sadd.s32 $0x8F2B, s0  }
0xbe: {  	[sflag:s0] =	ssyncadd.remote.s32 $0x1  }
0xbf: {  	_ =	sfence.sel $0xFFFF  }
0xc0: {  	[dreg:$0x0] =	wrdreg $0xFFFFFFFF;
	(pc) =	sbr.abs _section_cstart, $3  }
0xc1: {  	[dreg:$0x1] =	wrdreg $0xFFFFFFFF  }
0xc2: {  	_ =	task.clear_ibuf [dreg:s6], $0x2FFFF;
	_ =	strace $0x9FFFFFFF  }
0xc3: {  	(tm) =	ssettm $0x7FFFFFFF  }
tec
execute0_lowered:
.L_overlay_start_1:
0x0: {  	(tag) =	ssettag $0x1  }
0x1: {  	s0 =	rddreg [dreg:$0x0];
	s16 =	stileid.u32  }
0x2: {  	s1 =	srdreg.scid;
	s2 =	rddreg [dreg:$0x1]  }
0x3: {  	s3 =	rddreg [dreg:$0x2];
	s17 =	simm.s32 $0xB400;
	s5 =	smul.u32 $0xA000, s16  }
0x4: {  	s28 =	simm.s32 $0x9400;
	s29 =	simm.s32 $0xA400;
	s7 =	smul.u32 $0x5000, s16  }
0x5: {  	s30 =	simm.s32 $0x1;
	s1 =	sand.u32 $0x1, s1;
	s8 =	smul.u32 $0x1400, s16  }
0x6: {  	s31 =	simm.s32 $0x0;
	s4 =	sshll.u32 s16, $0x1;
	s18 =	smul.u32 $0x50000, s1  }
0x7: {  	s13 =	sadd.s32 $0x7000, s0;
	s6 =	sor.u32 s1, s4;
	s12 =	smul.u32 $0x14000, s1  }
0x8: {  	s4 =	simm.s32 $0x0;
	s19 =	ssub.s32 $0x2, s1;
	s1 =	smul.u32 $0x5000, s1  }
0x9: {  	s23 =	sshll.u32 s16, $0x6;
	s6 =	smul.u32 $0x1400, s6;
	[smem:$0x7FF] =	sst s4  }
0xa: {  	s5 =	sadd.s32 s5, s0;
	s10 =	sshrl.u32 s7, $0x3;
	s11 =	sshrl.u32 s8, $0x3  }
0xb: {  	s14 =	sshrl.u32 s19, $0x1;
	s21 =	sadd.s32 s7, s2;
	s24 =	sadd.s32 s8, s3  }
0xc: {  	_ =	strace $0x80000050;
	s10 =	sadd.s32 s10, s0;
	s11 =	sadd.s32 s11, s0  }
0xd: {  	[dreg:$0x4] =	wrdreg s13;
	s12 =	sadd.s32 s8, s12;
	s20 =	ssub.s32 s19, s14  }
0xe: {  	s26 =	sadd.s32 s1, s5;
	s14 =	sshrl.u32 s21, $0x3;
	s16 =	sshrl.u32 s24, $0x3  }
0xf: {  	s19 =	simm.s32 $0x80;
	s21 =	simm.s32 $0x3400;
	s24 =	simm.s32 $0x6400  }
0x10: {  	s6 =	sshrl.u32 s6, $0x3;
	s12 =	sshrl.u32 s12, $0x3;
	s22 =	sadd.s32 $0xE800, s10  }
0x11: {  	s25 =	sadd.s32 $0x4800, s11;
	s13 =	sadd.s32 $0x63800, s26;
	s26 =	simm.s32 $0x8400  }
0x12: {  	s9 =	sadd.s32 s6, s0;
	s6 =	sadd.s32 s7, s18;
	[dreg:$0x5] =	wrdreg s22  }
0x13: {  	s7 =	sor.u32 $0x1C02, s23;
	[dreg:$0x6] =	wrdreg s25;
	s18 =	simm.s32 $0x1400  }
0x14: {  	s22 =	simm.s32 $0x4400;
	s23 =	simm.s32 $0x5400;
	s6 =	sshrl.u32 s6, $0x3  }
0x15: {  	s25 =	simm.s32 $0x7400;
	s9 =	sadd.s32 $0x5E800, s9;
	s15 =	sadd.s32 s6, s0  }
0x16: {  	s0 =	sadd.s32 s12, s0;
	s12 =	smax.u32 s20, $0x1;
	s20 =	simm.s32 $0x2400  }
0x17: {  	s10 =	sadd.s32 $0x40800, s15;
	s11 =	sadd.s32 $0x7200, s0;
	s15 =	simm.s32 $0x2  }
.LBB2_1:
0x18: {  	s0 =	rddreg [dreg:$0x5]  }
0x19: {  	[spmem:s14], [sflag:s7] =	dma.local [hbm:s0], $0xA00  }
0x1a: {  	_ =	swait.ge [sflag:s15], $0xA00  }
0x1b: {  	[sflag:s15] =	ssyncset.done $0x0  }
0x1c: {  	s8 =	rddreg [dreg:$0x6];
	[sflag:s15] =	ssyncadd.s32 $0xFFFFF600  }
0x1d: {  	[spmem:s16], [sflag:s7] =	dma.local [hbm:s8], $0x280  }
0x1e: {  	_ =	swait.ge [sflag:s15], $0x280  }
0x1f: {  	[sflag:s15] =	ssyncset.done $0x0  }
0x20: {  	s1 =	rddreg [dreg:$0x4];
	[sflag:s15] =	ssyncadd.s32 $0xFFFFFD80  }
0x21: {  	[tilespmem:s17], [sflag:$0x2] =	stream.linear.gather [hbm4b:s1+s4], $0x400, $0x38;
	[tilespmem:$0x11C00] =	vst v63  }
0x22: {  	_ =	swait.ge [sflag:s15], $0x400  }
0x23: {  	[sflag:s15] =	ssyncset.done $0x0  }
0x24: {  	[sflag:s15] =	ssyncadd.s32 $0xFFFFFC00  }
0x25: {  	[tilespmem:s4], [sflag:$0x2] =	stream.linear.gather [hbm4b:s9+s4], $0x1400, $0x38;
	[tilespmem:$0x11C00] =	vst v63  }
0x26: {  	_ =	swait.ge [sflag:s15], $0x1400  }
0x27: {  	[sflag:s15] =	ssyncset.done $0x0  }
0x28: {  	[sflag:s15] =	ssyncadd.s32 $0xFFFFEC00  }
0x29: {  	s5 =	sadd.s32 $0x0, s13;
	[bflag:$0x0] =	sbarrier.arrive $0xFFFF  }
0x2a: {  	[tilespmem:s18], [sflag:$0x2] =	stream.linear.gather [hbm4b:s5+s4], $0xA000, $0x38;
	[tilespmem:$0x11C00] =	vst v63  }
0x2b: {  	_ =	swait.ge [sflag:s15], $0xA000  }
0x2c: {  	[sflag:s15] =	ssyncset.done $0x0  }
0x2d: {  	s6 =	simm.s32 $0x0;
	[sflag:s15] =	ssyncadd.s32 $0xFFFF6000  }
0x2e: {  	[spmem:s2] =	stream.indirect.scatter.add.f32 [tilespmem:s18], [sflag:$0x1], $0x20, s6, s19, $0xb8;
	[tilespmem:$0x11C00] =	vst v63  }
0x2f: {  	_ = 	snop  }
0x30: {  	[spmem:s3] =	stream.indirect.scatter.add.f32 [tilespmem:s17], [sflag:$0x1], $0x8, s6, s19, $0xb8;
	[tilespmem:$0x11C00] =	vst v63  }
0x31: {  	s8 =	simm.s32 $0x80  }
0x32: {  	[spmem:s2] =	stream.indirect.scatter.add.f32 [tilespmem:s20], [sflag:$0x1], $0x20, s8, s19, $0xb8;
	[tilespmem:$0x11C00] =	vst v63  }
0x33: {  	_ = 	snop  }
0x34: {  	[spmem:s3] =	stream.indirect.scatter.add.f32 [tilespmem:s17], [sflag:$0x1], $0x8, s8, s19, $0xb8;
	[tilespmem:$0x11C00] =	vst v63  }
0x35: {  	s1 =	simm.s32 $0x100  }
0x36: {  	[spmem:s2] =	stream.indirect.scatter.add.f32 [tilespmem:s21], [sflag:$0x1], $0x20, s1, s19, $0xb8;
	[tilespmem:$0x11C00] =	vst v63  }
0x37: {  	_ = 	snop  }
0x38: {  	[spmem:s3] =	stream.indirect.scatter.add.f32 [tilespmem:s17], [sflag:$0x1], $0x8, s1, s19, $0xb8;
	[tilespmem:$0x11C00] =	vst v63  }
0x39: {  	s5 =	simm.s32 $0x180  }
0x3a: {  	[spmem:s2] =	stream.indirect.scatter.add.f32 [tilespmem:s22], [sflag:$0x1], $0x20, s5, s19, $0xb8;
	[tilespmem:$0x11C00] =	vst v63  }
0x3b: {  	_ = 	snop  }
0x3c: {  	[spmem:s3] =	stream.indirect.scatter.add.f32 [tilespmem:s17], [sflag:$0x1], $0x8, s5, s19, $0xb8;
	[tilespmem:$0x11C00] =	vst v63  }
0x3d: {  	s6 =	simm.s32 $0x200  }
0x3e: {  	[spmem:s2] =	stream.indirect.scatter.add.f32 [tilespmem:s23], [sflag:$0x1], $0x20, s6, s19, $0xb8;
	[tilespmem:$0x11C00] =	vst v63  }
0x3f: {  	_ = 	snop  }
0x40: {  	[spmem:s3] =	stream.indirect.scatter.add.f32 [tilespmem:s17], [sflag:$0x1], $0x8, s6, s19, $0xb8;
	[tilespmem:$0x11C00] =	vst v63  }
0x41: {  	s8 =	simm.s32 $0x280  }
0x42: {  	[spmem:s2] =	stream.indirect.scatter.add.f32 [tilespmem:s24], [sflag:$0x1], $0x20, s8, s19, $0xb8;
	[tilespmem:$0x11C00] =	vst v63  }
0x43: {  	_ = 	snop  }
0x44: {  	[spmem:s3] =	stream.indirect.scatter.add.f32 [tilespmem:s17], [sflag:$0x1], $0x8, s8, s19, $0xb8;
	[tilespmem:$0x11C00] =	vst v63  }
0x45: {  	s1 =	simm.s32 $0x300  }
0x46: {  	[spmem:s2] =	stream.indirect.scatter.add.f32 [tilespmem:s25], [sflag:$0x1], $0x20, s1, s19, $0xb8;
	[tilespmem:$0x11C00] =	vst v63  }
0x47: {  	_ = 	snop  }
0x48: {  	[spmem:s3] =	stream.indirect.scatter.add.f32 [tilespmem:s17], [sflag:$0x1], $0x8, s1, s19, $0xb8;
	[tilespmem:$0x11C00] =	vst v63  }
0x49: {  	s5 =	simm.s32 $0x380  }
0x4a: {  	[spmem:s2] =	stream.indirect.scatter.add.f32 [tilespmem:s26], [sflag:$0x1], $0x20, s5, s19, $0xb8;
	[tilespmem:$0x11C00] =	vst v63  }
0x4b: {  	_ = 	snop  }
0x4c: {  	[spmem:s3] =	stream.indirect.scatter.add.f32 [tilespmem:s17], [sflag:$0x1], $0x8, s5, s19, $0xb8;
	[tilespmem:$0x11C00] =	vst v63  }
0x4d: {  	s6 =	simm.s32 $0x400  }
0x4e: {  	[spmem:s2] =	stream.indirect.scatter.add.f32 [tilespmem:s28], [sflag:$0x1], $0x20, s6, s19, $0xb8;
	[tilespmem:$0x11C00] =	vst v63  }
0x4f: {  	_ = 	snop  }
0x50: {  	[spmem:s3] =	stream.indirect.scatter.add.f32 [tilespmem:s17], [sflag:$0x1], $0x8, s6, s19, $0xb8;
	[tilespmem:$0x11C00] =	vst v63  }
0x51: {  	s8 =	simm.s32 $0x480  }
0x52: {  	[spmem:s2] =	stream.indirect.scatter.add.f32 [tilespmem:s29], [sflag:$0x1], $0x20, s8, s19, $0xb8;
	[tilespmem:$0x11C00] =	vst v63  }
0x53: {  	_ = 	snop  }
0x54: {  	[spmem:s3] =	stream.indirect.scatter.add.f32 [tilespmem:s17], [sflag:$0x1], $0x8, s8, s19, $0xb8;
	[tilespmem:$0x11C00] =	vst v63  }
0x55: {  	_ =	swait.ge [sflag:s30], $0x1000  }
0x56: {  	[sflag:s30] =	ssyncset.done $0x0  }
0x57: {  	[sflag:s30] =	ssyncadd.s32 $0xFFFFF000  }
0x58: {  	_ =	swait.ge [sflag:s30], $0x400  }
0x59: {  	[sflag:s30] =	ssyncset.done $0x0  }
0x5a: {  	[sflag:s30] =	ssyncadd.s32 $0xFFFFFC00  }
0x5b: {  	_ =	swait.ge [sflag:s30], $0x1000  }
0x5c: {  	[sflag:s30] =	ssyncset.done $0x0  }
0x5d: {  	[sflag:s30] =	ssyncadd.s32 $0xFFFFF000  }
0x5e: {  	_ =	swait.ge [sflag:s30], $0x400  }
0x5f: {  	[sflag:s30] =	ssyncset.done $0x0  }
0x60: {  	[sflag:s30] =	ssyncadd.s32 $0xFFFFFC00  }
0x61: {  	_ =	swait.ge [sflag:s30], $0x1000  }
0x62: {  	[sflag:s30] =	ssyncset.done $0x0  }
0x63: {  	[sflag:s30] =	ssyncadd.s32 $0xFFFFF000  }
0x64: {  	_ =	swait.ge [sflag:s30], $0x400  }
0x65: {  	[sflag:s30] =	ssyncset.done $0x0  }
0x66: {  	[sflag:s30] =	ssyncadd.s32 $0xFFFFFC00  }
0x67: {  	_ =	swait.ge [sflag:s30], $0x1000  }
0x68: {  	[sflag:s30] =	ssyncset.done $0x0  }
0x69: {  	[sflag:s30] =	ssyncadd.s32 $0xFFFFF000  }
0x6a: {  	_ =	swait.ge [sflag:s30], $0x400  }
0x6b: {  	[sflag:s30] =	ssyncset.done $0x0  }
0x6c: {  	[sflag:s30] =	ssyncadd.s32 $0xFFFFFC00  }
0x6d: {  	_ =	swait.ge [sflag:s30], $0x1000  }
0x6e: {  	[sflag:s30] =	ssyncset.done $0x0  }
0x6f: {  	[sflag:s30] =	ssyncadd.s32 $0xFFFFF000  }
0x70: {  	_ =	swait.ge [sflag:s30], $0x400  }
0x71: {  	[sflag:s30] =	ssyncset.done $0x0  }
0x72: {  	[sflag:s30] =	ssyncadd.s32 $0xFFFFFC00  }
0x73: {  	_ =	swait.ge [sflag:s30], $0x1000  }
0x74: {  	[sflag:s30] =	ssyncset.done $0x0  }
0x75: {  	[sflag:s30] =	ssyncadd.s32 $0xFFFFF000  }
0x76: {  	_ =	swait.ge [sflag:s30], $0x400  }
0x77: {  	[sflag:s30] =	ssyncset.done $0x0  }
0x78: {  	[sflag:s30] =	ssyncadd.s32 $0xFFFFFC00  }
0x79: {  	_ =	swait.ge [sflag:s30], $0x1000  }
0x7a: {  	[sflag:s30] =	ssyncset.done $0x0  }
0x7b: {  	[sflag:s30] =	ssyncadd.s32 $0xFFFFF000  }
0x7c: {  	_ =	swait.ge [sflag:s30], $0x400  }
0x7d: {  	[sflag:s30] =	ssyncset.done $0x0  }
0x7e: {  	[sflag:s30] =	ssyncadd.s32 $0xFFFFFC00  }
0x7f: {  	_ =	swait.ge [sflag:s30], $0x1000  }
0x80: {  	[sflag:s30] =	ssyncset.done $0x0  }
0x81: {  	[sflag:s30] =	ssyncadd.s32 $0xFFFFF000  }
0x82: {  	_ =	swait.ge [sflag:s30], $0x400  }
0x83: {  	[sflag:s30] =	ssyncset.done $0x0  }
0x84: {  	[sflag:s30] =	ssyncadd.s32 $0xFFFFFC00  }
0x85: {  	_ =	swait.ge [sflag:s30], $0x1000  }
0x86: {  	[sflag:s30] =	ssyncset.done $0x0  }
0x87: {  	[sflag:s30] =	ssyncadd.s32 $0xFFFFF000  }
0x88: {  	_ =	swait.ge [sflag:s30], $0x400  }
0x89: {  	[sflag:s30] =	ssyncset.done $0x0  }
0x8a: {  	[sflag:s30] =	ssyncadd.s32 $0xFFFFFC00  }
0x8b: {  	_ =	swait.ge [sflag:s30], $0x1000  }
0x8c: {  	[sflag:s30] =	ssyncset.done $0x0  }
0x8d: {  	[sflag:s30] =	ssyncadd.s32 $0xFFFFF000  }
0x8e: {  	_ =	swait.ge [sflag:s30], $0x400  }
0x8f: {  	s1 =	simm.s32 $0x1400;
	s5 =	simm.s32 $0x2800;
	[sflag:s30] =	ssyncset.done $0x0  }
.LBB2_2:
0x90: {  	s6 =	sadd.s32 s1, s13  }
0x91: {  	[sflag:s30] =	ssyncadd.s32 $0xFFFFFC00;
	s8 =	smov.u32 s5;
	s0 =	sadd.s32 $0x1400, s5  }
0x92: {  	[tilespmem:s18], [sflag:$0x2] =	stream.linear.gather [hbm4b:s6+s4], $0xA000, $0x38;
	[tilespmem:$0x11C00] =	vst v63  }
0x93: {  	p0 =	sne.s32 s5, $0x3C00;
	_ =	swait.ge [sflag:s15], $0xA000  }
0x94: {  	[sflag:s15] =	ssyncset.done $0x0  }
0x95: {  	s5 =	sshra.s32 s1, $0x2;
	s1 =	smov.u32 s8;
	[sflag:s15] =	ssyncadd.s32 $0xFFFF6000  }
0x96: {  	[spmem:s2] =	stream.indirect.scatter.add.f32 [tilespmem:s18], [sflag:$0x1], $0x20, s5, s19, $0xb8;
	[tilespmem:$0x11C00] =	vst v63  }
0x97: {  	_ = 	snop  }
0x98: {  	[spmem:s3] =	stream.indirect.scatter.add.f32 [tilespmem:s17], [sflag:$0x1], $0x8, s5, s19, $0xb8;
	[tilespmem:$0x11C00] =	vst v63  }
0x99: {  	s6 =	sadd.s32 $0x80, s5  }
0x9a: {  	[spmem:s2] =	stream.indirect.scatter.add.f32 [tilespmem:s20], [sflag:$0x1], $0x20, s6, s19, $0xb8;
	[tilespmem:$0x11C00] =	vst v63  }
0x9b: {  	_ = 	snop  }
0x9c: {  	[spmem:s3] =	stream.indirect.scatter.add.f32 [tilespmem:s17], [sflag:$0x1], $0x8, s6, s19, $0xb8;
	[tilespmem:$0x11C00] =	vst v63  }
0x9d: {  	s6 =	sadd.s32 $0x100, s5  }
0x9e: {  	[spmem:s2] =	stream.indirect.scatter.add.f32 [tilespmem:s21], [sflag:$0x1], $0x20, s6, s19, $0xb8;
	[tilespmem:$0x11C00] =	vst v63  }
0x9f: {  	_ = 	snop  }
0xa0: {  	[spmem:s3] =	stream.indirect.scatter.add.f32 [tilespmem:s17], [sflag:$0x1], $0x8, s6, s19, $0xb8;
	[tilespmem:$0x11C00] =	vst v63  }
0xa1: {  	s6 =	sadd.s32 $0x180, s5  }
0xa2: {  	[spmem:s2] =	stream.indirect.scatter.add.f32 [tilespmem:s22], [sflag:$0x1], $0x20, s6, s19, $0xb8;
	[tilespmem:$0x11C00] =	vst v63  }
0xa3: {  	_ = 	snop  }
0xa4: {  	[spmem:s3] =	stream.indirect.scatter.add.f32 [tilespmem:s17], [sflag:$0x1], $0x8, s6, s19, $0xb8;
	[tilespmem:$0x11C00] =	vst v63  }
0xa5: {  	s6 =	sadd.s32 $0x200, s5  }
0xa6: {  	[spmem:s2] =	stream.indirect.scatter.add.f32 [tilespmem:s23], [sflag:$0x1], $0x20, s6, s19, $0xb8;
	[tilespmem:$0x11C00] =	vst v63  }
0xa7: {  	_ = 	snop  }
0xa8: {  	[spmem:s3] =	stream.indirect.scatter.add.f32 [tilespmem:s17], [sflag:$0x1], $0x8, s6, s19, $0xb8;
	[tilespmem:$0x11C00] =	vst v63  }
0xa9: {  	s6 =	sadd.s32 $0x280, s5  }
0xaa: {  	[spmem:s2] =	stream.indirect.scatter.add.f32 [tilespmem:s24], [sflag:$0x1], $0x20, s6, s19, $0xb8;
	[tilespmem:$0x11C00] =	vst v63  }
0xab: {  	_ = 	snop  }
0xac: {  	[spmem:s3] =	stream.indirect.scatter.add.f32 [tilespmem:s17], [sflag:$0x1], $0x8, s6, s19, $0xb8;
	[tilespmem:$0x11C00] =	vst v63  }
0xad: {  	s6 =	sadd.s32 $0x300, s5  }
0xae: {  	[spmem:s2] =	stream.indirect.scatter.add.f32 [tilespmem:s25], [sflag:$0x1], $0x20, s6, s19, $0xb8;
	[tilespmem:$0x11C00] =	vst v63  }
0xaf: {  	_ = 	snop  }
0xb0: {  	[spmem:s3] =	stream.indirect.scatter.add.f32 [tilespmem:s17], [sflag:$0x1], $0x8, s6, s19, $0xb8;
	[tilespmem:$0x11C00] =	vst v63  }
0xb1: {  	s6 =	sadd.s32 $0x380, s5  }
0xb2: {  	[spmem:s2] =	stream.indirect.scatter.add.f32 [tilespmem:s26], [sflag:$0x1], $0x20, s6, s19, $0xb8;
	[tilespmem:$0x11C00] =	vst v63  }
0xb3: {  	_ = 	snop  }
0xb4: {  	[spmem:s3] =	stream.indirect.scatter.add.f32 [tilespmem:s17], [sflag:$0x1], $0x8, s6, s19, $0xb8;
	[tilespmem:$0x11C00] =	vst v63  }
0xb5: {  	s6 =	sadd.s32 $0x400, s5  }
0xb6: {  	[spmem:s2] =	stream.indirect.scatter.add.f32 [tilespmem:s28], [sflag:$0x1], $0x20, s6, s19, $0xb8;
	[tilespmem:$0x11C00] =	vst v63  }
0xb7: {  	_ = 	snop  }
0xb8: {  	[spmem:s3] =	stream.indirect.scatter.add.f32 [tilespmem:s17], [sflag:$0x1], $0x8, s6, s19, $0xb8;
	[tilespmem:$0x11C00] =	vst v63  }
0xb9: {  	s5 =	sadd.s32 $0x480, s5  }
0xba: {  	[spmem:s2] =	stream.indirect.scatter.add.f32 [tilespmem:s29], [sflag:$0x1], $0x20, s5, s19, $0xb8;
	[tilespmem:$0x11C00] =	vst v63  }
0xbb: {  	_ = 	snop  }
0xbc: {  	[spmem:s3] =	stream.indirect.scatter.add.f32 [tilespmem:s17], [sflag:$0x1], $0x8, s5, s19, $0xb8;
	[tilespmem:$0x11C00] =	vst v63  }
0xbd: {  	_ =	swait.ge [sflag:s30], $0x1000  }
0xbe: {  	[sflag:s30] =	ssyncset.done $0x0  }
0xbf: {  	[sflag:s30] =	ssyncadd.s32 $0xFFFFF000  }
0xc0: {  	_ =	swait.ge [sflag:s30], $0x400  }
0xc1: {  	[sflag:s30] =	ssyncset.done $0x0  }
0xc2: {  	[sflag:s30] =	ssyncadd.s32 $0xFFFFFC00  }
0xc3: {  	_ =	swait.ge [sflag:s30], $0x1000  }
0xc4: {  	[sflag:s30] =	ssyncset.done $0x0  }
0xc5: {  	[sflag:s30] =	ssyncadd.s32 $0xFFFFF000  }
0xc6: {  	_ =	swait.ge [sflag:s30], $0x400  }
0xc7: {  	[sflag:s30] =	ssyncset.done $0x0  }
0xc8: {  	[sflag:s30] =	ssyncadd.s32 $0xFFFFFC00  }
0xc9: {  	_ =	swait.ge [sflag:s30], $0x1000  }
0xca: {  	[sflag:s30] =	ssyncset.done $0x0  }
0xcb: {  	[sflag:s30] =	ssyncadd.s32 $0xFFFFF000  }
0xcc: {  	_ =	swait.ge [sflag:s30], $0x400  }
0xcd: {  	[sflag:s30] =	ssyncset.done $0x0  }
0xce: {  	[sflag:s30] =	ssyncadd.s32 $0xFFFFFC00  }
0xcf: {  	_ =	swait.ge [sflag:s30], $0x1000  }
0xd0: {  	[sflag:s30] =	ssyncset.done $0x0  }
0xd1: {  	[sflag:s30] =	ssyncadd.s32 $0xFFFFF000  }
0xd2: {  	_ =	swait.ge [sflag:s30], $0x400  }
0xd3: {  	[sflag:s30] =	ssyncset.done $0x0  }
0xd4: {  	[sflag:s30] =	ssyncadd.s32 $0xFFFFFC00  }
0xd5: {  	_ =	swait.ge [sflag:s30], $0x1000  }
0xd6: {  	[sflag:s30] =	ssyncset.done $0x0  }
0xd7: {  	[sflag:s30] =	ssyncadd.s32 $0xFFFFF000  }
0xd8: {  	_ =	swait.ge [sflag:s30], $0x400  }
0xd9: {  	[sflag:s30] =	ssyncset.done $0x0  }
0xda: {  	[sflag:s30] =	ssyncadd.s32 $0xFFFFFC00  }
0xdb: {  	_ =	swait.ge [sflag:s30], $0x1000  }
0xdc: {  	[sflag:s30] =	ssyncset.done $0x0  }
0xdd: {  	[sflag:s30] =	ssyncadd.s32 $0xFFFFF000  }
0xde: {  	_ =	swait.ge [sflag:s30], $0x400  }
0xdf: {  	[sflag:s30] =	ssyncset.done $0x0  }
0xe0: {  	[sflag:s30] =	ssyncadd.s32 $0xFFFFFC00  }
0xe1: {  	_ =	swait.ge [sflag:s30], $0x1000  }
0xe2: {  	[sflag:s30] =	ssyncset.done $0x0  }
0xe3: {  	[sflag:s30] =	ssyncadd.s32 $0xFFFFF000  }
0xe4: {  	_ =	swait.ge [sflag:s30], $0x400  }
0xe5: {  	[sflag:s30] =	ssyncset.done $0x0  }
0xe6: {  	[sflag:s30] =	ssyncadd.s32 $0xFFFFFC00  }
0xe7: {  	_ =	swait.ge [sflag:s30], $0x1000  }
0xe8: {  	[sflag:s30] =	ssyncset.done $0x0  }
0xe9: {  	[sflag:s30] =	ssyncadd.s32 $0xFFFFF000  }
0xea: {  	_ =	swait.ge [sflag:s30], $0x400  }
0xeb: {  	[sflag:s30] =	ssyncset.done $0x0  }
0xec: {  	[sflag:s30] =	ssyncadd.s32 $0xFFFFFC00  }
0xed: {  	_ =	swait.ge [sflag:s30], $0x1000  }
0xee: {  	[sflag:s30] =	ssyncset.done $0x0  }
0xef: {  	[sflag:s30] =	ssyncadd.s32 $0xFFFFF000  }
0xf0: {  	_ =	swait.ge [sflag:s30], $0x400  }
0xf1: {  	[sflag:s30] =	ssyncset.done $0x0  }
0xf2: {  	[sflag:s30] =	ssyncadd.s32 $0xFFFFFC00  }
.Ltmp0:
0xf3: {  	_ =	swait.ge [sflag:s30], $0x1000;
	(pc) =	sbr.rel @p0 .LBB2_2-.Ltmp0, $4  }
0xf4: {  	[sflag:s30] =	ssyncset.done $0x0  }
0xf5: {  	[sflag:s30] =	ssyncadd.s32 $0xFFFFF000  }
0xf6: {  	_ =	swait.ge [sflag:s30], $0x400  }
0xf7: {  	s5 =	smov.u32 s0;
	[sflag:s30] =	ssyncset.done $0x0  }
0xf8: {  	s0 =	sadd.s32 s1, s13;
	[sflag:s30] =	ssyncadd.s32 $0xFFFFFC00  }
0xf9: {  	[tilespmem:s18], [sflag:$0x2] =	stream.linear.gather [hbm4b:s0+s4], $0xA000, $0x38;
	[tilespmem:$0x11C00] =	vst v63  }
0xfa: {  	_ =	swait.ge [sflag:s15], $0xA000  }
0xfb: {  	[sflag:s15] =	ssyncset.done $0x0  }
0xfc: {  	s0 =	sshra.s32 s1, $0x2;
	[sflag:s15] =	ssyncadd.s32 $0xFFFF6000  }
0xfd: {  	[spmem:s2] =	stream.indirect.scatter.add.f32 [tilespmem:s18], [sflag:$0x1], $0x20, s0, s19, $0xb8;
	[tilespmem:$0x11C00] =	vst v63  }
0xfe: {  	_ = 	snop  }
0xff: {  	[spmem:s3] =	stream.indirect.scatter.add.f32 [tilespmem:s17], [sflag:$0x1], $0x8, s0, s19, $0xb8;
	[tilespmem:$0x11C00] =	vst v63  }
0x100: {  	s1 =	sadd.s32 $0x80, s0  }
0x101: {  	[spmem:s2] =	stream.indirect.scatter.add.f32 [tilespmem:s20], [sflag:$0x1], $0x20, s1, s19, $0xb8;
	[tilespmem:$0x11C00] =	vst v63  }
0x102: {  	_ = 	snop  }
0x103: {  	[spmem:s3] =	stream.indirect.scatter.add.f32 [tilespmem:s17], [sflag:$0x1], $0x8, s1, s19, $0xb8;
	[tilespmem:$0x11C00] =	vst v63  }
0x104: {  	s8 =	sadd.s32 $0x100, s0  }
0x105: {  	[spmem:s2] =	stream.indirect.scatter.add.f32 [tilespmem:s21], [sflag:$0x1], $0x20, s8, s19, $0xb8;
	[tilespmem:$0x11C00] =	vst v63  }
0x106: {  	_ = 	snop  }
0x107: {  	[spmem:s3] =	stream.indirect.scatter.add.f32 [tilespmem:s17], [sflag:$0x1], $0x8, s8, s19, $0xb8;
	[tilespmem:$0x11C00] =	vst v63  }
0x108: {  	s5 =	sadd.s32 $0x180, s0  }
0x109: {  	[spmem:s2] =	stream.indirect.scatter.add.f32 [tilespmem:s22], [sflag:$0x1], $0x20, s5, s19, $0xb8;
	[tilespmem:$0x11C00] =	vst v63  }
0x10a: {  	_ = 	snop  }
0x10b: {  	[spmem:s3] =	stream.indirect.scatter.add.f32 [tilespmem:s17], [sflag:$0x1], $0x8, s5, s19, $0xb8;
	[tilespmem:$0x11C00] =	vst v63  }
0x10c: {  	s6 =	sadd.s32 $0x200, s0  }
0x10d: {  	[spmem:s2] =	stream.indirect.scatter.add.f32 [tilespmem:s23], [sflag:$0x1], $0x20, s6, s19, $0xb8;
	[tilespmem:$0x11C00] =	vst v63  }
0x10e: {  	_ = 	snop  }
0x10f: {  	[spmem:s3] =	stream.indirect.scatter.add.f32 [tilespmem:s17], [sflag:$0x1], $0x8, s6, s19, $0xb8;
	[tilespmem:$0x11C00] =	vst v63  }
0x110: {  	s8 =	sadd.s32 $0x280, s0  }
0x111: {  	[spmem:s2] =	stream.indirect.scatter.add.f32 [tilespmem:s24], [sflag:$0x1], $0x20, s8, s19, $0xb8;
	[tilespmem:$0x11C00] =	vst v63  }
0x112: {  	_ = 	snop  }
0x113: {  	[spmem:s3] =	stream.indirect.scatter.add.f32 [tilespmem:s17], [sflag:$0x1], $0x8, s8, s19, $0xb8;
	[tilespmem:$0x11C00] =	vst v63  }
0x114: {  	s5 =	sadd.s32 $0x300, s0  }
0x115: {  	[spmem:s2] =	stream.indirect.scatter.add.f32 [tilespmem:s25], [sflag:$0x1], $0x20, s5, s19, $0xb8;
	[tilespmem:$0x11C00] =	vst v63  }
0x116: {  	_ = 	snop  }
0x117: {  	[spmem:s3] =	stream.indirect.scatter.add.f32 [tilespmem:s17], [sflag:$0x1], $0x8, s5, s19, $0xb8;
	[tilespmem:$0x11C00] =	vst v63  }
0x118: {  	s6 =	sadd.s32 $0x380, s0  }
0x119: {  	[spmem:s2] =	stream.indirect.scatter.add.f32 [tilespmem:s26], [sflag:$0x1], $0x20, s6, s19, $0xb8;
	[tilespmem:$0x11C00] =	vst v63  }
0x11a: {  	_ = 	snop  }
0x11b: {  	[spmem:s3] =	stream.indirect.scatter.add.f32 [tilespmem:s17], [sflag:$0x1], $0x8, s6, s19, $0xb8;
	[tilespmem:$0x11C00] =	vst v63  }
0x11c: {  	s8 =	sadd.s32 $0x400, s0  }
0x11d: {  	[spmem:s2] =	stream.indirect.scatter.add.f32 [tilespmem:s28], [sflag:$0x1], $0x20, s8, s19, $0xb8;
	[tilespmem:$0x11C00] =	vst v63  }
0x11e: {  	_ = 	snop  }
0x11f: {  	[spmem:s3] =	stream.indirect.scatter.add.f32 [tilespmem:s17], [sflag:$0x1], $0x8, s8, s19, $0xb8;
	[tilespmem:$0x11C00] =	vst v63  }
0x120: {  	s0 =	sadd.s32 $0x480, s0  }
0x121: {  	[spmem:s2] =	stream.indirect.scatter.add.f32 [tilespmem:s29], [sflag:$0x1], $0x20, s0, s19, $0xb8;
	[tilespmem:$0x11C00] =	vst v63  }
0x122: {  	_ = 	snop  }
0x123: {  	[spmem:s3] =	stream.indirect.scatter.add.f32 [tilespmem:s17], [sflag:$0x1], $0x8, s0, s19, $0xb8;
	[tilespmem:$0x11C00] =	vst v63  }
0x124: {  	_ =	swait.ge [sflag:s30], $0x1000  }
0x125: {  	[sflag:s30] =	ssyncset.done $0x0  }
0x126: {  	[sflag:s30] =	ssyncadd.s32 $0xFFFFF000  }
0x127: {  	_ =	swait.ge [sflag:s30], $0x400  }
0x128: {  	[sflag:s30] =	ssyncset.done $0x0  }
0x129: {  	[sflag:s30] =	ssyncadd.s32 $0xFFFFFC00  }
0x12a: {  	_ =	swait.ge [sflag:s30], $0x1000  }
0x12b: {  	[sflag:s30] =	ssyncset.done $0x0  }
0x12c: {  	[sflag:s30] =	ssyncadd.s32 $0xFFFFF000  }
0x12d: {  	_ =	swait.ge [sflag:s30], $0x400  }
0x12e: {  	[sflag:s30] =	ssyncset.done $0x0  }
0x12f: {  	[sflag:s30] =	ssyncadd.s32 $0xFFFFFC00  }
0x130: {  	_ =	swait.ge [sflag:s30], $0x1000  }
0x131: {  	[sflag:s30] =	ssyncset.done $0x0  }
0x132: {  	[sflag:s30] =	ssyncadd.s32 $0xFFFFF000  }
0x133: {  	_ =	swait.ge [sflag:s30], $0x400  }
0x134: {  	[sflag:s30] =	ssyncset.done $0x0  }
0x135: {  	[sflag:s30] =	ssyncadd.s32 $0xFFFFFC00  }
0x136: {  	_ =	swait.ge [sflag:s30], $0x1000  }
0x137: {  	[sflag:s30] =	ssyncset.done $0x0  }
0x138: {  	[sflag:s30] =	ssyncadd.s32 $0xFFFFF000  }
0x139: {  	_ =	swait.ge [sflag:s30], $0x400  }
0x13a: {  	[sflag:s30] =	ssyncset.done $0x0  }
0x13b: {  	[sflag:s30] =	ssyncadd.s32 $0xFFFFFC00  }
0x13c: {  	_ =	swait.ge [sflag:s30], $0x1000  }
0x13d: {  	[sflag:s30] =	ssyncset.done $0x0  }
0x13e: {  	[sflag:s30] =	ssyncadd.s32 $0xFFFFF000  }
0x13f: {  	_ =	swait.ge [sflag:s30], $0x400  }
0x140: {  	[sflag:s30] =	ssyncset.done $0x0  }
0x141: {  	[sflag:s30] =	ssyncadd.s32 $0xFFFFFC00  }
0x142: {  	_ =	swait.ge [sflag:s30], $0x1000  }
0x143: {  	[sflag:s30] =	ssyncset.done $0x0  }
0x144: {  	[sflag:s30] =	ssyncadd.s32 $0xFFFFF000  }
0x145: {  	_ =	swait.ge [sflag:s30], $0x400  }
0x146: {  	[sflag:s30] =	ssyncset.done $0x0  }
0x147: {  	[sflag:s30] =	ssyncadd.s32 $0xFFFFFC00  }
0x148: {  	_ =	swait.ge [sflag:s30], $0x1000  }
0x149: {  	[sflag:s30] =	ssyncset.done $0x0  }
0x14a: {  	[sflag:s30] =	ssyncadd.s32 $0xFFFFF000  }
0x14b: {  	_ =	swait.ge [sflag:s30], $0x400  }
0x14c: {  	[sflag:s30] =	ssyncset.done $0x0  }
0x14d: {  	[sflag:s30] =	ssyncadd.s32 $0xFFFFFC00  }
0x14e: {  	_ =	swait.ge [sflag:s30], $0x1000  }
0x14f: {  	[sflag:s30] =	ssyncset.done $0x0  }
0x150: {  	[sflag:s30] =	ssyncadd.s32 $0xFFFFF000  }
0x151: {  	_ =	swait.ge [sflag:s30], $0x400  }
0x152: {  	[sflag:s30] =	ssyncset.done $0x0  }
0x153: {  	[sflag:s30] =	ssyncadd.s32 $0xFFFFFC00  }
0x154: {  	_ =	swait.ge [sflag:s30], $0x1000  }
0x155: {  	[sflag:s30] =	ssyncset.done $0x0  }
0x156: {  	[sflag:s30] =	ssyncadd.s32 $0xFFFFF000  }
0x157: {  	_ =	swait.ge [sflag:s30], $0x400  }
0x158: {  	[sflag:s30] =	ssyncset.done $0x0  }
0x159: {  	[sflag:s30] =	ssyncadd.s32 $0xFFFFFC00  }
0x15a: {  	_ =	swait.ge [sflag:s30], $0x1000  }
0x15b: {  	[sflag:s30] =	ssyncset.done $0x0  }
0x15c: {  	[sflag:s30] =	ssyncadd.s32 $0xFFFFF000  }
0x15d: {  	_ =	swait.ge [sflag:s30], $0x400  }
0x15e: {  	[sflag:s30] =	ssyncset.done $0x0  }
0x15f: {  	[sflag:s30] =	ssyncadd.s32 $0xFFFFFC00  }
0x160: {  	[bflag:$0x0] =	sbarrier.arrive $0xFFFF  }
0x161: {  	[hbm:s10], [sflag:s7] =	dma.local [spmem:s14], $0xA00  }
0x162: {  	s31 =	sadd.s32 $0x1, s31;
	_ =	swait.ge [sflag:s15], $0xA00  }
0x163: {  	p0 =	sne.s32 s31, s12;
	[sflag:s15] =	ssyncset.done $0x0  }
.Ltmp1:
0x164: {  	[sflag:s15] =	ssyncadd.s32 $0xFFFFF600;
	(pc) =	sbr.rel @p0 .LBB2_1-.Ltmp1, $4  }
0x165: {  	[hbm:s11], [sflag:s7] =	dma.local [spmem:s16], $0x280  }
0x166: {  	_ =	swait.ge [sflag:s15], $0x280  }
0x167: {  	[sflag:s15] =	ssyncset.done $0x0  }
0x168: {  	[sflag:s15] =	ssyncadd.s32 $0xFFFFFD80  }
0x169: {  	_ =	sfence.sel $0x180000  }
0x16a: {  	[bflag:$0x0] =	sbarrier.arrive $0xFFFF  }
0x16b: {  	_ =	strace $0x90000050  }
0x16c: {  	s0 =	stileid.u32;
	[bflag:$0x2] =	sbarrier.arrive $0xFFFF  }
0x16d: {  	p0 =	sne.s32 s0, $0x0;
	s0 =	rddreg [dreg:$0x3]  }
0x16e: {  	s0 =	sadd.s32 @!p0 $0x100000, s0  }
0x16f: {  	[sflag:s0] =	ssyncadd.tile.s32 @!p0 $0x1;
	_ =	shalt  }
.Lfunc_end2:
_tile_overlayer_lowered:
.L_overlay_start_2:
0x170: {  	(tag) =	ssettag $0x2  }
0x171: {  	s0 =	rddreg [dreg:$0x0];
	s2 =	stileid.u32  }
0x172: {  	s1 =	rddreg [dreg:$0x1];
	p0 =	sne.s32 s2, $0x0  }
0x173: {  	s3 =	rddreg [dreg:$0x2];
	[bflag:$0x3] =	sbarrier.arrive $0xFFFF;
	s2 =	simm.s32 @!p0 $0x1C02  }
0x174: {  	[timem:s3], [sflag:s2] =	dma.local @!p0 [hbm:s0], s1  }
0x175: {  	s0 =	simm.s32 @!p0 $0x2  }
0x176: {  	_ =	swait.ge @!p0 [sflag:s0], s1  }
0x177: {  	s1 =	ssub.s32 @!p0 $0x0, s1;
	[sflag:s0] =	ssyncset.done @!p0 $0x0  }
0x178: {  	[sflag:s0] =	ssyncadd.s32 @!p0 s1  }
0x179: {  	[bflag:$0x3] =	sbarrier.arrive $0xFFFF  }
0x17a: {  	_ =	shalt  }

</sc_bundles>
